<compile_context>
chip_gen: v7x
topology: tpu7x:2x2x1
jax: 0.10.2.dev20260603
libtpu: 0.0.44.dev20260713+nightly
codegen_flags: <defaults>
</compile_context>

<pallas_src>
import functools

import jax
import jax.numpy as jnp
from jax import lax
from jax.experimental import pallas as pl
from jax.experimental.pallas import tpu as pltpu
from jax.experimental.pallas import tpu_sc as plsc

NC = 2
NS = 16
L = 16
NW = NC * NS
SUB = 128
CB = 64
TC_BLK = 256
NEG = 0.2



def _proj_body(x_ref, w_ref, a_ref, h_ref, ev_ref):
    h = jnp.dot(x_ref[...], w_ref[...], preferred_element_type=jnp.float32)
    h_ref[...] = h
    ev_ref[...] = lax.dot_general(a_ref[...], h, (((1,), (1,)), ((), ())),
                                  preferred_element_type=jnp.float32)


_EV_ROWS = 16


def _comb_proj_body(acc_ref, b_ref, w_ref, a_ref, h_ref, ev_ref, pre_ref):
    pre = acc_ref[...] + b_ref[...]
    pre_ref[...] = pre
    xb = jnp.maximum(pre, 0.0)
    h = jnp.dot(xb, w_ref[...], preferred_element_type=jnp.float32)
    h_ref[...] = h
    ev_ref[...] = lax.dot_general(a_ref[...], h, (((1,), (1,)), ((), ())),
                                  preferred_element_type=jnp.float32)


def _tc_proj(x, W, A8):
    n_pad, d = x.shape
    h = W.shape[1]
    return pl.pallas_call(
        _proj_body,
        grid=(n_pad // TC_BLK,),
        in_specs=[pl.BlockSpec((TC_BLK, d), lambda i: (i, 0)),
                  pl.BlockSpec((d, h), lambda i: (0, 0)),
                  pl.BlockSpec((_EV_ROWS, h), lambda i: (0, 0))],
        out_specs=[pl.BlockSpec((TC_BLK, h), lambda i: (i, 0)),
                   pl.BlockSpec((_EV_ROWS, TC_BLK), lambda i: (0, i))],
        out_shape=[jax.ShapeDtypeStruct((n_pad, h), jnp.float32),
                   jax.ShapeDtypeStruct((_EV_ROWS, n_pad), jnp.float32)],
    )(x, W, A8)


def _tc_comb_proj(acc, b, W, A8):
    n_pad, d = acc.shape
    h = W.shape[1]
    return pl.pallas_call(
        _comb_proj_body,
        grid=(n_pad // TC_BLK,),
        in_specs=[pl.BlockSpec((TC_BLK, d), lambda i: (i, 0)),
                  pl.BlockSpec((1, d), lambda i: (0, 0)),
                  pl.BlockSpec((d, h), lambda i: (0, 0)),
                  pl.BlockSpec((_EV_ROWS, h), lambda i: (0, 0))],
        out_specs=[pl.BlockSpec((TC_BLK, h), lambda i: (i, 0)),
                   pl.BlockSpec((_EV_ROWS, TC_BLK), lambda i: (0, i)),
                   pl.BlockSpec((TC_BLK, d), lambda i: (i, 0))],
        out_shape=[jax.ShapeDtypeStruct((n_pad, h), jnp.float32),
                   jax.ShapeDtypeStruct((_EV_ROWS, n_pad), jnp.float32),
                   jax.ShapeDtypeStruct((n_pad, d), jnp.float32)],
    )(acc, b, W, A8)



@functools.lru_cache(maxsize=None)
def _make_sc_layer(e_rows, n_pad, d):
    rows_a = e_rows // NS
    ept = rows_a * SUB
    nh = n_pad // NC
    npt = nh // NS
    shift = (nh - 1).bit_length()
    assert shift + (n_pad - 1).bit_length() <= 31
    mask_dl = (1 << shift) - 1
    groups = SUB // L

    mesh = plsc.VectorSubcoreMesh(core_axis_name="c", subcore_axis_name="s")

    def body(src_hbm, dst_hbm, h_hbm, ev_hbm, acc_hbm, dscr_hbm,
             loc_v, dst_v, esrc_v, edst_v, denom_v, rows2_v,
             srcb2_v, dstb2_v, alpha2_v, tmp_v, sg, acc_s):
        rows_v = rows2_v.at[0]
        c = lax.axis_index("c")
        s = lax.axis_index("s")
        base = c * nh
        iota = lax.iota(jnp.int32, L)
        zero16 = jnp.zeros((L,), jnp.float32)

        pltpu.sync_copy(src_hbm.at[pl.ds(s * ept, ept)], loc_v.at[pl.ds(0, ept)])
        pltpu.sync_copy(dst_hbm.at[pl.ds(s * ept, ept)], dst_v)
        pltpu.sync_copy(ev_hbm.at[0], esrc_v)
        pltpu.sync_copy(ev_hbm.at[8, pl.ds(base, nh)], edst_v)

        @pl.loop(0, nh // L)
        def _(i):
            denom_v[pl.ds(i * L, L)] = zero16

        @pl.loop(0, CB)
        def _(i):
            for j in range(d // L):
                rows2_v[0, i, pl.ds(j * L, L)] = zero16

        q = 0
        while q + CB <= npt:
            pltpu.sync_copy(rows_v, acc_s.at[pl.ds(s * npt + q, CB)])
            q += CB
        if q < npt:
            pltpu.sync_copy(rows_v.at[pl.ds(0, npt - q)],
                            acc_s.at[pl.ds(s * npt + q, npt - q)])

        @pl.loop(0, ept // L, init_carry=jnp.int32(0))
        def cnt(g, cnt):
            off = g * L
            s16 = loc_v[pl.ds(off, L)]
            dl = dst_v[pl.ds(off, L)] - base
            keep = (dl >= 0) & (dl < nh)
            packed = lax.shift_left(s16, shift) | (dl & mask_dl)
            plsc.store_compressed(loc_v.at[pl.ds(cnt, L)], packed, mask=keep)
            return cnt + jnp.sum(keep.astype(jnp.int32))

        ones = jnp.ones((L,), jnp.bool_)
        for j in range(2 * groups):
            plsc.store_compressed(loc_v.at[pl.ds(cnt + j * L, L)],
                                  jnp.zeros((L,), jnp.int32), mask=ones)

        @pl.loop(0, (cnt + L - 1) // L)
        def _(g):
            off = g * L
            p16 = loc_v[pl.ds(off, L)]
            sl = lax.shift_right_logical(p16, shift)
            dl = p16 & mask_dl
            e = (plsc.load_gather(esrc_v, [sl]) +
                 plsc.load_gather(edst_v, [dl]))
            e = jnp.where(e > 0, e, e * NEG)
            valid = (iota + off) < cnt
            plsc.addupdate_scatter(denom_v, [dl], jnp.exp(e), mask=valid)

        slab = nh // 8
        dbase = c * NS * nh
        pltpu.sync_copy(denom_v, dscr_hbm.at[pl.ds(dbase + s * nh, nh)])
        plsc.subcore_barrier()

        @pl.when(s < 8)
        def _():
            for t in range(NS):
                pltpu.sync_copy(
                    dscr_hbm.at[pl.ds(dbase + t * nh + s * slab, slab)],
                    tmp_v.at[pl.ds(t * slab, slab)])

            @pl.loop(0, slab // L)
            def _(j):
                tot = tmp_v[pl.ds(j * L, L)]
                for t in range(1, NS):
                    tot = tot + tmp_v[pl.ds(t * slab + j * L, L)]
                tmp_v[pl.ds(j * L, L)] = tot

            pltpu.sync_copy(tmp_v.at[pl.ds(0, slab)],
                            dscr_hbm.at[pl.ds(dbase + s * slab, slab)])

        plsc.subcore_barrier()
        pltpu.sync_copy(dscr_hbm.at[pl.ds(dbase, nh)], denom_v)

        nm = (cnt + CB - 1) // CB

        def build(m, p):
            off = m * CB
            for g in range(CB // L):
                o = off + g * L
                p16 = loc_v[pl.ds(o, L)]
                sl = lax.shift_right_logical(p16, shift)
                dl = p16 & mask_dl
                srcb2_v[p, pl.ds(g * L, L)] = sl
                dstb2_v[p, pl.ds(g * L, L)] = dl
                e = (plsc.load_gather(esrc_v, [sl]) +
                     plsc.load_gather(edst_v, [dl]))
                e = jnp.where(e > 0, e, e * NEG)
                den = plsc.load_gather(denom_v, [dl])
                a = jnp.exp(e) / (den + 1e-16)
                valid = (iota + o) < cnt
                alpha2_v[p, pl.ds(g * L, L)] = jnp.where(valid, a, 0.0)

        def fire(p):
            pltpu.async_copy(h_hbm.at[srcb2_v.at[p]], rows2_v.at[p],
                             sg.at[p])

        @pl.when(nm > 0)
        def _():
            build(0, 0)
            fire(0)

        @pl.loop(0, nm)
        def _(m):
            p = m & 1

            @pl.when(m + 1 < nm)
            def _():
                build(m + 1, 1 - p)
                fire(1 - p)

            pltpu.make_async_copy(h_hbm.at[srcb2_v.at[p]],
                                  rows2_v.at[p], sg.at[p]).wait()

            @pl.loop(0, CB, unroll=4)
            def _(i):
                a = plsc.load_gather(alpha2_v.at[p],
                                     [jnp.zeros((L,), jnp.int32) + i])
                for j in range(d // L):
                    rows2_v[p, i, pl.ds(j * L, L)] = (
                        rows2_v[p, i, pl.ds(j * L, L)] * a)

            pltpu.sync_copy(rows2_v.at[p], acc_s.at[dstb2_v.at[p]], add=True)

        plsc.subcore_barrier()
        q = 0
        while q + SUB <= npt:
            pltpu.sync_copy(acc_s.at[pl.ds(s * npt + q, SUB)],
                            acc_hbm.at[pl.ds(base + s * npt + q, SUB)])
            q += SUB
        if q < npt:
            pltpu.sync_copy(acc_s.at[pl.ds(s * npt + q, npt - q)],
                            acc_hbm.at[pl.ds(base + s * npt + q, npt - q)])

    return pl.kernel(
        body,
        out_type=(jax.ShapeDtypeStruct((n_pad, d), jnp.float32),
                  jax.ShapeDtypeStruct((NC * NS * nh,), jnp.float32)),
        mesh=mesh,
        compiler_params=pltpu.CompilerParams(needs_layout_passes=False),
        scratch_types=[
            pltpu.VMEM((ept + 2 * SUB,), jnp.int32),
            pltpu.VMEM((ept,), jnp.int32),
            pltpu.VMEM((n_pad,), jnp.float32),
            pltpu.VMEM((nh,), jnp.float32),
            pltpu.VMEM((nh,), jnp.float32),
            pltpu.VMEM((2, CB, d), jnp.float32),
            pltpu.VMEM((2, CB), jnp.int32),
            pltpu.VMEM((2, CB), jnp.int32),
            pltpu.VMEM((2, CB), jnp.float32),
            pltpu.VMEM((NS * (nh // 8),), jnp.float32),
            pltpu.SemaphoreType.DMA((2,)),
            pltpu.VMEM_SHARED((nh, d), jnp.float32),
        ],
    )



def kernel(x, edge_index, W1, a_src1, a_dst1, b1, W2, a_src2, a_dst2, b2):
    n, d = x.shape
    e = edge_index.shape[1]
    n_pad = ((n + 1 + 2047) // 2048) * 2048
    etot = e + n
    e_pad = ((etot + NW * SUB - 1) // (NW * SUB)) * (NW * SUB)

    loop_idx = jnp.arange(n, dtype=jnp.int32)
    src = jnp.concatenate([edge_index[0].astype(jnp.int32), loop_idx,
                           jnp.zeros((e_pad - etot,), jnp.int32)])
    dst = jnp.concatenate([edge_index[1].astype(jnp.int32), loop_idx,
                           jnp.full((e_pad - etot,), n, jnp.int32)])
    src2 = src
    dst2 = dst

    xp = jnp.zeros((n_pad, d), jnp.float32).at[:n].set(x)
    A1 = (jnp.zeros((_EV_ROWS, W1.shape[1]), jnp.float32)
          .at[0].set(a_src1).at[8].set(a_dst1))
    A2 = (jnp.zeros((_EV_ROWS, W2.shape[1]), jnp.float32)
          .at[0].set(a_src2).at[8].set(a_dst2))

    sc_layer = _make_sc_layer(e_pad // SUB, n_pad, W1.shape[1])

    h1, ev1 = _tc_proj(xp, W1, A1)

    Wx = jnp.stack([W2, W2])
    Ax = jnp.stack([A2, A2])
    bx = jnp.stack([b1.reshape(1, -1), b2.reshape(1, -1)])

    def step(carry, wab):
        h, ev = carry
        W_i, A_i, b_i = wab
        acc, _ = sc_layer(src2, dst2, h, ev)
        hn, evn, pre = _tc_comb_proj(acc, b_i, W_i, A_i)
        return (hn, evn), pre

    _, pres = lax.scan(step, (h1, ev1), (Wx, Ax, bx))
    return pres[1][:n]

# --- scband reference (transcript-rebuilt; emitter-appended) ---
"""Pipeline reference for scband-gat-66924180407033 (READ-ONLY COPY).

The authoritative reference and input builder live on the scoring server;
editing this copy changes nothing except your own understanding.
"""

import jax, jax.numpy as jnp
import numpy as np

N = 10000
E = 320000
D = 128
H = 128  # hidden_channels, heads=1
O = 128  # out_channels
NEG_SLOPE = 0.2


def setup_inputs(seed: int = 0) -> dict:
    key = jax.random.key(seed)
    ks = jax.random.split(key, 12)
    inp = {}
    inp['x'] = jax.random.normal(ks[0], (N, D), dtype=jnp.float32)
    inp['edge_index'] = jax.random.randint(ks[1], (2, E), 0, N, dtype=jnp.int32)
    s1 = 1.0 / np.sqrt(D)
    s2 = 1.0 / np.sqrt(H)
    inp['W1'] = jax.random.normal(ks[2], (D, H), dtype=jnp.float32) * s1
    inp['a_src1'] = jax.random.normal(ks[3], (H,), dtype=jnp.float32) * s2
    inp['a_dst1'] = jax.random.normal(ks[4], (H,), dtype=jnp.float32) * s2
    inp['b1'] = jnp.zeros((H,), dtype=jnp.float32)
    inp['W2'] = jax.random.normal(ks[5], (H, O), dtype=jnp.float32) * s2
    inp['a_src2'] = jax.random.normal(ks[6], (O,), dtype=jnp.float32) * (1.0 / np.sqrt(O))
    inp['a_dst2'] = jax.random.normal(ks[7], (O,), dtype=jnp.float32) * (1.0 / np.sqrt(O))
    inp['b2'] = jnp.zeros((O,), dtype=jnp.float32)
    return inp


def gat_conv(x, edge_index, W, a_src, a_dst, b):
    n = x.shape[0]
    loop = jnp.arange(n, dtype=edge_index.dtype)
    src = jnp.concatenate([edge_index[0], loop])  # add_self_loops=True (PyG default)
    dst = jnp.concatenate([edge_index[1], loop])
    h = x @ W                      # [N, C] linear transform
    e_src = h @ a_src              # [N]
    e_dst = h @ a_dst              # [N]
    e = e_src[src] + e_dst[dst]    # [E+N] per-edge raw attention
    e = jnp.where(e > 0, e, NEG_SLOPE * e)  # leaky_relu(., 0.2)
    # segment softmax over incoming edges per dst node
    e_max = jax.ops.segment_max(e, dst, num_segments=n)
    e_max = jnp.where(jnp.isfinite(e_max), e_max, 0.0)
    e_max = jax.lax.stop_gradient(e_max)
    ex = jnp.exp(e - e_max[dst])
    denom = jax.ops.segment_sum(ex, dst, num_segments=n)
    alpha = ex / (denom[dst] + 1e-16)
    msg = h[src] * alpha[:, None]
    out = jax.ops.segment_sum(msg, dst, num_segments=n)
    return out + b


def reference(x, edge_index, W1, a_src1, a_dst1, b1, W2, a_src2, a_dst2, b2):
    h = gat_conv(x, edge_index, W1, a_src1, a_dst1, b1)
    h = jax.nn.relu(h)
    # dropout p=0.5 is identity in eval mode
    out = gat_conv(h, edge_index, W2, a_src2, a_dst2, b2)
    return out

if __name__ == "__main__":
    import jax
    _d = setup_inputs()
    print(jax.jit(kernel)(*tuple(_d.values())))

</pallas_src>

<mosaic_0001>
#map = affine_map<(d0, d1) -> (0)>
#map1 = affine_map<(d0, d1) -> (0, 0)>
module attributes {stable_mosaic.version = 14 : i64} {
  func.func @body(%arg0: i32, %arg1: i32, %arg2: memref<331776xi32, #tpu.memory_space<hbm>>, %arg3: memref<331776xi32, #tpu.memory_space<hbm>>, %arg4: memref<10240x128xf32, #tpu.memory_space<hbm>>, %arg5: memref<16x10240xf32, #tpu.memory_space<hbm>>, %arg6: memref<10240x128xf32, #tpu.memory_space<hbm>>, %arg7: memref<163840xf32, #tpu.memory_space<hbm>>, %arg8: memref<20992xi32, #tpu.memory_space<vmem>>, %arg9: memref<20736xi32, #tpu.memory_space<vmem>>, %arg10: memref<10240xf32, #tpu.memory_space<vmem>>, %arg11: memref<5120xf32, #tpu.memory_space<vmem>>, %arg12: memref<5120xf32, #tpu.memory_space<vmem>>, %arg13: memref<2x64x128xf32, #tpu.memory_space<vmem>>, %arg14: memref<2x64xi32, #tpu.memory_space<vmem>>, %arg15: memref<2x64xi32, #tpu.memory_space<vmem>>, %arg16: memref<2x64xf32, #tpu.memory_space<vmem>>, %arg17: memref<10240xf32, #tpu.memory_space<vmem>>, %arg18: memref<2x!tpu.dma_semaphore, #tpu.memory_space<semaphore_mem>>, %arg19: memref<5120x128xf32, #tpu.memory_space<vmem_shared>>) attributes {dimension_semantics = [#tpu.dimension_semantics<core_parallel>, #tpu.dimension_semantics<subcore_parallel>], iteration_bounds = array<i64: 2, 16>, scalar_prefetch = 0 : i64, scratch_operands = 12 : i64, tpu.core_type = #tpu.core_type<sc_vector_subcore>, window_params = [{transform_indices = #map}, {transform_indices = #map}, {transform_indices = #map1}, {transform_indices = #map1}, {transform_indices = #map1}, {transform_indices = #map}]} {
    %mul3A = arith.constant 5120 : i32
    %mul3A_0 = arith.muli %arg0, %mul3A : i32
    %iota3A = tpu.iota {dimensions = array<i32: 0>} : vector<16xi32>
    %broadcast_in_dim3A = arith.constant 0.000000e+00 : f32
    %broadcast_in_dim3A_1 = vector.broadcast %broadcast_in_dim3A : f32 to vector<16xf32>
    %mul3A_2 = arith.constant 20736 : i32
    %mul3A_3 = arith.muli %arg1, %mul3A_2 : i32
    "tpu.region"() ({
      %run_scoped3A_271 = tpu.sem_alloc : memref<!tpu.dma_semaphore, #tpu.memory_space<semaphore_mem>>
      %dma_start3A = arith.constant 0 : i32
      %dma_start3A_272 = tpu.memref_slice %arg8[%dma_start3A] : memref<20992xi32, #tpu.memory_space<vmem>> -> memref<20736xi32, #tpu.memory_space<vmem>>
      %dma_start3A_273 = tpu.memref_slice %arg2[%mul3A_3] : memref<331776xi32, #tpu.memory_space<hbm>> -> memref<20736xi32, #tpu.memory_space<hbm>>
      %dma_start3A_274 = arith.constant 0 : i32
      %dma_start3A_275 = tpu.memref_slice %arg8[%dma_start3A_274] : memref<20992xi32, #tpu.memory_space<vmem>> -> memref<20736xi32, #tpu.memory_space<vmem>>
      %dma_start3A_276 = tpu.memref_slice %arg2[%mul3A_3] : memref<331776xi32, #tpu.memory_space<hbm>> -> memref<20736xi32, #tpu.memory_space<hbm>>
      tpu.enqueue_dma source(%dma_start3A_276 : memref<20736xi32, #tpu.memory_space<hbm>>) target(%dma_start3A_275 : memref<20736xi32, #tpu.memory_space<vmem>>) target_semaphore(%run_scoped3A_271 : memref<!tpu.dma_semaphore, #tpu.memory_space<semaphore_mem>>)
      %dma_wait3A = arith.constant 0 : i32
      %dma_wait3A_277 = tpu.memref_slice %arg8[%dma_wait3A] : memref<20992xi32, #tpu.memory_space<vmem>> -> memref<20736xi32, #tpu.memory_space<vmem>>
      %dma_wait3A_278 = tpu.memref_slice %arg2[%mul3A_3] : memref<331776xi32, #tpu.memory_space<hbm>> -> memref<20736xi32, #tpu.memory_space<hbm>>
      %dma_wait3A_279 = arith.constant 0 : i32
      %dma_wait3A_280 = tpu.memref_slice %arg8[%dma_wait3A_279] : memref<20992xi32, #tpu.memory_space<vmem>> -> memref<20736xi32, #tpu.memory_space<vmem>>
      %dma_wait3A_281 = tpu.memref_slice %arg2[%mul3A_3] : memref<331776xi32, #tpu.memory_space<hbm>> -> memref<20736xi32, #tpu.memory_space<hbm>>
      tpu.wait_dma2 semaphore(%run_scoped3A_271 : memref<!tpu.dma_semaphore, #tpu.memory_space<semaphore_mem>>) src(%dma_wait3A_281 : memref<20736xi32, #tpu.memory_space<hbm>>) dst(%dma_wait3A_280 : memref<20736xi32, #tpu.memory_space<vmem>>)
      tpu.yield
    }) : () -> ()
    %mul3A_4 = arith.constant 20736 : i32
    %mul3A_5 = arith.muli %arg1, %mul3A_4 : i32
    "tpu.region"() ({
      %run_scoped3A_271 = tpu.sem_alloc : memref<!tpu.dma_semaphore, #tpu.memory_space<semaphore_mem>>
      %dma_start3A = tpu.memref_slice %arg3[%mul3A_5] : memref<331776xi32, #tpu.memory_space<hbm>> -> memref<20736xi32, #tpu.memory_space<hbm>>
      %dma_start3A_272 = tpu.memref_slice %arg3[%mul3A_5] : memref<331776xi32, #tpu.memory_space<hbm>> -> memref<20736xi32, #tpu.memory_space<hbm>>
      tpu.enqueue_dma source(%dma_start3A_272 : memref<20736xi32, #tpu.memory_space<hbm>>) target(%arg9 : memref<20736xi32, #tpu.memory_space<vmem>>) target_semaphore(%run_scoped3A_271 : memref<!tpu.dma_semaphore, #tpu.memory_space<semaphore_mem>>)
      %dma_wait3A = tpu.memref_slice %arg3[%mul3A_5] : memref<331776xi32, #tpu.memory_space<hbm>> -> memref<20736xi32, #tpu.memory_space<hbm>>
      %dma_wait3A_273 = tpu.memref_slice %arg3[%mul3A_5] : memref<331776xi32, #tpu.memory_space<hbm>> -> memref<20736xi32, #tpu.memory_space<hbm>>
      tpu.wait_dma2 semaphore(%run_scoped3A_271 : memref<!tpu.dma_semaphore, #tpu.memory_space<semaphore_mem>>) src(%dma_wait3A_273 : memref<20736xi32, #tpu.memory_space<hbm>>) dst(%arg9 : memref<20736xi32, #tpu.memory_space<vmem>>)
      tpu.yield
    }) : () -> ()
    %run_scoped3A = arith.constant 0 : i32
    "tpu.region"() ({
      %run_scoped3A_271 = tpu.sem_alloc : memref<!tpu.dma_semaphore, #tpu.memory_space<semaphore_mem>>
      %dma_start3A = arith.constant 0 : i32
      %dma_start3A_272 = tpu.memref_slice %arg5[%run_scoped3A, %dma_start3A] : memref<16x10240xf32, #tpu.memory_space<hbm>> -> memref<1x10240xf32, #tpu.memory_space<hbm>>
      %dma_start3A_273 = tpu.memref_squeeze %dma_start3A_272 : memref<1x10240xf32, #tpu.memory_space<hbm>> -> memref<10240xf32, #tpu.memory_space<hbm>>
      %dma_start3A_274 = arith.constant 0 : i32
      %dma_start3A_275 = tpu.memref_slice %arg5[%run_scoped3A, %dma_start3A_274] : memref<16x10240xf32, #tpu.memory_space<hbm>> -> memref<1x10240xf32, #tpu.memory_space<hbm>>
      %dma_start3A_276 = tpu.memref_squeeze %dma_start3A_275 : memref<1x10240xf32, #tpu.memory_space<hbm>> -> memref<10240xf32, #tpu.memory_space<hbm>>
      tpu.enqueue_dma source(%dma_start3A_276 : memref<10240xf32, #tpu.memory_space<hbm>>) target(%arg10 : memref<10240xf32, #tpu.memory_space<vmem>>) target_semaphore(%run_scoped3A_271 : memref<!tpu.dma_semaphore, #tpu.memory_space<semaphore_mem>>)
      %dma_wait3A = arith.constant 0 : i32
      %dma_wait3A_277 = tpu.memref_slice %arg5[%run_scoped3A, %dma_wait3A] : memref<16x10240xf32, #tpu.memory_space<hbm>> -> memref<1x10240xf32, #tpu.memory_space<hbm>>
      %dma_wait3A_278 = tpu.memref_squeeze %dma_wait3A_277 : memref<1x10240xf32, #tpu.memory_space<hbm>> -> memref<10240xf32, #tpu.memory_space<hbm>>
      %dma_wait3A_279 = arith.constant 0 : i32
      %dma_wait3A_280 = tpu.memref_slice %arg5[%run_scoped3A, %dma_wait3A_279] : memref<16x10240xf32, #tpu.memory_space<hbm>> -> memref<1x10240xf32, #tpu.memory_space<hbm>>
      %dma_wait3A_281 = tpu.memref_squeeze %dma_wait3A_280 : memref<1x10240xf32, #tpu.memory_space<hbm>> -> memref<10240xf32, #tpu.memory_space<hbm>>
      tpu.wait_dma2 semaphore(%run_scoped3A_271 : memref<!tpu.dma_semaphore, #tpu.memory_space<semaphore_mem>>) src(%dma_wait3A_281 : memref<10240xf32, #tpu.memory_space<hbm>>) dst(%arg10 : memref<10240xf32, #tpu.memory_space<vmem>>)
      tpu.yield
    }) : () -> ()
    %run_scoped3A_6 = arith.constant 8 : i32
    "tpu.region"() ({
      %run_scoped3A_271 = tpu.sem_alloc : memref<!tpu.dma_semaphore, #tpu.memory_space<semaphore_mem>>
      %dma_start3A = tpu.memref_slice %arg5[%run_scoped3A_6, %mul3A_0] : memref<16x10240xf32, #tpu.memory_space<hbm>> -> memref<1x5120xf32, #tpu.memory_space<hbm>>
      %dma_start3A_272 = tpu.memref_squeeze %dma_start3A : memref<1x5120xf32, #tpu.memory_space<hbm>> -> memref<5120xf32, #tpu.memory_space<hbm>>
      %dma_start3A_273 = tpu.memref_slice %arg5[%run_scoped3A_6, %mul3A_0] : memref<16x10240xf32, #tpu.memory_space<hbm>> -> memref<1x5120xf32, #tpu.memory_space<hbm>>
      %dma_start3A_274 = tpu.memref_squeeze %dma_start3A_273 : memref<1x5120xf32, #tpu.memory_space<hbm>> -> memref<5120xf32, #tpu.memory_space<hbm>>
      tpu.enqueue_dma source(%dma_start3A_274 : memref<5120xf32, #tpu.memory_space<hbm>>) target(%arg11 : memref<5120xf32, #tpu.memory_space<vmem>>) target_semaphore(%run_scoped3A_271 : memref<!tpu.dma_semaphore, #tpu.memory_space<semaphore_mem>>)
      %dma_wait3A = tpu.memref_slice %arg5[%run_scoped3A_6, %mul3A_0] : memref<16x10240xf32, #tpu.memory_space<hbm>> -> memref<1x5120xf32, #tpu.memory_space<hbm>>
      %dma_wait3A_275 = tpu.memref_squeeze %dma_wait3A : memref<1x5120xf32, #tpu.memory_space<hbm>> -> memref<5120xf32, #tpu.memory_space<hbm>>
      %dma_wait3A_276 = tpu.memref_slice %arg5[%run_scoped3A_6, %mul3A_0] : memref<16x10240xf32, #tpu.memory_space<hbm>> -> memref<1x5120xf32, #tpu.memory_space<hbm>>
      %dma_wait3A_277 = tpu.memref_squeeze %dma_wait3A_276 : memref<1x5120xf32, #tpu.memory_space<hbm>> -> memref<5120xf32, #tpu.memory_space<hbm>>
      tpu.wait_dma2 semaphore(%run_scoped3A_271 : memref<!tpu.dma_semaphore, #tpu.memory_space<semaphore_mem>>) src(%dma_wait3A_277 : memref<5120xf32, #tpu.memory_space<hbm>>) dst(%arg11 : memref<5120xf32, #tpu.memory_space<vmem>>)
      tpu.yield
    }) : () -> ()
    %scan3A = arith.constant 0 : i32
    %scan3A_7 = arith.constant 320 : i32
    %scan3A_8 = arith.addi %scan3A, %scan3A_7 : i32
    %scan3A_9 = arith.constant 1 : i32
    scf.for %scan3A_271 = %scan3A to %scan3A_8 step %scan3A_9  : i32 {
      %mul3A_272 = arith.constant 1 : i32
      %mul3A_273 = arith.muli %scan3A_271, %mul3A_272 : i32
      %add3A_274 = arith.constant 0 : i32
      %add3A_275 = arith.addi %add3A_274, %mul3A_273 : i32
      %mul3A_276 = arith.constant 16 : i32
      %mul3A_277 = arith.muli %add3A_275, %mul3A_276 : i32
      %swap3A_278 = arith.index_cast %mul3A_277 : i32 to index
      %swap3A_279 = tpu.vector_load %arg12[%swap3A_278] {strides = array<i32>} : memref<5120xf32, #tpu.memory_space<vmem>>, vector<16xf32>,
      tpu.vector_store %arg12[%swap3A_278], %broadcast_in_dim3A_1 {strides = array<i32>} : memref<5120xf32, #tpu.memory_space<vmem>>, vector<16xf32>,
    }
    %scan3A_10 = arith.constant 320 : i32
    %scan3A_11 = arith.constant 0 : i32
    %scan3A_12 = arith.constant 64 : i32
    %scan3A_13 = arith.addi %scan3A_11, %scan3A_12 : i32
    %scan3A_14 = arith.constant 1 : i32
    scf.for %scan3A_271 = %scan3A_11 to %scan3A_13 step %scan3A_14  : i32 {
      %mul3A_272 = arith.constant 1 : i32
      %mul3A_273 = arith.muli %scan3A_271, %mul3A_272 : i32
      %add3A_274 = arith.constant 0 : i32
      %add3A_275 = arith.addi %add3A_274, %mul3A_273 : i32
      %swap3A_276 = arith.constant 0 : i32
      %swap3A_277 = arith.index_cast %swap3A_276 : i32 to index
      %swap3A_278 = arith.index_cast %add3A_275 : i32 to index
      %swap3A_279 = arith.constant 0 : index
      %swap3A_280 = tpu.vector_load %arg13[%swap3A_277, %swap3A_278, %swap3A_279] {strides = array<i32>} : memref<2x64x128xf32, #tpu.memory_space<vmem>>, vector<16xf32>,
      tpu.vector_store %arg13[%swap3A_277, %swap3A_278, %swap3A_279], %broadcast_in_dim3A_1 {strides = array<i32>} : memref<2x64x128xf32, #tpu.memory_space<vmem>>, vector<16xf32>,
      %swap3A_281 = arith.constant 0 : i32
      %swap3A_282 = arith.index_cast %swap3A_281 : i32 to index
      %swap3A_283 = arith.index_cast %add3A_275 : i32 to index
      %swap3A_284 = arith.constant 16 : index
      %swap3A_285 = tpu.vector_load %arg13[%swap3A_282, %swap3A_283, %swap3A_284] {strides = array<i32>} : memref<2x64x128xf32, #tpu.memory_space<vmem>>, vector<16xf32>,
      tpu.vector_store %arg13[%swap3A_282, %swap3A_283, %swap3A_284], %broadcast_in_dim3A_1 {strides = array<i32>} : memref<2x64x128xf32, #tpu.memory_space<vmem>>, vector<16xf32>,
      %swap3A_286 = arith.constant 0 : i32
      %swap3A_287 = arith.index_cast %swap3A_286 : i32 to index
      %swap3A_288 = arith.index_cast %add3A_275 : i32 to index
      %swap3A_289 = arith.constant 32 : index
      %swap3A_290 = tpu.vector_load %arg13[%swap3A_287, %swap3A_288, %swap3A_289] {strides = array<i32>} : memref<2x64x128xf32, #tpu.memory_space<vmem>>, vector<16xf32>,
      tpu.vector_store %arg13[%swap3A_287, %swap3A_288, %swap3A_289], %broadcast_in_dim3A_1 {strides = array<i32>} : memref<2x64x128xf32, #tpu.memory_space<vmem>>, vector<16xf32>,
      %swap3A_291 = arith.constant 0 : i32
      %swap3A_292 = arith.index_cast %swap3A_291 : i32 to index
      %swap3A_293 = arith.index_cast %add3A_275 : i32 to index
      %swap3A_294 = arith.constant 48 : index
      %swap3A_295 = tpu.vector_load %arg13[%swap3A_292, %swap3A_293, %swap3A_294] {strides = array<i32>} : memref<2x64x128xf32, #tpu.memory_space<vmem>>, vector<16xf32>,
      tpu.vector_store %arg13[%swap3A_292, %swap3A_293, %swap3A_294], %broadcast_in_dim3A_1 {strides = array<i32>} : memref<2x64x128xf32, #tpu.memory_space<vmem>>, vector<16xf32>,
      %swap3A_296 = arith.constant 0 : i32
      %swap3A_297 = arith.index_cast %swap3A_296 : i32 to index
      %swap3A_298 = arith.index_cast %add3A_275 : i32 to index
      %swap3A_299 = arith.constant 64 : index
      %swap3A_300 = tpu.vector_load %arg13[%swap3A_297, %swap3A_298, %swap3A_299] {strides = array<i32>} : memref<2x64x128xf32, #tpu.memory_space<vmem>>, vector<16xf32>,
      tpu.vector_store %arg13[%swap3A_297, %swap3A_298, %swap3A_299], %broadcast_in_dim3A_1 {strides = array<i32>} : memref<2x64x128xf32, #tpu.memory_space<vmem>>, vector<16xf32>,
      %swap3A_301 = arith.constant 0 : i32
      %swap3A_302 = arith.index_cast %swap3A_301 : i32 to index
      %swap3A_303 = arith.index_cast %add3A_275 : i32 to index
      %swap3A_304 = arith.constant 80 : index
      %swap3A_305 = tpu.vector_load %arg13[%swap3A_302, %swap3A_303, %swap3A_304] {strides = array<i32>} : memref<2x64x128xf32, #tpu.memory_space<vmem>>, vector<16xf32>,
      tpu.vector_store %arg13[%swap3A_302, %swap3A_303, %swap3A_304], %broadcast_in_dim3A_1 {strides = array<i32>} : memref<2x64x128xf32, #tpu.memory_space<vmem>>, vector<16xf32>,
      %swap3A_306 = arith.constant 0 : i32
      %swap3A_307 = arith.index_cast %swap3A_306 : i32 to index
      %swap3A_308 = arith.index_cast %add3A_275 : i32 to index
      %swap3A_309 = arith.constant 96 : index
      %swap3A_310 = tpu.vector_load %arg13[%swap3A_307, %swap3A_308, %swap3A_309] {strides = array<i32>} : memref<2x64x128xf32, #tpu.memory_space<vmem>>, vector<16xf32>,
      tpu.vector_store %arg13[%swap3A_307, %swap3A_308, %swap3A_309], %broadcast_in_dim3A_1 {strides = array<i32>} : memref<2x64x128xf32, #tpu.memory_space<vmem>>, vector<16xf32>,
      %swap3A_311 = arith.constant 0 : i32
      %swap3A_312 = arith.index_cast %swap3A_311 : i32 to index
      %swap3A_313 = arith.index_cast %add3A_275 : i32 to index
      %swap3A_314 = arith.constant 112 : index
      %swap3A_315 = tpu.vector_load %arg13[%swap3A_312, %swap3A_313, %swap3A_314] {strides = array<i32>} : memref<2x64x128xf32, #tpu.memory_space<vmem>>, vector<16xf32>,
      tpu.vector_store %arg13[%swap3A_312, %swap3A_313, %swap3A_314], %broadcast_in_dim3A_1 {strides = array<i32>} : memref<2x64x128xf32, #tpu.memory_space<vmem>>, vector<16xf32>,
    }
    %scan3A_15 = arith.constant 64 : i32
    %mul3A_16 = arith.constant 320 : i32
    %mul3A_17 = arith.muli %arg1, %mul3A_16 : i32
    %add3A = arith.constant 0 : i32
    %add3A_18 = arith.addi %mul3A_17, %add3A : i32
    %run_scoped3A_19 = arith.constant 0 : i32
    "tpu.region"() ({
      %run_scoped3A_271 = tpu.sem_alloc : memref<!tpu.dma_semaphore, #tpu.memory_space<semaphore_mem>>
      %dma_start3A = arith.constant 0 : i32
      %dma_start3A_272 = arith.constant 0 : i32
      %dma_start3A_273 = tpu.memref_slice %arg13[%run_scoped3A_19, %dma_start3A, %dma_start3A_272] : memref<2x64x128xf32, #tpu.memory_space<vmem>> -> memref<1x64x128xf32, #tpu.memory_space<vmem>>
      %dma_start3A_274 = tpu.memref_squeeze %dma_start3A_273 : memref<1x64x128xf32, #tpu.memory_space<vmem>> -> memref<64x128xf32, #tpu.memory_space<vmem>>
      %dma_start3A_275 = arith.constant 0 : i32
      %dma_start3A_276 = tpu.memref_slice %arg19[%add3A_18, %dma_start3A_275] : memref<5120x128xf32, #tpu.memory_space<vmem_shared>> -> memref<64x128xf32, #tpu.memory_space<vmem_shared>>
      %dma_start3A_277 = arith.constant 0 : i32
      %dma_start3A_278 = tpu.memref_slice %arg19[%add3A_18, %dma_start3A_277] : memref<5120x128xf32, #tpu.memory_space<vmem_shared>> -> memref<64x128xf32, #tpu.memory_space<vmem_shared>>
      %dma_start3A_279 = arith.constant 0 : i32
      %dma_start3A_280 = arith.constant 0 : i32
      %dma_start3A_281 = tpu.memref_slice %arg13[%run_scoped3A_19, %dma_start3A_279, %dma_start3A_280] : memref<2x64x128xf32, #tpu.memory_space<vmem>> -> memref<1x64x128xf32, #tpu.memory_space<vmem>>
      %dma_start3A_282 = tpu.memref_squeeze %dma_start3A_281 : memref<1x64x128xf32, #tpu.memory_space<vmem>> -> memref<64x128xf32, #tpu.memory_space<vmem>>
      tpu.enqueue_dma source(%dma_start3A_282 : memref<64x128xf32, #tpu.memory_space<vmem>>) target(%dma_start3A_278 : memref<64x128xf32, #tpu.memory_space<vmem_shared>>) target_semaphore(%run_scoped3A_271 : memref<!tpu.dma_semaphore, #tpu.memory_space<semaphore_mem>>)
      %dma_wait3A = arith.constant 0 : i32
      %dma_wait3A_283 = arith.constant 0 : i32
      %dma_wait3A_284 = tpu.memref_slice %arg13[%run_scoped3A_19, %dma_wait3A, %dma_wait3A_283] : memref<2x64x128xf32, #tpu.memory_space<vmem>> -> memref<1x64x128xf32, #tpu.memory_space<vmem>>
      %dma_wait3A_285 = tpu.memref_squeeze %dma_wait3A_284 : memref<1x64x128xf32, #tpu.memory_space<vmem>> -> memref<64x128xf32, #tpu.memory_space<vmem>>
      %dma_wait3A_286 = arith.constant 0 : i32
      %dma_wait3A_287 = tpu.memref_slice %arg19[%add3A_18, %dma_wait3A_286] : memref<5120x128xf32, #tpu.memory_space<vmem_shared>> -> memref<64x128xf32, #tpu.memory_space<vmem_shared>>
      %dma_wait3A_288 = arith.constant 0 : i32
      %dma_wait3A_289 = tpu.memref_slice %arg19[%add3A_18, %dma_wait3A_288] : memref<5120x128xf32, #tpu.memory_space<vmem_shared>> -> memref<64x128xf32, #tpu.memory_space<vmem_shared>>
      %dma_wait3A_290 = arith.constant 0 : i32
      %dma_wait3A_291 = arith.constant 0 : i32
      %dma_wait3A_292 = tpu.memref_slice %arg13[%run_scoped3A_19, %dma_wait3A_290, %dma_wait3A_291] : memref<2x64x128xf32, #tpu.memory_space<vmem>> -> memref<1x64x128xf32, #tpu.memory_space<vmem>>
      %dma_wait3A_293 = tpu.memref_squeeze %dma_wait3A_292 : memref<1x64x128xf32, #tpu.memory_space<vmem>> -> memref<64x128xf32, #tpu.memory_space<vmem>>
      tpu.wait_dma2 semaphore(%run_scoped3A_271 : memref<!tpu.dma_semaphore, #tpu.memory_space<semaphore_mem>>) src(%dma_wait3A_293 : memref<64x128xf32, #tpu.memory_space<vmem>>) dst(%dma_wait3A_289 : memref<64x128xf32, #tpu.memory_space<vmem_shared>>)
      tpu.yield
    }) : () -> ()
    %mul3A_20 = arith.constant 320 : i32
    %mul3A_21 = arith.muli %arg1, %mul3A_20 : i32
    %add3A_22 = arith.constant 64 : i32
    %add3A_23 = arith.addi %mul3A_21, %add3A_22 : i32
    %run_scoped3A_24 = arith.constant 0 : i32
    "tpu.region"() ({
      %run_scoped3A_271 = tpu.sem_alloc : memref<!tpu.dma_semaphore, #tpu.memory_space<semaphore_mem>>
      %dma_start3A = arith.constant 0 : i32
      %dma_start3A_272 = arith.constant 0 : i32
      %dma_start3A_273 = tpu.memref_slice %arg13[%run_scoped3A_24, %dma_start3A, %dma_start3A_272] : memref<2x64x128xf32, #tpu.memory_space<vmem>> -> memref<1x64x128xf32, #tpu.memory_space<vmem>>
      %dma_start3A_274 = tpu.memref_squeeze %dma_start3A_273 : memref<1x64x128xf32, #tpu.memory_space<vmem>> -> memref<64x128xf32, #tpu.memory_space<vmem>>
      %dma_start3A_275 = arith.constant 0 : i32
      %dma_start3A_276 = tpu.memref_slice %arg19[%add3A_23, %dma_start3A_275] : memref<5120x128xf32, #tpu.memory_space<vmem_shared>> -> memref<64x128xf32, #tpu.memory_space<vmem_shared>>
      %dma_start3A_277 = arith.constant 0 : i32
      %dma_start3A_278 = tpu.memref_slice %arg19[%add3A_23, %dma_start3A_277] : memref<5120x128xf32, #tpu.memory_space<vmem_shared>> -> memref<64x128xf32, #tpu.memory_space<vmem_shared>>
      %dma_start3A_279 = arith.constant 0 : i32
      %dma_start3A_280 = arith.constant 0 : i32
      %dma_start3A_281 = tpu.memref_slice %arg13[%run_scoped3A_24, %dma_start3A_279, %dma_start3A_280] : memref<2x64x128xf32, #tpu.memory_space<vmem>> -> memref<1x64x128xf32, #tpu.memory_space<vmem>>
      %dma_start3A_282 = tpu.memref_squeeze %dma_start3A_281 : memref<1x64x128xf32, #tpu.memory_space<vmem>> -> memref<64x128xf32, #tpu.memory_space<vmem>>
      tpu.enqueue_dma source(%dma_start3A_282 : memref<64x128xf32, #tpu.memory_space<vmem>>) target(%dma_start3A_278 : memref<64x128xf32, #tpu.memory_space<vmem_shared>>) target_semaphore(%run_scoped3A_271 : memref<!tpu.dma_semaphore, #tpu.memory_space<semaphore_mem>>)
      %dma_wait3A = arith.constant 0 : i32
      %dma_wait3A_283 = arith.constant 0 : i32
      %dma_wait3A_284 = tpu.memref_slice %arg13[%run_scoped3A_24, %dma_wait3A, %dma_wait3A_283] : memref<2x64x128xf32, #tpu.memory_space<vmem>> -> memref<1x64x128xf32, #tpu.memory_space<vmem>>
      %dma_wait3A_285 = tpu.memref_squeeze %dma_wait3A_284 : memref<1x64x128xf32, #tpu.memory_space<vmem>> -> memref<64x128xf32, #tpu.memory_space<vmem>>
      %dma_wait3A_286 = arith.constant 0 : i32
      %dma_wait3A_287 = tpu.memref_slice %arg19[%add3A_23, %dma_wait3A_286] : memref<5120x128xf32, #tpu.memory_space<vmem_shared>> -> memref<64x128xf32, #tpu.memory_space<vmem_shared>>
      %dma_wait3A_288 = arith.constant 0 : i32
      %dma_wait3A_289 = tpu.memref_slice %arg19[%add3A_23, %dma_wait3A_288] : memref<5120x128xf32, #tpu.memory_space<vmem_shared>> -> memref<64x128xf32, #tpu.memory_space<vmem_shared>>
      %dma_wait3A_290 = arith.constant 0 : i32
      %dma_wait3A_291 = arith.constant 0 : i32
      %dma_wait3A_292 = tpu.memref_slice %arg13[%run_scoped3A_24, %dma_wait3A_290, %dma_wait3A_291] : memref<2x64x128xf32, #tpu.memory_space<vmem>> -> memref<1x64x128xf32, #tpu.memory_space<vmem>>
      %dma_wait3A_293 = tpu.memref_squeeze %dma_wait3A_292 : memref<1x64x128xf32, #tpu.memory_space<vmem>> -> memref<64x128xf32, #tpu.memory_space<vmem>>
      tpu.wait_dma2 semaphore(%run_scoped3A_271 : memref<!tpu.dma_semaphore, #tpu.memory_space<semaphore_mem>>) src(%dma_wait3A_293 : memref<64x128xf32, #tpu.memory_space<vmem>>) dst(%dma_wait3A_289 : memref<64x128xf32, #tpu.memory_space<vmem_shared>>)
      tpu.yield
    }) : () -> ()
    %mul3A_25 = arith.constant 320 : i32
    %mul3A_26 = arith.muli %arg1, %mul3A_25 : i32
    %add3A_27 = arith.constant 128 : i32
    %add3A_28 = arith.addi %mul3A_26, %add3A_27 : i32
    %run_scoped3A_29 = arith.constant 0 : i32
    "tpu.region"() ({
      %run_scoped3A_271 = tpu.sem_alloc : memref<!tpu.dma_semaphore, #tpu.memory_space<semaphore_mem>>
      %dma_start3A = arith.constant 0 : i32
      %dma_start3A_272 = arith.constant 0 : i32
      %dma_start3A_273 = tpu.memref_slice %arg13[%run_scoped3A_29, %dma_start3A, %dma_start3A_272] : memref<2x64x128xf32, #tpu.memory_space<vmem>> -> memref<1x64x128xf32, #tpu.memory_space<vmem>>
      %dma_start3A_274 = tpu.memref_squeeze %dma_start3A_273 : memref<1x64x128xf32, #tpu.memory_space<vmem>> -> memref<64x128xf32, #tpu.memory_space<vmem>>
      %dma_start3A_275 = arith.constant 0 : i32
      %dma_start3A_276 = tpu.memref_slice %arg19[%add3A_28, %dma_start3A_275] : memref<5120x128xf32, #tpu.memory_space<vmem_shared>> -> memref<64x128xf32, #tpu.memory_space<vmem_shared>>
      %dma_start3A_277 = arith.constant 0 : i32
      %dma_start3A_278 = tpu.memref_slice %arg19[%add3A_28, %dma_start3A_277] : memref<5120x128xf32, #tpu.memory_space<vmem_shared>> -> memref<64x128xf32, #tpu.memory_space<vmem_shared>>
      %dma_start3A_279 = arith.constant 0 : i32
      %dma_start3A_280 = arith.constant 0 : i32
      %dma_start3A_281 = tpu.memref_slice %arg13[%run_scoped3A_29, %dma_start3A_279, %dma_start3A_280] : memref<2x64x128xf32, #tpu.memory_space<vmem>> -> memref<1x64x128xf32, #tpu.memory_space<vmem>>
      %dma_start3A_282 = tpu.memref_squeeze %dma_start3A_281 : memref<1x64x128xf32, #tpu.memory_space<vmem>> -> memref<64x128xf32, #tpu.memory_space<vmem>>
      tpu.enqueue_dma source(%dma_start3A_282 : memref<64x128xf32, #tpu.memory_space<vmem>>) target(%dma_start3A_278 : memref<64x128xf32, #tpu.memory_space<vmem_shared>>) target_semaphore(%run_scoped3A_271 : memref<!tpu.dma_semaphore, #tpu.memory_space<semaphore_mem>>)
      %dma_wait3A = arith.constant 0 : i32
      %dma_wait3A_283 = arith.constant 0 : i32
      %dma_wait3A_284 = tpu.memref_slice %arg13[%run_scoped3A_29, %dma_wait3A, %dma_wait3A_283] : memref<2x64x128xf32, #tpu.memory_space<vmem>> -> memref<1x64x128xf32, #tpu.memory_space<vmem>>
      %dma_wait3A_285 = tpu.memref_squeeze %dma_wait3A_284 : memref<1x64x128xf32, #tpu.memory_space<vmem>> -> memref<64x128xf32, #tpu.memory_space<vmem>>
      %dma_wait3A_286 = arith.constant 0 : i32
      %dma_wait3A_287 = tpu.memref_slice %arg19[%add3A_28, %dma_wait3A_286] : memref<5120x128xf32, #tpu.memory_space<vmem_shared>> -> memref<64x128xf32, #tpu.memory_space<vmem_shared>>
      %dma_wait3A_288 = arith.constant 0 : i32
      %dma_wait3A_289 = tpu.memref_slice %arg19[%add3A_28, %dma_wait3A_288] : memref<5120x128xf32, #tpu.memory_space<vmem_shared>> -> memref<64x128xf32, #tpu.memory_space<vmem_shared>>
      %dma_wait3A_290 = arith.constant 0 : i32
      %dma_wait3A_291 = arith.constant 0 : i32
      %dma_wait3A_292 = tpu.memref_slice %arg13[%run_scoped3A_29, %dma_wait3A_290, %dma_wait3A_291] : memref<2x64x128xf32, #tpu.memory_space<vmem>> -> memref<1x64x128xf32, #tpu.memory_space<vmem>>
      %dma_wait3A_293 = tpu.memref_squeeze %dma_wait3A_292 : memref<1x64x128xf32, #tpu.memory_space<vmem>> -> memref<64x128xf32, #tpu.memory_space<vmem>>
      tpu.wait_dma2 semaphore(%run_scoped3A_271 : memref<!tpu.dma_semaphore, #tpu.memory_space<semaphore_mem>>) src(%dma_wait3A_293 : memref<64x128xf32, #tpu.memory_space<vmem>>) dst(%dma_wait3A_289 : memref<64x128xf32, #tpu.memory_space<vmem_shared>>)
      tpu.yield
    }) : () -> ()
    %mul3A_30 = arith.constant 320 : i32
    %mul3A_31 = arith.muli %arg1, %mul3A_30 : i32
    %add3A_32 = arith.constant 192 : i32
    %add3A_33 = arith.addi %mul3A_31, %add3A_32 : i32
    %run_scoped3A_34 = arith.constant 0 : i32
    "tpu.region"() ({
      %run_scoped3A_271 = tpu.sem_alloc : memref<!tpu.dma_semaphore, #tpu.memory_space<semaphore_mem>>
      %dma_start3A = arith.constant 0 : i32
      %dma_start3A_272 = arith.constant 0 : i32
      %dma_start3A_273 = tpu.memref_slice %arg13[%run_scoped3A_34, %dma_start3A, %dma_start3A_272] : memref<2x64x128xf32, #tpu.memory_space<vmem>> -> memref<1x64x128xf32, #tpu.memory_space<vmem>>
      %dma_start3A_274 = tpu.memref_squeeze %dma_start3A_273 : memref<1x64x128xf32, #tpu.memory_space<vmem>> -> memref<64x128xf32, #tpu.memory_space<vmem>>
      %dma_start3A_275 = arith.constant 0 : i32
      %dma_start3A_276 = tpu.memref_slice %arg19[%add3A_33, %dma_start3A_275] : memref<5120x128xf32, #tpu.memory_space<vmem_shared>> -> memref<64x128xf32, #tpu.memory_space<vmem_shared>>
      %dma_start3A_277 = arith.constant 0 : i32
      %dma_start3A_278 = tpu.memref_slice %arg19[%add3A_33, %dma_start3A_277] : memref<5120x128xf32, #tpu.memory_space<vmem_shared>> -> memref<64x128xf32, #tpu.memory_space<vmem_shared>>
      %dma_start3A_279 = arith.constant 0 : i32
      %dma_start3A_280 = arith.constant 0 : i32
      %dma_start3A_281 = tpu.memref_slice %arg13[%run_scoped3A_34, %dma_start3A_279, %dma_start3A_280] : memref<2x64x128xf32, #tpu.memory_space<vmem>> -> memref<1x64x128xf32, #tpu.memory_space<vmem>>
      %dma_start3A_282 = tpu.memref_squeeze %dma_start3A_281 : memref<1x64x128xf32, #tpu.memory_space<vmem>> -> memref<64x128xf32, #tpu.memory_space<vmem>>
      tpu.enqueue_dma source(%dma_start3A_282 : memref<64x128xf32, #tpu.memory_space<vmem>>) target(%dma_start3A_278 : memref<64x128xf32, #tpu.memory_space<vmem_shared>>) target_semaphore(%run_scoped3A_271 : memref<!tpu.dma_semaphore, #tpu.memory_space<semaphore_mem>>)
      %dma_wait3A = arith.constant 0 : i32
      %dma_wait3A_283 = arith.constant 0 : i32
      %dma_wait3A_284 = tpu.memref_slice %arg13[%run_scoped3A_34, %dma_wait3A, %dma_wait3A_283] : memref<2x64x128xf32, #tpu.memory_space<vmem>> -> memref<1x64x128xf32, #tpu.memory_space<vmem>>
      %dma_wait3A_285 = tpu.memref_squeeze %dma_wait3A_284 : memref<1x64x128xf32, #tpu.memory_space<vmem>> -> memref<64x128xf32, #tpu.memory_space<vmem>>
      %dma_wait3A_286 = arith.constant 0 : i32
      %dma_wait3A_287 = tpu.memref_slice %arg19[%add3A_33, %dma_wait3A_286] : memref<5120x128xf32, #tpu.memory_space<vmem_shared>> -> memref<64x128xf32, #tpu.memory_space<vmem_shared>>
      %dma_wait3A_288 = arith.constant 0 : i32
      %dma_wait3A_289 = tpu.memref_slice %arg19[%add3A_33, %dma_wait3A_288] : memref<5120x128xf32, #tpu.memory_space<vmem_shared>> -> memref<64x128xf32, #tpu.memory_space<vmem_shared>>
      %dma_wait3A_290 = arith.constant 0 : i32
      %dma_wait3A_291 = arith.constant 0 : i32
      %dma_wait3A_292 = tpu.memref_slice %arg13[%run_scoped3A_34, %dma_wait3A_290, %dma_wait3A_291] : memref<2x64x128xf32, #tpu.memory_space<vmem>> -> memref<1x64x128xf32, #tpu.memory_space<vmem>>
      %dma_wait3A_293 = tpu.memref_squeeze %dma_wait3A_292 : memref<1x64x128xf32, #tpu.memory_space<vmem>> -> memref<64x128xf32, #tpu.memory_space<vmem>>
      tpu.wait_dma2 semaphore(%run_scoped3A_271 : memref<!tpu.dma_semaphore, #tpu.memory_space<semaphore_mem>>) src(%dma_wait3A_293 : memref<64x128xf32, #tpu.memory_space<vmem>>) dst(%dma_wait3A_289 : memref<64x128xf32, #tpu.memory_space<vmem_shared>>)
      tpu.yield
    }) : () -> ()
    %mul3A_35 = arith.constant 320 : i32
    %mul3A_36 = arith.muli %arg1, %mul3A_35 : i32
    %add3A_37 = arith.constant 256 : i32
    %add3A_38 = arith.addi %mul3A_36, %add3A_37 : i32
    %run_scoped3A_39 = arith.constant 0 : i32
    "tpu.region"() ({
      %run_scoped3A_271 = tpu.sem_alloc : memref<!tpu.dma_semaphore, #tpu.memory_space<semaphore_mem>>
      %dma_start3A = arith.constant 0 : i32
      %dma_start3A_272 = arith.constant 0 : i32
      %dma_start3A_273 = tpu.memref_slice %arg13[%run_scoped3A_39, %dma_start3A, %dma_start3A_272] : memref<2x64x128xf32, #tpu.memory_space<vmem>> -> memref<1x64x128xf32, #tpu.memory_space<vmem>>
      %dma_start3A_274 = tpu.memref_squeeze %dma_start3A_273 : memref<1x64x128xf32, #tpu.memory_space<vmem>> -> memref<64x128xf32, #tpu.memory_space<vmem>>
      %dma_start3A_275 = arith.constant 0 : i32
      %dma_start3A_276 = tpu.memref_slice %arg19[%add3A_38, %dma_start3A_275] : memref<5120x128xf32, #tpu.memory_space<vmem_shared>> -> memref<64x128xf32, #tpu.memory_space<vmem_shared>>
      %dma_start3A_277 = arith.constant 0 : i32
      %dma_start3A_278 = tpu.memref_slice %arg19[%add3A_38, %dma_start3A_277] : memref<5120x128xf32, #tpu.memory_space<vmem_shared>> -> memref<64x128xf32, #tpu.memory_space<vmem_shared>>
      %dma_start3A_279 = arith.constant 0 : i32
      %dma_start3A_280 = arith.constant 0 : i32
      %dma_start3A_281 = tpu.memref_slice %arg13[%run_scoped3A_39, %dma_start3A_279, %dma_start3A_280] : memref<2x64x128xf32, #tpu.memory_space<vmem>> -> memref<1x64x128xf32, #tpu.memory_space<vmem>>
      %dma_start3A_282 = tpu.memref_squeeze %dma_start3A_281 : memref<1x64x128xf32, #tpu.memory_space<vmem>> -> memref<64x128xf32, #tpu.memory_space<vmem>>
      tpu.enqueue_dma source(%dma_start3A_282 : memref<64x128xf32, #tpu.memory_space<vmem>>) target(%dma_start3A_278 : memref<64x128xf32, #tpu.memory_space<vmem_shared>>) target_semaphore(%run_scoped3A_271 : memref<!tpu.dma_semaphore, #tpu.memory_space<semaphore_mem>>)
      %dma_wait3A = arith.constant 0 : i32
      %dma_wait3A_283 = arith.constant 0 : i32
      %dma_wait3A_284 = tpu.memref_slice %arg13[%run_scoped3A_39, %dma_wait3A, %dma_wait3A_283] : memref<2x64x128xf32, #tpu.memory_space<vmem>> -> memref<1x64x128xf32, #tpu.memory_space<vmem>>
      %dma_wait3A_285 = tpu.memref_squeeze %dma_wait3A_284 : memref<1x64x128xf32, #tpu.memory_space<vmem>> -> memref<64x128xf32, #tpu.memory_space<vmem>>
      %dma_wait3A_286 = arith.constant 0 : i32
      %dma_wait3A_287 = tpu.memref_slice %arg19[%add3A_38, %dma_wait3A_286] : memref<5120x128xf32, #tpu.memory_space<vmem_shared>> -> memref<64x128xf32, #tpu.memory_space<vmem_shared>>
      %dma_wait3A_288 = arith.constant 0 : i32
      %dma_wait3A_289 = tpu.memref_slice %arg19[%add3A_38, %dma_wait3A_288] : memref<5120x128xf32, #tpu.memory_space<vmem_shared>> -> memref<64x128xf32, #tpu.memory_space<vmem_shared>>
      %dma_wait3A_290 = arith.constant 0 : i32
      %dma_wait3A_291 = arith.constant 0 : i32
      %dma_wait3A_292 = tpu.memref_slice %arg13[%run_scoped3A_39, %dma_wait3A_290, %dma_wait3A_291] : memref<2x64x128xf32, #tpu.memory_space<vmem>> -> memref<1x64x128xf32, #tpu.memory_space<vmem>>
      %dma_wait3A_293 = tpu.memref_squeeze %dma_wait3A_292 : memref<1x64x128xf32, #tpu.memory_space<vmem>> -> memref<64x128xf32, #tpu.memory_space<vmem>>
      tpu.wait_dma2 semaphore(%run_scoped3A_271 : memref<!tpu.dma_semaphore, #tpu.memory_space<semaphore_mem>>) src(%dma_wait3A_293 : memref<64x128xf32, #tpu.memory_space<vmem>>) dst(%dma_wait3A_289 : memref<64x128xf32, #tpu.memory_space<vmem_shared>>)
      tpu.yield
    }) : () -> ()
    %scan3A_40 = arith.constant 0 : i32
    %scan3A_41 = arith.constant 0 : i32
    %scan3A_42 = arith.constant 1296 : i32
    %scan3A_43 = arith.addi %scan3A_41, %scan3A_42 : i32
    %scan3A_44 = arith.constant 1 : i32
    %scan3A_45 = scf.for %scan3A_271 = %scan3A_41 to %scan3A_43 step %scan3A_44 iter_args(%scan3A_272 = %scan3A_40) -> (i32)  : i32 {
      %mul3A_273 = arith.constant 1 : i32
      %mul3A_274 = arith.muli %scan3A_271, %mul3A_273 : i32
      %add3A_275 = arith.constant 0 : i32
      %add3A_276 = arith.addi %add3A_275, %mul3A_274 : i32
      %mul3A_277 = arith.constant 16 : i32
      %mul3A_278 = arith.muli %add3A_276, %mul3A_277 : i32
      %get3A = arith.index_cast %mul3A_278 : i32 to index
      %get3A_279 = tpu.vector_load %arg8[%get3A] {strides = array<i32>} : memref<20992xi32, #tpu.memory_space<vmem>>, vector<16xi32>,
      %get3A_280 = arith.index_cast %mul3A_278 : i32 to index
      %get3A_281 = tpu.vector_load %arg9[%get3A_280] {strides = array<i32>} : memref<20736xi32, #tpu.memory_space<vmem>>, vector<16xi32>,
      %sub3A_282 = vector.broadcast %mul3A_0 : i32 to vector<16xi32>
      %sub3A_283 = arith.subi %get3A_281, %sub3A_282 : vector<16xi32>
      %ge3A = arith.constant 0 : i32
      %ge3A_284 = vector.broadcast %ge3A : i32 to vector<16xi32>
      %ge3A_285 = arith.cmpi sge, %sub3A_283, %ge3A_284 : vector<16xi32>
      %lt3A_286 = arith.constant 5120 : i32
      %lt3A_287 = vector.broadcast %lt3A_286 : i32 to vector<16xi32>
      %lt3A_288 = arith.cmpi slt, %sub3A_283, %lt3A_287 : vector<16xi32>
      %and3A_289 = arith.andi %ge3A_285, %lt3A_288 : vector<16xi1>
      %shift_left3A = arith.constant 13 : i32
      %shift_left3A_290 = vector.broadcast %shift_left3A : i32 to vector<16xi32>
      %shift_left3A_291 = arith.shli %get3A_279, %shift_left3A_290 : vector<16xi32>
      %and3A_292 = arith.constant 8191 : i32
      %and3A_293 = vector.broadcast %and3A_292 : i32 to vector<16xi32>
      %and3A_294 = arith.andi %sub3A_283, %and3A_293 : vector<16xi32>
      %or3A = arith.ori %shift_left3A_291, %and3A_294 : vector<16xi32>
      %swap3A_295 = arith.index_cast %scan3A_272 : i32 to index
      %swap3A_296 = tpu.vector_load %arg8[%swap3A_295] masked %and3A_289 {strides = array<i32>} : memref<20992xi32, #tpu.memory_space<vmem>>, vector<16xi32>, vector<16xi1>
      tpu.vector_store %arg8[%swap3A_295], %or3A masked %and3A_289 {strides = array<i32>} : memref<20992xi32, #tpu.memory_space<vmem>>, vector<16xi32>, vector<16xi1>
      %convert_element_type3A_297 = arith.extui %and3A_289 : vector<16xi1> to vector<16xi32>
      %reduce_sum3A = arith.constant true
      %reduce_sum3A_298 = vector.broadcast %reduce_sum3A : i1 to vector<16xi1>
      %reduce_sum3A_299 = tpu.scan <sum>, %convert_element_type3A_297 masked %reduce_sum3A_298 : vector<16xi32>, vector<16xi1> -> vector<16xi32>
      %reduce_sum3A_300 = vector.extract %reduce_sum3A_299[15] : i32 from vector<16xi32>
      %add3A_301 = arith.addi %scan3A_272, %reduce_sum3A_300 : i32
      scf.yield %add3A_301 : i32
    }
    %scan3A_46 = arith.constant 1296 : i32
    %broadcast_in_dim3A_47 = arith.constant true
    %broadcast_in_dim3A_48 = vector.broadcast %broadcast_in_dim3A_47 : i1 to vector<16xi1>
    %add3A_49 = arith.constant 0 : i32
    %add3A_50 = arith.addi %scan3A_45, %add3A_49 : i32
    %broadcast_in_dim3A_51 = arith.constant 0 : i32
    %broadcast_in_dim3A_52 = vector.broadcast %broadcast_in_dim3A_51 : i32 to vector<16xi32>
    %swap3A = arith.index_cast %add3A_50 : i32 to index
    %swap3A_53 = tpu.vector_load %arg8[%swap3A] masked %broadcast_in_dim3A_48 {strides = array<i32>} : memref<20992xi32, #tpu.memory_space<vmem>>, vector<16xi32>, vector<16xi1>
    tpu.vector_store %arg8[%swap3A], %broadcast_in_dim3A_52 masked %broadcast_in_dim3A_48 {strides = array<i32>} : memref<20992xi32, #tpu.memory_space<vmem>>, vector<16xi32>, vector<16xi1>
    %add3A_54 = arith.constant 16 : i32
    %add3A_55 = arith.addi %scan3A_45, %add3A_54 : i32
    %broadcast_in_dim3A_56 = arith.constant 0 : i32
    %broadcast_in_dim3A_57 = vector.broadcast %broadcast_in_dim3A_56 : i32 to vector<16xi32>
    %swap3A_58 = arith.index_cast %add3A_55 : i32 to index
    %swap3A_59 = tpu.vector_load %arg8[%swap3A_58] masked %broadcast_in_dim3A_48 {strides = array<i32>} : memref<20992xi32, #tpu.memory_space<vmem>>, vector<16xi32>, vector<16xi1>
    tpu.vector_store %arg8[%swap3A_58], %broadcast_in_dim3A_57 masked %broadcast_in_dim3A_48 {strides = array<i32>} : memref<20992xi32, #tpu.memory_space<vmem>>, vector<16xi32>, vector<16xi1>
    %add3A_60 = arith.constant 32 : i32
    %add3A_61 = arith.addi %scan3A_45, %add3A_60 : i32
    %broadcast_in_dim3A_62 = arith.constant 0 : i32
    %broadcast_in_dim3A_63 = vector.broadcast %broadcast_in_dim3A_62 : i32 to vector<16xi32>
    %swap3A_64 = arith.index_cast %add3A_61 : i32 to index
    %swap3A_65 = tpu.vector_load %arg8[%swap3A_64] masked %broadcast_in_dim3A_48 {strides = array<i32>} : memref<20992xi32, #tpu.memory_space<vmem>>, vector<16xi32>, vector<16xi1>
    tpu.vector_store %arg8[%swap3A_64], %broadcast_in_dim3A_63 masked %broadcast_in_dim3A_48 {strides = array<i32>} : memref<20992xi32, #tpu.memory_space<vmem>>, vector<16xi32>, vector<16xi1>
    %add3A_66 = arith.constant 48 : i32
    %add3A_67 = arith.addi %scan3A_45, %add3A_66 : i32
    %broadcast_in_dim3A_68 = arith.constant 0 : i32
    %broadcast_in_dim3A_69 = vector.broadcast %broadcast_in_dim3A_68 : i32 to vector<16xi32>
    %swap3A_70 = arith.index_cast %add3A_67 : i32 to index
    %swap3A_71 = tpu.vector_load %arg8[%swap3A_70] masked %broadcast_in_dim3A_48 {strides = array<i32>} : memref<20992xi32, #tpu.memory_space<vmem>>, vector<16xi32>, vector<16xi1>
    tpu.vector_store %arg8[%swap3A_70], %broadcast_in_dim3A_69 masked %broadcast_in_dim3A_48 {strides = array<i32>} : memref<20992xi32, #tpu.memory_space<vmem>>, vector<16xi32>, vector<16xi1>
    %add3A_72 = arith.constant 64 : i32
    %add3A_73 = arith.addi %scan3A_45, %add3A_72 : i32
    %broadcast_in_dim3A_74 = arith.constant 0 : i32
    %broadcast_in_dim3A_75 = vector.broadcast %broadcast_in_dim3A_74 : i32 to vector<16xi32>
    %swap3A_76 = arith.index_cast %add3A_73 : i32 to index
    %swap3A_77 = tpu.vector_load %arg8[%swap3A_76] masked %broadcast_in_dim3A_48 {strides = array<i32>} : memref<20992xi32, #tpu.memory_space<vmem>>, vector<16xi32>, vector<16xi1>
    tpu.vector_store %arg8[%swap3A_76], %broadcast_in_dim3A_75 masked %broadcast_in_dim3A_48 {strides = array<i32>} : memref<20992xi32, #tpu.memory_space<vmem>>, vector<16xi32>, vector<16xi1>
    %add3A_78 = arith.constant 80 : i32
    %add3A_79 = arith.addi %scan3A_45, %add3A_78 : i32
    %broadcast_in_dim3A_80 = arith.constant 0 : i32
    %broadcast_in_dim3A_81 = vector.broadcast %broadcast_in_dim3A_80 : i32 to vector<16xi32>
    %swap3A_82 = arith.index_cast %add3A_79 : i32 to index
    %swap3A_83 = tpu.vector_load %arg8[%swap3A_82] masked %broadcast_in_dim3A_48 {strides = array<i32>} : memref<20992xi32, #tpu.memory_space<vmem>>, vector<16xi32>, vector<16xi1>
    tpu.vector_store %arg8[%swap3A_82], %broadcast_in_dim3A_81 masked %broadcast_in_dim3A_48 {strides = array<i32>} : memref<20992xi32, #tpu.memory_space<vmem>>, vector<16xi32>, vector<16xi1>
    %add3A_84 = arith.constant 96 : i32
    %add3A_85 = arith.addi %scan3A_45, %add3A_84 : i32
    %broadcast_in_dim3A_86 = arith.constant 0 : i32
    %broadcast_in_dim3A_87 = vector.broadcast %broadcast_in_dim3A_86 : i32 to vector<16xi32>
    %swap3A_88 = arith.index_cast %add3A_85 : i32 to index
    %swap3A_89 = tpu.vector_load %arg8[%swap3A_88] masked %broadcast_in_dim3A_48 {strides = array<i32>} : memref<20992xi32, #tpu.memory_space<vmem>>, vector<16xi32>, vector<16xi1>
    tpu.vector_store %arg8[%swap3A_88], %broadcast_in_dim3A_87 masked %broadcast_in_dim3A_48 {strides = array<i32>} : memref<20992xi32, #tpu.memory_space<vmem>>, vector<16xi32>, vector<16xi1>
    %add3A_90 = arith.constant 112 : i32
    %add3A_91 = arith.addi %scan3A_45, %add3A_90 : i32
    %broadcast_in_dim3A_92 = arith.constant 0 : i32
    %broadcast_in_dim3A_93 = vector.broadcast %broadcast_in_dim3A_92 : i32 to vector<16xi32>
    %swap3A_94 = arith.index_cast %add3A_91 : i32 to index
    %swap3A_95 = tpu.vector_load %arg8[%swap3A_94] masked %broadcast_in_dim3A_48 {strides = array<i32>} : memref<20992xi32, #tpu.memory_space<vmem>>, vector<16xi32>, vector<16xi1>
    tpu.vector_store %arg8[%swap3A_94], %broadcast_in_dim3A_93 masked %broadcast_in_dim3A_48 {strides = array<i32>} : memref<20992xi32, #tpu.memory_space<vmem>>, vector<16xi32>, vector<16xi1>
    %add3A_96 = arith.constant 128 : i32
    %add3A_97 = arith.addi %scan3A_45, %add3A_96 : i32
    %broadcast_in_dim3A_98 = arith.constant 0 : i32
    %broadcast_in_dim3A_99 = vector.broadcast %broadcast_in_dim3A_98 : i32 to vector<16xi32>
    %swap3A_100 = arith.index_cast %add3A_97 : i32 to index
    %swap3A_101 = tpu.vector_load %arg8[%swap3A_100] masked %broadcast_in_dim3A_48 {strides = array<i32>} : memref<20992xi32, #tpu.memory_space<vmem>>, vector<16xi32>, vector<16xi1>
    tpu.vector_store %arg8[%swap3A_100], %broadcast_in_dim3A_99 masked %broadcast_in_dim3A_48 {strides = array<i32>} : memref<20992xi32, #tpu.memory_space<vmem>>, vector<16xi32>, vector<16xi1>
    %add3A_102 = arith.constant 144 : i32
    %add3A_103 = arith.addi %scan3A_45, %add3A_102 : i32
    %broadcast_in_dim3A_104 = arith.constant 0 : i32
    %broadcast_in_dim3A_105 = vector.broadcast %broadcast_in_dim3A_104 : i32 to vector<16xi32>
    %swap3A_106 = arith.index_cast %add3A_103 : i32 to index
    %swap3A_107 = tpu.vector_load %arg8[%swap3A_106] masked %broadcast_in_dim3A_48 {strides = array<i32>} : memref<20992xi32, #tpu.memory_space<vmem>>, vector<16xi32>, vector<16xi1>
    tpu.vector_store %arg8[%swap3A_106], %broadcast_in_dim3A_105 masked %broadcast_in_dim3A_48 {strides = array<i32>} : memref<20992xi32, #tpu.memory_space<vmem>>, vector<16xi32>, vector<16xi1>
    %add3A_108 = arith.constant 160 : i32
    %add3A_109 = arith.addi %scan3A_45, %add3A_108 : i32
    %broadcast_in_dim3A_110 = arith.constant 0 : i32
    %broadcast_in_dim3A_111 = vector.broadcast %broadcast_in_dim3A_110 : i32 to vector<16xi32>
    %swap3A_112 = arith.index_cast %add3A_109 : i32 to index
    %swap3A_113 = tpu.vector_load %arg8[%swap3A_112] masked %broadcast_in_dim3A_48 {strides = array<i32>} : memref<20992xi32, #tpu.memory_space<vmem>>, vector<16xi32>, vector<16xi1>
    tpu.vector_store %arg8[%swap3A_112], %broadcast_in_dim3A_111 masked %broadcast_in_dim3A_48 {strides = array<i32>} : memref<20992xi32, #tpu.memory_space<vmem>>, vector<16xi32>, vector<16xi1>
    %add3A_114 = arith.constant 176 : i32
    %add3A_115 = arith.addi %scan3A_45, %add3A_114 : i32
    %broadcast_in_dim3A_116 = arith.constant 0 : i32
    %broadcast_in_dim3A_117 = vector.broadcast %broadcast_in_dim3A_116 : i32 to vector<16xi32>
    %swap3A_118 = arith.index_cast %add3A_115 : i32 to index
    %swap3A_119 = tpu.vector_load %arg8[%swap3A_118] masked %broadcast_in_dim3A_48 {strides = array<i32>} : memref<20992xi32, #tpu.memory_space<vmem>>, vector<16xi32>, vector<16xi1>
    tpu.vector_store %arg8[%swap3A_118], %broadcast_in_dim3A_117 masked %broadcast_in_dim3A_48 {strides = array<i32>} : memref<20992xi32, #tpu.memory_space<vmem>>, vector<16xi32>, vector<16xi1>
    %add3A_120 = arith.constant 192 : i32
    %add3A_121 = arith.addi %scan3A_45, %add3A_120 : i32
    %broadcast_in_dim3A_122 = arith.constant 0 : i32
    %broadcast_in_dim3A_123 = vector.broadcast %broadcast_in_dim3A_122 : i32 to vector<16xi32>
    %swap3A_124 = arith.index_cast %add3A_121 : i32 to index
    %swap3A_125 = tpu.vector_load %arg8[%swap3A_124] masked %broadcast_in_dim3A_48 {strides = array<i32>} : memref<20992xi32, #tpu.memory_space<vmem>>, vector<16xi32>, vector<16xi1>
    tpu.vector_store %arg8[%swap3A_124], %broadcast_in_dim3A_123 masked %broadcast_in_dim3A_48 {strides = array<i32>} : memref<20992xi32, #tpu.memory_space<vmem>>, vector<16xi32>, vector<16xi1>
    %add3A_126 = arith.constant 208 : i32
    %add3A_127 = arith.addi %scan3A_45, %add3A_126 : i32
    %broadcast_in_dim3A_128 = arith.constant 0 : i32
    %broadcast_in_dim3A_129 = vector.broadcast %broadcast_in_dim3A_128 : i32 to vector<16xi32>
    %swap3A_130 = arith.index_cast %add3A_127 : i32 to index
    %swap3A_131 = tpu.vector_load %arg8[%swap3A_130] masked %broadcast_in_dim3A_48 {strides = array<i32>} : memref<20992xi32, #tpu.memory_space<vmem>>, vector<16xi32>, vector<16xi1>
    tpu.vector_store %arg8[%swap3A_130], %broadcast_in_dim3A_129 masked %broadcast_in_dim3A_48 {strides = array<i32>} : memref<20992xi32, #tpu.memory_space<vmem>>, vector<16xi32>, vector<16xi1>
    %add3A_132 = arith.constant 224 : i32
    %add3A_133 = arith.addi %scan3A_45, %add3A_132 : i32
    %broadcast_in_dim3A_134 = arith.constant 0 : i32
    %broadcast_in_dim3A_135 = vector.broadcast %broadcast_in_dim3A_134 : i32 to vector<16xi32>
    %swap3A_136 = arith.index_cast %add3A_133 : i32 to index
    %swap3A_137 = tpu.vector_load %arg8[%swap3A_136] masked %broadcast_in_dim3A_48 {strides = array<i32>} : memref<20992xi32, #tpu.memory_space<vmem>>, vector<16xi32>, vector<16xi1>
    tpu.vector_store %arg8[%swap3A_136], %broadcast_in_dim3A_135 masked %broadcast_in_dim3A_48 {strides = array<i32>} : memref<20992xi32, #tpu.memory_space<vmem>>, vector<16xi32>, vector<16xi1>
    %add3A_138 = arith.constant 240 : i32
    %add3A_139 = arith.addi %scan3A_45, %add3A_138 : i32
    %broadcast_in_dim3A_140 = arith.constant 0 : i32
    %broadcast_in_dim3A_141 = vector.broadcast %broadcast_in_dim3A_140 : i32 to vector<16xi32>
    %swap3A_142 = arith.index_cast %add3A_139 : i32 to index
    %swap3A_143 = tpu.vector_load %arg8[%swap3A_142] masked %broadcast_in_dim3A_48 {strides = array<i32>} : memref<20992xi32, #tpu.memory_space<vmem>>, vector<16xi32>, vector<16xi1>
    tpu.vector_store %arg8[%swap3A_142], %broadcast_in_dim3A_141 masked %broadcast_in_dim3A_48 {strides = array<i32>} : memref<20992xi32, #tpu.memory_space<vmem>>, vector<16xi32>, vector<16xi1>
    %add3A_144 = arith.constant 16 : i32
    %add3A_145 = arith.addi %scan3A_45, %add3A_144 : i32
    %sub3A = arith.constant 1 : i32
    %sub3A_146 = arith.subi %add3A_145, %sub3A : i32
    %jit3A = arith.constant 16 : i32
    %div3A = arith.divsi %sub3A_146, %jit3A : i32
    %sign3A = arith.constant 0 : i32
    %sign3A_147 = arith.cmpi sgt, %sub3A_146, %sign3A : i32
    %sign3A_148 = arith.extui %sign3A_147 : i1 to i32
    %sign3A_149 = arith.constant 0 : i32
    %sign3A_150 = arith.cmpi slt, %sub3A_146, %sign3A_149 : i32
    %sign3A_151 = arith.extui %sign3A_150 : i1 to i32
    %sign3A_152 = arith.subi %sign3A_148, %sign3A_151 : i32
    %sign3A_153 = arith.constant 0 : i32
    %sign3A_154 = arith.cmpi sgt, %jit3A, %sign3A_153 : i32
    %sign3A_155 = arith.extui %sign3A_154 : i1 to i32
    %sign3A_156 = arith.constant 0 : i32
    %sign3A_157 = arith.cmpi slt, %jit3A, %sign3A_156 : i32
    %sign3A_158 = arith.extui %sign3A_157 : i1 to i32
    %sign3A_159 = arith.subi %sign3A_155, %sign3A_158 : i32
    %ne3A = arith.cmpi ne, %sign3A_152, %sign3A_159 : i32
    %rem3A = arith.remsi %sub3A_146, %jit3A : i32
    %ne3A_160 = arith.constant 0 : i32
    %ne3A_161 = arith.cmpi ne, %rem3A, %ne3A_160 : i32
    %and3A = arith.andi %ne3A, %ne3A_161 : i1
    %sub3A_162 = arith.constant 1 : i32
    %sub3A_163 = arith.subi %div3A, %sub3A_162 : i32
    %select_n3A = arith.select %and3A, %sub3A_163, %div3A : i32
    %sub3A_164 = arith.constant 0 : i32
    %sub3A_165 = arith.subi %select_n3A, %sub3A_164 : i32
    %sub3A_166 = arith.constant 1 : i32
    %sub3A_167 = arith.constant 1 : i32
    %sub3A_168 = arith.subi %sub3A_166, %sub3A_167 : i32
    %add3A_169 = arith.addi %sub3A_165, %sub3A_168 : i32
    %div3A_170 = arith.constant 1 : i32
    %div3A_171 = arith.divsi %add3A_169, %div3A_170 : i32
    %while3A = arith.constant 1 : i32
    %while3A_172 = arith.constant 0 : i32
    %while3A_173 = arith.constant 0 : i32
    %while3A_174 = arith.subi %div3A_171, %while3A_173 : i32
    %while3A_175 = arith.addi %while3A_173, %while3A_174 : i32
    %while3A_176 = arith.constant 1 : i32
    %while3A_177 = arith.divsi %while3A_174, %while3A_176 : i32
    %while3A_178 = arith.muli %while3A_177, %while3A_176 : i32
    %while3A_179 = arith.addi %while3A_173, %while3A_178 : i32
    %while3A_180 = arith.constant 1 : i32
    scf.for %while3A_271 = %while3A_173 to %while3A_179 step %while3A_180  : i32 {
      %mul3A_272 = arith.muli %while3A_271, %while3A : i32
      %add3A_273 = arith.addi %while3A_172, %mul3A_272 : i32
      %mul3A_274 = arith.constant 16 : i32
      %mul3A_275 = arith.muli %add3A_273, %mul3A_274 : i32
      %get3A = arith.index_cast %mul3A_275 : i32 to index
      %get3A_276 = tpu.vector_load %arg8[%get3A] {strides = array<i32>} : memref<20992xi32, #tpu.memory_space<vmem>>, vector<16xi32>,
      %shift_right_logical3A = arith.constant 13 : i32
      %shift_right_logical3A_277 = vector.broadcast %shift_right_logical3A : i32 to vector<16xi32>
      %shift_right_logical3A_278 = arith.shrui %get3A_276, %shift_right_logical3A_277 : vector<16xi32>
      %and3A_279 = arith.constant 8191 : i32
      %and3A_280 = vector.broadcast %and3A_279 : i32 to vector<16xi32>
      %and3A_281 = arith.andi %get3A_276, %and3A_280 : vector<16xi32>
      %gather3A = tpu.vector_load_idx %arg10[%shift_right_logical3A_278] : memref<10240xf32, #tpu.memory_space<vmem>>[vector<16xi32>], vector<16xf32>,
      %gather3A_282 = tpu.vector_load_idx %arg11[%and3A_281] : memref<5120xf32, #tpu.memory_space<vmem>>[vector<16xi32>], vector<16xf32>,
      %add3A_283 = arith.addf %gather3A, %gather3A_282 : vector<16xf32>
      %gt3A_284 = arith.constant 0.000000e+00 : f32
      %gt3A_285 = vector.broadcast %gt3A_284 : f32 to vector<16xf32>
      %gt3A_286 = arith.cmpf ogt, %add3A_283, %gt3A_285 : vector<16xf32>
      %mul3A_287 = arith.constant 2.000000e-01 : f32
      %mul3A_288 = vector.broadcast %mul3A_287 : f32 to vector<16xf32>
      %mul3A_289 = arith.mulf %add3A_283, %mul3A_288 : vector<16xf32>
      %select_n3A_290 = arith.select %gt3A_286, %add3A_283, %mul3A_289 : vector<16xi1>, vector<16xf32>
      %add3A_291 = vector.broadcast %mul3A_275 : i32 to vector<16xi32>
      %add3A_292 = arith.addi %iota3A, %add3A_291 : vector<16xi32>
      %lt3A_293 = vector.broadcast %scan3A_45 : i32 to vector<16xi32>
      %lt3A_294 = arith.cmpi slt, %add3A_292, %lt3A_293 : vector<16xi32>
      %exp3A = math.exp %select_n3A_290 : vector<16xf32>
      tpu.vector_store_idx %arg12[%and3A_281], %exp3A masked %lt3A_294 {add = true} : memref<5120xf32, #tpu.memory_space<vmem>>[vector<16xi32>], vector<16xf32>, vector<16xi1>
    }
    %while3A_181 = arith.constant 1 : i32
    scf.for %while3A_271 = %while3A_179 to %while3A_175 step %while3A_181  : i32 {
      %mul3A_272 = arith.muli %while3A_271, %while3A : i32
      %add3A_273 = arith.addi %while3A_172, %mul3A_272 : i32
      %mul3A_274 = arith.constant 16 : i32
      %mul3A_275 = arith.muli %add3A_273, %mul3A_274 : i32
      %get3A = arith.index_cast %mul3A_275 : i32 to index
      %get3A_276 = tpu.vector_load %arg8[%get3A] {strides = array<i32>} : memref<20992xi32, #tpu.memory_space<vmem>>, vector<16xi32>,
      %shift_right_logical3A = arith.constant 13 : i32
      %shift_right_logical3A_277 = vector.broadcast %shift_right_logical3A : i32 to vector<16xi32>
      %shift_right_logical3A_278 = arith.shrui %get3A_276, %shift_right_logical3A_277 : vector<16xi32>
      %and3A_279 = arith.constant 8191 : i32
      %and3A_280 = vector.broadcast %and3A_279 : i32 to vector<16xi32>
      %and3A_281 = arith.andi %get3A_276, %and3A_280 : vector<16xi32>
      %gather3A = tpu.vector_load_idx %arg10[%shift_right_logical3A_278] : memref<10240xf32, #tpu.memory_space<vmem>>[vector<16xi32>], vector<16xf32>,
      %gather3A_282 = tpu.vector_load_idx %arg11[%and3A_281] : memref<5120xf32, #tpu.memory_space<vmem>>[vector<16xi32>], vector<16xf32>,
      %add3A_283 = arith.addf %gather3A, %gather3A_282 : vector<16xf32>
      %gt3A_284 = arith.constant 0.000000e+00 : f32
      %gt3A_285 = vector.broadcast %gt3A_284 : f32 to vector<16xf32>
      %gt3A_286 = arith.cmpf ogt, %add3A_283, %gt3A_285 : vector<16xf32>
      %mul3A_287 = arith.constant 2.000000e-01 : f32
      %mul3A_288 = vector.broadcast %mul3A_287 : f32 to vector<16xf32>
      %mul3A_289 = arith.mulf %add3A_283, %mul3A_288 : vector<16xf32>
      %select_n3A_290 = arith.select %gt3A_286, %add3A_283, %mul3A_289 : vector<16xi1>, vector<16xf32>
      %add3A_291 = vector.broadcast %mul3A_275 : i32 to vector<16xi32>
      %add3A_292 = arith.addi %iota3A, %add3A_291 : vector<16xi32>
      %lt3A_293 = vector.broadcast %scan3A_45 : i32 to vector<16xi32>
      %lt3A_294 = arith.cmpi slt, %add3A_292, %lt3A_293 : vector<16xi32>
      %exp3A = math.exp %select_n3A_290 : vector<16xf32>
      tpu.vector_store_idx %arg12[%and3A_281], %exp3A masked %lt3A_294 {add = true} : memref<5120xf32, #tpu.memory_space<vmem>>[vector<16xi32>], vector<16xf32>, vector<16xi1>
    }
    %mul3A_182 = arith.constant 16 : i32
    %mul3A_183 = arith.muli %arg0, %mul3A_182 : i32
    %mul3A_184 = arith.constant 5120 : i32
    %mul3A_185 = arith.muli %mul3A_183, %mul3A_184 : i32
    %mul3A_186 = arith.constant 5120 : i32
    %mul3A_187 = arith.muli %arg1, %mul3A_186 : i32
    %add3A_188 = arith.addi %mul3A_185, %mul3A_187 : i32
    "tpu.region"() ({
      %run_scoped3A_271 = tpu.sem_alloc : memref<!tpu.dma_semaphore, #tpu.memory_space<semaphore_mem>>
      %dma_start3A = tpu.memref_slice %arg7[%add3A_188] : memref<163840xf32, #tpu.memory_space<hbm>> -> memref<5120xf32, #tpu.memory_space<hbm>>
      %dma_start3A_272 = tpu.memref_slice %arg7[%add3A_188] : memref<163840xf32, #tpu.memory_space<hbm>> -> memref<5120xf32, #tpu.memory_space<hbm>>
      tpu.enqueue_dma source(%arg12 : memref<5120xf32, #tpu.memory_space<vmem>>) target(%dma_start3A_272 : memref<5120xf32, #tpu.memory_space<hbm>>) target_semaphore(%run_scoped3A_271 : memref<!tpu.dma_semaphore, #tpu.memory_space<semaphore_mem>>)
      %dma_wait3A = tpu.memref_slice %arg7[%add3A_188] : memref<163840xf32, #tpu.memory_space<hbm>> -> memref<5120xf32, #tpu.memory_space<hbm>>
      %dma_wait3A_273 = tpu.memref_slice %arg7[%add3A_188] : memref<163840xf32, #tpu.memory_space<hbm>> -> memref<5120xf32, #tpu.memory_space<hbm>>
      tpu.wait_dma2 semaphore(%run_scoped3A_271 : memref<!tpu.dma_semaphore, #tpu.memory_space<semaphore_mem>>) src(%arg12 : memref<5120xf32, #tpu.memory_space<vmem>>) dst(%dma_wait3A_273 : memref<5120xf32, #tpu.memory_space<hbm>>)
      tpu.yield
    }) : () -> ()
    %barrier3A = arith.constant 0 : index
    tpu.barrier barrier_id(%barrier3A)
    %lt3A = arith.constant 8 : i32
    %lt3A_189 = arith.cmpi slt, %arg1, %lt3A : i32
    %convert_element_type3A = arith.extui %lt3A_189 : i1 to i32
    %cond3A = arith.constant 0 : i32
    %cond3A_190 = arith.cmpi ne, %convert_element_type3A, %cond3A : i32
    scf.if %cond3A_190 {
      %add3A_271 = arith.constant 0 : i32
      %add3A_272 = arith.addi %mul3A_185, %add3A_271 : i32
      %mul3A_273 = arith.constant 640 : i32
      %mul3A_274 = arith.muli %arg1, %mul3A_273 : i32
      %add3A_275 = arith.addi %add3A_272, %mul3A_274 : i32
      "tpu.region"() ({
        %run_scoped3A_359 = tpu.sem_alloc : memref<!tpu.dma_semaphore, #tpu.memory_space<semaphore_mem>>
        %dma_start3A = arith.constant 0 : i32
        %dma_start3A_360 = tpu.memref_slice %arg17[%dma_start3A] : memref<10240xf32, #tpu.memory_space<vmem>> -> memref<640xf32, #tpu.memory_space<vmem>>
        %dma_start3A_361 = tpu.memref_slice %arg7[%add3A_275] : memref<163840xf32, #tpu.memory_space<hbm>> -> memref<640xf32, #tpu.memory_space<hbm>>
        %dma_start3A_362 = arith.constant 0 : i32
        %dma_start3A_363 = tpu.memref_slice %arg17[%dma_start3A_362] : memref<10240xf32, #tpu.memory_space<vmem>> -> memref<640xf32, #tpu.memory_space<vmem>>
        %dma_start3A_364 = tpu.memref_slice %arg7[%add3A_275] : memref<163840xf32, #tpu.memory_space<hbm>> -> memref<640xf32, #tpu.memory_space<hbm>>
        tpu.enqueue_dma source(%dma_start3A_364 : memref<640xf32, #tpu.memory_space<hbm>>) target(%dma_start3A_363 : memref<640xf32, #tpu.memory_space<vmem>>) target_semaphore(%run_scoped3A_359 : memref<!tpu.dma_semaphore, #tpu.memory_space<semaphore_mem>>)
        %dma_wait3A = arith.constant 0 : i32
        %dma_wait3A_365 = tpu.memref_slice %arg17[%dma_wait3A] : memref<10240xf32, #tpu.memory_space<vmem>> -> memref<640xf32, #tpu.memory_space<vmem>>
        %dma_wait3A_366 = tpu.memref_slice %arg7[%add3A_275] : memref<163840xf32, #tpu.memory_space<hbm>> -> memref<640xf32, #tpu.memory_space<hbm>>
        %dma_wait3A_367 = arith.constant 0 : i32
        %dma_wait3A_368 = tpu.memref_slice %arg17[%dma_wait3A_367] : memref<10240xf32, #tpu.memory_space<vmem>> -> memref<640xf32, #tpu.memory_space<vmem>>
        %dma_wait3A_369 = tpu.memref_slice %arg7[%add3A_275] : memref<163840xf32, #tpu.memory_space<hbm>> -> memref<640xf32, #tpu.memory_space<hbm>>
        tpu.wait_dma2 semaphore(%run_scoped3A_359 : memref<!tpu.dma_semaphore, #tpu.memory_space<semaphore_mem>>) src(%dma_wait3A_369 : memref<640xf32, #tpu.memory_space<hbm>>) dst(%dma_wait3A_368 : memref<640xf32, #tpu.memory_space<vmem>>)
        tpu.yield
      }) : () -> ()
      %add3A_276 = arith.constant 5120 : i32
      %add3A_277 = arith.addi %mul3A_185, %add3A_276 : i32
      %mul3A_278 = arith.constant 640 : i32
      %mul3A_279 = arith.muli %arg1, %mul3A_278 : i32
      %add3A_280 = arith.addi %add3A_277, %mul3A_279 : i32
      "tpu.region"() ({
        %run_scoped3A_359 = tpu.sem_alloc : memref<!tpu.dma_semaphore, #tpu.memory_space<semaphore_mem>>
        %dma_start3A = arith.constant 640 : i32
        %dma_start3A_360 = tpu.memref_slice %arg17[%dma_start3A] : memref<10240xf32, #tpu.memory_space<vmem>> -> memref<640xf32, #tpu.memory_space<vmem>>
        %dma_start3A_361 = tpu.memref_slice %arg7[%add3A_280] : memref<163840xf32, #tpu.memory_space<hbm>> -> memref<640xf32, #tpu.memory_space<hbm>>
        %dma_start3A_362 = arith.constant 640 : i32
        %dma_start3A_363 = tpu.memref_slice %arg17[%dma_start3A_362] : memref<10240xf32, #tpu.memory_space<vmem>> -> memref<640xf32, #tpu.memory_space<vmem>>
        %dma_start3A_364 = tpu.memref_slice %arg7[%add3A_280] : memref<163840xf32, #tpu.memory_space<hbm>> -> memref<640xf32, #tpu.memory_space<hbm>>
        tpu.enqueue_dma source(%dma_start3A_364 : memref<640xf32, #tpu.memory_space<hbm>>) target(%dma_start3A_363 : memref<640xf32, #tpu.memory_space<vmem>>) target_semaphore(%run_scoped3A_359 : memref<!tpu.dma_semaphore, #tpu.memory_space<semaphore_mem>>)
        %dma_wait3A = arith.constant 640 : i32
        %dma_wait3A_365 = tpu.memref_slice %arg17[%dma_wait3A] : memref<10240xf32, #tpu.memory_space<vmem>> -> memref<640xf32, #tpu.memory_space<vmem>>
        %dma_wait3A_366 = tpu.memref_slice %arg7[%add3A_280] : memref<163840xf32, #tpu.memory_space<hbm>> -> memref<640xf32, #tpu.memory_space<hbm>>
        %dma_wait3A_367 = arith.constant 640 : i32
        %dma_wait3A_368 = tpu.memref_slice %arg17[%dma_wait3A_367] : memref<10240xf32, #tpu.memory_space<vmem>> -> memref<640xf32, #tpu.memory_space<vmem>>
        %dma_wait3A_369 = tpu.memref_slice %arg7[%add3A_280] : memref<163840xf32, #tpu.memory_space<hbm>> -> memref<640xf32, #tpu.memory_space<hbm>>
        tpu.wait_dma2 semaphore(%run_scoped3A_359 : memref<!tpu.dma_semaphore, #tpu.memory_space<semaphore_mem>>) src(%dma_wait3A_369 : memref<640xf32, #tpu.memory_space<hbm>>) dst(%dma_wait3A_368 : memref<640xf32, #tpu.memory_space<vmem>>)
        tpu.yield
      }) : () -> ()
      %add3A_281 = arith.constant 10240 : i32
      %add3A_282 = arith.addi %mul3A_185, %add3A_281 : i32
      %mul3A_283 = arith.constant 640 : i32
      %mul3A_284 = arith.muli %arg1, %mul3A_283 : i32
      %add3A_285 = arith.addi %add3A_282, %mul3A_284 : i32
      "tpu.region"() ({
        %run_scoped3A_359 = tpu.sem_alloc : memref<!tpu.dma_semaphore, #tpu.memory_space<semaphore_mem>>
        %dma_start3A = arith.constant 1280 : i32
        %dma_start3A_360 = tpu.memref_slice %arg17[%dma_start3A] : memref<10240xf32, #tpu.memory_space<vmem>> -> memref<640xf32, #tpu.memory_space<vmem>>
        %dma_start3A_361 = tpu.memref_slice %arg7[%add3A_285] : memref<163840xf32, #tpu.memory_space<hbm>> -> memref<640xf32, #tpu.memory_space<hbm>>
        %dma_start3A_362 = arith.constant 1280 : i32
        %dma_start3A_363 = tpu.memref_slice %arg17[%dma_start3A_362] : memref<10240xf32, #tpu.memory_space<vmem>> -> memref<640xf32, #tpu.memory_space<vmem>>
        %dma_start3A_364 = tpu.memref_slice %arg7[%add3A_285] : memref<163840xf32, #tpu.memory_space<hbm>> -> memref<640xf32, #tpu.memory_space<hbm>>
        tpu.enqueue_dma source(%dma_start3A_364 : memref<640xf32, #tpu.memory_space<hbm>>) target(%dma_start3A_363 : memref<640xf32, #tpu.memory_space<vmem>>) target_semaphore(%run_scoped3A_359 : memref<!tpu.dma_semaphore, #tpu.memory_space<semaphore_mem>>)
        %dma_wait3A = arith.constant 1280 : i32
        %dma_wait3A_365 = tpu.memref_slice %arg17[%dma_wait3A] : memref<10240xf32, #tpu.memory_space<vmem>> -> memref<640xf32, #tpu.memory_space<vmem>>
        %dma_wait3A_366 = tpu.memref_slice %arg7[%add3A_285] : memref<163840xf32, #tpu.memory_space<hbm>> -> memref<640xf32, #tpu.memory_space<hbm>>
        %dma_wait3A_367 = arith.constant 1280 : i32
        %dma_wait3A_368 = tpu.memref_slice %arg17[%dma_wait3A_367] : memref<10240xf32, #tpu.memory_space<vmem>> -> memref<640xf32, #tpu.memory_space<vmem>>
        %dma_wait3A_369 = tpu.memref_slice %arg7[%add3A_285] : memref<163840xf32, #tpu.memory_space<hbm>> -> memref<640xf32, #tpu.memory_space<hbm>>
        tpu.wait_dma2 semaphore(%run_scoped3A_359 : memref<!tpu.dma_semaphore, #tpu.memory_space<semaphore_mem>>) src(%dma_wait3A_369 : memref<640xf32, #tpu.memory_space<hbm>>) dst(%dma_wait3A_368 : memref<640xf32, #tpu.memory_space<vmem>>)
        tpu.yield
      }) : () -> ()
      %add3A_286 = arith.constant 15360 : i32
      %add3A_287 = arith.addi %mul3A_185, %add3A_286 : i32
      %mul3A_288 = arith.constant 640 : i32
      %mul3A_289 = arith.muli %arg1, %mul3A_288 : i32
      %add3A_290 = arith.addi %add3A_287, %mul3A_289 : i32
      "tpu.region"() ({
        %run_scoped3A_359 = tpu.sem_alloc : memref<!tpu.dma_semaphore, #tpu.memory_space<semaphore_mem>>
        %dma_start3A = arith.constant 1920 : i32
        %dma_start3A_360 = tpu.memref_slice %arg17[%dma_start3A] : memref<10240xf32, #tpu.memory_space<vmem>> -> memref<640xf32, #tpu.memory_space<vmem>>
        %dma_start3A_361 = tpu.memref_slice %arg7[%add3A_290] : memref<163840xf32, #tpu.memory_space<hbm>> -> memref<640xf32, #tpu.memory_space<hbm>>
        %dma_start3A_362 = arith.constant 1920 : i32
        %dma_start3A_363 = tpu.memref_slice %arg17[%dma_start3A_362] : memref<10240xf32, #tpu.memory_space<vmem>> -> memref<640xf32, #tpu.memory_space<vmem>>
        %dma_start3A_364 = tpu.memref_slice %arg7[%add3A_290] : memref<163840xf32, #tpu.memory_space<hbm>> -> memref<640xf32, #tpu.memory_space<hbm>>
        tpu.enqueue_dma source(%dma_start3A_364 : memref<640xf32, #tpu.memory_space<hbm>>) target(%dma_start3A_363 : memref<640xf32, #tpu.memory_space<vmem>>) target_semaphore(%run_scoped3A_359 : memref<!tpu.dma_semaphore, #tpu.memory_space<semaphore_mem>>)
        %dma_wait3A = arith.constant 1920 : i32
        %dma_wait3A_365 = tpu.memref_slice %arg17[%dma_wait3A] : memref<10240xf32, #tpu.memory_space<vmem>> -> memref<640xf32, #tpu.memory_space<vmem>>
        %dma_wait3A_366 = tpu.memref_slice %arg7[%add3A_290] : memref<163840xf32, #tpu.memory_space<hbm>> -> memref<640xf32, #tpu.memory_space<hbm>>
        %dma_wait3A_367 = arith.constant 1920 : i32
        %dma_wait3A_368 = tpu.memref_slice %arg17[%dma_wait3A_367] : memref<10240xf32, #tpu.memory_space<vmem>> -> memref<640xf32, #tpu.memory_space<vmem>>
        %dma_wait3A_369 = tpu.memref_slice %arg7[%add3A_290] : memref<163840xf32, #tpu.memory_space<hbm>> -> memref<640xf32, #tpu.memory_space<hbm>>
        tpu.wait_dma2 semaphore(%run_scoped3A_359 : memref<!tpu.dma_semaphore, #tpu.memory_space<semaphore_mem>>) src(%dma_wait3A_369 : memref<640xf32, #tpu.memory_space<hbm>>) dst(%dma_wait3A_368 : memref<640xf32, #tpu.memory_space<vmem>>)
        tpu.yield
      }) : () -> ()
      %add3A_291 = arith.constant 20480 : i32
      %add3A_292 = arith.addi %mul3A_185, %add3A_291 : i32
      %mul3A_293 = arith.constant 640 : i32
      %mul3A_294 = arith.muli %arg1, %mul3A_293 : i32
      %add3A_295 = arith.addi %add3A_292, %mul3A_294 : i32
      "tpu.region"() ({
        %run_scoped3A_359 = tpu.sem_alloc : memref<!tpu.dma_semaphore, #tpu.memory_space<semaphore_mem>>
        %dma_start3A = arith.constant 2560 : i32
        %dma_start3A_360 = tpu.memref_slice %arg17[%dma_start3A] : memref<10240xf32, #tpu.memory_space<vmem>> -> memref<640xf32, #tpu.memory_space<vmem>>
        %dma_start3A_361 = tpu.memref_slice %arg7[%add3A_295] : memref<163840xf32, #tpu.memory_space<hbm>> -> memref<640xf32, #tpu.memory_space<hbm>>
        %dma_start3A_362 = arith.constant 2560 : i32
        %dma_start3A_363 = tpu.memref_slice %arg17[%dma_start3A_362] : memref<10240xf32, #tpu.memory_space<vmem>> -> memref<640xf32, #tpu.memory_space<vmem>>
        %dma_start3A_364 = tpu.memref_slice %arg7[%add3A_295] : memref<163840xf32, #tpu.memory_space<hbm>> -> memref<640xf32, #tpu.memory_space<hbm>>
        tpu.enqueue_dma source(%dma_start3A_364 : memref<640xf32, #tpu.memory_space<hbm>>) target(%dma_start3A_363 : memref<640xf32, #tpu.memory_space<vmem>>) target_semaphore(%run_scoped3A_359 : memref<!tpu.dma_semaphore, #tpu.memory_space<semaphore_mem>>)
        %dma_wait3A = arith.constant 2560 : i32
        %dma_wait3A_365 = tpu.memref_slice %arg17[%dma_wait3A] : memref<10240xf32, #tpu.memory_space<vmem>> -> memref<640xf32, #tpu.memory_space<vmem>>
        %dma_wait3A_366 = tpu.memref_slice %arg7[%add3A_295] : memref<163840xf32, #tpu.memory_space<hbm>> -> memref<640xf32, #tpu.memory_space<hbm>>
        %dma_wait3A_367 = arith.constant 2560 : i32
        %dma_wait3A_368 = tpu.memref_slice %arg17[%dma_wait3A_367] : memref<10240xf32, #tpu.memory_space<vmem>> -> memref<640xf32, #tpu.memory_space<vmem>>
        %dma_wait3A_369 = tpu.memref_slice %arg7[%add3A_295] : memref<163840xf32, #tpu.memory_space<hbm>> -> memref<640xf32, #tpu.memory_space<hbm>>
        tpu.wait_dma2 semaphore(%run_scoped3A_359 : memref<!tpu.dma_semaphore, #tpu.memory_space<semaphore_mem>>) src(%dma_wait3A_369 : memref<640xf32, #tpu.memory_space<hbm>>) dst(%dma_wait3A_368 : memref<640xf32, #tpu.memory_space<vmem>>)
        tpu.yield
      }) : () -> ()
      %add3A_296 = arith.constant 25600 : i32
      %add3A_297 = arith.addi %mul3A_185, %add3A_296 : i32
      %mul3A_298 = arith.constant 640 : i32
      %mul3A_299 = arith.muli %arg1, %mul3A_298 : i32
      %add3A_300 = arith.addi %add3A_297, %mul3A_299 : i32
      "tpu.region"() ({
        %run_scoped3A_359 = tpu.sem_alloc : memref<!tpu.dma_semaphore, #tpu.memory_space<semaphore_mem>>
        %dma_start3A = arith.constant 3200 : i32
        %dma_start3A_360 = tpu.memref_slice %arg17[%dma_start3A] : memref<10240xf32, #tpu.memory_space<vmem>> -> memref<640xf32, #tpu.memory_space<vmem>>
        %dma_start3A_361 = tpu.memref_slice %arg7[%add3A_300] : memref<163840xf32, #tpu.memory_space<hbm>> -> memref<640xf32, #tpu.memory_space<hbm>>
        %dma_start3A_362 = arith.constant 3200 : i32
        %dma_start3A_363 = tpu.memref_slice %arg17[%dma_start3A_362] : memref<10240xf32, #tpu.memory_space<vmem>> -> memref<640xf32, #tpu.memory_space<vmem>>
        %dma_start3A_364 = tpu.memref_slice %arg7[%add3A_300] : memref<163840xf32, #tpu.memory_space<hbm>> -> memref<640xf32, #tpu.memory_space<hbm>>
        tpu.enqueue_dma source(%dma_start3A_364 : memref<640xf32, #tpu.memory_space<hbm>>) target(%dma_start3A_363 : memref<640xf32, #tpu.memory_space<vmem>>) target_semaphore(%run_scoped3A_359 : memref<!tpu.dma_semaphore, #tpu.memory_space<semaphore_mem>>)
        %dma_wait3A = arith.constant 3200 : i32
        %dma_wait3A_365 = tpu.memref_slice %arg17[%dma_wait3A] : memref<10240xf32, #tpu.memory_space<vmem>> -> memref<640xf32, #tpu.memory_space<vmem>>
        %dma_wait3A_366 = tpu.memref_slice %arg7[%add3A_300] : memref<163840xf32, #tpu.memory_space<hbm>> -> memref<640xf32, #tpu.memory_space<hbm>>
        %dma_wait3A_367 = arith.constant 3200 : i32
        %dma_wait3A_368 = tpu.memref_slice %arg17[%dma_wait3A_367] : memref<10240xf32, #tpu.memory_space<vmem>> -> memref<640xf32, #tpu.memory_space<vmem>>
        %dma_wait3A_369 = tpu.memref_slice %arg7[%add3A_300] : memref<163840xf32, #tpu.memory_space<hbm>> -> memref<640xf32, #tpu.memory_space<hbm>>
        tpu.wait_dma2 semaphore(%run_scoped3A_359 : memref<!tpu.dma_semaphore, #tpu.memory_space<semaphore_mem>>) src(%dma_wait3A_369 : memref<640xf32, #tpu.memory_space<hbm>>) dst(%dma_wait3A_368 : memref<640xf32, #tpu.memory_space<vmem>>)
        tpu.yield
      }) : () -> ()
      %add3A_301 = arith.constant 30720 : i32
      %add3A_302 = arith.addi %mul3A_185, %add3A_301 : i32
      %mul3A_303 = arith.constant 640 : i32
      %mul3A_304 = arith.muli %arg1, %mul3A_303 : i32
      %add3A_305 = arith.addi %add3A_302, %mul3A_304 : i32
      "tpu.region"() ({
        %run_scoped3A_359 = tpu.sem_alloc : memref<!tpu.dma_semaphore, #tpu.memory_space<semaphore_mem>>
        %dma_start3A = arith.constant 3840 : i32
        %dma_start3A_360 = tpu.memref_slice %arg17[%dma_start3A] : memref<10240xf32, #tpu.memory_space<vmem>> -> memref<640xf32, #tpu.memory_space<vmem>>
        %dma_start3A_361 = tpu.memref_slice %arg7[%add3A_305] : memref<163840xf32, #tpu.memory_space<hbm>> -> memref<640xf32, #tpu.memory_space<hbm>>
        %dma_start3A_362 = arith.constant 3840 : i32
        %dma_start3A_363 = tpu.memref_slice %arg17[%dma_start3A_362] : memref<10240xf32, #tpu.memory_space<vmem>> -> memref<640xf32, #tpu.memory_space<vmem>>
        %dma_start3A_364 = tpu.memref_slice %arg7[%add3A_305] : memref<163840xf32, #tpu.memory_space<hbm>> -> memref<640xf32, #tpu.memory_space<hbm>>
        tpu.enqueue_dma source(%dma_start3A_364 : memref<640xf32, #tpu.memory_space<hbm>>) target(%dma_start3A_363 : memref<640xf32, #tpu.memory_space<vmem>>) target_semaphore(%run_scoped3A_359 : memref<!tpu.dma_semaphore, #tpu.memory_space<semaphore_mem>>)
        %dma_wait3A = arith.constant 3840 : i32
        %dma_wait3A_365 = tpu.memref_slice %arg17[%dma_wait3A] : memref<10240xf32, #tpu.memory_space<vmem>> -> memref<640xf32, #tpu.memory_space<vmem>>
        %dma_wait3A_366 = tpu.memref_slice %arg7[%add3A_305] : memref<163840xf32, #tpu.memory_space<hbm>> -> memref<640xf32, #tpu.memory_space<hbm>>
        %dma_wait3A_367 = arith.constant 3840 : i32
        %dma_wait3A_368 = tpu.memref_slice %arg17[%dma_wait3A_367] : memref<10240xf32, #tpu.memory_space<vmem>> -> memref<640xf32, #tpu.memory_space<vmem>>
        %dma_wait3A_369 = tpu.memref_slice %arg7[%add3A_305] : memref<163840xf32, #tpu.memory_space<hbm>> -> memref<640xf32, #tpu.memory_space<hbm>>
        tpu.wait_dma2 semaphore(%run_scoped3A_359 : memref<!tpu.dma_semaphore, #tpu.memory_space<semaphore_mem>>) src(%dma_wait3A_369 : memref<640xf32, #tpu.memory_space<hbm>>) dst(%dma_wait3A_368 : memref<640xf32, #tpu.memory_space<vmem>>)
        tpu.yield
      }) : () -> ()
      %add3A_306 = arith.constant 35840 : i32
      %add3A_307 = arith.addi %mul3A_185, %add3A_306 : i32
      %mul3A_308 = arith.constant 640 : i32
      %mul3A_309 = arith.muli %arg1, %mul3A_308 : i32
      %add3A_310 = arith.addi %add3A_307, %mul3A_309 : i32
      "tpu.region"() ({
        %run_scoped3A_359 = tpu.sem_alloc : memref<!tpu.dma_semaphore, #tpu.memory_space<semaphore_mem>>
        %dma_start3A = arith.constant 4480 : i32
        %dma_start3A_360 = tpu.memref_slice %arg17[%dma_start3A] : memref<10240xf32, #tpu.memory_space<vmem>> -> memref<640xf32, #tpu.memory_space<vmem>>
        %dma_start3A_361 = tpu.memref_slice %arg7[%add3A_310] : memref<163840xf32, #tpu.memory_space<hbm>> -> memref<640xf32, #tpu.memory_space<hbm>>
        %dma_start3A_362 = arith.constant 4480 : i32
        %dma_start3A_363 = tpu.memref_slice %arg17[%dma_start3A_362] : memref<10240xf32, #tpu.memory_space<vmem>> -> memref<640xf32, #tpu.memory_space<vmem>>
        %dma_start3A_364 = tpu.memref_slice %arg7[%add3A_310] : memref<163840xf32, #tpu.memory_space<hbm>> -> memref<640xf32, #tpu.memory_space<hbm>>
        tpu.enqueue_dma source(%dma_start3A_364 : memref<640xf32, #tpu.memory_space<hbm>>) target(%dma_start3A_363 : memref<640xf32, #tpu.memory_space<vmem>>) target_semaphore(%run_scoped3A_359 : memref<!tpu.dma_semaphore, #tpu.memory_space<semaphore_mem>>)
        %dma_wait3A = arith.constant 4480 : i32
        %dma_wait3A_365 = tpu.memref_slice %arg17[%dma_wait3A] : memref<10240xf32, #tpu.memory_space<vmem>> -> memref<640xf32, #tpu.memory_space<vmem>>
        %dma_wait3A_366 = tpu.memref_slice %arg7[%add3A_310] : memref<163840xf32, #tpu.memory_space<hbm>> -> memref<640xf32, #tpu.memory_space<hbm>>
        %dma_wait3A_367 = arith.constant 4480 : i32
        %dma_wait3A_368 = tpu.memref_slice %arg17[%dma_wait3A_367] : memref<10240xf32, #tpu.memory_space<vmem>> -> memref<640xf32, #tpu.memory_space<vmem>>
        %dma_wait3A_369 = tpu.memref_slice %arg7[%add3A_310] : memref<163840xf32, #tpu.memory_space<hbm>> -> memref<640xf32, #tpu.memory_space<hbm>>
        tpu.wait_dma2 semaphore(%run_scoped3A_359 : memref<!tpu.dma_semaphore, #tpu.memory_space<semaphore_mem>>) src(%dma_wait3A_369 : memref<640xf32, #tpu.memory_space<hbm>>) dst(%dma_wait3A_368 : memref<640xf32, #tpu.memory_space<vmem>>)
        tpu.yield
      }) : () -> ()
      %add3A_311 = arith.constant 40960 : i32
      %add3A_312 = arith.addi %mul3A_185, %add3A_311 : i32
      %mul3A_313 = arith.constant 640 : i32
      %mul3A_314 = arith.muli %arg1, %mul3A_313 : i32
      %add3A_315 = arith.addi %add3A_312, %mul3A_314 : i32
      "tpu.region"() ({
        %run_scoped3A_359 = tpu.sem_alloc : memref<!tpu.dma_semaphore, #tpu.memory_space<semaphore_mem>>
        %dma_start3A = arith.constant 5120 : i32
        %dma_start3A_360 = tpu.memref_slice %arg17[%dma_start3A] : memref<10240xf32, #tpu.memory_space<vmem>> -> memref<640xf32, #tpu.memory_space<vmem>>
        %dma_start3A_361 = tpu.memref_slice %arg7[%add3A_315] : memref<163840xf32, #tpu.memory_space<hbm>> -> memref<640xf32, #tpu.memory_space<hbm>>
        %dma_start3A_362 = arith.constant 5120 : i32
        %dma_start3A_363 = tpu.memref_slice %arg17[%dma_start3A_362] : memref<10240xf32, #tpu.memory_space<vmem>> -> memref<640xf32, #tpu.memory_space<vmem>>
        %dma_start3A_364 = tpu.memref_slice %arg7[%add3A_315] : memref<163840xf32, #tpu.memory_space<hbm>> -> memref<640xf32, #tpu.memory_space<hbm>>
        tpu.enqueue_dma source(%dma_start3A_364 : memref<640xf32, #tpu.memory_space<hbm>>) target(%dma_start3A_363 : memref<640xf32, #tpu.memory_space<vmem>>) target_semaphore(%run_scoped3A_359 : memref<!tpu.dma_semaphore, #tpu.memory_space<semaphore_mem>>)
        %dma_wait3A = arith.constant 5120 : i32
        %dma_wait3A_365 = tpu.memref_slice %arg17[%dma_wait3A] : memref<10240xf32, #tpu.memory_space<vmem>> -> memref<640xf32, #tpu.memory_space<vmem>>
        %dma_wait3A_366 = tpu.memref_slice %arg7[%add3A_315] : memref<163840xf32, #tpu.memory_space<hbm>> -> memref<640xf32, #tpu.memory_space<hbm>>
        %dma_wait3A_367 = arith.constant 5120 : i32
        %dma_wait3A_368 = tpu.memref_slice %arg17[%dma_wait3A_367] : memref<10240xf32, #tpu.memory_space<vmem>> -> memref<640xf32, #tpu.memory_space<vmem>>
        %dma_wait3A_369 = tpu.memref_slice %arg7[%add3A_315] : memref<163840xf32, #tpu.memory_space<hbm>> -> memref<640xf32, #tpu.memory_space<hbm>>
        tpu.wait_dma2 semaphore(%run_scoped3A_359 : memref<!tpu.dma_semaphore, #tpu.memory_space<semaphore_mem>>) src(%dma_wait3A_369 : memref<640xf32, #tpu.memory_space<hbm>>) dst(%dma_wait3A_368 : memref<640xf32, #tpu.memory_space<vmem>>)
        tpu.yield
      }) : () -> ()
      %add3A_316 = arith.constant 46080 : i32
      %add3A_317 = arith.addi %mul3A_185, %add3A_316 : i32
      %mul3A_318 = arith.constant 640 : i32
      %mul3A_319 = arith.muli %arg1, %mul3A_318 : i32
      %add3A_320 = arith.addi %add3A_317, %mul3A_319 : i32
      "tpu.region"() ({
        %run_scoped3A_359 = tpu.sem_alloc : memref<!tpu.dma_semaphore, #tpu.memory_space<semaphore_mem>>
        %dma_start3A = arith.constant 5760 : i32
        %dma_start3A_360 = tpu.memref_slice %arg17[%dma_start3A] : memref<10240xf32, #tpu.memory_space<vmem>> -> memref<640xf32, #tpu.memory_space<vmem>>
        %dma_start3A_361 = tpu.memref_slice %arg7[%add3A_320] : memref<163840xf32, #tpu.memory_space<hbm>> -> memref<640xf32, #tpu.memory_space<hbm>>
        %dma_start3A_362 = arith.constant 5760 : i32
        %dma_start3A_363 = tpu.memref_slice %arg17[%dma_start3A_362] : memref<10240xf32, #tpu.memory_space<vmem>> -> memref<640xf32, #tpu.memory_space<vmem>>
        %dma_start3A_364 = tpu.memref_slice %arg7[%add3A_320] : memref<163840xf32, #tpu.memory_space<hbm>> -> memref<640xf32, #tpu.memory_space<hbm>>
        tpu.enqueue_dma source(%dma_start3A_364 : memref<640xf32, #tpu.memory_space<hbm>>) target(%dma_start3A_363 : memref<640xf32, #tpu.memory_space<vmem>>) target_semaphore(%run_scoped3A_359 : memref<!tpu.dma_semaphore, #tpu.memory_space<semaphore_mem>>)
        %dma_wait3A = arith.constant 5760 : i32
        %dma_wait3A_365 = tpu.memref_slice %arg17[%dma_wait3A] : memref<10240xf32, #tpu.memory_space<vmem>> -> memref<640xf32, #tpu.memory_space<vmem>>
        %dma_wait3A_366 = tpu.memref_slice %arg7[%add3A_320] : memref<163840xf32, #tpu.memory_space<hbm>> -> memref<640xf32, #tpu.memory_space<hbm>>
        %dma_wait3A_367 = arith.constant 5760 : i32
        %dma_wait3A_368 = tpu.memref_slice %arg17[%dma_wait3A_367] : memref<10240xf32, #tpu.memory_space<vmem>> -> memref<640xf32, #tpu.memory_space<vmem>>
        %dma_wait3A_369 = tpu.memref_slice %arg7[%add3A_320] : memref<163840xf32, #tpu.memory_space<hbm>> -> memref<640xf32, #tpu.memory_space<hbm>>
        tpu.wait_dma2 semaphore(%run_scoped3A_359 : memref<!tpu.dma_semaphore, #tpu.memory_space<semaphore_mem>>) src(%dma_wait3A_369 : memref<640xf32, #tpu.memory_space<hbm>>) dst(%dma_wait3A_368 : memref<640xf32, #tpu.memory_space<vmem>>)
        tpu.yield
      }) : () -> ()
      %add3A_321 = arith.constant 51200 : i32
      %add3A_322 = arith.addi %mul3A_185, %add3A_321 : i32
      %mul3A_323 = arith.constant 640 : i32
      %mul3A_324 = arith.muli %arg1, %mul3A_323 : i32
      %add3A_325 = arith.addi %add3A_322, %mul3A_324 : i32
      "tpu.region"() ({
        %run_scoped3A_359 = tpu.sem_alloc : memref<!tpu.dma_semaphore, #tpu.memory_space<semaphore_mem>>
        %dma_start3A = arith.constant 6400 : i32
        %dma_start3A_360 = tpu.memref_slice %arg17[%dma_start3A] : memref<10240xf32, #tpu.memory_space<vmem>> -> memref<640xf32, #tpu.memory_space<vmem>>
        %dma_start3A_361 = tpu.memref_slice %arg7[%add3A_325] : memref<163840xf32, #tpu.memory_space<hbm>> -> memref<640xf32, #tpu.memory_space<hbm>>
        %dma_start3A_362 = arith.constant 6400 : i32
        %dma_start3A_363 = tpu.memref_slice %arg17[%dma_start3A_362] : memref<10240xf32, #tpu.memory_space<vmem>> -> memref<640xf32, #tpu.memory_space<vmem>>
        %dma_start3A_364 = tpu.memref_slice %arg7[%add3A_325] : memref<163840xf32, #tpu.memory_space<hbm>> -> memref<640xf32, #tpu.memory_space<hbm>>
        tpu.enqueue_dma source(%dma_start3A_364 : memref<640xf32, #tpu.memory_space<hbm>>) target(%dma_start3A_363 : memref<640xf32, #tpu.memory_space<vmem>>) target_semaphore(%run_scoped3A_359 : memref<!tpu.dma_semaphore, #tpu.memory_space<semaphore_mem>>)
        %dma_wait3A = arith.constant 6400 : i32
        %dma_wait3A_365 = tpu.memref_slice %arg17[%dma_wait3A] : memref<10240xf32, #tpu.memory_space<vmem>> -> memref<640xf32, #tpu.memory_space<vmem>>
        %dma_wait3A_366 = tpu.memref_slice %arg7[%add3A_325] : memref<163840xf32, #tpu.memory_space<hbm>> -> memref<640xf32, #tpu.memory_space<hbm>>
        %dma_wait3A_367 = arith.constant 6400 : i32
        %dma_wait3A_368 = tpu.memref_slice %arg17[%dma_wait3A_367] : memref<10240xf32, #tpu.memory_space<vmem>> -> memref<640xf32, #tpu.memory_space<vmem>>
        %dma_wait3A_369 = tpu.memref_slice %arg7[%add3A_325] : memref<163840xf32, #tpu.memory_space<hbm>> -> memref<640xf32, #tpu.memory_space<hbm>>
        tpu.wait_dma2 semaphore(%run_scoped3A_359 : memref<!tpu.dma_semaphore, #tpu.memory_space<semaphore_mem>>) src(%dma_wait3A_369 : memref<640xf32, #tpu.memory_space<hbm>>) dst(%dma_wait3A_368 : memref<640xf32, #tpu.memory_space<vmem>>)
        tpu.yield
      }) : () -> ()
      %add3A_326 = arith.constant 56320 : i32
      %add3A_327 = arith.addi %mul3A_185, %add3A_326 : i32
      %mul3A_328 = arith.constant 640 : i32
      %mul3A_329 = arith.muli %arg1, %mul3A_328 : i32
      %add3A_330 = arith.addi %add3A_327, %mul3A_329 : i32
      "tpu.region"() ({
        %run_scoped3A_359 = tpu.sem_alloc : memref<!tpu.dma_semaphore, #tpu.memory_space<semaphore_mem>>
        %dma_start3A = arith.constant 7040 : i32
        %dma_start3A_360 = tpu.memref_slice %arg17[%dma_start3A] : memref<10240xf32, #tpu.memory_space<vmem>> -> memref<640xf32, #tpu.memory_space<vmem>>
        %dma_start3A_361 = tpu.memref_slice %arg7[%add3A_330] : memref<163840xf32, #tpu.memory_space<hbm>> -> memref<640xf32, #tpu.memory_space<hbm>>
        %dma_start3A_362 = arith.constant 7040 : i32
        %dma_start3A_363 = tpu.memref_slice %arg17[%dma_start3A_362] : memref<10240xf32, #tpu.memory_space<vmem>> -> memref<640xf32, #tpu.memory_space<vmem>>
        %dma_start3A_364 = tpu.memref_slice %arg7[%add3A_330] : memref<163840xf32, #tpu.memory_space<hbm>> -> memref<640xf32, #tpu.memory_space<hbm>>
        tpu.enqueue_dma source(%dma_start3A_364 : memref<640xf32, #tpu.memory_space<hbm>>) target(%dma_start3A_363 : memref<640xf32, #tpu.memory_space<vmem>>) target_semaphore(%run_scoped3A_359 : memref<!tpu.dma_semaphore, #tpu.memory_space<semaphore_mem>>)
        %dma_wait3A = arith.constant 7040 : i32
        %dma_wait3A_365 = tpu.memref_slice %arg17[%dma_wait3A] : memref<10240xf32, #tpu.memory_space<vmem>> -> memref<640xf32, #tpu.memory_space<vmem>>
        %dma_wait3A_366 = tpu.memref_slice %arg7[%add3A_330] : memref<163840xf32, #tpu.memory_space<hbm>> -> memref<640xf32, #tpu.memory_space<hbm>>
        %dma_wait3A_367 = arith.constant 7040 : i32
        %dma_wait3A_368 = tpu.memref_slice %arg17[%dma_wait3A_367] : memref<10240xf32, #tpu.memory_space<vmem>> -> memref<640xf32, #tpu.memory_space<vmem>>
        %dma_wait3A_369 = tpu.memref_slice %arg7[%add3A_330] : memref<163840xf32, #tpu.memory_space<hbm>> -> memref<640xf32, #tpu.memory_space<hbm>>
        tpu.wait_dma2 semaphore(%run_scoped3A_359 : memref<!tpu.dma_semaphore, #tpu.memory_space<semaphore_mem>>) src(%dma_wait3A_369 : memref<640xf32, #tpu.memory_space<hbm>>) dst(%dma_wait3A_368 : memref<640xf32, #tpu.memory_space<vmem>>)
        tpu.yield
      }) : () -> ()
      %add3A_331 = arith.constant 61440 : i32
      %add3A_332 = arith.addi %mul3A_185, %add3A_331 : i32
      %mul3A_333 = arith.constant 640 : i32
      %mul3A_334 = arith.muli %arg1, %mul3A_333 : i32
      %add3A_335 = arith.addi %add3A_332, %mul3A_334 : i32
      "tpu.region"() ({
        %run_scoped3A_359 = tpu.sem_alloc : memref<!tpu.dma_semaphore, #tpu.memory_space<semaphore_mem>>
        %dma_start3A = arith.constant 7680 : i32
        %dma_start3A_360 = tpu.memref_slice %arg17[%dma_start3A] : memref<10240xf32, #tpu.memory_space<vmem>> -> memref<640xf32, #tpu.memory_space<vmem>>
        %dma_start3A_361 = tpu.memref_slice %arg7[%add3A_335] : memref<163840xf32, #tpu.memory_space<hbm>> -> memref<640xf32, #tpu.memory_space<hbm>>
        %dma_start3A_362 = arith.constant 7680 : i32
        %dma_start3A_363 = tpu.memref_slice %arg17[%dma_start3A_362] : memref<10240xf32, #tpu.memory_space<vmem>> -> memref<640xf32, #tpu.memory_space<vmem>>
        %dma_start3A_364 = tpu.memref_slice %arg7[%add3A_335] : memref<163840xf32, #tpu.memory_space<hbm>> -> memref<640xf32, #tpu.memory_space<hbm>>
        tpu.enqueue_dma source(%dma_start3A_364 : memref<640xf32, #tpu.memory_space<hbm>>) target(%dma_start3A_363 : memref<640xf32, #tpu.memory_space<vmem>>) target_semaphore(%run_scoped3A_359 : memref<!tpu.dma_semaphore, #tpu.memory_space<semaphore_mem>>)
        %dma_wait3A = arith.constant 7680 : i32
        %dma_wait3A_365 = tpu.memref_slice %arg17[%dma_wait3A] : memref<10240xf32, #tpu.memory_space<vmem>> -> memref<640xf32, #tpu.memory_space<vmem>>
        %dma_wait3A_366 = tpu.memref_slice %arg7[%add3A_335] : memref<163840xf32, #tpu.memory_space<hbm>> -> memref<640xf32, #tpu.memory_space<hbm>>
        %dma_wait3A_367 = arith.constant 7680 : i32
        %dma_wait3A_368 = tpu.memref_slice %arg17[%dma_wait3A_367] : memref<10240xf32, #tpu.memory_space<vmem>> -> memref<640xf32, #tpu.memory_space<vmem>>
        %dma_wait3A_369 = tpu.memref_slice %arg7[%add3A_335] : memref<163840xf32, #tpu.memory_space<hbm>> -> memref<640xf32, #tpu.memory_space<hbm>>
        tpu.wait_dma2 semaphore(%run_scoped3A_359 : memref<!tpu.dma_semaphore, #tpu.memory_space<semaphore_mem>>) src(%dma_wait3A_369 : memref<640xf32, #tpu.memory_space<hbm>>) dst(%dma_wait3A_368 : memref<640xf32, #tpu.memory_space<vmem>>)
        tpu.yield
      }) : () -> ()
      %add3A_336 = arith.constant 66560 : i32
      %add3A_337 = arith.addi %mul3A_185, %add3A_336 : i32
      %mul3A_338 = arith.constant 640 : i32
      %mul3A_339 = arith.muli %arg1, %mul3A_338 : i32
      %add3A_340 = arith.addi %add3A_337, %mul3A_339 : i32
      "tpu.region"() ({
        %run_scoped3A_359 = tpu.sem_alloc : memref<!tpu.dma_semaphore, #tpu.memory_space<semaphore_mem>>
        %dma_start3A = arith.constant 8320 : i32
        %dma_start3A_360 = tpu.memref_slice %arg17[%dma_start3A] : memref<10240xf32, #tpu.memory_space<vmem>> -> memref<640xf32, #tpu.memory_space<vmem>>
        %dma_start3A_361 = tpu.memref_slice %arg7[%add3A_340] : memref<163840xf32, #tpu.memory_space<hbm>> -> memref<640xf32, #tpu.memory_space<hbm>>
        %dma_start3A_362 = arith.constant 8320 : i32
        %dma_start3A_363 = tpu.memref_slice %arg17[%dma_start3A_362] : memref<10240xf32, #tpu.memory_space<vmem>> -> memref<640xf32, #tpu.memory_space<vmem>>
        %dma_start3A_364 = tpu.memref_slice %arg7[%add3A_340] : memref<163840xf32, #tpu.memory_space<hbm>> -> memref<640xf32, #tpu.memory_space<hbm>>
        tpu.enqueue_dma source(%dma_start3A_364 : memref<640xf32, #tpu.memory_space<hbm>>) target(%dma_start3A_363 : memref<640xf32, #tpu.memory_space<vmem>>) target_semaphore(%run_scoped3A_359 : memref<!tpu.dma_semaphore, #tpu.memory_space<semaphore_mem>>)
        %dma_wait3A = arith.constant 8320 : i32
        %dma_wait3A_365 = tpu.memref_slice %arg17[%dma_wait3A] : memref<10240xf32, #tpu.memory_space<vmem>> -> memref<640xf32, #tpu.memory_space<vmem>>
        %dma_wait3A_366 = tpu.memref_slice %arg7[%add3A_340] : memref<163840xf32, #tpu.memory_space<hbm>> -> memref<640xf32, #tpu.memory_space<hbm>>
        %dma_wait3A_367 = arith.constant 8320 : i32
        %dma_wait3A_368 = tpu.memref_slice %arg17[%dma_wait3A_367] : memref<10240xf32, #tpu.memory_space<vmem>> -> memref<640xf32, #tpu.memory_space<vmem>>
        %dma_wait3A_369 = tpu.memref_slice %arg7[%add3A_340] : memref<163840xf32, #tpu.memory_space<hbm>> -> memref<640xf32, #tpu.memory_space<hbm>>
        tpu.wait_dma2 semaphore(%run_scoped3A_359 : memref<!tpu.dma_semaphore, #tpu.memory_space<semaphore_mem>>) src(%dma_wait3A_369 : memref<640xf32, #tpu.memory_space<hbm>>) dst(%dma_wait3A_368 : memref<640xf32, #tpu.memory_space<vmem>>)
        tpu.yield
      }) : () -> ()
      %add3A_341 = arith.constant 71680 : i32
      %add3A_342 = arith.addi %mul3A_185, %add3A_341 : i32
      %mul3A_343 = arith.constant 640 : i32
      %mul3A_344 = arith.muli %arg1, %mul3A_343 : i32
      %add3A_345 = arith.addi %add3A_342, %mul3A_344 : i32
      "tpu.region"() ({
        %run_scoped3A_359 = tpu.sem_alloc : memref<!tpu.dma_semaphore, #tpu.memory_space<semaphore_mem>>
        %dma_start3A = arith.constant 8960 : i32
        %dma_start3A_360 = tpu.memref_slice %arg17[%dma_start3A] : memref<10240xf32, #tpu.memory_space<vmem>> -> memref<640xf32, #tpu.memory_space<vmem>>
        %dma_start3A_361 = tpu.memref_slice %arg7[%add3A_345] : memref<163840xf32, #tpu.memory_space<hbm>> -> memref<640xf32, #tpu.memory_space<hbm>>
        %dma_start3A_362 = arith.constant 8960 : i32
        %dma_start3A_363 = tpu.memref_slice %arg17[%dma_start3A_362] : memref<10240xf32, #tpu.memory_space<vmem>> -> memref<640xf32, #tpu.memory_space<vmem>>
        %dma_start3A_364 = tpu.memref_slice %arg7[%add3A_345] : memref<163840xf32, #tpu.memory_space<hbm>> -> memref<640xf32, #tpu.memory_space<hbm>>
        tpu.enqueue_dma source(%dma_start3A_364 : memref<640xf32, #tpu.memory_space<hbm>>) target(%dma_start3A_363 : memref<640xf32, #tpu.memory_space<vmem>>) target_semaphore(%run_scoped3A_359 : memref<!tpu.dma_semaphore, #tpu.memory_space<semaphore_mem>>)
        %dma_wait3A = arith.constant 8960 : i32
        %dma_wait3A_365 = tpu.memref_slice %arg17[%dma_wait3A] : memref<10240xf32, #tpu.memory_space<vmem>> -> memref<640xf32, #tpu.memory_space<vmem>>
        %dma_wait3A_366 = tpu.memref_slice %arg7[%add3A_345] : memref<163840xf32, #tpu.memory_space<hbm>> -> memref<640xf32, #tpu.memory_space<hbm>>
        %dma_wait3A_367 = arith.constant 8960 : i32
        %dma_wait3A_368 = tpu.memref_slice %arg17[%dma_wait3A_367] : memref<10240xf32, #tpu.memory_space<vmem>> -> memref<640xf32, #tpu.memory_space<vmem>>
        %dma_wait3A_369 = tpu.memref_slice %arg7[%add3A_345] : memref<163840xf32, #tpu.memory_space<hbm>> -> memref<640xf32, #tpu.memory_space<hbm>>
        tpu.wait_dma2 semaphore(%run_scoped3A_359 : memref<!tpu.dma_semaphore, #tpu.memory_space<semaphore_mem>>) src(%dma_wait3A_369 : memref<640xf32, #tpu.memory_space<hbm>>) dst(%dma_wait3A_368 : memref<640xf32, #tpu.memory_space<vmem>>)
        tpu.yield
      }) : () -> ()
      %add3A_346 = arith.constant 76800 : i32
      %add3A_347 = arith.addi %mul3A_185, %add3A_346 : i32
      %mul3A_348 = arith.constant 640 : i32
      %mul3A_349 = arith.muli %arg1, %mul3A_348 : i32
      %add3A_350 = arith.addi %add3A_347, %mul3A_349 : i32
      "tpu.region"() ({
        %run_scoped3A_359 = tpu.sem_alloc : memref<!tpu.dma_semaphore, #tpu.memory_space<semaphore_mem>>
        %dma_start3A = arith.constant 9600 : i32
        %dma_start3A_360 = tpu.memref_slice %arg17[%dma_start3A] : memref<10240xf32, #tpu.memory_space<vmem>> -> memref<640xf32, #tpu.memory_space<vmem>>
        %dma_start3A_361 = tpu.memref_slice %arg7[%add3A_350] : memref<163840xf32, #tpu.memory_space<hbm>> -> memref<640xf32, #tpu.memory_space<hbm>>
        %dma_start3A_362 = arith.constant 9600 : i32
        %dma_start3A_363 = tpu.memref_slice %arg17[%dma_start3A_362] : memref<10240xf32, #tpu.memory_space<vmem>> -> memref<640xf32, #tpu.memory_space<vmem>>
        %dma_start3A_364 = tpu.memref_slice %arg7[%add3A_350] : memref<163840xf32, #tpu.memory_space<hbm>> -> memref<640xf32, #tpu.memory_space<hbm>>
        tpu.enqueue_dma source(%dma_start3A_364 : memref<640xf32, #tpu.memory_space<hbm>>) target(%dma_start3A_363 : memref<640xf32, #tpu.memory_space<vmem>>) target_semaphore(%run_scoped3A_359 : memref<!tpu.dma_semaphore, #tpu.memory_space<semaphore_mem>>)
        %dma_wait3A = arith.constant 9600 : i32
        %dma_wait3A_365 = tpu.memref_slice %arg17[%dma_wait3A] : memref<10240xf32, #tpu.memory_space<vmem>> -> memref<640xf32, #tpu.memory_space<vmem>>
        %dma_wait3A_366 = tpu.memref_slice %arg7[%add3A_350] : memref<163840xf32, #tpu.memory_space<hbm>> -> memref<640xf32, #tpu.memory_space<hbm>>
        %dma_wait3A_367 = arith.constant 9600 : i32
        %dma_wait3A_368 = tpu.memref_slice %arg17[%dma_wait3A_367] : memref<10240xf32, #tpu.memory_space<vmem>> -> memref<640xf32, #tpu.memory_space<vmem>>
        %dma_wait3A_369 = tpu.memref_slice %arg7[%add3A_350] : memref<163840xf32, #tpu.memory_space<hbm>> -> memref<640xf32, #tpu.memory_space<hbm>>
        tpu.wait_dma2 semaphore(%run_scoped3A_359 : memref<!tpu.dma_semaphore, #tpu.memory_space<semaphore_mem>>) src(%dma_wait3A_369 : memref<640xf32, #tpu.memory_space<hbm>>) dst(%dma_wait3A_368 : memref<640xf32, #tpu.memory_space<vmem>>)
        tpu.yield
      }) : () -> ()
      %scan3A_351 = arith.constant 0 : i32
      %scan3A_352 = arith.constant 40 : i32
      %scan3A_353 = arith.addi %scan3A_351, %scan3A_352 : i32
      %scan3A_354 = arith.constant 1 : i32
      scf.for %scan3A_359 = %scan3A_351 to %scan3A_353 step %scan3A_354  : i32 {
        %mul3A_360 = arith.constant 1 : i32
        %mul3A_361 = arith.muli %scan3A_359, %mul3A_360 : i32
        %add3A_362 = arith.constant 0 : i32
        %add3A_363 = arith.addi %add3A_362, %mul3A_361 : i32
        %mul3A_364 = arith.constant 16 : i32
        %mul3A_365 = arith.muli %add3A_363, %mul3A_364 : i32
        %get3A = arith.index_cast %mul3A_365 : i32 to index
        %get3A_366 = tpu.vector_load %arg17[%get3A] {strides = array<i32>} : memref<10240xf32, #tpu.memory_space<vmem>>, vector<16xf32>,
        %mul3A_367 = arith.constant 16 : i32
        %mul3A_368 = arith.muli %add3A_363, %mul3A_367 : i32
        %add3A_369 = arith.constant 640 : i32
        %add3A_370 = arith.addi %add3A_369, %mul3A_368 : i32
        %get3A_371 = arith.index_cast %add3A_370 : i32 to index
        %get3A_372 = tpu.vector_load %arg17[%get3A_371] {strides = array<i32>} : memref<10240xf32, #tpu.memory_space<vmem>>, vector<16xf32>,
        %add3A_373 = arith.addf %get3A_366, %get3A_372 : vector<16xf32>
        %mul3A_374 = arith.constant 16 : i32
        %mul3A_375 = arith.muli %add3A_363, %mul3A_374 : i32
        %add3A_376 = arith.constant 1280 : i32
        %add3A_377 = arith.addi %add3A_376, %mul3A_375 : i32
        %get3A_378 = arith.index_cast %add3A_377 : i32 to index
        %get3A_379 = tpu.vector_load %arg17[%get3A_378] {strides = array<i32>} : memref<10240xf32, #tpu.memory_space<vmem>>, vector<16xf32>,
        %add3A_380 = arith.addf %add3A_373, %get3A_379 : vector<16xf32>
        %mul3A_381 = arith.constant 16 : i32
        %mul3A_382 = arith.muli %add3A_363, %mul3A_381 : i32
        %add3A_383 = arith.constant 1920 : i32
        %add3A_384 = arith.addi %add3A_383, %mul3A_382 : i32
        %get3A_385 = arith.index_cast %add3A_384 : i32 to index
        %get3A_386 = tpu.vector_load %arg17[%get3A_385] {strides = array<i32>} : memref<10240xf32, #tpu.memory_space<vmem>>, vector<16xf32>,
        %add3A_387 = arith.addf %add3A_380, %get3A_386 : vector<16xf32>
        %mul3A_388 = arith.constant 16 : i32
        %mul3A_389 = arith.muli %add3A_363, %mul3A_388 : i32
        %add3A_390 = arith.constant 2560 : i32
        %add3A_391 = arith.addi %add3A_390, %mul3A_389 : i32
        %get3A_392 = arith.index_cast %add3A_391 : i32 to index
        %get3A_393 = tpu.vector_load %arg17[%get3A_392] {strides = array<i32>} : memref<10240xf32, #tpu.memory_space<vmem>>, vector<16xf32>,
        %add3A_394 = arith.addf %add3A_387, %get3A_393 : vector<16xf32>
        %mul3A_395 = arith.constant 16 : i32
        %mul3A_396 = arith.muli %add3A_363, %mul3A_395 : i32
        %add3A_397 = arith.constant 3200 : i32
        %add3A_398 = arith.addi %add3A_397, %mul3A_396 : i32
        %get3A_399 = arith.index_cast %add3A_398 : i32 to index
        %get3A_400 = tpu.vector_load %arg17[%get3A_399] {strides = array<i32>} : memref<10240xf32, #tpu.memory_space<vmem>>, vector<16xf32>,
        %add3A_401 = arith.addf %add3A_394, %get3A_400 : vector<16xf32>
        %mul3A_402 = arith.constant 16 : i32
        %mul3A_403 = arith.muli %add3A_363, %mul3A_402 : i32
        %add3A_404 = arith.constant 3840 : i32
        %add3A_405 = arith.addi %add3A_404, %mul3A_403 : i32
        %get3A_406 = arith.index_cast %add3A_405 : i32 to index
        %get3A_407 = tpu.vector_load %arg17[%get3A_406] {strides = array<i32>} : memref<10240xf32, #tpu.memory_space<vmem>>, vector<16xf32>,
        %add3A_408 = arith.addf %add3A_401, %get3A_407 : vector<16xf32>
        %mul3A_409 = arith.constant 16 : i32
        %mul3A_410 = arith.muli %add3A_363, %mul3A_409 : i32
        %add3A_411 = arith.constant 4480 : i32
        %add3A_412 = arith.addi %add3A_411, %mul3A_410 : i32
        %get3A_413 = arith.index_cast %add3A_412 : i32 to index
        %get3A_414 = tpu.vector_load %arg17[%get3A_413] {strides = array<i32>} : memref<10240xf32, #tpu.memory_space<vmem>>, vector<16xf32>,
        %add3A_415 = arith.addf %add3A_408, %get3A_414 : vector<16xf32>
        %mul3A_416 = arith.constant 16 : i32
        %mul3A_417 = arith.muli %add3A_363, %mul3A_416 : i32
        %add3A_418 = arith.constant 5120 : i32
        %add3A_419 = arith.addi %add3A_418, %mul3A_417 : i32
        %get3A_420 = arith.index_cast %add3A_419 : i32 to index
        %get3A_421 = tpu.vector_load %arg17[%get3A_420] {strides = array<i32>} : memref<10240xf32, #tpu.memory_space<vmem>>, vector<16xf32>,
        %add3A_422 = arith.addf %add3A_415, %get3A_421 : vector<16xf32>
        %mul3A_423 = arith.constant 16 : i32
        %mul3A_424 = arith.muli %add3A_363, %mul3A_423 : i32
        %add3A_425 = arith.constant 5760 : i32
        %add3A_426 = arith.addi %add3A_425, %mul3A_424 : i32
        %get3A_427 = arith.index_cast %add3A_426 : i32 to index
        %get3A_428 = tpu.vector_load %arg17[%get3A_427] {strides = array<i32>} : memref<10240xf32, #tpu.memory_space<vmem>>, vector<16xf32>,
        %add3A_429 = arith.addf %add3A_422, %get3A_428 : vector<16xf32>
        %mul3A_430 = arith.constant 16 : i32
        %mul3A_431 = arith.muli %add3A_363, %mul3A_430 : i32
        %add3A_432 = arith.constant 6400 : i32
        %add3A_433 = arith.addi %add3A_432, %mul3A_431 : i32
        %get3A_434 = arith.index_cast %add3A_433 : i32 to index
        %get3A_435 = tpu.vector_load %arg17[%get3A_434] {strides = array<i32>} : memref<10240xf32, #tpu.memory_space<vmem>>, vector<16xf32>,
        %add3A_436 = arith.addf %add3A_429, %get3A_435 : vector<16xf32>
        %mul3A_437 = arith.constant 16 : i32
        %mul3A_438 = arith.muli %add3A_363, %mul3A_437 : i32
        %add3A_439 = arith.constant 7040 : i32
        %add3A_440 = arith.addi %add3A_439, %mul3A_438 : i32
        %get3A_441 = arith.index_cast %add3A_440 : i32 to index
        %get3A_442 = tpu.vector_load %arg17[%get3A_441] {strides = array<i32>} : memref<10240xf32, #tpu.memory_space<vmem>>, vector<16xf32>,
        %add3A_443 = arith.addf %add3A_436, %get3A_442 : vector<16xf32>
        %mul3A_444 = arith.constant 16 : i32
        %mul3A_445 = arith.muli %add3A_363, %mul3A_444 : i32
        %add3A_446 = arith.constant 7680 : i32
        %add3A_447 = arith.addi %add3A_446, %mul3A_445 : i32
        %get3A_448 = arith.index_cast %add3A_447 : i32 to index
        %get3A_449 = tpu.vector_load %arg17[%get3A_448] {strides = array<i32>} : memref<10240xf32, #tpu.memory_space<vmem>>, vector<16xf32>,
        %add3A_450 = arith.addf %add3A_443, %get3A_449 : vector<16xf32>
        %mul3A_451 = arith.constant 16 : i32
        %mul3A_452 = arith.muli %add3A_363, %mul3A_451 : i32
        %add3A_453 = arith.constant 8320 : i32
        %add3A_454 = arith.addi %add3A_453, %mul3A_452 : i32
        %get3A_455 = arith.index_cast %add3A_454 : i32 to index
        %get3A_456 = tpu.vector_load %arg17[%get3A_455] {strides = array<i32>} : memref<10240xf32, #tpu.memory_space<vmem>>, vector<16xf32>,
        %add3A_457 = arith.addf %add3A_450, %get3A_456 : vector<16xf32>
        %mul3A_458 = arith.constant 16 : i32
        %mul3A_459 = arith.muli %add3A_363, %mul3A_458 : i32
        %add3A_460 = arith.constant 8960 : i32
        %add3A_461 = arith.addi %add3A_460, %mul3A_459 : i32
        %get3A_462 = arith.index_cast %add3A_461 : i32 to index
        %get3A_463 = tpu.vector_load %arg17[%get3A_462] {strides = array<i32>} : memref<10240xf32, #tpu.memory_space<vmem>>, vector<16xf32>,
        %add3A_464 = arith.addf %add3A_457, %get3A_463 : vector<16xf32>
        %mul3A_465 = arith.constant 16 : i32
        %mul3A_466 = arith.muli %add3A_363, %mul3A_465 : i32
        %add3A_467 = arith.constant 9600 : i32
        %add3A_468 = arith.addi %add3A_467, %mul3A_466 : i32
        %get3A_469 = arith.index_cast %add3A_468 : i32 to index
        %get3A_470 = tpu.vector_load %arg17[%get3A_469] {strides = array<i32>} : memref<10240xf32, #tpu.memory_space<vmem>>, vector<16xf32>,
        %add3A_471 = arith.addf %add3A_464, %get3A_470 : vector<16xf32>
        %mul3A_472 = arith.constant 16 : i32
        %mul3A_473 = arith.muli %add3A_363, %mul3A_472 : i32
        %swap3A_474 = arith.index_cast %mul3A_473 : i32 to index
        %swap3A_475 = tpu.vector_load %arg17[%swap3A_474] {strides = array<i32>} : memref<10240xf32, #tpu.memory_space<vmem>>, vector<16xf32>,
        tpu.vector_store %arg17[%swap3A_474], %add3A_471 {strides = array<i32>} : memref<10240xf32, #tpu.memory_space<vmem>>, vector<16xf32>,
      }
      %scan3A_355 = arith.constant 40 : i32
      %mul3A_356 = arith.constant 640 : i32
      %mul3A_357 = arith.muli %arg1, %mul3A_356 : i32
      %add3A_358 = arith.addi %mul3A_185, %mul3A_357 : i32
      "tpu.region"() ({
        %run_scoped3A_359 = tpu.sem_alloc : memref<!tpu.dma_semaphore, #tpu.memory_space<semaphore_mem>>
        %dma_start3A = arith.constant 0 : i32
        %dma_start3A_360 = tpu.memref_slice %arg17[%dma_start3A] : memref<10240xf32, #tpu.memory_space<vmem>> -> memref<640xf32, #tpu.memory_space<vmem>>
        %dma_start3A_361 = tpu.memref_slice %arg7[%add3A_358] : memref<163840xf32, #tpu.memory_space<hbm>> -> memref<640xf32, #tpu.memory_space<hbm>>
        %dma_start3A_362 = tpu.memref_slice %arg7[%add3A_358] : memref<163840xf32, #tpu.memory_space<hbm>> -> memref<640xf32, #tpu.memory_space<hbm>>
        %dma_start3A_363 = arith.constant 0 : i32
        %dma_start3A_364 = tpu.memref_slice %arg17[%dma_start3A_363] : memref<10240xf32, #tpu.memory_space<vmem>> -> memref<640xf32, #tpu.memory_space<vmem>>
        tpu.enqueue_dma source(%dma_start3A_364 : memref<640xf32, #tpu.memory_space<vmem>>) target(%dma_start3A_362 : memref<640xf32, #tpu.memory_space<hbm>>) target_semaphore(%run_scoped3A_359 : memref<!tpu.dma_semaphore, #tpu.memory_space<semaphore_mem>>)
        %dma_wait3A = arith.constant 0 : i32
        %dma_wait3A_365 = tpu.memref_slice %arg17[%dma_wait3A] : memref<10240xf32, #tpu.memory_space<vmem>> -> memref<640xf32, #tpu.memory_space<vmem>>
        %dma_wait3A_366 = tpu.memref_slice %arg7[%add3A_358] : memref<163840xf32, #tpu.memory_space<hbm>> -> memref<640xf32, #tpu.memory_space<hbm>>
        %dma_wait3A_367 = tpu.memref_slice %arg7[%add3A_358] : memref<163840xf32, #tpu.memory_space<hbm>> -> memref<640xf32, #tpu.memory_space<hbm>>
        %dma_wait3A_368 = arith.constant 0 : i32
        %dma_wait3A_369 = tpu.memref_slice %arg17[%dma_wait3A_368] : memref<10240xf32, #tpu.memory_space<vmem>> -> memref<640xf32, #tpu.memory_space<vmem>>
        tpu.wait_dma2 semaphore(%run_scoped3A_359 : memref<!tpu.dma_semaphore, #tpu.memory_space<semaphore_mem>>) src(%dma_wait3A_369 : memref<640xf32, #tpu.memory_space<vmem>>) dst(%dma_wait3A_367 : memref<640xf32, #tpu.memory_space<hbm>>)
        tpu.yield
      }) : () -> ()
    } else {
    }
    %barrier3A_191 = arith.constant 0 : index
    tpu.barrier barrier_id(%barrier3A_191)
    "tpu.region"() ({
      %run_scoped3A_271 = tpu.sem_alloc : memref<!tpu.dma_semaphore, #tpu.memory_space<semaphore_mem>>
      %dma_start3A = tpu.memref_slice %arg7[%mul3A_185] : memref<163840xf32, #tpu.memory_space<hbm>> -> memref<5120xf32, #tpu.memory_space<hbm>>
      %dma_start3A_272 = tpu.memref_slice %arg7[%mul3A_185] : memref<163840xf32, #tpu.memory_space<hbm>> -> memref<5120xf32, #tpu.memory_space<hbm>>
      tpu.enqueue_dma source(%dma_start3A_272 : memref<5120xf32, #tpu.memory_space<hbm>>) target(%arg12 : memref<5120xf32, #tpu.memory_space<vmem>>) target_semaphore(%run_scoped3A_271 : memref<!tpu.dma_semaphore, #tpu.memory_space<semaphore_mem>>)
      %dma_wait3A = tpu.memref_slice %arg7[%mul3A_185] : memref<163840xf32, #tpu.memory_space<hbm>> -> memref<5120xf32, #tpu.memory_space<hbm>>
      %dma_wait3A_273 = tpu.memref_slice %arg7[%mul3A_185] : memref<163840xf32, #tpu.memory_space<hbm>> -> memref<5120xf32, #tpu.memory_space<hbm>>
      tpu.wait_dma2 semaphore(%run_scoped3A_271 : memref<!tpu.dma_semaphore, #tpu.memory_space<semaphore_mem>>) src(%dma_wait3A_273 : memref<5120xf32, #tpu.memory_space<hbm>>) dst(%arg12 : memref<5120xf32, #tpu.memory_space<vmem>>)
      tpu.yield
    }) : () -> ()
    %add3A_192 = arith.constant 64 : i32
    %add3A_193 = arith.addi %scan3A_45, %add3A_192 : i32
    %sub3A_194 = arith.constant 1 : i32
    %sub3A_195 = arith.subi %add3A_193, %sub3A_194 : i32
    %jit3A_196 = arith.constant 64 : i32
    %div3A_197 = arith.divsi %sub3A_195, %jit3A_196 : i32
    %sign3A_198 = arith.constant 0 : i32
    %sign3A_199 = arith.cmpi sgt, %sub3A_195, %sign3A_198 : i32
    %sign3A_200 = arith.extui %sign3A_199 : i1 to i32
    %sign3A_201 = arith.constant 0 : i32
    %sign3A_202 = arith.cmpi slt, %sub3A_195, %sign3A_201 : i32
    %sign3A_203 = arith.extui %sign3A_202 : i1 to i32
    %sign3A_204 = arith.subi %sign3A_200, %sign3A_203 : i32
    %sign3A_205 = arith.constant 0 : i32
    %sign3A_206 = arith.cmpi sgt, %jit3A_196, %sign3A_205 : i32
    %sign3A_207 = arith.extui %sign3A_206 : i1 to i32
    %sign3A_208 = arith.constant 0 : i32
    %sign3A_209 = arith.cmpi slt, %jit3A_196, %sign3A_208 : i32
    %sign3A_210 = arith.extui %sign3A_209 : i1 to i32
    %sign3A_211 = arith.subi %sign3A_207, %sign3A_210 : i32
    %ne3A_212 = arith.cmpi ne, %sign3A_204, %sign3A_211 : i32
    %rem3A_213 = arith.remsi %sub3A_195, %jit3A_196 : i32
    %ne3A_214 = arith.constant 0 : i32
    %ne3A_215 = arith.cmpi ne, %rem3A_213, %ne3A_214 : i32
    %and3A_216 = arith.andi %ne3A_212, %ne3A_215 : i1
    %sub3A_217 = arith.constant 1 : i32
    %sub3A_218 = arith.subi %div3A_197, %sub3A_217 : i32
    %select_n3A_219 = arith.select %and3A_216, %sub3A_218, %div3A_197 : i32
    %gt3A = arith.constant 0 : i32
    %gt3A_220 = arith.cmpi sgt, %select_n3A_219, %gt3A : i32
    %convert_element_type3A_221 = arith.extui %gt3A_220 : i1 to i32
    %cond3A_222 = arith.constant 0 : i32
    %cond3A_223 = arith.cmpi ne, %convert_element_type3A_221, %cond3A_222 : i32
    scf.if %cond3A_223 {
      %get3A = arith.constant 0 : index
      %get3A_271 = tpu.vector_load %arg8[%get3A] {strides = array<i32>} : memref<20992xi32, #tpu.memory_space<vmem>>, vector<16xi32>,
      %shift_right_logical3A = arith.constant 13 : i32
      %shift_right_logical3A_272 = vector.broadcast %shift_right_logical3A : i32 to vector<16xi32>
      %shift_right_logical3A_273 = arith.shrui %get3A_271, %shift_right_logical3A_272 : vector<16xi32>
      %and3A_274 = arith.constant 8191 : i32
      %and3A_275 = vector.broadcast %and3A_274 : i32 to vector<16xi32>
      %and3A_276 = arith.andi %get3A_271, %and3A_275 : vector<16xi32>
      %swap3A_277 = arith.constant 0 : i32
      %swap3A_278 = arith.index_cast %swap3A_277 : i32 to index
      %swap3A_279 = arith.constant 0 : index
      %swap3A_280 = tpu.vector_load %arg14[%swap3A_278, %swap3A_279] {strides = array<i32>} : memref<2x64xi32, #tpu.memory_space<vmem>>, vector<16xi32>,
      tpu.vector_store %arg14[%swap3A_278, %swap3A_279], %shift_right_logical3A_273 {strides = array<i32>} : memref<2x64xi32, #tpu.memory_space<vmem>>, vector<16xi32>,
      %swap3A_281 = arith.constant 0 : i32
      %swap3A_282 = arith.index_cast %swap3A_281 : i32 to index
      %swap3A_283 = arith.constant 0 : index
      %swap3A_284 = tpu.vector_load %arg15[%swap3A_282, %swap3A_283] {strides = array<i32>} : memref<2x64xi32, #tpu.memory_space<vmem>>, vector<16xi32>,
      tpu.vector_store %arg15[%swap3A_282, %swap3A_283], %and3A_276 {strides = array<i32>} : memref<2x64xi32, #tpu.memory_space<vmem>>, vector<16xi32>,
      %gather3A = tpu.vector_load_idx %arg10[%shift_right_logical3A_273] : memref<10240xf32, #tpu.memory_space<vmem>>[vector<16xi32>], vector<16xf32>,
      %gather3A_285 = tpu.vector_load_idx %arg11[%and3A_276] : memref<5120xf32, #tpu.memory_space<vmem>>[vector<16xi32>], vector<16xf32>,
      %add3A_286 = arith.addf %gather3A, %gather3A_285 : vector<16xf32>
      %gt3A_287 = arith.constant 0.000000e+00 : f32
      %gt3A_288 = vector.broadcast %gt3A_287 : f32 to vector<16xf32>
      %gt3A_289 = arith.cmpf ogt, %add3A_286, %gt3A_288 : vector<16xf32>
      %mul3A_290 = arith.constant 2.000000e-01 : f32
      %mul3A_291 = vector.broadcast %mul3A_290 : f32 to vector<16xf32>
      %mul3A_292 = arith.mulf %add3A_286, %mul3A_291 : vector<16xf32>
      %select_n3A_293 = arith.select %gt3A_289, %add3A_286, %mul3A_292 : vector<16xi1>, vector<16xf32>
      %gather3A_294 = tpu.vector_load_idx %arg12[%and3A_276] : memref<5120xf32, #tpu.memory_space<vmem>>[vector<16xi32>], vector<16xf32>,
      %exp3A = math.exp %select_n3A_293 : vector<16xf32>
      %add3A_295 = arith.constant 1.000000e-16 : f32
      %add3A_296 = vector.broadcast %add3A_295 : f32 to vector<16xf32>
      %add3A_297 = arith.addf %gather3A_294, %add3A_296 : vector<16xf32>
      %div3A_298 = arith.divf %exp3A, %add3A_297 : vector<16xf32>
      %add3A_299 = arith.constant 0 : i32
      %add3A_300 = vector.broadcast %add3A_299 : i32 to vector<16xi32>
      %add3A_301 = arith.addi %iota3A, %add3A_300 : vector<16xi32>
      %lt3A_302 = vector.broadcast %scan3A_45 : i32 to vector<16xi32>
      %lt3A_303 = arith.cmpi slt, %add3A_301, %lt3A_302 : vector<16xi32>
      %jit3A_304 = arith.constant 0.000000e+00 : f32
      %broadcast_in_dim3A_305 = vector.broadcast %jit3A_304 : f32 to vector<16xf32>
      %select_n3A_306 = arith.select %lt3A_303, %div3A_298, %broadcast_in_dim3A_305 : vector<16xi1>, vector<16xf32>
      %swap3A_307 = arith.constant 0 : i32
      %swap3A_308 = arith.index_cast %swap3A_307 : i32 to index
      %swap3A_309 = arith.constant 0 : index
      %swap3A_310 = tpu.vector_load %arg16[%swap3A_308, %swap3A_309] {strides = array<i32>} : memref<2x64xf32, #tpu.memory_space<vmem>>, vector<16xf32>,
      tpu.vector_store %arg16[%swap3A_308, %swap3A_309], %select_n3A_306 {strides = array<i32>} : memref<2x64xf32, #tpu.memory_space<vmem>>, vector<16xf32>,
      %get3A_311 = arith.constant 16 : index
      %get3A_312 = tpu.vector_load %arg8[%get3A_311] {strides = array<i32>} : memref<20992xi32, #tpu.memory_space<vmem>>, vector<16xi32>,
      %shift_right_logical3A_313 = arith.constant 13 : i32
      %shift_right_logical3A_314 = vector.broadcast %shift_right_logical3A_313 : i32 to vector<16xi32>
      %shift_right_logical3A_315 = arith.shrui %get3A_312, %shift_right_logical3A_314 : vector<16xi32>
      %and3A_316 = arith.constant 8191 : i32
      %and3A_317 = vector.broadcast %and3A_316 : i32 to vector<16xi32>
      %and3A_318 = arith.andi %get3A_312, %and3A_317 : vector<16xi32>
      %swap3A_319 = arith.constant 0 : i32
      %swap3A_320 = arith.index_cast %swap3A_319 : i32 to index
      %swap3A_321 = arith.constant 16 : index
      %swap3A_322 = tpu.vector_load %arg14[%swap3A_320, %swap3A_321] {strides = array<i32>} : memref<2x64xi32, #tpu.memory_space<vmem>>, vector<16xi32>,
      tpu.vector_store %arg14[%swap3A_320, %swap3A_321], %shift_right_logical3A_315 {strides = array<i32>} : memref<2x64xi32, #tpu.memory_space<vmem>>, vector<16xi32>,
      %swap3A_323 = arith.constant 0 : i32
      %swap3A_324 = arith.index_cast %swap3A_323 : i32 to index
      %swap3A_325 = arith.constant 16 : index
      %swap3A_326 = tpu.vector_load %arg15[%swap3A_324, %swap3A_325] {strides = array<i32>} : memref<2x64xi32, #tpu.memory_space<vmem>>, vector<16xi32>,
      tpu.vector_store %arg15[%swap3A_324, %swap3A_325], %and3A_318 {strides = array<i32>} : memref<2x64xi32, #tpu.memory_space<vmem>>, vector<16xi32>,
      %gather3A_327 = tpu.vector_load_idx %arg10[%shift_right_logical3A_315] : memref<10240xf32, #tpu.memory_space<vmem>>[vector<16xi32>], vector<16xf32>,
      %gather3A_328 = tpu.vector_load_idx %arg11[%and3A_318] : memref<5120xf32, #tpu.memory_space<vmem>>[vector<16xi32>], vector<16xf32>,
      %add3A_329 = arith.addf %gather3A_327, %gather3A_328 : vector<16xf32>
      %gt3A_330 = arith.constant 0.000000e+00 : f32
      %gt3A_331 = vector.broadcast %gt3A_330 : f32 to vector<16xf32>
      %gt3A_332 = arith.cmpf ogt, %add3A_329, %gt3A_331 : vector<16xf32>
      %mul3A_333 = arith.constant 2.000000e-01 : f32
      %mul3A_334 = vector.broadcast %mul3A_333 : f32 to vector<16xf32>
      %mul3A_335 = arith.mulf %add3A_329, %mul3A_334 : vector<16xf32>
      %select_n3A_336 = arith.select %gt3A_332, %add3A_329, %mul3A_335 : vector<16xi1>, vector<16xf32>
      %gather3A_337 = tpu.vector_load_idx %arg12[%and3A_318] : memref<5120xf32, #tpu.memory_space<vmem>>[vector<16xi32>], vector<16xf32>,
      %exp3A_338 = math.exp %select_n3A_336 : vector<16xf32>
      %add3A_339 = arith.constant 1.000000e-16 : f32
      %add3A_340 = vector.broadcast %add3A_339 : f32 to vector<16xf32>
      %add3A_341 = arith.addf %gather3A_337, %add3A_340 : vector<16xf32>
      %div3A_342 = arith.divf %exp3A_338, %add3A_341 : vector<16xf32>
      %add3A_343 = arith.constant 16 : i32
      %add3A_344 = vector.broadcast %add3A_343 : i32 to vector<16xi32>
      %add3A_345 = arith.addi %iota3A, %add3A_344 : vector<16xi32>
      %lt3A_346 = vector.broadcast %scan3A_45 : i32 to vector<16xi32>
      %lt3A_347 = arith.cmpi slt, %add3A_345, %lt3A_346 : vector<16xi32>
      %jit3A_348 = arith.constant 0.000000e+00 : f32
      %broadcast_in_dim3A_349 = vector.broadcast %jit3A_348 : f32 to vector<16xf32>
      %select_n3A_350 = arith.select %lt3A_347, %div3A_342, %broadcast_in_dim3A_349 : vector<16xi1>, vector<16xf32>
      %swap3A_351 = arith.constant 0 : i32
      %swap3A_352 = arith.index_cast %swap3A_351 : i32 to index
      %swap3A_353 = arith.constant 16 : index
      %swap3A_354 = tpu.vector_load %arg16[%swap3A_352, %swap3A_353] {strides = array<i32>} : memref<2x64xf32, #tpu.memory_space<vmem>>, vector<16xf32>,
      tpu.vector_store %arg16[%swap3A_352, %swap3A_353], %select_n3A_350 {strides = array<i32>} : memref<2x64xf32, #tpu.memory_space<vmem>>, vector<16xf32>,
      %get3A_355 = arith.constant 32 : index
      %get3A_356 = tpu.vector_load %arg8[%get3A_355] {strides = array<i32>} : memref<20992xi32, #tpu.memory_space<vmem>>, vector<16xi32>,
      %shift_right_logical3A_357 = arith.constant 13 : i32
      %shift_right_logical3A_358 = vector.broadcast %shift_right_logical3A_357 : i32 to vector<16xi32>
      %shift_right_logical3A_359 = arith.shrui %get3A_356, %shift_right_logical3A_358 : vector<16xi32>
      %and3A_360 = arith.constant 8191 : i32
      %and3A_361 = vector.broadcast %and3A_360 : i32 to vector<16xi32>
      %and3A_362 = arith.andi %get3A_356, %and3A_361 : vector<16xi32>
      %swap3A_363 = arith.constant 0 : i32
      %swap3A_364 = arith.index_cast %swap3A_363 : i32 to index
      %swap3A_365 = arith.constant 32 : index
      %swap3A_366 = tpu.vector_load %arg14[%swap3A_364, %swap3A_365] {strides = array<i32>} : memref<2x64xi32, #tpu.memory_space<vmem>>, vector<16xi32>,
      tpu.vector_store %arg14[%swap3A_364, %swap3A_365], %shift_right_logical3A_359 {strides = array<i32>} : memref<2x64xi32, #tpu.memory_space<vmem>>, vector<16xi32>,
      %swap3A_367 = arith.constant 0 : i32
      %swap3A_368 = arith.index_cast %swap3A_367 : i32 to index
      %swap3A_369 = arith.constant 32 : index
      %swap3A_370 = tpu.vector_load %arg15[%swap3A_368, %swap3A_369] {strides = array<i32>} : memref<2x64xi32, #tpu.memory_space<vmem>>, vector<16xi32>,
      tpu.vector_store %arg15[%swap3A_368, %swap3A_369], %and3A_362 {strides = array<i32>} : memref<2x64xi32, #tpu.memory_space<vmem>>, vector<16xi32>,
      %gather3A_371 = tpu.vector_load_idx %arg10[%shift_right_logical3A_359] : memref<10240xf32, #tpu.memory_space<vmem>>[vector<16xi32>], vector<16xf32>,
      %gather3A_372 = tpu.vector_load_idx %arg11[%and3A_362] : memref<5120xf32, #tpu.memory_space<vmem>>[vector<16xi32>], vector<16xf32>,
      %add3A_373 = arith.addf %gather3A_371, %gather3A_372 : vector<16xf32>
      %gt3A_374 = arith.constant 0.000000e+00 : f32
      %gt3A_375 = vector.broadcast %gt3A_374 : f32 to vector<16xf32>
      %gt3A_376 = arith.cmpf ogt, %add3A_373, %gt3A_375 : vector<16xf32>
      %mul3A_377 = arith.constant 2.000000e-01 : f32
      %mul3A_378 = vector.broadcast %mul3A_377 : f32 to vector<16xf32>
      %mul3A_379 = arith.mulf %add3A_373, %mul3A_378 : vector<16xf32>
      %select_n3A_380 = arith.select %gt3A_376, %add3A_373, %mul3A_379 : vector<16xi1>, vector<16xf32>
      %gather3A_381 = tpu.vector_load_idx %arg12[%and3A_362] : memref<5120xf32, #tpu.memory_space<vmem>>[vector<16xi32>], vector<16xf32>,
      %exp3A_382 = math.exp %select_n3A_380 : vector<16xf32>
      %add3A_383 = arith.constant 1.000000e-16 : f32
      %add3A_384 = vector.broadcast %add3A_383 : f32 to vector<16xf32>
      %add3A_385 = arith.addf %gather3A_381, %add3A_384 : vector<16xf32>
      %div3A_386 = arith.divf %exp3A_382, %add3A_385 : vector<16xf32>
      %add3A_387 = arith.constant 32 : i32
      %add3A_388 = vector.broadcast %add3A_387 : i32 to vector<16xi32>
      %add3A_389 = arith.addi %iota3A, %add3A_388 : vector<16xi32>
      %lt3A_390 = vector.broadcast %scan3A_45 : i32 to vector<16xi32>
      %lt3A_391 = arith.cmpi slt, %add3A_389, %lt3A_390 : vector<16xi32>
      %jit3A_392 = arith.constant 0.000000e+00 : f32
      %broadcast_in_dim3A_393 = vector.broadcast %jit3A_392 : f32 to vector<16xf32>
      %select_n3A_394 = arith.select %lt3A_391, %div3A_386, %broadcast_in_dim3A_393 : vector<16xi1>, vector<16xf32>
      %swap3A_395 = arith.constant 0 : i32
      %swap3A_396 = arith.index_cast %swap3A_395 : i32 to index
      %swap3A_397 = arith.constant 32 : index
      %swap3A_398 = tpu.vector_load %arg16[%swap3A_396, %swap3A_397] {strides = array<i32>} : memref<2x64xf32, #tpu.memory_space<vmem>>, vector<16xf32>,
      tpu.vector_store %arg16[%swap3A_396, %swap3A_397], %select_n3A_394 {strides = array<i32>} : memref<2x64xf32, #tpu.memory_space<vmem>>, vector<16xf32>,
      %get3A_399 = arith.constant 48 : index
      %get3A_400 = tpu.vector_load %arg8[%get3A_399] {strides = array<i32>} : memref<20992xi32, #tpu.memory_space<vmem>>, vector<16xi32>,
      %shift_right_logical3A_401 = arith.constant 13 : i32
      %shift_right_logical3A_402 = vector.broadcast %shift_right_logical3A_401 : i32 to vector<16xi32>
      %shift_right_logical3A_403 = arith.shrui %get3A_400, %shift_right_logical3A_402 : vector<16xi32>
      %and3A_404 = arith.constant 8191 : i32
      %and3A_405 = vector.broadcast %and3A_404 : i32 to vector<16xi32>
      %and3A_406 = arith.andi %get3A_400, %and3A_405 : vector<16xi32>
      %swap3A_407 = arith.constant 0 : i32
      %swap3A_408 = arith.index_cast %swap3A_407 : i32 to index
      %swap3A_409 = arith.constant 48 : index
      %swap3A_410 = tpu.vector_load %arg14[%swap3A_408, %swap3A_409] {strides = array<i32>} : memref<2x64xi32, #tpu.memory_space<vmem>>, vector<16xi32>,
      tpu.vector_store %arg14[%swap3A_408, %swap3A_409], %shift_right_logical3A_403 {strides = array<i32>} : memref<2x64xi32, #tpu.memory_space<vmem>>, vector<16xi32>,
      %swap3A_411 = arith.constant 0 : i32
      %swap3A_412 = arith.index_cast %swap3A_411 : i32 to index
      %swap3A_413 = arith.constant 48 : index
      %swap3A_414 = tpu.vector_load %arg15[%swap3A_412, %swap3A_413] {strides = array<i32>} : memref<2x64xi32, #tpu.memory_space<vmem>>, vector<16xi32>,
      tpu.vector_store %arg15[%swap3A_412, %swap3A_413], %and3A_406 {strides = array<i32>} : memref<2x64xi32, #tpu.memory_space<vmem>>, vector<16xi32>,
      %gather3A_415 = tpu.vector_load_idx %arg10[%shift_right_logical3A_403] : memref<10240xf32, #tpu.memory_space<vmem>>[vector<16xi32>], vector<16xf32>,
      %gather3A_416 = tpu.vector_load_idx %arg11[%and3A_406] : memref<5120xf32, #tpu.memory_space<vmem>>[vector<16xi32>], vector<16xf32>,
      %add3A_417 = arith.addf %gather3A_415, %gather3A_416 : vector<16xf32>
      %gt3A_418 = arith.constant 0.000000e+00 : f32
      %gt3A_419 = vector.broadcast %gt3A_418 : f32 to vector<16xf32>
      %gt3A_420 = arith.cmpf ogt, %add3A_417, %gt3A_419 : vector<16xf32>
      %mul3A_421 = arith.constant 2.000000e-01 : f32
      %mul3A_422 = vector.broadcast %mul3A_421 : f32 to vector<16xf32>
      %mul3A_423 = arith.mulf %add3A_417, %mul3A_422 : vector<16xf32>
      %select_n3A_424 = arith.select %gt3A_420, %add3A_417, %mul3A_423 : vector<16xi1>, vector<16xf32>
      %gather3A_425 = tpu.vector_load_idx %arg12[%and3A_406] : memref<5120xf32, #tpu.memory_space<vmem>>[vector<16xi32>], vector<16xf32>,
      %exp3A_426 = math.exp %select_n3A_424 : vector<16xf32>
      %add3A_427 = arith.constant 1.000000e-16 : f32
      %add3A_428 = vector.broadcast %add3A_427 : f32 to vector<16xf32>
      %add3A_429 = arith.addf %gather3A_425, %add3A_428 : vector<16xf32>
      %div3A_430 = arith.divf %exp3A_426, %add3A_429 : vector<16xf32>
      %add3A_431 = arith.constant 48 : i32
      %add3A_432 = vector.broadcast %add3A_431 : i32 to vector<16xi32>
      %add3A_433 = arith.addi %iota3A, %add3A_432 : vector<16xi32>
      %lt3A_434 = vector.broadcast %scan3A_45 : i32 to vector<16xi32>
      %lt3A_435 = arith.cmpi slt, %add3A_433, %lt3A_434 : vector<16xi32>
      %jit3A_436 = arith.constant 0.000000e+00 : f32
      %broadcast_in_dim3A_437 = vector.broadcast %jit3A_436 : f32 to vector<16xf32>
      %select_n3A_438 = arith.select %lt3A_435, %div3A_430, %broadcast_in_dim3A_437 : vector<16xi1>, vector<16xf32>
      %swap3A_439 = arith.constant 0 : i32
      %swap3A_440 = arith.index_cast %swap3A_439 : i32 to index
      %swap3A_441 = arith.constant 48 : index
      %swap3A_442 = tpu.vector_load %arg16[%swap3A_440, %swap3A_441] {strides = array<i32>} : memref<2x64xf32, #tpu.memory_space<vmem>>, vector<16xf32>,
      tpu.vector_store %arg16[%swap3A_440, %swap3A_441], %select_n3A_438 {strides = array<i32>} : memref<2x64xf32, #tpu.memory_space<vmem>>, vector<16xf32>,
      %dma_start3A = arith.constant 0 : i32
      %dma_start3A_443 = arith.constant 0 : i32
      %dma_start3A_444 = arith.constant 0 : i32
      %dma_start3A_445 = arith.constant 0 : i32
      %dma_start3A_446 = arith.constant 0 : i32
      %dma_start3A_447 = tpu.memref_slice %arg13[%dma_start3A_443, %dma_start3A_445, %dma_start3A_446] : memref<2x64x128xf32, #tpu.memory_space<vmem>> -> memref<1x64x128xf32, #tpu.memory_space<vmem>>
      %dma_start3A_448 = tpu.memref_squeeze %dma_start3A_447 : memref<1x64x128xf32, #tpu.memory_space<vmem>> -> memref<64x128xf32, #tpu.memory_space<vmem>>
      %dma_start3A_449 = arith.constant 0 : i32
      %dma_start3A_450 = tpu.memref_slice %arg14[%dma_start3A, %dma_start3A_449] : memref<2x64xi32, #tpu.memory_space<vmem>> -> memref<1x64xi32, #tpu.memory_space<vmem>>
      %dma_start3A_451 = tpu.memref_squeeze %dma_start3A_450 : memref<1x64xi32, #tpu.memory_space<vmem>> -> memref<64xi32, #tpu.memory_space<vmem>>
      %dma_start3A_452 = arith.constant 0 : i32
      %dma_start3A_453 = arith.constant 0 : i32
      %dma_start3A_454 = tpu.memref_slice %arg4[%dma_start3A_452, %dma_start3A_453] : memref<10240x128xf32, #tpu.memory_space<hbm>> -> memref<10240x128xf32, #tpu.memory_space<hbm>>
      %dma_start3A_455 = tpu.memref_slice %arg18[%dma_start3A_444] : memref<2x!tpu.dma_semaphore, #tpu.memory_space<semaphore_mem>> -> memref<1x!tpu.dma_semaphore, #tpu.memory_space<semaphore_mem>>
      %dma_start3A_456 = tpu.memref_squeeze %dma_start3A_455 : memref<1x!tpu.dma_semaphore, #tpu.memory_space<semaphore_mem>> -> memref<!tpu.dma_semaphore, #tpu.memory_space<semaphore_mem>>
      tpu.enqueue_indirect_dma source(%dma_start3A_454 : memref<10240x128xf32, #tpu.memory_space<hbm>>) target(%dma_start3A_448 : memref<64x128xf32, #tpu.memory_space<vmem>>) offsets(%dma_start3A_451 : memref<64xi32, #tpu.memory_space<vmem>>) semaphore(%dma_start3A_456 : memref<!tpu.dma_semaphore, #tpu.memory_space<semaphore_mem>>)
    } else {
    }
    %sub3A_224 = arith.constant 0 : i32
    %sub3A_225 = arith.subi %select_n3A_219, %sub3A_224 : i32
    %sub3A_226 = arith.constant 1 : i32
    %sub3A_227 = arith.constant 1 : i32
    %sub3A_228 = arith.subi %sub3A_226, %sub3A_227 : i32
    %add3A_229 = arith.addi %sub3A_225, %sub3A_228 : i32
    %div3A_230 = arith.constant 1 : i32
    %div3A_231 = arith.divsi %add3A_229, %div3A_230 : i32
    %while3A_232 = arith.constant 1 : i32
    %while3A_233 = arith.constant 0 : i32
    %while3A_234 = arith.constant 0 : i32
    %while3A_235 = arith.subi %div3A_231, %while3A_234 : i32
    %while3A_236 = arith.addi %while3A_234, %while3A_235 : i32
    %while3A_237 = arith.constant 1 : i32
    %while3A_238 = arith.divsi %while3A_235, %while3A_237 : i32
    %while3A_239 = arith.muli %while3A_238, %while3A_237 : i32
    %while3A_240 = arith.addi %while3A_234, %while3A_239 : i32
    %while3A_241 = arith.constant 1 : i32
    scf.for %while3A_271 = %while3A_234 to %while3A_240 step %while3A_241  : i32 {
      %mul3A_272 = arith.muli %while3A_271, %while3A_232 : i32
      %add3A_273 = arith.addi %while3A_233, %mul3A_272 : i32
      %and3A_274 = arith.constant 1 : i32
      %and3A_275 = arith.andi %add3A_273, %and3A_274 : i32
      %add3A_276 = arith.constant 1 : i32
      %add3A_277 = arith.addi %add3A_273, %add3A_276 : i32
      %lt3A_278 = arith.cmpi slt, %add3A_277, %select_n3A_219 : i32
      %convert_element_type3A_279 = arith.extui %lt3A_278 : i1 to i32
      %cond3A_280 = arith.constant 0 : i32
      %cond3A_281 = arith.cmpi ne, %convert_element_type3A_279, %cond3A_280 : i32
      scf.if %cond3A_281 {
        %add3A_298 = arith.constant 1 : i32
        %add3A_299 = arith.addi %add3A_273, %add3A_298 : i32
        %sub3A_300 = arith.constant 1 : i32
        %sub3A_301 = arith.subi %sub3A_300, %and3A_275 : i32
        %mul3A_302 = arith.constant 64 : i32
        %mul3A_303 = arith.muli %add3A_299, %mul3A_302 : i32
        %add3A_304 = arith.constant 0 : i32
        %add3A_305 = arith.addi %mul3A_303, %add3A_304 : i32
        %get3A = arith.index_cast %add3A_305 : i32 to index
        %get3A_306 = tpu.vector_load %arg8[%get3A] {strides = array<i32>} : memref<20992xi32, #tpu.memory_space<vmem>>, vector<16xi32>,
        %shift_right_logical3A = arith.constant 13 : i32
        %shift_right_logical3A_307 = vector.broadcast %shift_right_logical3A : i32 to vector<16xi32>
        %shift_right_logical3A_308 = arith.shrui %get3A_306, %shift_right_logical3A_307 : vector<16xi32>
        %and3A_309 = arith.constant 8191 : i32
        %and3A_310 = vector.broadcast %and3A_309 : i32 to vector<16xi32>
        %and3A_311 = arith.andi %get3A_306, %and3A_310 : vector<16xi32>
        %swap3A_312 = arith.index_cast %sub3A_301 : i32 to index
        %swap3A_313 = arith.constant 0 : index
        %swap3A_314 = tpu.vector_load %arg14[%swap3A_312, %swap3A_313] {strides = array<i32>} : memref<2x64xi32, #tpu.memory_space<vmem>>, vector<16xi32>,
        tpu.vector_store %arg14[%swap3A_312, %swap3A_313], %shift_right_logical3A_308 {strides = array<i32>} : memref<2x64xi32, #tpu.memory_space<vmem>>, vector<16xi32>,
        %swap3A_315 = arith.index_cast %sub3A_301 : i32 to index
        %swap3A_316 = arith.constant 0 : index
        %swap3A_317 = tpu.vector_load %arg15[%swap3A_315, %swap3A_316] {strides = array<i32>} : memref<2x64xi32, #tpu.memory_space<vmem>>, vector<16xi32>,
        tpu.vector_store %arg15[%swap3A_315, %swap3A_316], %and3A_311 {strides = array<i32>} : memref<2x64xi32, #tpu.memory_space<vmem>>, vector<16xi32>,
        %gather3A = tpu.vector_load_idx %arg10[%shift_right_logical3A_308] : memref<10240xf32, #tpu.memory_space<vmem>>[vector<16xi32>], vector<16xf32>,
        %gather3A_318 = tpu.vector_load_idx %arg11[%and3A_311] : memref<5120xf32, #tpu.memory_space<vmem>>[vector<16xi32>], vector<16xf32>,
        %add3A_319 = arith.addf %gather3A, %gather3A_318 : vector<16xf32>
        %gt3A_320 = arith.constant 0.000000e+00 : f32
        %gt3A_321 = vector.broadcast %gt3A_320 : f32 to vector<16xf32>
        %gt3A_322 = arith.cmpf ogt, %add3A_319, %gt3A_321 : vector<16xf32>
        %mul3A_323 = arith.constant 2.000000e-01 : f32
        %mul3A_324 = vector.broadcast %mul3A_323 : f32 to vector<16xf32>
        %mul3A_325 = arith.mulf %add3A_319, %mul3A_324 : vector<16xf32>
        %select_n3A_326 = arith.select %gt3A_322, %add3A_319, %mul3A_325 : vector<16xi1>, vector<16xf32>
        %gather3A_327 = tpu.vector_load_idx %arg12[%and3A_311] : memref<5120xf32, #tpu.memory_space<vmem>>[vector<16xi32>], vector<16xf32>,
        %exp3A = math.exp %select_n3A_326 : vector<16xf32>
        %add3A_328 = arith.constant 1.000000e-16 : f32
        %add3A_329 = vector.broadcast %add3A_328 : f32 to vector<16xf32>
        %add3A_330 = arith.addf %gather3A_327, %add3A_329 : vector<16xf32>
        %div3A_331 = arith.divf %exp3A, %add3A_330 : vector<16xf32>
        %add3A_332 = vector.broadcast %add3A_305 : i32 to vector<16xi32>
        %add3A_333 = arith.addi %iota3A, %add3A_332 : vector<16xi32>
        %lt3A_334 = vector.broadcast %scan3A_45 : i32 to vector<16xi32>
        %lt3A_335 = arith.cmpi slt, %add3A_333, %lt3A_334 : vector<16xi32>
        %jit3A_336 = arith.constant 0.000000e+00 : f32
        %broadcast_in_dim3A_337 = vector.broadcast %jit3A_336 : f32 to vector<16xf32>
        %select_n3A_338 = arith.select %lt3A_335, %div3A_331, %broadcast_in_dim3A_337 : vector<16xi1>, vector<16xf32>
        %swap3A_339 = arith.index_cast %sub3A_301 : i32 to index
        %swap3A_340 = arith.constant 0 : index
        %swap3A_341 = tpu.vector_load %arg16[%swap3A_339, %swap3A_340] {strides = array<i32>} : memref<2x64xf32, #tpu.memory_space<vmem>>, vector<16xf32>,
        tpu.vector_store %arg16[%swap3A_339, %swap3A_340], %select_n3A_338 {strides = array<i32>} : memref<2x64xf32, #tpu.memory_space<vmem>>, vector<16xf32>,
        %add3A_342 = arith.constant 16 : i32
        %add3A_343 = arith.addi %mul3A_303, %add3A_342 : i32
        %get3A_344 = arith.index_cast %add3A_343 : i32 to index
        %get3A_345 = tpu.vector_load %arg8[%get3A_344] {strides = array<i32>} : memref<20992xi32, #tpu.memory_space<vmem>>, vector<16xi32>,
        %shift_right_logical3A_346 = arith.constant 13 : i32
        %shift_right_logical3A_347 = vector.broadcast %shift_right_logical3A_346 : i32 to vector<16xi32>
        %shift_right_logical3A_348 = arith.shrui %get3A_345, %shift_right_logical3A_347 : vector<16xi32>
        %and3A_349 = arith.constant 8191 : i32
        %and3A_350 = vector.broadcast %and3A_349 : i32 to vector<16xi32>
        %and3A_351 = arith.andi %get3A_345, %and3A_350 : vector<16xi32>
        %swap3A_352 = arith.index_cast %sub3A_301 : i32 to index
        %swap3A_353 = arith.constant 16 : index
        %swap3A_354 = tpu.vector_load %arg14[%swap3A_352, %swap3A_353] {strides = array<i32>} : memref<2x64xi32, #tpu.memory_space<vmem>>, vector<16xi32>,
        tpu.vector_store %arg14[%swap3A_352, %swap3A_353], %shift_right_logical3A_348 {strides = array<i32>} : memref<2x64xi32, #tpu.memory_space<vmem>>, vector<16xi32>,
        %swap3A_355 = arith.index_cast %sub3A_301 : i32 to index
        %swap3A_356 = arith.constant 16 : index
        %swap3A_357 = tpu.vector_load %arg15[%swap3A_355, %swap3A_356] {strides = array<i32>} : memref<2x64xi32, #tpu.memory_space<vmem>>, vector<16xi32>,
        tpu.vector_store %arg15[%swap3A_355, %swap3A_356], %and3A_351 {strides = array<i32>} : memref<2x64xi32, #tpu.memory_space<vmem>>, vector<16xi32>,
        %gather3A_358 = tpu.vector_load_idx %arg10[%shift_right_logical3A_348] : memref<10240xf32, #tpu.memory_space<vmem>>[vector<16xi32>], vector<16xf32>,
        %gather3A_359 = tpu.vector_load_idx %arg11[%and3A_351] : memref<5120xf32, #tpu.memory_space<vmem>>[vector<16xi32>], vector<16xf32>,
        %add3A_360 = arith.addf %gather3A_358, %gather3A_359 : vector<16xf32>
        %gt3A_361 = arith.constant 0.000000e+00 : f32
        %gt3A_362 = vector.broadcast %gt3A_361 : f32 to vector<16xf32>
        %gt3A_363 = arith.cmpf ogt, %add3A_360, %gt3A_362 : vector<16xf32>
        %mul3A_364 = arith.constant 2.000000e-01 : f32
        %mul3A_365 = vector.broadcast %mul3A_364 : f32 to vector<16xf32>
        %mul3A_366 = arith.mulf %add3A_360, %mul3A_365 : vector<16xf32>
        %select_n3A_367 = arith.select %gt3A_363, %add3A_360, %mul3A_366 : vector<16xi1>, vector<16xf32>
        %gather3A_368 = tpu.vector_load_idx %arg12[%and3A_351] : memref<5120xf32, #tpu.memory_space<vmem>>[vector<16xi32>], vector<16xf32>,
        %exp3A_369 = math.exp %select_n3A_367 : vector<16xf32>
        %add3A_370 = arith.constant 1.000000e-16 : f32
        %add3A_371 = vector.broadcast %add3A_370 : f32 to vector<16xf32>
        %add3A_372 = arith.addf %gather3A_368, %add3A_371 : vector<16xf32>
        %div3A_373 = arith.divf %exp3A_369, %add3A_372 : vector<16xf32>
        %add3A_374 = vector.broadcast %add3A_343 : i32 to vector<16xi32>
        %add3A_375 = arith.addi %iota3A, %add3A_374 : vector<16xi32>
        %lt3A_376 = vector.broadcast %scan3A_45 : i32 to vector<16xi32>
        %lt3A_377 = arith.cmpi slt, %add3A_375, %lt3A_376 : vector<16xi32>
        %jit3A_378 = arith.constant 0.000000e+00 : f32
        %broadcast_in_dim3A_379 = vector.broadcast %jit3A_378 : f32 to vector<16xf32>
        %select_n3A_380 = arith.select %lt3A_377, %div3A_373, %broadcast_in_dim3A_379 : vector<16xi1>, vector<16xf32>
        %swap3A_381 = arith.index_cast %sub3A_301 : i32 to index
        %swap3A_382 = arith.constant 16 : index
        %swap3A_383 = tpu.vector_load %arg16[%swap3A_381, %swap3A_382] {strides = array<i32>} : memref<2x64xf32, #tpu.memory_space<vmem>>, vector<16xf32>,
        tpu.vector_store %arg16[%swap3A_381, %swap3A_382], %select_n3A_380 {strides = array<i32>} : memref<2x64xf32, #tpu.memory_space<vmem>>, vector<16xf32>,
        %add3A_384 = arith.constant 32 : i32
        %add3A_385 = arith.addi %mul3A_303, %add3A_384 : i32
        %get3A_386 = arith.index_cast %add3A_385 : i32 to index
        %get3A_387 = tpu.vector_load %arg8[%get3A_386] {strides = array<i32>} : memref<20992xi32, #tpu.memory_space<vmem>>, vector<16xi32>,
        %shift_right_logical3A_388 = arith.constant 13 : i32
        %shift_right_logical3A_389 = vector.broadcast %shift_right_logical3A_388 : i32 to vector<16xi32>
        %shift_right_logical3A_390 = arith.shrui %get3A_387, %shift_right_logical3A_389 : vector<16xi32>
        %and3A_391 = arith.constant 8191 : i32
        %and3A_392 = vector.broadcast %and3A_391 : i32 to vector<16xi32>
        %and3A_393 = arith.andi %get3A_387, %and3A_392 : vector<16xi32>
        %swap3A_394 = arith.index_cast %sub3A_301 : i32 to index
        %swap3A_395 = arith.constant 32 : index
        %swap3A_396 = tpu.vector_load %arg14[%swap3A_394, %swap3A_395] {strides = array<i32>} : memref<2x64xi32, #tpu.memory_space<vmem>>, vector<16xi32>,
        tpu.vector_store %arg14[%swap3A_394, %swap3A_395], %shift_right_logical3A_390 {strides = array<i32>} : memref<2x64xi32, #tpu.memory_space<vmem>>, vector<16xi32>,
        %swap3A_397 = arith.index_cast %sub3A_301 : i32 to index
        %swap3A_398 = arith.constant 32 : index
        %swap3A_399 = tpu.vector_load %arg15[%swap3A_397, %swap3A_398] {strides = array<i32>} : memref<2x64xi32, #tpu.memory_space<vmem>>, vector<16xi32>,
        tpu.vector_store %arg15[%swap3A_397, %swap3A_398], %and3A_393 {strides = array<i32>} : memref<2x64xi32, #tpu.memory_space<vmem>>, vector<16xi32>,
        %gather3A_400 = tpu.vector_load_idx %arg10[%shift_right_logical3A_390] : memref<10240xf32, #tpu.memory_space<vmem>>[vector<16xi32>], vector<16xf32>,
        %gather3A_401 = tpu.vector_load_idx %arg11[%and3A_393] : memref<5120xf32, #tpu.memory_space<vmem>>[vector<16xi32>], vector<16xf32>,
        %add3A_402 = arith.addf %gather3A_400, %gather3A_401 : vector<16xf32>
        %gt3A_403 = arith.constant 0.000000e+00 : f32
        %gt3A_404 = vector.broadcast %gt3A_403 : f32 to vector<16xf32>
        %gt3A_405 = arith.cmpf ogt, %add3A_402, %gt3A_404 : vector<16xf32>
        %mul3A_406 = arith.constant 2.000000e-01 : f32
        %mul3A_407 = vector.broadcast %mul3A_406 : f32 to vector<16xf32>
        %mul3A_408 = arith.mulf %add3A_402, %mul3A_407 : vector<16xf32>
        %select_n3A_409 = arith.select %gt3A_405, %add3A_402, %mul3A_408 : vector<16xi1>, vector<16xf32>
        %gather3A_410 = tpu.vector_load_idx %arg12[%and3A_393] : memref<5120xf32, #tpu.memory_space<vmem>>[vector<16xi32>], vector<16xf32>,
        %exp3A_411 = math.exp %select_n3A_409 : vector<16xf32>
        %add3A_412 = arith.constant 1.000000e-16 : f32
        %add3A_413 = vector.broadcast %add3A_412 : f32 to vector<16xf32>
        %add3A_414 = arith.addf %gather3A_410, %add3A_413 : vector<16xf32>
        %div3A_415 = arith.divf %exp3A_411, %add3A_414 : vector<16xf32>
        %add3A_416 = vector.broadcast %add3A_385 : i32 to vector<16xi32>
        %add3A_417 = arith.addi %iota3A, %add3A_416 : vector<16xi32>
        %lt3A_418 = vector.broadcast %scan3A_45 : i32 to vector<16xi32>
        %lt3A_419 = arith.cmpi slt, %add3A_417, %lt3A_418 : vector<16xi32>
        %jit3A_420 = arith.constant 0.000000e+00 : f32
        %broadcast_in_dim3A_421 = vector.broadcast %jit3A_420 : f32 to vector<16xf32>
        %select_n3A_422 = arith.select %lt3A_419, %div3A_415, %broadcast_in_dim3A_421 : vector<16xi1>, vector<16xf32>
        %swap3A_423 = arith.index_cast %sub3A_301 : i32 to index
        %swap3A_424 = arith.constant 32 : index
        %swap3A_425 = tpu.vector_load %arg16[%swap3A_423, %swap3A_424] {strides = array<i32>} : memref<2x64xf32, #tpu.memory_space<vmem>>, vector<16xf32>,
        tpu.vector_store %arg16[%swap3A_423, %swap3A_424], %select_n3A_422 {strides = array<i32>} : memref<2x64xf32, #tpu.memory_space<vmem>>, vector<16xf32>,
        %add3A_426 = arith.constant 48 : i32
        %add3A_427 = arith.addi %mul3A_303, %add3A_426 : i32
        %get3A_428 = arith.index_cast %add3A_427 : i32 to index
        %get3A_429 = tpu.vector_load %arg8[%get3A_428] {strides = array<i32>} : memref<20992xi32, #tpu.memory_space<vmem>>, vector<16xi32>,
        %shift_right_logical3A_430 = arith.constant 13 : i32
        %shift_right_logical3A_431 = vector.broadcast %shift_right_logical3A_430 : i32 to vector<16xi32>
        %shift_right_logical3A_432 = arith.shrui %get3A_429, %shift_right_logical3A_431 : vector<16xi32>
        %and3A_433 = arith.constant 8191 : i32
        %and3A_434 = vector.broadcast %and3A_433 : i32 to vector<16xi32>
        %and3A_435 = arith.andi %get3A_429, %and3A_434 : vector<16xi32>
        %swap3A_436 = arith.index_cast %sub3A_301 : i32 to index
        %swap3A_437 = arith.constant 48 : index
        %swap3A_438 = tpu.vector_load %arg14[%swap3A_436, %swap3A_437] {strides = array<i32>} : memref<2x64xi32, #tpu.memory_space<vmem>>, vector<16xi32>,
        tpu.vector_store %arg14[%swap3A_436, %swap3A_437], %shift_right_logical3A_432 {strides = array<i32>} : memref<2x64xi32, #tpu.memory_space<vmem>>, vector<16xi32>,
        %swap3A_439 = arith.index_cast %sub3A_301 : i32 to index
        %swap3A_440 = arith.constant 48 : index
        %swap3A_441 = tpu.vector_load %arg15[%swap3A_439, %swap3A_440] {strides = array<i32>} : memref<2x64xi32, #tpu.memory_space<vmem>>, vector<16xi32>,
        tpu.vector_store %arg15[%swap3A_439, %swap3A_440], %and3A_435 {strides = array<i32>} : memref<2x64xi32, #tpu.memory_space<vmem>>, vector<16xi32>,
        %gather3A_442 = tpu.vector_load_idx %arg10[%shift_right_logical3A_432] : memref<10240xf32, #tpu.memory_space<vmem>>[vector<16xi32>], vector<16xf32>,
        %gather3A_443 = tpu.vector_load_idx %arg11[%and3A_435] : memref<5120xf32, #tpu.memory_space<vmem>>[vector<16xi32>], vector<16xf32>,
        %add3A_444 = arith.addf %gather3A_442, %gather3A_443 : vector<16xf32>
        %gt3A_445 = arith.constant 0.000000e+00 : f32
        %gt3A_446 = vector.broadcast %gt3A_445 : f32 to vector<16xf32>
        %gt3A_447 = arith.cmpf ogt, %add3A_444, %gt3A_446 : vector<16xf32>
        %mul3A_448 = arith.constant 2.000000e-01 : f32
        %mul3A_449 = vector.broadcast %mul3A_448 : f32 to vector<16xf32>
        %mul3A_450 = arith.mulf %add3A_444, %mul3A_449 : vector<16xf32>
        %select_n3A_451 = arith.select %gt3A_447, %add3A_444, %mul3A_450 : vector<16xi1>, vector<16xf32>
        %gather3A_452 = tpu.vector_load_idx %arg12[%and3A_435] : memref<5120xf32, #tpu.memory_space<vmem>>[vector<16xi32>], vector<16xf32>,
        %exp3A_453 = math.exp %select_n3A_451 : vector<16xf32>
        %add3A_454 = arith.constant 1.000000e-16 : f32
        %add3A_455 = vector.broadcast %add3A_454 : f32 to vector<16xf32>
        %add3A_456 = arith.addf %gather3A_452, %add3A_455 : vector<16xf32>
        %div3A_457 = arith.divf %exp3A_453, %add3A_456 : vector<16xf32>
        %add3A_458 = vector.broadcast %add3A_427 : i32 to vector<16xi32>
        %add3A_459 = arith.addi %iota3A, %add3A_458 : vector<16xi32>
        %lt3A_460 = vector.broadcast %scan3A_45 : i32 to vector<16xi32>
        %lt3A_461 = arith.cmpi slt, %add3A_459, %lt3A_460 : vector<16xi32>
        %jit3A_462 = arith.constant 0.000000e+00 : f32
        %broadcast_in_dim3A_463 = vector.broadcast %jit3A_462 : f32 to vector<16xf32>
        %select_n3A_464 = arith.select %lt3A_461, %div3A_457, %broadcast_in_dim3A_463 : vector<16xi1>, vector<16xf32>
        %swap3A_465 = arith.index_cast %sub3A_301 : i32 to index
        %swap3A_466 = arith.constant 48 : index
        %swap3A_467 = tpu.vector_load %arg16[%swap3A_465, %swap3A_466] {strides = array<i32>} : memref<2x64xf32, #tpu.memory_space<vmem>>, vector<16xf32>,
        tpu.vector_store %arg16[%swap3A_465, %swap3A_466], %select_n3A_464 {strides = array<i32>} : memref<2x64xf32, #tpu.memory_space<vmem>>, vector<16xf32>,
        %sub3A_468 = arith.constant 1 : i32
        %sub3A_469 = arith.subi %sub3A_468, %and3A_275 : i32
        %dma_start3A = arith.constant 0 : i32
        %dma_start3A_470 = arith.constant 0 : i32
        %dma_start3A_471 = tpu.memref_slice %arg13[%sub3A_469, %dma_start3A, %dma_start3A_470] : memref<2x64x128xf32, #tpu.memory_space<vmem>> -> memref<1x64x128xf32, #tpu.memory_space<vmem>>
        %dma_start3A_472 = tpu.memref_squeeze %dma_start3A_471 : memref<1x64x128xf32, #tpu.memory_space<vmem>> -> memref<64x128xf32, #tpu.memory_space<vmem>>
        %dma_start3A_473 = arith.constant 0 : i32
        %dma_start3A_474 = tpu.memref_slice %arg14[%sub3A_469, %dma_start3A_473] : memref<2x64xi32, #tpu.memory_space<vmem>> -> memref<1x64xi32, #tpu.memory_space<vmem>>
        %dma_start3A_475 = tpu.memref_squeeze %dma_start3A_474 : memref<1x64xi32, #tpu.memory_space<vmem>> -> memref<64xi32, #tpu.memory_space<vmem>>
        %dma_start3A_476 = arith.constant 0 : i32
        %dma_start3A_477 = arith.constant 0 : i32
        %dma_start3A_478 = tpu.memref_slice %arg4[%dma_start3A_476, %dma_start3A_477] : memref<10240x128xf32, #tpu.memory_space<hbm>> -> memref<10240x128xf32, #tpu.memory_space<hbm>>
        %dma_start3A_479 = tpu.memref_slice %arg18[%sub3A_469] : memref<2x!tpu.dma_semaphore, #tpu.memory_space<semaphore_mem>> -> memref<1x!tpu.dma_semaphore, #tpu.memory_space<semaphore_mem>>
        %dma_start3A_480 = tpu.memref_squeeze %dma_start3A_479 : memref<1x!tpu.dma_semaphore, #tpu.memory_space<semaphore_mem>> -> memref<!tpu.dma_semaphore, #tpu.memory_space<semaphore_mem>>
        tpu.enqueue_indirect_dma source(%dma_start3A_478 : memref<10240x128xf32, #tpu.memory_space<hbm>>) target(%dma_start3A_472 : memref<64x128xf32, #tpu.memory_space<vmem>>) offsets(%dma_start3A_475 : memref<64xi32, #tpu.memory_space<vmem>>) semaphore(%dma_start3A_480 : memref<!tpu.dma_semaphore, #tpu.memory_space<semaphore_mem>>)
      } else {
      }
      %dma_wait3A = arith.constant 0 : i32
      %dma_wait3A_282 = arith.constant 0 : i32
      %dma_wait3A_283 = tpu.memref_slice %arg13[%and3A_275, %dma_wait3A, %dma_wait3A_282] : memref<2x64x128xf32, #tpu.memory_space<vmem>> -> memref<1x64x128xf32, #tpu.memory_space<vmem>>
      %dma_wait3A_284 = tpu.memref_squeeze %dma_wait3A_283 : memref<1x64x128xf32, #tpu.memory_space<vmem>> -> memref<64x128xf32, #tpu.memory_space<vmem>>
      %dma_wait3A_285 = arith.constant 0 : i32
      %dma_wait3A_286 = tpu.memref_slice %arg14[%and3A_275, %dma_wait3A_285] : memref<2x64xi32, #tpu.memory_space<vmem>> -> memref<1x64xi32, #tpu.memory_space<vmem>>
      %dma_wait3A_287 = tpu.memref_squeeze %dma_wait3A_286 : memref<1x64xi32, #tpu.memory_space<vmem>> -> memref<64xi32, #tpu.memory_space<vmem>>
      %dma_wait3A_288 = arith.constant 0 : i32
      %dma_wait3A_289 = arith.constant 0 : i32
      %dma_wait3A_290 = tpu.memref_slice %arg4[%dma_wait3A_288, %dma_wait3A_289] : memref<10240x128xf32, #tpu.memory_space<hbm>> -> memref<10240x128xf32, #tpu.memory_space<hbm>>
      %dma_wait3A_291 = tpu.memref_slice %arg18[%and3A_275] : memref<2x!tpu.dma_semaphore, #tpu.memory_space<semaphore_mem>> -> memref<1x!tpu.dma_semaphore, #tpu.memory_space<semaphore_mem>>
      %dma_wait3A_292 = tpu.memref_squeeze %dma_wait3A_291 : memref<1x!tpu.dma_semaphore, #tpu.memory_space<semaphore_mem>> -> memref<!tpu.dma_semaphore, #tpu.memory_space<semaphore_mem>>
      tpu.wait_indirect_dma semaphore(%dma_wait3A_292 : memref<!tpu.dma_semaphore, #tpu.memory_space<semaphore_mem>>) src(%dma_wait3A_290 : memref<10240x128xf32, #tpu.memory_space<hbm>>) dst(%dma_wait3A_284 : memref<64x128xf32, #tpu.memory_space<vmem>>)
      %scan3A_293 = arith.constant 0 : i32
      %scan3A_294 = arith.constant 64 : i32
      %scan3A_295 = arith.addi %scan3A_293, %scan3A_294 : i32
      %scan3A_296 = arith.constant 4 : i32
      scf.for %scan3A_298 = %scan3A_293 to %scan3A_295 step %scan3A_296  : i32 {
        %mul3A_299 = arith.constant 1 : i32
        %mul3A_300 = arith.muli %scan3A_298, %mul3A_299 : i32
        %add3A_301 = arith.constant 0 : i32
        %add3A_302 = arith.addi %add3A_301, %mul3A_300 : i32
        %broadcast_in_dim3A_303 = arith.constant 0 : i32
        %broadcast_in_dim3A_304 = vector.broadcast %broadcast_in_dim3A_303 : i32 to vector<16xi32>
        %add3A_305 = vector.broadcast %add3A_302 : i32 to vector<16xi32>
        %add3A_306 = arith.addi %broadcast_in_dim3A_304, %add3A_305 : vector<16xi32>
        %gather3A = arith.constant 0 : i32
        %gather3A_307 = tpu.memref_slice %arg16[%and3A_275, %gather3A] : memref<2x64xf32, #tpu.memory_space<vmem>> -> memref<1x64xf32, #tpu.memory_space<vmem>>
        %gather3A_308 = tpu.memref_squeeze %gather3A_307 : memref<1x64xf32, #tpu.memory_space<vmem>> -> memref<64xf32, #tpu.memory_space<vmem>>
        %gather3A_309 = tpu.vector_load_idx %gather3A_308[%add3A_306] : memref<64xf32, #tpu.memory_space<vmem>>[vector<16xi32>], vector<16xf32>,
        %get3A = arith.index_cast %and3A_275 : i32 to index
        %get3A_310 = arith.index_cast %add3A_302 : i32 to index
        %get3A_311 = arith.constant 0 : index
        %get3A_312 = tpu.vector_load %arg13[%get3A, %get3A_310, %get3A_311] {strides = array<i32>} : memref<2x64x128xf32, #tpu.memory_space<vmem>>, vector<16xf32>,
        %mul3A_313 = arith.mulf %get3A_312, %gather3A_309 : vector<16xf32>
        %swap3A_314 = arith.index_cast %and3A_275 : i32 to index
        %swap3A_315 = arith.index_cast %add3A_302 : i32 to index
        %swap3A_316 = arith.constant 0 : index
        %swap3A_317 = tpu.vector_load %arg13[%swap3A_314, %swap3A_315, %swap3A_316] {strides = array<i32>} : memref<2x64x128xf32, #tpu.memory_space<vmem>>, vector<16xf32>,
        tpu.vector_store %arg13[%swap3A_314, %swap3A_315, %swap3A_316], %mul3A_313 {strides = array<i32>} : memref<2x64x128xf32, #tpu.memory_space<vmem>>, vector<16xf32>,
        %get3A_318 = arith.index_cast %and3A_275 : i32 to index
        %get3A_319 = arith.index_cast %add3A_302 : i32 to index
        %get3A_320 = arith.constant 16 : index
        %get3A_321 = tpu.vector_load %arg13[%get3A_318, %get3A_319, %get3A_320] {strides = array<i32>} : memref<2x64x128xf32, #tpu.memory_space<vmem>>, vector<16xf32>,
        %mul3A_322 = arith.mulf %get3A_321, %gather3A_309 : vector<16xf32>
        %swap3A_323 = arith.index_cast %and3A_275 : i32 to index
        %swap3A_324 = arith.index_cast %add3A_302 : i32 to index
        %swap3A_325 = arith.constant 16 : index
        %swap3A_326 = tpu.vector_load %arg13[%swap3A_323, %swap3A_324, %swap3A_325] {strides = array<i32>} : memref<2x64x128xf32, #tpu.memory_space<vmem>>, vector<16xf32>,
        tpu.vector_store %arg13[%swap3A_323, %swap3A_324, %swap3A_325], %mul3A_322 {strides = array<i32>} : memref<2x64x128xf32, #tpu.memory_space<vmem>>, vector<16xf32>,
        %get3A_327 = arith.index_cast %and3A_275 : i32 to index
        %get3A_328 = arith.index_cast %add3A_302 : i32 to index
        %get3A_329 = arith.constant 32 : index
        %get3A_330 = tpu.vector_load %arg13[%get3A_327, %get3A_328, %get3A_329] {strides = array<i32>} : memref<2x64x128xf32, #tpu.memory_space<vmem>>, vector<16xf32>,
        %mul3A_331 = arith.mulf %get3A_330, %gather3A_309 : vector<16xf32>
        %swap3A_332 = arith.index_cast %and3A_275 : i32 to index
        %swap3A_333 = arith.index_cast %add3A_302 : i32 to index
        %swap3A_334 = arith.constant 32 : index
        %swap3A_335 = tpu.vector_load %arg13[%swap3A_332, %swap3A_333, %swap3A_334] {strides = array<i32>} : memref<2x64x128xf32, #tpu.memory_space<vmem>>, vector<16xf32>,
        tpu.vector_store %arg13[%swap3A_332, %swap3A_333, %swap3A_334], %mul3A_331 {strides = array<i32>} : memref<2x64x128xf32, #tpu.memory_space<vmem>>, vector<16xf32>,
        %get3A_336 = arith.index_cast %and3A_275 : i32 to index
        %get3A_337 = arith.index_cast %add3A_302 : i32 to index
        %get3A_338 = arith.constant 48 : index
        %get3A_339 = tpu.vector_load %arg13[%get3A_336, %get3A_337, %get3A_338] {strides = array<i32>} : memref<2x64x128xf32, #tpu.memory_space<vmem>>, vector<16xf32>,
        %mul3A_340 = arith.mulf %get3A_339, %gather3A_309 : vector<16xf32>
        %swap3A_341 = arith.index_cast %and3A_275 : i32 to index
        %swap3A_342 = arith.index_cast %add3A_302 : i32 to index
        %swap3A_343 = arith.constant 48 : index
        %swap3A_344 = tpu.vector_load %arg13[%swap3A_341, %swap3A_342, %swap3A_343] {strides = array<i32>} : memref<2x64x128xf32, #tpu.memory_space<vmem>>, vector<16xf32>,
        tpu.vector_store %arg13[%swap3A_341, %swap3A_342, %swap3A_343], %mul3A_340 {strides = array<i32>} : memref<2x64x128xf32, #tpu.memory_space<vmem>>, vector<16xf32>,
        %get3A_345 = arith.index_cast %and3A_275 : i32 to index
        %get3A_346 = arith.index_cast %add3A_302 : i32 to index
        %get3A_347 = arith.constant 64 : index
        %get3A_348 = tpu.vector_load %arg13[%get3A_345, %get3A_346, %get3A_347] {strides = array<i32>} : memref<2x64x128xf32, #tpu.memory_space<vmem>>, vector<16xf32>,
        %mul3A_349 = arith.mulf %get3A_348, %gather3A_309 : vector<16xf32>
        %swap3A_350 = arith.index_cast %and3A_275 : i32 to index
        %swap3A_351 = arith.index_cast %add3A_302 : i32 to index
        %swap3A_352 = arith.constant 64 : index
        %swap3A_353 = tpu.vector_load %arg13[%swap3A_350, %swap3A_351, %swap3A_352] {strides = array<i32>} : memref<2x64x128xf32, #tpu.memory_space<vmem>>, vector<16xf32>,
        tpu.vector_store %arg13[%swap3A_350, %swap3A_351, %swap3A_352], %mul3A_349 {strides = array<i32>} : memref<2x64x128xf32, #tpu.memory_space<vmem>>, vector<16xf32>,
        %get3A_354 = arith.index_cast %and3A_275 : i32 to index
        %get3A_355 = arith.index_cast %add3A_302 : i32 to index
        %get3A_356 = arith.constant 80 : index
        %get3A_357 = tpu.vector_load %arg13[%get3A_354, %get3A_355, %get3A_356] {strides = array<i32>} : memref<2x64x128xf32, #tpu.memory_space<vmem>>, vector<16xf32>,
        %mul3A_358 = arith.mulf %get3A_357, %gather3A_309 : vector<16xf32>
        %swap3A_359 = arith.index_cast %and3A_275 : i32 to index
        %swap3A_360 = arith.index_cast %add3A_302 : i32 to index
        %swap3A_361 = arith.constant 80 : index
        %swap3A_362 = tpu.vector_load %arg13[%swap3A_359, %swap3A_360, %swap3A_361] {strides = array<i32>} : memref<2x64x128xf32, #tpu.memory_space<vmem>>, vector<16xf32>,
        tpu.vector_store %arg13[%swap3A_359, %swap3A_360, %swap3A_361], %mul3A_358 {strides = array<i32>} : memref<2x64x128xf32, #tpu.memory_space<vmem>>, vector<16xf32>,
        %get3A_363 = arith.index_cast %and3A_275 : i32 to index
        %get3A_364 = arith.index_cast %add3A_302 : i32 to index
        %get3A_365 = arith.constant 96 : index
        %get3A_366 = tpu.vector_load %arg13[%get3A_363, %get3A_364, %get3A_365] {strides = array<i32>} : memref<2x64x128xf32, #tpu.memory_space<vmem>>, vector<16xf32>,
        %mul3A_367 = arith.mulf %get3A_366, %gather3A_309 : vector<16xf32>
        %swap3A_368 = arith.index_cast %and3A_275 : i32 to index
        %swap3A_369 = arith.index_cast %add3A_302 : i32 to index
        %swap3A_370 = arith.constant 96 : index
        %swap3A_371 = tpu.vector_load %arg13[%swap3A_368, %swap3A_369, %swap3A_370] {strides = array<i32>} : memref<2x64x128xf32, #tpu.memory_space<vmem>>, vector<16xf32>,
        tpu.vector_store %arg13[%swap3A_368, %swap3A_369, %swap3A_370], %mul3A_367 {strides = array<i32>} : memref<2x64x128xf32, #tpu.memory_space<vmem>>, vector<16xf32>,
        %get3A_372 = arith.index_cast %and3A_275 : i32 to index
        %get3A_373 = arith.index_cast %add3A_302 : i32 to index
        %get3A_374 = arith.constant 112 : index
        %get3A_375 = tpu.vector_load %arg13[%get3A_372, %get3A_373, %get3A_374] {strides = array<i32>} : memref<2x64x128xf32, #tpu.memory_space<vmem>>, vector<16xf32>,
        %mul3A_376 = arith.mulf %get3A_375, %gather3A_309 : vector<16xf32>
        %swap3A_377 = arith.index_cast %and3A_275 : i32 to index
        %swap3A_378 = arith.index_cast %add3A_302 : i32 to index
        %swap3A_379 = arith.constant 112 : index
        %swap3A_380 = tpu.vector_load %arg13[%swap3A_377, %swap3A_378, %swap3A_379] {strides = array<i32>} : memref<2x64x128xf32, #tpu.memory_space<vmem>>, vector<16xf32>,
        tpu.vector_store %arg13[%swap3A_377, %swap3A_378, %swap3A_379], %mul3A_376 {strides = array<i32>} : memref<2x64x128xf32, #tpu.memory_space<vmem>>, vector<16xf32>,
        %scan3A_381 = arith.constant 1 : i32
        %scan3A_382 = arith.addi %scan3A_298, %scan3A_381 : i32
        %mul3A_383 = arith.constant 1 : i32
        %mul3A_384 = arith.muli %scan3A_382, %mul3A_383 : i32
        %add3A_385 = arith.constant 0 : i32
        %add3A_386 = arith.addi %add3A_385, %mul3A_384 : i32
        %broadcast_in_dim3A_387 = arith.constant 0 : i32
        %broadcast_in_dim3A_388 = vector.broadcast %broadcast_in_dim3A_387 : i32 to vector<16xi32>
        %add3A_389 = vector.broadcast %add3A_386 : i32 to vector<16xi32>
        %add3A_390 = arith.addi %broadcast_in_dim3A_388, %add3A_389 : vector<16xi32>
        %gather3A_391 = arith.constant 0 : i32
        %gather3A_392 = tpu.memref_slice %arg16[%and3A_275, %gather3A_391] : memref<2x64xf32, #tpu.memory_space<vmem>> -> memref<1x64xf32, #tpu.memory_space<vmem>>
        %gather3A_393 = tpu.memref_squeeze %gather3A_392 : memref<1x64xf32, #tpu.memory_space<vmem>> -> memref<64xf32, #tpu.memory_space<vmem>>
        %gather3A_394 = tpu.vector_load_idx %gather3A_393[%add3A_390] : memref<64xf32, #tpu.memory_space<vmem>>[vector<16xi32>], vector<16xf32>,
        %get3A_395 = arith.index_cast %and3A_275 : i32 to index
        %get3A_396 = arith.index_cast %add3A_386 : i32 to index
        %get3A_397 = arith.constant 0 : index
        %get3A_398 = tpu.vector_load %arg13[%get3A_395, %get3A_396, %get3A_397] {strides = array<i32>} : memref<2x64x128xf32, #tpu.memory_space<vmem>>, vector<16xf32>,
        %mul3A_399 = arith.mulf %get3A_398, %gather3A_394 : vector<16xf32>
        %swap3A_400 = arith.index_cast %and3A_275 : i32 to index
        %swap3A_401 = arith.index_cast %add3A_386 : i32 to index
        %swap3A_402 = arith.constant 0 : index
        %swap3A_403 = tpu.vector_load %arg13[%swap3A_400, %swap3A_401, %swap3A_402] {strides = array<i32>} : memref<2x64x128xf32, #tpu.memory_space<vmem>>, vector<16xf32>,
        tpu.vector_store %arg13[%swap3A_400, %swap3A_401, %swap3A_402], %mul3A_399 {strides = array<i32>} : memref<2x64x128xf32, #tpu.memory_space<vmem>>, vector<16xf32>,
        %get3A_404 = arith.index_cast %and3A_275 : i32 to index
        %get3A_405 = arith.index_cast %add3A_386 : i32 to index
        %get3A_406 = arith.constant 16 : index
        %get3A_407 = tpu.vector_load %arg13[%get3A_404, %get3A_405, %get3A_406] {strides = array<i32>} : memref<2x64x128xf32, #tpu.memory_space<vmem>>, vector<16xf32>,
        %mul3A_408 = arith.mulf %get3A_407, %gather3A_394 : vector<16xf32>
        %swap3A_409 = arith.index_cast %and3A_275 : i32 to index
        %swap3A_410 = arith.index_cast %add3A_386 : i32 to index
        %swap3A_411 = arith.constant 16 : index
        %swap3A_412 = tpu.vector_load %arg13[%swap3A_409, %swap3A_410, %swap3A_411] {strides = array<i32>} : memref<2x64x128xf32, #tpu.memory_space<vmem>>, vector<16xf32>,
        tpu.vector_store %arg13[%swap3A_409, %swap3A_410, %swap3A_411], %mul3A_408 {strides = array<i32>} : memref<2x64x128xf32, #tpu.memory_space<vmem>>, vector<16xf32>,
        %get3A_413 = arith.index_cast %and3A_275 : i32 to index
        %get3A_414 = arith.index_cast %add3A_386 : i32 to index
        %get3A_415 = arith.constant 32 : index
        %get3A_416 = tpu.vector_load %arg13[%get3A_413, %get3A_414, %get3A_415] {strides = array<i32>} : memref<2x64x128xf32, #tpu.memory_space<vmem>>, vector<16xf32>,
        %mul3A_417 = arith.mulf %get3A_416, %gather3A_394 : vector<16xf32>
        %swap3A_418 = arith.index_cast %and3A_275 : i32 to index
        %swap3A_419 = arith.index_cast %add3A_386 : i32 to index
        %swap3A_420 = arith.constant 32 : index
        %swap3A_421 = tpu.vector_load %arg13[%swap3A_418, %swap3A_419, %swap3A_420] {strides = array<i32>} : memref<2x64x128xf32, #tpu.memory_space<vmem>>, vector<16xf32>,
        tpu.vector_store %arg13[%swap3A_418, %swap3A_419, %swap3A_420], %mul3A_417 {strides = array<i32>} : memref<2x64x128xf32, #tpu.memory_space<vmem>>, vector<16xf32>,
        %get3A_422 = arith.index_cast %and3A_275 : i32 to index
        %get3A_423 = arith.index_cast %add3A_386 : i32 to index
        %get3A_424 = arith.constant 48 : index
        %get3A_425 = tpu.vector_load %arg13[%get3A_422, %get3A_423, %get3A_424] {strides = array<i32>} : memref<2x64x128xf32, #tpu.memory_space<vmem>>, vector<16xf32>,
        %mul3A_426 = arith.mulf %get3A_425, %gather3A_394 : vector<16xf32>
        %swap3A_427 = arith.index_cast %and3A_275 : i32 to index
        %swap3A_428 = arith.index_cast %add3A_386 : i32 to index
        %swap3A_429 = arith.constant 48 : index
        %swap3A_430 = tpu.vector_load %arg13[%swap3A_427, %swap3A_428, %swap3A_429] {strides = array<i32>} : memref<2x64x128xf32, #tpu.memory_space<vmem>>, vector<16xf32>,
        tpu.vector_store %arg13[%swap3A_427, %swap3A_428, %swap3A_429], %mul3A_426 {strides = array<i32>} : memref<2x64x128xf32, #tpu.memory_space<vmem>>, vector<16xf32>,
        %get3A_431 = arith.index_cast %and3A_275 : i32 to index
        %get3A_432 = arith.index_cast %add3A_386 : i32 to index
        %get3A_433 = arith.constant 64 : index
        %get3A_434 = tpu.vector_load %arg13[%get3A_431, %get3A_432, %get3A_433] {strides = array<i32>} : memref<2x64x128xf32, #tpu.memory_space<vmem>>, vector<16xf32>,
        %mul3A_435 = arith.mulf %get3A_434, %gather3A_394 : vector<16xf32>
        %swap3A_436 = arith.index_cast %and3A_275 : i32 to index
        %swap3A_437 = arith.index_cast %add3A_386 : i32 to index
        %swap3A_438 = arith.constant 64 : index
        %swap3A_439 = tpu.vector_load %arg13[%swap3A_436, %swap3A_437, %swap3A_438] {strides = array<i32>} : memref<2x64x128xf32, #tpu.memory_space<vmem>>, vector<16xf32>,
        tpu.vector_store %arg13[%swap3A_436, %swap3A_437, %swap3A_438], %mul3A_435 {strides = array<i32>} : memref<2x64x128xf32, #tpu.memory_space<vmem>>, vector<16xf32>,
        %get3A_440 = arith.index_cast %and3A_275 : i32 to index
        %get3A_441 = arith.index_cast %add3A_386 : i32 to index
        %get3A_442 = arith.constant 80 : index
        %get3A_443 = tpu.vector_load %arg13[%get3A_440, %get3A_441, %get3A_442] {strides = array<i32>} : memref<2x64x128xf32, #tpu.memory_space<vmem>>, vector<16xf32>,
        %mul3A_444 = arith.mulf %get3A_443, %gather3A_394 : vector<16xf32>
        %swap3A_445 = arith.index_cast %and3A_275 : i32 to index
        %swap3A_446 = arith.index_cast %add3A_386 : i32 to index
        %swap3A_447 = arith.constant 80 : index
        %swap3A_448 = tpu.vector_load %arg13[%swap3A_445, %swap3A_446, %swap3A_447] {strides = array<i32>} : memref<2x64x128xf32, #tpu.memory_space<vmem>>, vector<16xf32>,
        tpu.vector_store %arg13[%swap3A_445, %swap3A_446, %swap3A_447], %mul3A_444 {strides = array<i32>} : memref<2x64x128xf32, #tpu.memory_space<vmem>>, vector<16xf32>,
        %get3A_449 = arith.index_cast %and3A_275 : i32 to index
        %get3A_450 = arith.index_cast %add3A_386 : i32 to index
        %get3A_451 = arith.constant 96 : index
        %get3A_452 = tpu.vector_load %arg13[%get3A_449, %get3A_450, %get3A_451] {strides = array<i32>} : memref<2x64x128xf32, #tpu.memory_space<vmem>>, vector<16xf32>,
        %mul3A_453 = arith.mulf %get3A_452, %gather3A_394 : vector<16xf32>
        %swap3A_454 = arith.index_cast %and3A_275 : i32 to index
        %swap3A_455 = arith.index_cast %add3A_386 : i32 to index
        %swap3A_456 = arith.constant 96 : index
        %swap3A_457 = tpu.vector_load %arg13[%swap3A_454, %swap3A_455, %swap3A_456] {strides = array<i32>} : memref<2x64x128xf32, #tpu.memory_space<vmem>>, vector<16xf32>,
        tpu.vector_store %arg13[%swap3A_454, %swap3A_455, %swap3A_456], %mul3A_453 {strides = array<i32>} : memref<2x64x128xf32, #tpu.memory_space<vmem>>, vector<16xf32>,
        %get3A_458 = arith.index_cast %and3A_275 : i32 to index
        %get3A_459 = arith.index_cast %add3A_386 : i32 to index
        %get3A_460 = arith.constant 112 : index
        %get3A_461 = tpu.vector_load %arg13[%get3A_458, %get3A_459, %get3A_460] {strides = array<i32>} : memref<2x64x128xf32, #tpu.memory_space<vmem>>, vector<16xf32>,
        %mul3A_462 = arith.mulf %get3A_461, %gather3A_394 : vector<16xf32>
        %swap3A_463 = arith.index_cast %and3A_275 : i32 to index
        %swap3A_464 = arith.index_cast %add3A_386 : i32 to index
        %swap3A_465 = arith.constant 112 : index
        %swap3A_466 = tpu.vector_load %arg13[%swap3A_463, %swap3A_464, %swap3A_465] {strides = array<i32>} : memref<2x64x128xf32, #tpu.memory_space<vmem>>, vector<16xf32>,
        tpu.vector_store %arg13[%swap3A_463, %swap3A_464, %swap3A_465], %mul3A_462 {strides = array<i32>} : memref<2x64x128xf32, #tpu.memory_space<vmem>>, vector<16xf32>,
        %scan3A_467 = arith.constant 2 : i32
        %scan3A_468 = arith.addi %scan3A_298, %scan3A_467 : i32
        %mul3A_469 = arith.constant 1 : i32
        %mul3A_470 = arith.muli %scan3A_468, %mul3A_469 : i32
        %add3A_471 = arith.constant 0 : i32
        %add3A_472 = arith.addi %add3A_471, %mul3A_470 : i32
        %broadcast_in_dim3A_473 = arith.constant 0 : i32
        %broadcast_in_dim3A_474 = vector.broadcast %broadcast_in_dim3A_473 : i32 to vector<16xi32>
        %add3A_475 = vector.broadcast %add3A_472 : i32 to vector<16xi32>
        %add3A_476 = arith.addi %broadcast_in_dim3A_474, %add3A_475 : vector<16xi32>
        %gather3A_477 = arith.constant 0 : i32
        %gather3A_478 = tpu.memref_slice %arg16[%and3A_275, %gather3A_477] : memref<2x64xf32, #tpu.memory_space<vmem>> -> memref<1x64xf32, #tpu.memory_space<vmem>>
        %gather3A_479 = tpu.memref_squeeze %gather3A_478 : memref<1x64xf32, #tpu.memory_space<vmem>> -> memref<64xf32, #tpu.memory_space<vmem>>
        %gather3A_480 = tpu.vector_load_idx %gather3A_479[%add3A_476] : memref<64xf32, #tpu.memory_space<vmem>>[vector<16xi32>], vector<16xf32>,
        %get3A_481 = arith.index_cast %and3A_275 : i32 to index
        %get3A_482 = arith.index_cast %add3A_472 : i32 to index
        %get3A_483 = arith.constant 0 : index
        %get3A_484 = tpu.vector_load %arg13[%get3A_481, %get3A_482, %get3A_483] {strides = array<i32>} : memref<2x64x128xf32, #tpu.memory_space<vmem>>, vector<16xf32>,
        %mul3A_485 = arith.mulf %get3A_484, %gather3A_480 : vector<16xf32>
        %swap3A_486 = arith.index_cast %and3A_275 : i32 to index
        %swap3A_487 = arith.index_cast %add3A_472 : i32 to index
        %swap3A_488 = arith.constant 0 : index
        %swap3A_489 = tpu.vector_load %arg13[%swap3A_486, %swap3A_487, %swap3A_488] {strides = array<i32>} : memref<2x64x128xf32, #tpu.memory_space<vmem>>, vector<16xf32>,
        tpu.vector_store %arg13[%swap3A_486, %swap3A_487, %swap3A_488], %mul3A_485 {strides = array<i32>} : memref<2x64x128xf32, #tpu.memory_space<vmem>>, vector<16xf32>,
        %get3A_490 = arith.index_cast %and3A_275 : i32 to index
        %get3A_491 = arith.index_cast %add3A_472 : i32 to index
        %get3A_492 = arith.constant 16 : index
        %get3A_493 = tpu.vector_load %arg13[%get3A_490, %get3A_491, %get3A_492] {strides = array<i32>} : memref<2x64x128xf32, #tpu.memory_space<vmem>>, vector<16xf32>,
        %mul3A_494 = arith.mulf %get3A_493, %gather3A_480 : vector<16xf32>
        %swap3A_495 = arith.index_cast %and3A_275 : i32 to index
        %swap3A_496 = arith.index_cast %add3A_472 : i32 to index
        %swap3A_497 = arith.constant 16 : index
        %swap3A_498 = tpu.vector_load %arg13[%swap3A_495, %swap3A_496, %swap3A_497] {strides = array<i32>} : memref<2x64x128xf32, #tpu.memory_space<vmem>>, vector<16xf32>,
        tpu.vector_store %arg13[%swap3A_495, %swap3A_496, %swap3A_497], %mul3A_494 {strides = array<i32>} : memref<2x64x128xf32, #tpu.memory_space<vmem>>, vector<16xf32>,
        %get3A_499 = arith.index_cast %and3A_275 : i32 to index
        %get3A_500 = arith.index_cast %add3A_472 : i32 to index
        %get3A_501 = arith.constant 32 : index
        %get3A_502 = tpu.vector_load %arg13[%get3A_499, %get3A_500, %get3A_501] {strides = array<i32>} : memref<2x64x128xf32, #tpu.memory_space<vmem>>, vector<16xf32>,
        %mul3A_503 = arith.mulf %get3A_502, %gather3A_480 : vector<16xf32>
        %swap3A_504 = arith.index_cast %and3A_275 : i32 to index
        %swap3A_505 = arith.index_cast %add3A_472 : i32 to index
        %swap3A_506 = arith.constant 32 : index
        %swap3A_507 = tpu.vector_load %arg13[%swap3A_504, %swap3A_505, %swap3A_506] {strides = array<i32>} : memref<2x64x128xf32, #tpu.memory_space<vmem>>, vector<16xf32>,
        tpu.vector_store %arg13[%swap3A_504, %swap3A_505, %swap3A_506], %mul3A_503 {strides = array<i32>} : memref<2x64x128xf32, #tpu.memory_space<vmem>>, vector<16xf32>,
        %get3A_508 = arith.index_cast %and3A_275 : i32 to index
        %get3A_509 = arith.index_cast %add3A_472 : i32 to index
        %get3A_510 = arith.constant 48 : index
        %get3A_511 = tpu.vector_load %arg13[%get3A_508, %get3A_509, %get3A_510] {strides = array<i32>} : memref<2x64x128xf32, #tpu.memory_space<vmem>>, vector<16xf32>,
        %mul3A_512 = arith.mulf %get3A_511, %gather3A_480 : vector<16xf32>
        %swap3A_513 = arith.index_cast %and3A_275 : i32 to index
        %swap3A_514 = arith.index_cast %add3A_472 : i32 to index
        %swap3A_515 = arith.constant 48 : index
        %swap3A_516 = tpu.vector_load %arg13[%swap3A_513, %swap3A_514, %swap3A_515] {strides = array<i32>} : memref<2x64x128xf32, #tpu.memory_space<vmem>>, vector<16xf32>,
        tpu.vector_store %arg13[%swap3A_513, %swap3A_514, %swap3A_515], %mul3A_512 {strides = array<i32>} : memref<2x64x128xf32, #tpu.memory_space<vmem>>, vector<16xf32>,
        %get3A_517 = arith.index_cast %and3A_275 : i32 to index
        %get3A_518 = arith.index_cast %add3A_472 : i32 to index
        %get3A_519 = arith.constant 64 : index
        %get3A_520 = tpu.vector_load %arg13[%get3A_517, %get3A_518, %get3A_519] {strides = array<i32>} : memref<2x64x128xf32, #tpu.memory_space<vmem>>, vector<16xf32>,
        %mul3A_521 = arith.mulf %get3A_520, %gather3A_480 : vector<16xf32>
        %swap3A_522 = arith.index_cast %and3A_275 : i32 to index
        %swap3A_523 = arith.index_cast %add3A_472 : i32 to index
        %swap3A_524 = arith.constant 64 : index
        %swap3A_525 = tpu.vector_load %arg13[%swap3A_522, %swap3A_523, %swap3A_524] {strides = array<i32>} : memref<2x64x128xf32, #tpu.memory_space<vmem>>, vector<16xf32>,
        tpu.vector_store %arg13[%swap3A_522, %swap3A_523, %swap3A_524], %mul3A_521 {strides = array<i32>} : memref<2x64x128xf32, #tpu.memory_space<vmem>>, vector<16xf32>,
        %get3A_526 = arith.index_cast %and3A_275 : i32 to index
        %get3A_527 = arith.index_cast %add3A_472 : i32 to index
        %get3A_528 = arith.constant 80 : index
        %get3A_529 = tpu.vector_load %arg13[%get3A_526, %get3A_527, %get3A_528] {strides = array<i32>} : memref<2x64x128xf32, #tpu.memory_space<vmem>>, vector<16xf32>,
        %mul3A_530 = arith.mulf %get3A_529, %gather3A_480 : vector<16xf32>
        %swap3A_531 = arith.index_cast %and3A_275 : i32 to index
        %swap3A_532 = arith.index_cast %add3A_472 : i32 to index
        %swap3A_533 = arith.constant 80 : index
        %swap3A_534 = tpu.vector_load %arg13[%swap3A_531, %swap3A_532, %swap3A_533] {strides = array<i32>} : memref<2x64x128xf32, #tpu.memory_space<vmem>>, vector<16xf32>,
        tpu.vector_store %arg13[%swap3A_531, %swap3A_532, %swap3A_533], %mul3A_530 {strides = array<i32>} : memref<2x64x128xf32, #tpu.memory_space<vmem>>, vector<16xf32>,
        %get3A_535 = arith.index_cast %and3A_275 : i32 to index
        %get3A_536 = arith.index_cast %add3A_472 : i32 to index
        %get3A_537 = arith.constant 96 : index
        %get3A_538 = tpu.vector_load %arg13[%get3A_535, %get3A_536, %get3A_537] {strides = array<i32>} : memref<2x64x128xf32, #tpu.memory_space<vmem>>, vector<16xf32>,
        %mul3A_539 = arith.mulf %get3A_538, %gather3A_480 : vector<16xf32>
        %swap3A_540 = arith.index_cast %and3A_275 : i32 to index
        %swap3A_541 = arith.index_cast %add3A_472 : i32 to index
        %swap3A_542 = arith.constant 96 : index
        %swap3A_543 = tpu.vector_load %arg13[%swap3A_540, %swap3A_541, %swap3A_542] {strides = array<i32>} : memref<2x64x128xf32, #tpu.memory_space<vmem>>, vector<16xf32>,
        tpu.vector_store %arg13[%swap3A_540, %swap3A_541, %swap3A_542], %mul3A_539 {strides = array<i32>} : memref<2x64x128xf32, #tpu.memory_space<vmem>>, vector<16xf32>,
        %get3A_544 = arith.index_cast %and3A_275 : i32 to index
        %get3A_545 = arith.index_cast %add3A_472 : i32 to index
        %get3A_546 = arith.constant 112 : index
        %get3A_547 = tpu.vector_load %arg13[%get3A_544, %get3A_545, %get3A_546] {strides = array<i32>} : memref<2x64x128xf32, #tpu.memory_space<vmem>>, vector<16xf32>,
        %mul3A_548 = arith.mulf %get3A_547, %gather3A_480 : vector<16xf32>
        %swap3A_549 = arith.index_cast %and3A_275 : i32 to index
        %swap3A_550 = arith.index_cast %add3A_472 : i32 to index
        %swap3A_551 = arith.constant 112 : index
        %swap3A_552 = tpu.vector_load %arg13[%swap3A_549, %swap3A_550, %swap3A_551] {strides = array<i32>} : memref<2x64x128xf32, #tpu.memory_space<vmem>>, vector<16xf32>,
        tpu.vector_store %arg13[%swap3A_549, %swap3A_550, %swap3A_551], %mul3A_548 {strides = array<i32>} : memref<2x64x128xf32, #tpu.memory_space<vmem>>, vector<16xf32>,
        %scan3A_553 = arith.constant 3 : i32
        %scan3A_554 = arith.addi %scan3A_298, %scan3A_553 : i32
        %mul3A_555 = arith.constant 1 : i32
        %mul3A_556 = arith.muli %scan3A_554, %mul3A_555 : i32
        %add3A_557 = arith.constant 0 : i32
        %add3A_558 = arith.addi %add3A_557, %mul3A_556 : i32
        %broadcast_in_dim3A_559 = arith.constant 0 : i32
        %broadcast_in_dim3A_560 = vector.broadcast %broadcast_in_dim3A_559 : i32 to vector<16xi32>
        %add3A_561 = vector.broadcast %add3A_558 : i32 to vector<16xi32>
        %add3A_562 = arith.addi %broadcast_in_dim3A_560, %add3A_561 : vector<16xi32>
        %gather3A_563 = arith.constant 0 : i32
        %gather3A_564 = tpu.memref_slice %arg16[%and3A_275, %gather3A_563] : memref<2x64xf32, #tpu.memory_space<vmem>> -> memref<1x64xf32, #tpu.memory_space<vmem>>
        %gather3A_565 = tpu.memref_squeeze %gather3A_564 : memref<1x64xf32, #tpu.memory_space<vmem>> -> memref<64xf32, #tpu.memory_space<vmem>>
        %gather3A_566 = tpu.vector_load_idx %gather3A_565[%add3A_562] : memref<64xf32, #tpu.memory_space<vmem>>[vector<16xi32>], vector<16xf32>,
        %get3A_567 = arith.index_cast %and3A_275 : i32 to index
        %get3A_568 = arith.index_cast %add3A_558 : i32 to index
        %get3A_569 = arith.constant 0 : index
        %get3A_570 = tpu.vector_load %arg13[%get3A_567, %get3A_568, %get3A_569] {strides = array<i32>} : memref<2x64x128xf32, #tpu.memory_space<vmem>>, vector<16xf32>,
        %mul3A_571 = arith.mulf %get3A_570, %gather3A_566 : vector<16xf32>
        %swap3A_572 = arith.index_cast %and3A_275 : i32 to index
        %swap3A_573 = arith.index_cast %add3A_558 : i32 to index
        %swap3A_574 = arith.constant 0 : index
        %swap3A_575 = tpu.vector_load %arg13[%swap3A_572, %swap3A_573, %swap3A_574] {strides = array<i32>} : memref<2x64x128xf32, #tpu.memory_space<vmem>>, vector<16xf32>,
        tpu.vector_store %arg13[%swap3A_572, %swap3A_573, %swap3A_574], %mul3A_571 {strides = array<i32>} : memref<2x64x128xf32, #tpu.memory_space<vmem>>, vector<16xf32>,
        %get3A_576 = arith.index_cast %and3A_275 : i32 to index
        %get3A_577 = arith.index_cast %add3A_558 : i32 to index
        %get3A_578 = arith.constant 16 : index
        %get3A_579 = tpu.vector_load %arg13[%get3A_576, %get3A_577, %get3A_578] {strides = array<i32>} : memref<2x64x128xf32, #tpu.memory_space<vmem>>, vector<16xf32>,
        %mul3A_580 = arith.mulf %get3A_579, %gather3A_566 : vector<16xf32>
        %swap3A_581 = arith.index_cast %and3A_275 : i32 to index
        %swap3A_582 = arith.index_cast %add3A_558 : i32 to index
        %swap3A_583 = arith.constant 16 : index
        %swap3A_584 = tpu.vector_load %arg13[%swap3A_581, %swap3A_582, %swap3A_583] {strides = array<i32>} : memref<2x64x128xf32, #tpu.memory_space<vmem>>, vector<16xf32>,
        tpu.vector_store %arg13[%swap3A_581, %swap3A_582, %swap3A_583], %mul3A_580 {strides = array<i32>} : memref<2x64x128xf32, #tpu.memory_space<vmem>>, vector<16xf32>,
        %get3A_585 = arith.index_cast %and3A_275 : i32 to index
        %get3A_586 = arith.index_cast %add3A_558 : i32 to index
        %get3A_587 = arith.constant 32 : index
        %get3A_588 = tpu.vector_load %arg13[%get3A_585, %get3A_586, %get3A_587] {strides = array<i32>} : memref<2x64x128xf32, #tpu.memory_space<vmem>>, vector<16xf32>,
        %mul3A_589 = arith.mulf %get3A_588, %gather3A_566 : vector<16xf32>
        %swap3A_590 = arith.index_cast %and3A_275 : i32 to index
        %swap3A_591 = arith.index_cast %add3A_558 : i32 to index
        %swap3A_592 = arith.constant 32 : index
        %swap3A_593 = tpu.vector_load %arg13[%swap3A_590, %swap3A_591, %swap3A_592] {strides = array<i32>} : memref<2x64x128xf32, #tpu.memory_space<vmem>>, vector<16xf32>,
        tpu.vector_store %arg13[%swap3A_590, %swap3A_591, %swap3A_592], %mul3A_589 {strides = array<i32>} : memref<2x64x128xf32, #tpu.memory_space<vmem>>, vector<16xf32>,
        %get3A_594 = arith.index_cast %and3A_275 : i32 to index
        %get3A_595 = arith.index_cast %add3A_558 : i32 to index
        %get3A_596 = arith.constant 48 : index
        %get3A_597 = tpu.vector_load %arg13[%get3A_594, %get3A_595, %get3A_596] {strides = array<i32>} : memref<2x64x128xf32, #tpu.memory_space<vmem>>, vector<16xf32>,
        %mul3A_598 = arith.mulf %get3A_597, %gather3A_566 : vector<16xf32>
        %swap3A_599 = arith.index_cast %and3A_275 : i32 to index
        %swap3A_600 = arith.index_cast %add3A_558 : i32 to index
        %swap3A_601 = arith.constant 48 : index
        %swap3A_602 = tpu.vector_load %arg13[%swap3A_599, %swap3A_600, %swap3A_601] {strides = array<i32>} : memref<2x64x128xf32, #tpu.memory_space<vmem>>, vector<16xf32>,
        tpu.vector_store %arg13[%swap3A_599, %swap3A_600, %swap3A_601], %mul3A_598 {strides = array<i32>} : memref<2x64x128xf32, #tpu.memory_space<vmem>>, vector<16xf32>,
        %get3A_603 = arith.index_cast %and3A_275 : i32 to index
        %get3A_604 = arith.index_cast %add3A_558 : i32 to index
        %get3A_605 = arith.constant 64 : index
        %get3A_606 = tpu.vector_load %arg13[%get3A_603, %get3A_604, %get3A_605] {strides = array<i32>} : memref<2x64x128xf32, #tpu.memory_space<vmem>>, vector<16xf32>,
        %mul3A_607 = arith.mulf %get3A_606, %gather3A_566 : vector<16xf32>
        %swap3A_608 = arith.index_cast %and3A_275 : i32 to index
        %swap3A_609 = arith.index_cast %add3A_558 : i32 to index
        %swap3A_610 = arith.constant 64 : index
        %swap3A_611 = tpu.vector_load %arg13[%swap3A_608, %swap3A_609, %swap3A_610] {strides = array<i32>} : memref<2x64x128xf32, #tpu.memory_space<vmem>>, vector<16xf32>,
        tpu.vector_store %arg13[%swap3A_608, %swap3A_609, %swap3A_610], %mul3A_607 {strides = array<i32>} : memref<2x64x128xf32, #tpu.memory_space<vmem>>, vector<16xf32>,
        %get3A_612 = arith.index_cast %and3A_275 : i32 to index
        %get3A_613 = arith.index_cast %add3A_558 : i32 to index
        %get3A_614 = arith.constant 80 : index
        %get3A_615 = tpu.vector_load %arg13[%get3A_612, %get3A_613, %get3A_614] {strides = array<i32>} : memref<2x64x128xf32, #tpu.memory_space<vmem>>, vector<16xf32>,
        %mul3A_616 = arith.mulf %get3A_615, %gather3A_566 : vector<16xf32>
        %swap3A_617 = arith.index_cast %and3A_275 : i32 to index
        %swap3A_618 = arith.index_cast %add3A_558 : i32 to index
        %swap3A_619 = arith.constant 80 : index
        %swap3A_620 = tpu.vector_load %arg13[%swap3A_617, %swap3A_618, %swap3A_619] {strides = array<i32>} : memref<2x64x128xf32, #tpu.memory_space<vmem>>, vector<16xf32>,
        tpu.vector_store %arg13[%swap3A_617, %swap3A_618, %swap3A_619], %mul3A_616 {strides = array<i32>} : memref<2x64x128xf32, #tpu.memory_space<vmem>>, vector<16xf32>,
        %get3A_621 = arith.index_cast %and3A_275 : i32 to index
        %get3A_622 = arith.index_cast %add3A_558 : i32 to index
        %get3A_623 = arith.constant 96 : index
        %get3A_624 = tpu.vector_load %arg13[%get3A_621, %get3A_622, %get3A_623] {strides = array<i32>} : memref<2x64x128xf32, #tpu.memory_space<vmem>>, vector<16xf32>,
        %mul3A_625 = arith.mulf %get3A_624, %gather3A_566 : vector<16xf32>
        %swap3A_626 = arith.index_cast %and3A_275 : i32 to index
        %swap3A_627 = arith.index_cast %add3A_558 : i32 to index
        %swap3A_628 = arith.constant 96 : index
        %swap3A_629 = tpu.vector_load %arg13[%swap3A_626, %swap3A_627, %swap3A_628] {strides = array<i32>} : memref<2x64x128xf32, #tpu.memory_space<vmem>>, vector<16xf32>,
        tpu.vector_store %arg13[%swap3A_626, %swap3A_627, %swap3A_628], %mul3A_625 {strides = array<i32>} : memref<2x64x128xf32, #tpu.memory_space<vmem>>, vector<16xf32>,
        %get3A_630 = arith.index_cast %and3A_275 : i32 to index
        %get3A_631 = arith.index_cast %add3A_558 : i32 to index
        %get3A_632 = arith.constant 112 : index
        %get3A_633 = tpu.vector_load %arg13[%get3A_630, %get3A_631, %get3A_632] {strides = array<i32>} : memref<2x64x128xf32, #tpu.memory_space<vmem>>, vector<16xf32>,
        %mul3A_634 = arith.mulf %get3A_633, %gather3A_566 : vector<16xf32>
        %swap3A_635 = arith.index_cast %and3A_275 : i32 to index
        %swap3A_636 = arith.index_cast %add3A_558 : i32 to index
        %swap3A_637 = arith.constant 112 : index
        %swap3A_638 = tpu.vector_load %arg13[%swap3A_635, %swap3A_636, %swap3A_637] {strides = array<i32>} : memref<2x64x128xf32, #tpu.memory_space<vmem>>, vector<16xf32>,
        tpu.vector_store %arg13[%swap3A_635, %swap3A_636, %swap3A_637], %mul3A_634 {strides = array<i32>} : memref<2x64x128xf32, #tpu.memory_space<vmem>>, vector<16xf32>,
      }
      %scan3A_297 = arith.constant 64 : i32
      "tpu.region"() ({
        %run_scoped3A_298 = tpu.sem_alloc : memref<!tpu.dma_semaphore, #tpu.memory_space<semaphore_mem>>
        %dma_start3A = arith.constant 0 : i32
        %dma_start3A_299 = arith.constant 0 : i32
        %dma_start3A_300 = tpu.memref_slice %arg13[%and3A_275, %dma_start3A, %dma_start3A_299] : memref<2x64x128xf32, #tpu.memory_space<vmem>> -> memref<1x64x128xf32, #tpu.memory_space<vmem>>
        %dma_start3A_301 = tpu.memref_squeeze %dma_start3A_300 : memref<1x64x128xf32, #tpu.memory_space<vmem>> -> memref<64x128xf32, #tpu.memory_space<vmem>>
        %dma_start3A_302 = arith.constant 0 : i32
        %dma_start3A_303 = tpu.memref_slice %arg15[%and3A_275, %dma_start3A_302] : memref<2x64xi32, #tpu.memory_space<vmem>> -> memref<1x64xi32, #tpu.memory_space<vmem>>
        %dma_start3A_304 = tpu.memref_squeeze %dma_start3A_303 : memref<1x64xi32, #tpu.memory_space<vmem>> -> memref<64xi32, #tpu.memory_space<vmem>>
        %dma_start3A_305 = arith.constant 0 : i32
        %dma_start3A_306 = arith.constant 0 : i32
        %dma_start3A_307 = tpu.memref_slice %arg19[%dma_start3A_305, %dma_start3A_306] : memref<5120x128xf32, #tpu.memory_space<vmem_shared>> -> memref<5120x128xf32, #tpu.memory_space<vmem_shared>>
        tpu.enqueue_indirect_dma source(%dma_start3A_301 : memref<64x128xf32, #tpu.memory_space<vmem>>) target(%dma_start3A_307 : memref<5120x128xf32, #tpu.memory_space<vmem_shared>>) offsets(%dma_start3A_304 : memref<64xi32, #tpu.memory_space<vmem>>) semaphore(%run_scoped3A_298 : memref<!tpu.dma_semaphore, #tpu.memory_space<semaphore_mem>>) {add = true}
        %dma_wait3A_308 = arith.constant 0 : i32
        %dma_wait3A_309 = arith.constant 0 : i32
        %dma_wait3A_310 = tpu.memref_slice %arg13[%and3A_275, %dma_wait3A_308, %dma_wait3A_309] : memref<2x64x128xf32, #tpu.memory_space<vmem>> -> memref<1x64x128xf32, #tpu.memory_space<vmem>>
        %dma_wait3A_311 = tpu.memref_squeeze %dma_wait3A_310 : memref<1x64x128xf32, #tpu.memory_space<vmem>> -> memref<64x128xf32, #tpu.memory_space<vmem>>
        %dma_wait3A_312 = arith.constant 0 : i32
        %dma_wait3A_313 = tpu.memref_slice %arg15[%and3A_275, %dma_wait3A_312] : memref<2x64xi32, #tpu.memory_space<vmem>> -> memref<1x64xi32, #tpu.memory_space<vmem>>
        %dma_wait3A_314 = tpu.memref_squeeze %dma_wait3A_313 : memref<1x64xi32, #tpu.memory_space<vmem>> -> memref<64xi32, #tpu.memory_space<vmem>>
        %dma_wait3A_315 = arith.constant 0 : i32
        %dma_wait3A_316 = arith.constant 0 : i32
        %dma_wait3A_317 = tpu.memref_slice %arg19[%dma_wait3A_315, %dma_wait3A_316] : memref<5120x128xf32, #tpu.memory_space<vmem_shared>> -> memref<5120x128xf32, #tpu.memory_space<vmem_shared>>
        tpu.wait_indirect_dma semaphore(%run_scoped3A_298 : memref<!tpu.dma_semaphore, #tpu.memory_space<semaphore_mem>>) src(%dma_wait3A_311 : memref<64x128xf32, #tpu.memory_space<vmem>>) dst(%dma_wait3A_317 : memref<5120x128xf32, #tpu.memory_space<vmem_shared>>)
        tpu.yield
      }) : () -> ()
    }
    %while3A_242 = arith.constant 1 : i32
    scf.for %while3A_271 = %while3A_240 to %while3A_236 step %while3A_242  : i32 {
      %mul3A_272 = arith.muli %while3A_271, %while3A_232 : i32
      %add3A_273 = arith.addi %while3A_233, %mul3A_272 : i32
      %and3A_274 = arith.constant 1 : i32
      %and3A_275 = arith.andi %add3A_273, %and3A_274 : i32
      %add3A_276 = arith.constant 1 : i32
      %add3A_277 = arith.addi %add3A_273, %add3A_276 : i32
      %lt3A_278 = arith.cmpi slt, %add3A_277, %select_n3A_219 : i32
      %convert_element_type3A_279 = arith.extui %lt3A_278 : i1 to i32
      %cond3A_280 = arith.constant 0 : i32
      %cond3A_281 = arith.cmpi ne, %convert_element_type3A_279, %cond3A_280 : i32
      scf.if %cond3A_281 {
        %add3A_298 = arith.constant 1 : i32
        %add3A_299 = arith.addi %add3A_273, %add3A_298 : i32
        %sub3A_300 = arith.constant 1 : i32
        %sub3A_301 = arith.subi %sub3A_300, %and3A_275 : i32
        %mul3A_302 = arith.constant 64 : i32
        %mul3A_303 = arith.muli %add3A_299, %mul3A_302 : i32
        %add3A_304 = arith.constant 0 : i32
        %add3A_305 = arith.addi %mul3A_303, %add3A_304 : i32
        %get3A = arith.index_cast %add3A_305 : i32 to index
        %get3A_306 = tpu.vector_load %arg8[%get3A] {strides = array<i32>} : memref<20992xi32, #tpu.memory_space<vmem>>, vector<16xi32>,
        %shift_right_logical3A = arith.constant 13 : i32
        %shift_right_logical3A_307 = vector.broadcast %shift_right_logical3A : i32 to vector<16xi32>
        %shift_right_logical3A_308 = arith.shrui %get3A_306, %shift_right_logical3A_307 : vector<16xi32>
        %and3A_309 = arith.constant 8191 : i32
        %and3A_310 = vector.broadcast %and3A_309 : i32 to vector<16xi32>
        %and3A_311 = arith.andi %get3A_306, %and3A_310 : vector<16xi32>
        %swap3A_312 = arith.index_cast %sub3A_301 : i32 to index
        %swap3A_313 = arith.constant 0 : index
        %swap3A_314 = tpu.vector_load %arg14[%swap3A_312, %swap3A_313] {strides = array<i32>} : memref<2x64xi32, #tpu.memory_space<vmem>>, vector<16xi32>,
        tpu.vector_store %arg14[%swap3A_312, %swap3A_313], %shift_right_logical3A_308 {strides = array<i32>} : memref<2x64xi32, #tpu.memory_space<vmem>>, vector<16xi32>,
        %swap3A_315 = arith.index_cast %sub3A_301 : i32 to index
        %swap3A_316 = arith.constant 0 : index
        %swap3A_317 = tpu.vector_load %arg15[%swap3A_315, %swap3A_316] {strides = array<i32>} : memref<2x64xi32, #tpu.memory_space<vmem>>, vector<16xi32>,
        tpu.vector_store %arg15[%swap3A_315, %swap3A_316], %and3A_311 {strides = array<i32>} : memref<2x64xi32, #tpu.memory_space<vmem>>, vector<16xi32>,
        %gather3A = tpu.vector_load_idx %arg10[%shift_right_logical3A_308] : memref<10240xf32, #tpu.memory_space<vmem>>[vector<16xi32>], vector<16xf32>,
        %gather3A_318 = tpu.vector_load_idx %arg11[%and3A_311] : memref<5120xf32, #tpu.memory_space<vmem>>[vector<16xi32>], vector<16xf32>,
        %add3A_319 = arith.addf %gather3A, %gather3A_318 : vector<16xf32>
        %gt3A_320 = arith.constant 0.000000e+00 : f32
        %gt3A_321 = vector.broadcast %gt3A_320 : f32 to vector<16xf32>
        %gt3A_322 = arith.cmpf ogt, %add3A_319, %gt3A_321 : vector<16xf32>
        %mul3A_323 = arith.constant 2.000000e-01 : f32
        %mul3A_324 = vector.broadcast %mul3A_323 : f32 to vector<16xf32>
        %mul3A_325 = arith.mulf %add3A_319, %mul3A_324 : vector<16xf32>
        %select_n3A_326 = arith.select %gt3A_322, %add3A_319, %mul3A_325 : vector<16xi1>, vector<16xf32>
        %gather3A_327 = tpu.vector_load_idx %arg12[%and3A_311] : memref<5120xf32, #tpu.memory_space<vmem>>[vector<16xi32>], vector<16xf32>,
        %exp3A = math.exp %select_n3A_326 : vector<16xf32>
        %add3A_328 = arith.constant 1.000000e-16 : f32
        %add3A_329 = vector.broadcast %add3A_328 : f32 to vector<16xf32>
        %add3A_330 = arith.addf %gather3A_327, %add3A_329 : vector<16xf32>
        %div3A_331 = arith.divf %exp3A, %add3A_330 : vector<16xf32>
        %add3A_332 = vector.broadcast %add3A_305 : i32 to vector<16xi32>
        %add3A_333 = arith.addi %iota3A, %add3A_332 : vector<16xi32>
        %lt3A_334 = vector.broadcast %scan3A_45 : i32 to vector<16xi32>
        %lt3A_335 = arith.cmpi slt, %add3A_333, %lt3A_334 : vector<16xi32>
        %jit3A_336 = arith.constant 0.000000e+00 : f32
        %broadcast_in_dim3A_337 = vector.broadcast %jit3A_336 : f32 to vector<16xf32>
        %select_n3A_338 = arith.select %lt3A_335, %div3A_331, %broadcast_in_dim3A_337 : vector<16xi1>, vector<16xf32>
        %swap3A_339 = arith.index_cast %sub3A_301 : i32 to index
        %swap3A_340 = arith.constant 0 : index
        %swap3A_341 = tpu.vector_load %arg16[%swap3A_339, %swap3A_340] {strides = array<i32>} : memref<2x64xf32, #tpu.memory_space<vmem>>, vector<16xf32>,
        tpu.vector_store %arg16[%swap3A_339, %swap3A_340], %select_n3A_338 {strides = array<i32>} : memref<2x64xf32, #tpu.memory_space<vmem>>, vector<16xf32>,
        %add3A_342 = arith.constant 16 : i32
        %add3A_343 = arith.addi %mul3A_303, %add3A_342 : i32
        %get3A_344 = arith.index_cast %add3A_343 : i32 to index
        %get3A_345 = tpu.vector_load %arg8[%get3A_344] {strides = array<i32>} : memref<20992xi32, #tpu.memory_space<vmem>>, vector<16xi32>,
        %shift_right_logical3A_346 = arith.constant 13 : i32
        %shift_right_logical3A_347 = vector.broadcast %shift_right_logical3A_346 : i32 to vector<16xi32>
        %shift_right_logical3A_348 = arith.shrui %get3A_345, %shift_right_logical3A_347 : vector<16xi32>
        %and3A_349 = arith.constant 8191 : i32
        %and3A_350 = vector.broadcast %and3A_349 : i32 to vector<16xi32>
        %and3A_351 = arith.andi %get3A_345, %and3A_350 : vector<16xi32>
        %swap3A_352 = arith.index_cast %sub3A_301 : i32 to index
        %swap3A_353 = arith.constant 16 : index
        %swap3A_354 = tpu.vector_load %arg14[%swap3A_352, %swap3A_353] {strides = array<i32>} : memref<2x64xi32, #tpu.memory_space<vmem>>, vector<16xi32>,
        tpu.vector_store %arg14[%swap3A_352, %swap3A_353], %shift_right_logical3A_348 {strides = array<i32>} : memref<2x64xi32, #tpu.memory_space<vmem>>, vector<16xi32>,
        %swap3A_355 = arith.index_cast %sub3A_301 : i32 to index
        %swap3A_356 = arith.constant 16 : index
        %swap3A_357 = tpu.vector_load %arg15[%swap3A_355, %swap3A_356] {strides = array<i32>} : memref<2x64xi32, #tpu.memory_space<vmem>>, vector<16xi32>,
        tpu.vector_store %arg15[%swap3A_355, %swap3A_356], %and3A_351 {strides = array<i32>} : memref<2x64xi32, #tpu.memory_space<vmem>>, vector<16xi32>,
        %gather3A_358 = tpu.vector_load_idx %arg10[%shift_right_logical3A_348] : memref<10240xf32, #tpu.memory_space<vmem>>[vector<16xi32>], vector<16xf32>,
        %gather3A_359 = tpu.vector_load_idx %arg11[%and3A_351] : memref<5120xf32, #tpu.memory_space<vmem>>[vector<16xi32>], vector<16xf32>,
        %add3A_360 = arith.addf %gather3A_358, %gather3A_359 : vector<16xf32>
        %gt3A_361 = arith.constant 0.000000e+00 : f32
        %gt3A_362 = vector.broadcast %gt3A_361 : f32 to vector<16xf32>
        %gt3A_363 = arith.cmpf ogt, %add3A_360, %gt3A_362 : vector<16xf32>
        %mul3A_364 = arith.constant 2.000000e-01 : f32
        %mul3A_365 = vector.broadcast %mul3A_364 : f32 to vector<16xf32>
        %mul3A_366 = arith.mulf %add3A_360, %mul3A_365 : vector<16xf32>
        %select_n3A_367 = arith.select %gt3A_363, %add3A_360, %mul3A_366 : vector<16xi1>, vector<16xf32>
        %gather3A_368 = tpu.vector_load_idx %arg12[%and3A_351] : memref<5120xf32, #tpu.memory_space<vmem>>[vector<16xi32>], vector<16xf32>,
        %exp3A_369 = math.exp %select_n3A_367 : vector<16xf32>
        %add3A_370 = arith.constant 1.000000e-16 : f32
        %add3A_371 = vector.broadcast %add3A_370 : f32 to vector<16xf32>
        %add3A_372 = arith.addf %gather3A_368, %add3A_371 : vector<16xf32>
        %div3A_373 = arith.divf %exp3A_369, %add3A_372 : vector<16xf32>
        %add3A_374 = vector.broadcast %add3A_343 : i32 to vector<16xi32>
        %add3A_375 = arith.addi %iota3A, %add3A_374 : vector<16xi32>
        %lt3A_376 = vector.broadcast %scan3A_45 : i32 to vector<16xi32>
        %lt3A_377 = arith.cmpi slt, %add3A_375, %lt3A_376 : vector<16xi32>
        %jit3A_378 = arith.constant 0.000000e+00 : f32
        %broadcast_in_dim3A_379 = vector.broadcast %jit3A_378 : f32 to vector<16xf32>
        %select_n3A_380 = arith.select %lt3A_377, %div3A_373, %broadcast_in_dim3A_379 : vector<16xi1>, vector<16xf32>
        %swap3A_381 = arith.index_cast %sub3A_301 : i32 to index
        %swap3A_382 = arith.constant 16 : index
        %swap3A_383 = tpu.vector_load %arg16[%swap3A_381, %swap3A_382] {strides = array<i32>} : memref<2x64xf32, #tpu.memory_space<vmem>>, vector<16xf32>,
        tpu.vector_store %arg16[%swap3A_381, %swap3A_382], %select_n3A_380 {strides = array<i32>} : memref<2x64xf32, #tpu.memory_space<vmem>>, vector<16xf32>,
        %add3A_384 = arith.constant 32 : i32
        %add3A_385 = arith.addi %mul3A_303, %add3A_384 : i32
        %get3A_386 = arith.index_cast %add3A_385 : i32 to index
        %get3A_387 = tpu.vector_load %arg8[%get3A_386] {strides = array<i32>} : memref<20992xi32, #tpu.memory_space<vmem>>, vector<16xi32>,
        %shift_right_logical3A_388 = arith.constant 13 : i32
        %shift_right_logical3A_389 = vector.broadcast %shift_right_logical3A_388 : i32 to vector<16xi32>
        %shift_right_logical3A_390 = arith.shrui %get3A_387, %shift_right_logical3A_389 : vector<16xi32>
        %and3A_391 = arith.constant 8191 : i32
        %and3A_392 = vector.broadcast %and3A_391 : i32 to vector<16xi32>
        %and3A_393 = arith.andi %get3A_387, %and3A_392 : vector<16xi32>
        %swap3A_394 = arith.index_cast %sub3A_301 : i32 to index
        %swap3A_395 = arith.constant 32 : index
        %swap3A_396 = tpu.vector_load %arg14[%swap3A_394, %swap3A_395] {strides = array<i32>} : memref<2x64xi32, #tpu.memory_space<vmem>>, vector<16xi32>,
        tpu.vector_store %arg14[%swap3A_394, %swap3A_395], %shift_right_logical3A_390 {strides = array<i32>} : memref<2x64xi32, #tpu.memory_space<vmem>>, vector<16xi32>,
        %swap3A_397 = arith.index_cast %sub3A_301 : i32 to index
        %swap3A_398 = arith.constant 32 : index
        %swap3A_399 = tpu.vector_load %arg15[%swap3A_397, %swap3A_398] {strides = array<i32>} : memref<2x64xi32, #tpu.memory_space<vmem>>, vector<16xi32>,
        tpu.vector_store %arg15[%swap3A_397, %swap3A_398], %and3A_393 {strides = array<i32>} : memref<2x64xi32, #tpu.memory_space<vmem>>, vector<16xi32>,
        %gather3A_400 = tpu.vector_load_idx %arg10[%shift_right_logical3A_390] : memref<10240xf32, #tpu.memory_space<vmem>>[vector<16xi32>], vector<16xf32>,
        %gather3A_401 = tpu.vector_load_idx %arg11[%and3A_393] : memref<5120xf32, #tpu.memory_space<vmem>>[vector<16xi32>], vector<16xf32>,
        %add3A_402 = arith.addf %gather3A_400, %gather3A_401 : vector<16xf32>
        %gt3A_403 = arith.constant 0.000000e+00 : f32
        %gt3A_404 = vector.broadcast %gt3A_403 : f32 to vector<16xf32>
        %gt3A_405 = arith.cmpf ogt, %add3A_402, %gt3A_404 : vector<16xf32>
        %mul3A_406 = arith.constant 2.000000e-01 : f32
        %mul3A_407 = vector.broadcast %mul3A_406 : f32 to vector<16xf32>
        %mul3A_408 = arith.mulf %add3A_402, %mul3A_407 : vector<16xf32>
        %select_n3A_409 = arith.select %gt3A_405, %add3A_402, %mul3A_408 : vector<16xi1>, vector<16xf32>
        %gather3A_410 = tpu.vector_load_idx %arg12[%and3A_393] : memref<5120xf32, #tpu.memory_space<vmem>>[vector<16xi32>], vector<16xf32>,
        %exp3A_411 = math.exp %select_n3A_409 : vector<16xf32>
        %add3A_412 = arith.constant 1.000000e-16 : f32
        %add3A_413 = vector.broadcast %add3A_412 : f32 to vector<16xf32>
        %add3A_414 = arith.addf %gather3A_410, %add3A_413 : vector<16xf32>
        %div3A_415 = arith.divf %exp3A_411, %add3A_414 : vector<16xf32>
        %add3A_416 = vector.broadcast %add3A_385 : i32 to vector<16xi32>
        %add3A_417 = arith.addi %iota3A, %add3A_416 : vector<16xi32>
        %lt3A_418 = vector.broadcast %scan3A_45 : i32 to vector<16xi32>
        %lt3A_419 = arith.cmpi slt, %add3A_417, %lt3A_418 : vector<16xi32>
        %jit3A_420 = arith.constant 0.000000e+00 : f32
        %broadcast_in_dim3A_421 = vector.broadcast %jit3A_420 : f32 to vector<16xf32>
        %select_n3A_422 = arith.select %lt3A_419, %div3A_415, %broadcast_in_dim3A_421 : vector<16xi1>, vector<16xf32>
        %swap3A_423 = arith.index_cast %sub3A_301 : i32 to index
        %swap3A_424 = arith.constant 32 : index
        %swap3A_425 = tpu.vector_load %arg16[%swap3A_423, %swap3A_424] {strides = array<i32>} : memref<2x64xf32, #tpu.memory_space<vmem>>, vector<16xf32>,
        tpu.vector_store %arg16[%swap3A_423, %swap3A_424], %select_n3A_422 {strides = array<i32>} : memref<2x64xf32, #tpu.memory_space<vmem>>, vector<16xf32>,
        %add3A_426 = arith.constant 48 : i32
        %add3A_427 = arith.addi %mul3A_303, %add3A_426 : i32
        %get3A_428 = arith.index_cast %add3A_427 : i32 to index
        %get3A_429 = tpu.vector_load %arg8[%get3A_428] {strides = array<i32>} : memref<20992xi32, #tpu.memory_space<vmem>>, vector<16xi32>,
        %shift_right_logical3A_430 = arith.constant 13 : i32
        %shift_right_logical3A_431 = vector.broadcast %shift_right_logical3A_430 : i32 to vector<16xi32>
        %shift_right_logical3A_432 = arith.shrui %get3A_429, %shift_right_logical3A_431 : vector<16xi32>
        %and3A_433 = arith.constant 8191 : i32
        %and3A_434 = vector.broadcast %and3A_433 : i32 to vector<16xi32>
        %and3A_435 = arith.andi %get3A_429, %and3A_434 : vector<16xi32>
        %swap3A_436 = arith.index_cast %sub3A_301 : i32 to index
        %swap3A_437 = arith.constant 48 : index
        %swap3A_438 = tpu.vector_load %arg14[%swap3A_436, %swap3A_437] {strides = array<i32>} : memref<2x64xi32, #tpu.memory_space<vmem>>, vector<16xi32>,
        tpu.vector_store %arg14[%swap3A_436, %swap3A_437], %shift_right_logical3A_432 {strides = array<i32>} : memref<2x64xi32, #tpu.memory_space<vmem>>, vector<16xi32>,
        %swap3A_439 = arith.index_cast %sub3A_301 : i32 to index
        %swap3A_440 = arith.constant 48 : index
        %swap3A_441 = tpu.vector_load %arg15[%swap3A_439, %swap3A_440] {strides = array<i32>} : memref<2x64xi32, #tpu.memory_space<vmem>>, vector<16xi32>,
        tpu.vector_store %arg15[%swap3A_439, %swap3A_440], %and3A_435 {strides = array<i32>} : memref<2x64xi32, #tpu.memory_space<vmem>>, vector<16xi32>,
        %gather3A_442 = tpu.vector_load_idx %arg10[%shift_right_logical3A_432] : memref<10240xf32, #tpu.memory_space<vmem>>[vector<16xi32>], vector<16xf32>,
        %gather3A_443 = tpu.vector_load_idx %arg11[%and3A_435] : memref<5120xf32, #tpu.memory_space<vmem>>[vector<16xi32>], vector<16xf32>,
        %add3A_444 = arith.addf %gather3A_442, %gather3A_443 : vector<16xf32>
        %gt3A_445 = arith.constant 0.000000e+00 : f32
        %gt3A_446 = vector.broadcast %gt3A_445 : f32 to vector<16xf32>
        %gt3A_447 = arith.cmpf ogt, %add3A_444, %gt3A_446 : vector<16xf32>
        %mul3A_448 = arith.constant 2.000000e-01 : f32
        %mul3A_449 = vector.broadcast %mul3A_448 : f32 to vector<16xf32>
        %mul3A_450 = arith.mulf %add3A_444, %mul3A_449 : vector<16xf32>
        %select_n3A_451 = arith.select %gt3A_447, %add3A_444, %mul3A_450 : vector<16xi1>, vector<16xf32>
        %gather3A_452 = tpu.vector_load_idx %arg12[%and3A_435] : memref<5120xf32, #tpu.memory_space<vmem>>[vector<16xi32>], vector<16xf32>,
        %exp3A_453 = math.exp %select_n3A_451 : vector<16xf32>
        %add3A_454 = arith.constant 1.000000e-16 : f32
        %add3A_455 = vector.broadcast %add3A_454 : f32 to vector<16xf32>
        %add3A_456 = arith.addf %gather3A_452, %add3A_455 : vector<16xf32>
        %div3A_457 = arith.divf %exp3A_453, %add3A_456 : vector<16xf32>
        %add3A_458 = vector.broadcast %add3A_427 : i32 to vector<16xi32>
        %add3A_459 = arith.addi %iota3A, %add3A_458 : vector<16xi32>
        %lt3A_460 = vector.broadcast %scan3A_45 : i32 to vector<16xi32>
        %lt3A_461 = arith.cmpi slt, %add3A_459, %lt3A_460 : vector<16xi32>
        %jit3A_462 = arith.constant 0.000000e+00 : f32
        %broadcast_in_dim3A_463 = vector.broadcast %jit3A_462 : f32 to vector<16xf32>
        %select_n3A_464 = arith.select %lt3A_461, %div3A_457, %broadcast_in_dim3A_463 : vector<16xi1>, vector<16xf32>
        %swap3A_465 = arith.index_cast %sub3A_301 : i32 to index
        %swap3A_466 = arith.constant 48 : index
        %swap3A_467 = tpu.vector_load %arg16[%swap3A_465, %swap3A_466] {strides = array<i32>} : memref<2x64xf32, #tpu.memory_space<vmem>>, vector<16xf32>,
        tpu.vector_store %arg16[%swap3A_465, %swap3A_466], %select_n3A_464 {strides = array<i32>} : memref<2x64xf32, #tpu.memory_space<vmem>>, vector<16xf32>,
        %sub3A_468 = arith.constant 1 : i32
        %sub3A_469 = arith.subi %sub3A_468, %and3A_275 : i32
        %dma_start3A = arith.constant 0 : i32
        %dma_start3A_470 = arith.constant 0 : i32
        %dma_start3A_471 = tpu.memref_slice %arg13[%sub3A_469, %dma_start3A, %dma_start3A_470] : memref<2x64x128xf32, #tpu.memory_space<vmem>> -> memref<1x64x128xf32, #tpu.memory_space<vmem>>
        %dma_start3A_472 = tpu.memref_squeeze %dma_start3A_471 : memref<1x64x128xf32, #tpu.memory_space<vmem>> -> memref<64x128xf32, #tpu.memory_space<vmem>>
        %dma_start3A_473 = arith.constant 0 : i32
        %dma_start3A_474 = tpu.memref_slice %arg14[%sub3A_469, %dma_start3A_473] : memref<2x64xi32, #tpu.memory_space<vmem>> -> memref<1x64xi32, #tpu.memory_space<vmem>>
        %dma_start3A_475 = tpu.memref_squeeze %dma_start3A_474 : memref<1x64xi32, #tpu.memory_space<vmem>> -> memref<64xi32, #tpu.memory_space<vmem>>
        %dma_start3A_476 = arith.constant 0 : i32
        %dma_start3A_477 = arith.constant 0 : i32
        %dma_start3A_478 = tpu.memref_slice %arg4[%dma_start3A_476, %dma_start3A_477] : memref<10240x128xf32, #tpu.memory_space<hbm>> -> memref<10240x128xf32, #tpu.memory_space<hbm>>
        %dma_start3A_479 = tpu.memref_slice %arg18[%sub3A_469] : memref<2x!tpu.dma_semaphore, #tpu.memory_space<semaphore_mem>> -> memref<1x!tpu.dma_semaphore, #tpu.memory_space<semaphore_mem>>
        %dma_start3A_480 = tpu.memref_squeeze %dma_start3A_479 : memref<1x!tpu.dma_semaphore, #tpu.memory_space<semaphore_mem>> -> memref<!tpu.dma_semaphore, #tpu.memory_space<semaphore_mem>>
        tpu.enqueue_indirect_dma source(%dma_start3A_478 : memref<10240x128xf32, #tpu.memory_space<hbm>>) target(%dma_start3A_472 : memref<64x128xf32, #tpu.memory_space<vmem>>) offsets(%dma_start3A_475 : memref<64xi32, #tpu.memory_space<vmem>>) semaphore(%dma_start3A_480 : memref<!tpu.dma_semaphore, #tpu.memory_space<semaphore_mem>>)
      } else {
      }
      %dma_wait3A = arith.constant 0 : i32
      %dma_wait3A_282 = arith.constant 0 : i32
      %dma_wait3A_283 = tpu.memref_slice %arg13[%and3A_275, %dma_wait3A, %dma_wait3A_282] : memref<2x64x128xf32, #tpu.memory_space<vmem>> -> memref<1x64x128xf32, #tpu.memory_space<vmem>>
      %dma_wait3A_284 = tpu.memref_squeeze %dma_wait3A_283 : memref<1x64x128xf32, #tpu.memory_space<vmem>> -> memref<64x128xf32, #tpu.memory_space<vmem>>
      %dma_wait3A_285 = arith.constant 0 : i32
      %dma_wait3A_286 = tpu.memref_slice %arg14[%and3A_275, %dma_wait3A_285] : memref<2x64xi32, #tpu.memory_space<vmem>> -> memref<1x64xi32, #tpu.memory_space<vmem>>
      %dma_wait3A_287 = tpu.memref_squeeze %dma_wait3A_286 : memref<1x64xi32, #tpu.memory_space<vmem>> -> memref<64xi32, #tpu.memory_space<vmem>>
      %dma_wait3A_288 = arith.constant 0 : i32
      %dma_wait3A_289 = arith.constant 0 : i32
      %dma_wait3A_290 = tpu.memref_slice %arg4[%dma_wait3A_288, %dma_wait3A_289] : memref<10240x128xf32, #tpu.memory_space<hbm>> -> memref<10240x128xf32, #tpu.memory_space<hbm>>
      %dma_wait3A_291 = tpu.memref_slice %arg18[%and3A_275] : memref<2x!tpu.dma_semaphore, #tpu.memory_space<semaphore_mem>> -> memref<1x!tpu.dma_semaphore, #tpu.memory_space<semaphore_mem>>
      %dma_wait3A_292 = tpu.memref_squeeze %dma_wait3A_291 : memref<1x!tpu.dma_semaphore, #tpu.memory_space<semaphore_mem>> -> memref<!tpu.dma_semaphore, #tpu.memory_space<semaphore_mem>>
      tpu.wait_indirect_dma semaphore(%dma_wait3A_292 : memref<!tpu.dma_semaphore, #tpu.memory_space<semaphore_mem>>) src(%dma_wait3A_290 : memref<10240x128xf32, #tpu.memory_space<hbm>>) dst(%dma_wait3A_284 : memref<64x128xf32, #tpu.memory_space<vmem>>)
      %scan3A_293 = arith.constant 0 : i32
      %scan3A_294 = arith.constant 64 : i32
      %scan3A_295 = arith.addi %scan3A_293, %scan3A_294 : i32
      %scan3A_296 = arith.constant 4 : i32
      scf.for %scan3A_298 = %scan3A_293 to %scan3A_295 step %scan3A_296  : i32 {
        %mul3A_299 = arith.constant 1 : i32
        %mul3A_300 = arith.muli %scan3A_298, %mul3A_299 : i32
        %add3A_301 = arith.constant 0 : i32
        %add3A_302 = arith.addi %add3A_301, %mul3A_300 : i32
        %broadcast_in_dim3A_303 = arith.constant 0 : i32
        %broadcast_in_dim3A_304 = vector.broadcast %broadcast_in_dim3A_303 : i32 to vector<16xi32>
        %add3A_305 = vector.broadcast %add3A_302 : i32 to vector<16xi32>
        %add3A_306 = arith.addi %broadcast_in_dim3A_304, %add3A_305 : vector<16xi32>
        %gather3A = arith.constant 0 : i32
        %gather3A_307 = tpu.memref_slice %arg16[%and3A_275, %gather3A] : memref<2x64xf32, #tpu.memory_space<vmem>> -> memref<1x64xf32, #tpu.memory_space<vmem>>
        %gather3A_308 = tpu.memref_squeeze %gather3A_307 : memref<1x64xf32, #tpu.memory_space<vmem>> -> memref<64xf32, #tpu.memory_space<vmem>>
        %gather3A_309 = tpu.vector_load_idx %gather3A_308[%add3A_306] : memref<64xf32, #tpu.memory_space<vmem>>[vector<16xi32>], vector<16xf32>,
        %get3A = arith.index_cast %and3A_275 : i32 to index
        %get3A_310 = arith.index_cast %add3A_302 : i32 to index
        %get3A_311 = arith.constant 0 : index
        %get3A_312 = tpu.vector_load %arg13[%get3A, %get3A_310, %get3A_311] {strides = array<i32>} : memref<2x64x128xf32, #tpu.memory_space<vmem>>, vector<16xf32>,
        %mul3A_313 = arith.mulf %get3A_312, %gather3A_309 : vector<16xf32>
        %swap3A_314 = arith.index_cast %and3A_275 : i32 to index
        %swap3A_315 = arith.index_cast %add3A_302 : i32 to index
        %swap3A_316 = arith.constant 0 : index
        %swap3A_317 = tpu.vector_load %arg13[%swap3A_314, %swap3A_315, %swap3A_316] {strides = array<i32>} : memref<2x64x128xf32, #tpu.memory_space<vmem>>, vector<16xf32>,
        tpu.vector_store %arg13[%swap3A_314, %swap3A_315, %swap3A_316], %mul3A_313 {strides = array<i32>} : memref<2x64x128xf32, #tpu.memory_space<vmem>>, vector<16xf32>,
        %get3A_318 = arith.index_cast %and3A_275 : i32 to index
        %get3A_319 = arith.index_cast %add3A_302 : i32 to index
        %get3A_320 = arith.constant 16 : index
        %get3A_321 = tpu.vector_load %arg13[%get3A_318, %get3A_319, %get3A_320] {strides = array<i32>} : memref<2x64x128xf32, #tpu.memory_space<vmem>>, vector<16xf32>,
        %mul3A_322 = arith.mulf %get3A_321, %gather3A_309 : vector<16xf32>
        %swap3A_323 = arith.index_cast %and3A_275 : i32 to index
        %swap3A_324 = arith.index_cast %add3A_302 : i32 to index
        %swap3A_325 = arith.constant 16 : index
        %swap3A_326 = tpu.vector_load %arg13[%swap3A_323, %swap3A_324, %swap3A_325] {strides = array<i32>} : memref<2x64x128xf32, #tpu.memory_space<vmem>>, vector<16xf32>,
        tpu.vector_store %arg13[%swap3A_323, %swap3A_324, %swap3A_325], %mul3A_322 {strides = array<i32>} : memref<2x64x128xf32, #tpu.memory_space<vmem>>, vector<16xf32>,
        %get3A_327 = arith.index_cast %and3A_275 : i32 to index
        %get3A_328 = arith.index_cast %add3A_302 : i32 to index
        %get3A_329 = arith.constant 32 : index
        %get3A_330 = tpu.vector_load %arg13[%get3A_327, %get3A_328, %get3A_329] {strides = array<i32>} : memref<2x64x128xf32, #tpu.memory_space<vmem>>, vector<16xf32>,
        %mul3A_331 = arith.mulf %get3A_330, %gather3A_309 : vector<16xf32>
        %swap3A_332 = arith.index_cast %and3A_275 : i32 to index
        %swap3A_333 = arith.index_cast %add3A_302 : i32 to index
        %swap3A_334 = arith.constant 32 : index
        %swap3A_335 = tpu.vector_load %arg13[%swap3A_332, %swap3A_333, %swap3A_334] {strides = array<i32>} : memref<2x64x128xf32, #tpu.memory_space<vmem>>, vector<16xf32>,
        tpu.vector_store %arg13[%swap3A_332, %swap3A_333, %swap3A_334], %mul3A_331 {strides = array<i32>} : memref<2x64x128xf32, #tpu.memory_space<vmem>>, vector<16xf32>,
        %get3A_336 = arith.index_cast %and3A_275 : i32 to index
        %get3A_337 = arith.index_cast %add3A_302 : i32 to index
        %get3A_338 = arith.constant 48 : index
        %get3A_339 = tpu.vector_load %arg13[%get3A_336, %get3A_337, %get3A_338] {strides = array<i32>} : memref<2x64x128xf32, #tpu.memory_space<vmem>>, vector<16xf32>,
        %mul3A_340 = arith.mulf %get3A_339, %gather3A_309 : vector<16xf32>
        %swap3A_341 = arith.index_cast %and3A_275 : i32 to index
        %swap3A_342 = arith.index_cast %add3A_302 : i32 to index
        %swap3A_343 = arith.constant 48 : index
        %swap3A_344 = tpu.vector_load %arg13[%swap3A_341, %swap3A_342, %swap3A_343] {strides = array<i32>} : memref<2x64x128xf32, #tpu.memory_space<vmem>>, vector<16xf32>,
        tpu.vector_store %arg13[%swap3A_341, %swap3A_342, %swap3A_343], %mul3A_340 {strides = array<i32>} : memref<2x64x128xf32, #tpu.memory_space<vmem>>, vector<16xf32>,
        %get3A_345 = arith.index_cast %and3A_275 : i32 to index
        %get3A_346 = arith.index_cast %add3A_302 : i32 to index
        %get3A_347 = arith.constant 64 : index
        %get3A_348 = tpu.vector_load %arg13[%get3A_345, %get3A_346, %get3A_347] {strides = array<i32>} : memref<2x64x128xf32, #tpu.memory_space<vmem>>, vector<16xf32>,
        %mul3A_349 = arith.mulf %get3A_348, %gather3A_309 : vector<16xf32>
        %swap3A_350 = arith.index_cast %and3A_275 : i32 to index
        %swap3A_351 = arith.index_cast %add3A_302 : i32 to index
        %swap3A_352 = arith.constant 64 : index
        %swap3A_353 = tpu.vector_load %arg13[%swap3A_350, %swap3A_351, %swap3A_352] {strides = array<i32>} : memref<2x64x128xf32, #tpu.memory_space<vmem>>, vector<16xf32>,
        tpu.vector_store %arg13[%swap3A_350, %swap3A_351, %swap3A_352], %mul3A_349 {strides = array<i32>} : memref<2x64x128xf32, #tpu.memory_space<vmem>>, vector<16xf32>,
        %get3A_354 = arith.index_cast %and3A_275 : i32 to index
        %get3A_355 = arith.index_cast %add3A_302 : i32 to index
        %get3A_356 = arith.constant 80 : index
        %get3A_357 = tpu.vector_load %arg13[%get3A_354, %get3A_355, %get3A_356] {strides = array<i32>} : memref<2x64x128xf32, #tpu.memory_space<vmem>>, vector<16xf32>,
        %mul3A_358 = arith.mulf %get3A_357, %gather3A_309 : vector<16xf32>
        %swap3A_359 = arith.index_cast %and3A_275 : i32 to index
        %swap3A_360 = arith.index_cast %add3A_302 : i32 to index
        %swap3A_361 = arith.constant 80 : index
        %swap3A_362 = tpu.vector_load %arg13[%swap3A_359, %swap3A_360, %swap3A_361] {strides = array<i32>} : memref<2x64x128xf32, #tpu.memory_space<vmem>>, vector<16xf32>,
        tpu.vector_store %arg13[%swap3A_359, %swap3A_360, %swap3A_361], %mul3A_358 {strides = array<i32>} : memref<2x64x128xf32, #tpu.memory_space<vmem>>, vector<16xf32>,
        %get3A_363 = arith.index_cast %and3A_275 : i32 to index
        %get3A_364 = arith.index_cast %add3A_302 : i32 to index
        %get3A_365 = arith.constant 96 : index
        %get3A_366 = tpu.vector_load %arg13[%get3A_363, %get3A_364, %get3A_365] {strides = array<i32>} : memref<2x64x128xf32, #tpu.memory_space<vmem>>, vector<16xf32>,
        %mul3A_367 = arith.mulf %get3A_366, %gather3A_309 : vector<16xf32>
        %swap3A_368 = arith.index_cast %and3A_275 : i32 to index
        %swap3A_369 = arith.index_cast %add3A_302 : i32 to index
        %swap3A_370 = arith.constant 96 : index
        %swap3A_371 = tpu.vector_load %arg13[%swap3A_368, %swap3A_369, %swap3A_370] {strides = array<i32>} : memref<2x64x128xf32, #tpu.memory_space<vmem>>, vector<16xf32>,
        tpu.vector_store %arg13[%swap3A_368, %swap3A_369, %swap3A_370], %mul3A_367 {strides = array<i32>} : memref<2x64x128xf32, #tpu.memory_space<vmem>>, vector<16xf32>,
        %get3A_372 = arith.index_cast %and3A_275 : i32 to index
        %get3A_373 = arith.index_cast %add3A_302 : i32 to index
        %get3A_374 = arith.constant 112 : index
        %get3A_375 = tpu.vector_load %arg13[%get3A_372, %get3A_373, %get3A_374] {strides = array<i32>} : memref<2x64x128xf32, #tpu.memory_space<vmem>>, vector<16xf32>,
        %mul3A_376 = arith.mulf %get3A_375, %gather3A_309 : vector<16xf32>
        %swap3A_377 = arith.index_cast %and3A_275 : i32 to index
        %swap3A_378 = arith.index_cast %add3A_302 : i32 to index
        %swap3A_379 = arith.constant 112 : index
        %swap3A_380 = tpu.vector_load %arg13[%swap3A_377, %swap3A_378, %swap3A_379] {strides = array<i32>} : memref<2x64x128xf32, #tpu.memory_space<vmem>>, vector<16xf32>,
        tpu.vector_store %arg13[%swap3A_377, %swap3A_378, %swap3A_379], %mul3A_376 {strides = array<i32>} : memref<2x64x128xf32, #tpu.memory_space<vmem>>, vector<16xf32>,
        %scan3A_381 = arith.constant 1 : i32
        %scan3A_382 = arith.addi %scan3A_298, %scan3A_381 : i32
        %mul3A_383 = arith.constant 1 : i32
        %mul3A_384 = arith.muli %scan3A_382, %mul3A_383 : i32
        %add3A_385 = arith.constant 0 : i32
        %add3A_386 = arith.addi %add3A_385, %mul3A_384 : i32
        %broadcast_in_dim3A_387 = arith.constant 0 : i32
        %broadcast_in_dim3A_388 = vector.broadcast %broadcast_in_dim3A_387 : i32 to vector<16xi32>
        %add3A_389 = vector.broadcast %add3A_386 : i32 to vector<16xi32>
        %add3A_390 = arith.addi %broadcast_in_dim3A_388, %add3A_389 : vector<16xi32>
        %gather3A_391 = arith.constant 0 : i32
        %gather3A_392 = tpu.memref_slice %arg16[%and3A_275, %gather3A_391] : memref<2x64xf32, #tpu.memory_space<vmem>> -> memref<1x64xf32, #tpu.memory_space<vmem>>
        %gather3A_393 = tpu.memref_squeeze %gather3A_392 : memref<1x64xf32, #tpu.memory_space<vmem>> -> memref<64xf32, #tpu.memory_space<vmem>>
        %gather3A_394 = tpu.vector_load_idx %gather3A_393[%add3A_390] : memref<64xf32, #tpu.memory_space<vmem>>[vector<16xi32>], vector<16xf32>,
        %get3A_395 = arith.index_cast %and3A_275 : i32 to index
        %get3A_396 = arith.index_cast %add3A_386 : i32 to index
        %get3A_397 = arith.constant 0 : index
        %get3A_398 = tpu.vector_load %arg13[%get3A_395, %get3A_396, %get3A_397] {strides = array<i32>} : memref<2x64x128xf32, #tpu.memory_space<vmem>>, vector<16xf32>,
        %mul3A_399 = arith.mulf %get3A_398, %gather3A_394 : vector<16xf32>
        %swap3A_400 = arith.index_cast %and3A_275 : i32 to index
        %swap3A_401 = arith.index_cast %add3A_386 : i32 to index
        %swap3A_402 = arith.constant 0 : index
        %swap3A_403 = tpu.vector_load %arg13[%swap3A_400, %swap3A_401, %swap3A_402] {strides = array<i32>} : memref<2x64x128xf32, #tpu.memory_space<vmem>>, vector<16xf32>,
        tpu.vector_store %arg13[%swap3A_400, %swap3A_401, %swap3A_402], %mul3A_399 {strides = array<i32>} : memref<2x64x128xf32, #tpu.memory_space<vmem>>, vector<16xf32>,
        %get3A_404 = arith.index_cast %and3A_275 : i32 to index
        %get3A_405 = arith.index_cast %add3A_386 : i32 to index
        %get3A_406 = arith.constant 16 : index
        %get3A_407 = tpu.vector_load %arg13[%get3A_404, %get3A_405, %get3A_406] {strides = array<i32>} : memref<2x64x128xf32, #tpu.memory_space<vmem>>, vector<16xf32>,
        %mul3A_408 = arith.mulf %get3A_407, %gather3A_394 : vector<16xf32>
        %swap3A_409 = arith.index_cast %and3A_275 : i32 to index
        %swap3A_410 = arith.index_cast %add3A_386 : i32 to index
        %swap3A_411 = arith.constant 16 : index
        %swap3A_412 = tpu.vector_load %arg13[%swap3A_409, %swap3A_410, %swap3A_411] {strides = array<i32>} : memref<2x64x128xf32, #tpu.memory_space<vmem>>, vector<16xf32>,
        tpu.vector_store %arg13[%swap3A_409, %swap3A_410, %swap3A_411], %mul3A_408 {strides = array<i32>} : memref<2x64x128xf32, #tpu.memory_space<vmem>>, vector<16xf32>,
        %get3A_413 = arith.index_cast %and3A_275 : i32 to index
        %get3A_414 = arith.index_cast %add3A_386 : i32 to index
        %get3A_415 = arith.constant 32 : index
        %get3A_416 = tpu.vector_load %arg13[%get3A_413, %get3A_414, %get3A_415] {strides = array<i32>} : memref<2x64x128xf32, #tpu.memory_space<vmem>>, vector<16xf32>,
        %mul3A_417 = arith.mulf %get3A_416, %gather3A_394 : vector<16xf32>
        %swap3A_418 = arith.index_cast %and3A_275 : i32 to index
        %swap3A_419 = arith.index_cast %add3A_386 : i32 to index
        %swap3A_420 = arith.constant 32 : index
        %swap3A_421 = tpu.vector_load %arg13[%swap3A_418, %swap3A_419, %swap3A_420] {strides = array<i32>} : memref<2x64x128xf32, #tpu.memory_space<vmem>>, vector<16xf32>,
        tpu.vector_store %arg13[%swap3A_418, %swap3A_419, %swap3A_420], %mul3A_417 {strides = array<i32>} : memref<2x64x128xf32, #tpu.memory_space<vmem>>, vector<16xf32>,
        %get3A_422 = arith.index_cast %and3A_275 : i32 to index
        %get3A_423 = arith.index_cast %add3A_386 : i32 to index
        %get3A_424 = arith.constant 48 : index
        %get3A_425 = tpu.vector_load %arg13[%get3A_422, %get3A_423, %get3A_424] {strides = array<i32>} : memref<2x64x128xf32, #tpu.memory_space<vmem>>, vector<16xf32>,
        %mul3A_426 = arith.mulf %get3A_425, %gather3A_394 : vector<16xf32>
        %swap3A_427 = arith.index_cast %and3A_275 : i32 to index
        %swap3A_428 = arith.index_cast %add3A_386 : i32 to index
        %swap3A_429 = arith.constant 48 : index
        %swap3A_430 = tpu.vector_load %arg13[%swap3A_427, %swap3A_428, %swap3A_429] {strides = array<i32>} : memref<2x64x128xf32, #tpu.memory_space<vmem>>, vector<16xf32>,
        tpu.vector_store %arg13[%swap3A_427, %swap3A_428, %swap3A_429], %mul3A_426 {strides = array<i32>} : memref<2x64x128xf32, #tpu.memory_space<vmem>>, vector<16xf32>,
        %get3A_431 = arith.index_cast %and3A_275 : i32 to index
        %get3A_432 = arith.index_cast %add3A_386 : i32 to index
        %get3A_433 = arith.constant 64 : index
        %get3A_434 = tpu.vector_load %arg13[%get3A_431, %get3A_432, %get3A_433] {strides = array<i32>} : memref<2x64x128xf32, #tpu.memory_space<vmem>>, vector<16xf32>,
        %mul3A_435 = arith.mulf %get3A_434, %gather3A_394 : vector<16xf32>
        %swap3A_436 = arith.index_cast %and3A_275 : i32 to index
        %swap3A_437 = arith.index_cast %add3A_386 : i32 to index
        %swap3A_438 = arith.constant 64 : index
        %swap3A_439 = tpu.vector_load %arg13[%swap3A_436, %swap3A_437, %swap3A_438] {strides = array<i32>} : memref<2x64x128xf32, #tpu.memory_space<vmem>>, vector<16xf32>,
        tpu.vector_store %arg13[%swap3A_436, %swap3A_437, %swap3A_438], %mul3A_435 {strides = array<i32>} : memref<2x64x128xf32, #tpu.memory_space<vmem>>, vector<16xf32>,
        %get3A_440 = arith.index_cast %and3A_275 : i32 to index
        %get3A_441 = arith.index_cast %add3A_386 : i32 to index
        %get3A_442 = arith.constant 80 : index
        %get3A_443 = tpu.vector_load %arg13[%get3A_440, %get3A_441, %get3A_442] {strides = array<i32>} : memref<2x64x128xf32, #tpu.memory_space<vmem>>, vector<16xf32>,
        %mul3A_444 = arith.mulf %get3A_443, %gather3A_394 : vector<16xf32>
        %swap3A_445 = arith.index_cast %and3A_275 : i32 to index
        %swap3A_446 = arith.index_cast %add3A_386 : i32 to index
        %swap3A_447 = arith.constant 80 : index
        %swap3A_448 = tpu.vector_load %arg13[%swap3A_445, %swap3A_446, %swap3A_447] {strides = array<i32>} : memref<2x64x128xf32, #tpu.memory_space<vmem>>, vector<16xf32>,
        tpu.vector_store %arg13[%swap3A_445, %swap3A_446, %swap3A_447], %mul3A_444 {strides = array<i32>} : memref<2x64x128xf32, #tpu.memory_space<vmem>>, vector<16xf32>,
        %get3A_449 = arith.index_cast %and3A_275 : i32 to index
        %get3A_450 = arith.index_cast %add3A_386 : i32 to index
        %get3A_451 = arith.constant 96 : index
        %get3A_452 = tpu.vector_load %arg13[%get3A_449, %get3A_450, %get3A_451] {strides = array<i32>} : memref<2x64x128xf32, #tpu.memory_space<vmem>>, vector<16xf32>,
        %mul3A_453 = arith.mulf %get3A_452, %gather3A_394 : vector<16xf32>
        %swap3A_454 = arith.index_cast %and3A_275 : i32 to index
        %swap3A_455 = arith.index_cast %add3A_386 : i32 to index
        %swap3A_456 = arith.constant 96 : index
        %swap3A_457 = tpu.vector_load %arg13[%swap3A_454, %swap3A_455, %swap3A_456] {strides = array<i32>} : memref<2x64x128xf32, #tpu.memory_space<vmem>>, vector<16xf32>,
        tpu.vector_store %arg13[%swap3A_454, %swap3A_455, %swap3A_456], %mul3A_453 {strides = array<i32>} : memref<2x64x128xf32, #tpu.memory_space<vmem>>, vector<16xf32>,
        %get3A_458 = arith.index_cast %and3A_275 : i32 to index
        %get3A_459 = arith.index_cast %add3A_386 : i32 to index
        %get3A_460 = arith.constant 112 : index
        %get3A_461 = tpu.vector_load %arg13[%get3A_458, %get3A_459, %get3A_460] {strides = array<i32>} : memref<2x64x128xf32, #tpu.memory_space<vmem>>, vector<16xf32>,
        %mul3A_462 = arith.mulf %get3A_461, %gather3A_394 : vector<16xf32>
        %swap3A_463 = arith.index_cast %and3A_275 : i32 to index
        %swap3A_464 = arith.index_cast %add3A_386 : i32 to index
        %swap3A_465 = arith.constant 112 : index
        %swap3A_466 = tpu.vector_load %arg13[%swap3A_463, %swap3A_464, %swap3A_465] {strides = array<i32>} : memref<2x64x128xf32, #tpu.memory_space<vmem>>, vector<16xf32>,
        tpu.vector_store %arg13[%swap3A_463, %swap3A_464, %swap3A_465], %mul3A_462 {strides = array<i32>} : memref<2x64x128xf32, #tpu.memory_space<vmem>>, vector<16xf32>,
        %scan3A_467 = arith.constant 2 : i32
        %scan3A_468 = arith.addi %scan3A_298, %scan3A_467 : i32
        %mul3A_469 = arith.constant 1 : i32
        %mul3A_470 = arith.muli %scan3A_468, %mul3A_469 : i32
        %add3A_471 = arith.constant 0 : i32
        %add3A_472 = arith.addi %add3A_471, %mul3A_470 : i32
        %broadcast_in_dim3A_473 = arith.constant 0 : i32
        %broadcast_in_dim3A_474 = vector.broadcast %broadcast_in_dim3A_473 : i32 to vector<16xi32>
        %add3A_475 = vector.broadcast %add3A_472 : i32 to vector<16xi32>
        %add3A_476 = arith.addi %broadcast_in_dim3A_474, %add3A_475 : vector<16xi32>
        %gather3A_477 = arith.constant 0 : i32
        %gather3A_478 = tpu.memref_slice %arg16[%and3A_275, %gather3A_477] : memref<2x64xf32, #tpu.memory_space<vmem>> -> memref<1x64xf32, #tpu.memory_space<vmem>>
        %gather3A_479 = tpu.memref_squeeze %gather3A_478 : memref<1x64xf32, #tpu.memory_space<vmem>> -> memref<64xf32, #tpu.memory_space<vmem>>
        %gather3A_480 = tpu.vector_load_idx %gather3A_479[%add3A_476] : memref<64xf32, #tpu.memory_space<vmem>>[vector<16xi32>], vector<16xf32>,
        %get3A_481 = arith.index_cast %and3A_275 : i32 to index
        %get3A_482 = arith.index_cast %add3A_472 : i32 to index
        %get3A_483 = arith.constant 0 : index
        %get3A_484 = tpu.vector_load %arg13[%get3A_481, %get3A_482, %get3A_483] {strides = array<i32>} : memref<2x64x128xf32, #tpu.memory_space<vmem>>, vector<16xf32>,
        %mul3A_485 = arith.mulf %get3A_484, %gather3A_480 : vector<16xf32>
        %swap3A_486 = arith.index_cast %and3A_275 : i32 to index
        %swap3A_487 = arith.index_cast %add3A_472 : i32 to index
        %swap3A_488 = arith.constant 0 : index
        %swap3A_489 = tpu.vector_load %arg13[%swap3A_486, %swap3A_487, %swap3A_488] {strides = array<i32>} : memref<2x64x128xf32, #tpu.memory_space<vmem>>, vector<16xf32>,
        tpu.vector_store %arg13[%swap3A_486, %swap3A_487, %swap3A_488], %mul3A_485 {strides = array<i32>} : memref<2x64x128xf32, #tpu.memory_space<vmem>>, vector<16xf32>,
        %get3A_490 = arith.index_cast %and3A_275 : i32 to index
        %get3A_491 = arith.index_cast %add3A_472 : i32 to index
        %get3A_492 = arith.constant 16 : index
        %get3A_493 = tpu.vector_load %arg13[%get3A_490, %get3A_491, %get3A_492] {strides = array<i32>} : memref<2x64x128xf32, #tpu.memory_space<vmem>>, vector<16xf32>,
        %mul3A_494 = arith.mulf %get3A_493, %gather3A_480 : vector<16xf32>
        %swap3A_495 = arith.index_cast %and3A_275 : i32 to index
        %swap3A_496 = arith.index_cast %add3A_472 : i32 to index
        %swap3A_497 = arith.constant 16 : index
        %swap3A_498 = tpu.vector_load %arg13[%swap3A_495, %swap3A_496, %swap3A_497] {strides = array<i32>} : memref<2x64x128xf32, #tpu.memory_space<vmem>>, vector<16xf32>,
        tpu.vector_store %arg13[%swap3A_495, %swap3A_496, %swap3A_497], %mul3A_494 {strides = array<i32>} : memref<2x64x128xf32, #tpu.memory_space<vmem>>, vector<16xf32>,
        %get3A_499 = arith.index_cast %and3A_275 : i32 to index
        %get3A_500 = arith.index_cast %add3A_472 : i32 to index
        %get3A_501 = arith.constant 32 : index
        %get3A_502 = tpu.vector_load %arg13[%get3A_499, %get3A_500, %get3A_501] {strides = array<i32>} : memref<2x64x128xf32, #tpu.memory_space<vmem>>, vector<16xf32>,
        %mul3A_503 = arith.mulf %get3A_502, %gather3A_480 : vector<16xf32>
        %swap3A_504 = arith.index_cast %and3A_275 : i32 to index
        %swap3A_505 = arith.index_cast %add3A_472 : i32 to index
        %swap3A_506 = arith.constant 32 : index
        %swap3A_507 = tpu.vector_load %arg13[%swap3A_504, %swap3A_505, %swap3A_506] {strides = array<i32>} : memref<2x64x128xf32, #tpu.memory_space<vmem>>, vector<16xf32>,
        tpu.vector_store %arg13[%swap3A_504, %swap3A_505, %swap3A_506], %mul3A_503 {strides = array<i32>} : memref<2x64x128xf32, #tpu.memory_space<vmem>>, vector<16xf32>,
        %get3A_508 = arith.index_cast %and3A_275 : i32 to index
        %get3A_509 = arith.index_cast %add3A_472 : i32 to index
        %get3A_510 = arith.constant 48 : index
        %get3A_511 = tpu.vector_load %arg13[%get3A_508, %get3A_509, %get3A_510] {strides = array<i32>} : memref<2x64x128xf32, #tpu.memory_space<vmem>>, vector<16xf32>,
        %mul3A_512 = arith.mulf %get3A_511, %gather3A_480 : vector<16xf32>
        %swap3A_513 = arith.index_cast %and3A_275 : i32 to index
        %swap3A_514 = arith.index_cast %add3A_472 : i32 to index
        %swap3A_515 = arith.constant 48 : index
        %swap3A_516 = tpu.vector_load %arg13[%swap3A_513, %swap3A_514, %swap3A_515] {strides = array<i32>} : memref<2x64x128xf32, #tpu.memory_space<vmem>>, vector<16xf32>,
        tpu.vector_store %arg13[%swap3A_513, %swap3A_514, %swap3A_515], %mul3A_512 {strides = array<i32>} : memref<2x64x128xf32, #tpu.memory_space<vmem>>, vector<16xf32>,
        %get3A_517 = arith.index_cast %and3A_275 : i32 to index
        %get3A_518 = arith.index_cast %add3A_472 : i32 to index
        %get3A_519 = arith.constant 64 : index
        %get3A_520 = tpu.vector_load %arg13[%get3A_517, %get3A_518, %get3A_519] {strides = array<i32>} : memref<2x64x128xf32, #tpu.memory_space<vmem>>, vector<16xf32>,
        %mul3A_521 = arith.mulf %get3A_520, %gather3A_480 : vector<16xf32>
        %swap3A_522 = arith.index_cast %and3A_275 : i32 to index
        %swap3A_523 = arith.index_cast %add3A_472 : i32 to index
        %swap3A_524 = arith.constant 64 : index
        %swap3A_525 = tpu.vector_load %arg13[%swap3A_522, %swap3A_523, %swap3A_524] {strides = array<i32>} : memref<2x64x128xf32, #tpu.memory_space<vmem>>, vector<16xf32>,
        tpu.vector_store %arg13[%swap3A_522, %swap3A_523, %swap3A_524], %mul3A_521 {strides = array<i32>} : memref<2x64x128xf32, #tpu.memory_space<vmem>>, vector<16xf32>,
        %get3A_526 = arith.index_cast %and3A_275 : i32 to index
        %get3A_527 = arith.index_cast %add3A_472 : i32 to index
        %get3A_528 = arith.constant 80 : index
        %get3A_529 = tpu.vector_load %arg13[%get3A_526, %get3A_527, %get3A_528] {strides = array<i32>} : memref<2x64x128xf32, #tpu.memory_space<vmem>>, vector<16xf32>,
        %mul3A_530 = arith.mulf %get3A_529, %gather3A_480 : vector<16xf32>
        %swap3A_531 = arith.index_cast %and3A_275 : i32 to index
        %swap3A_532 = arith.index_cast %add3A_472 : i32 to index
        %swap3A_533 = arith.constant 80 : index
        %swap3A_534 = tpu.vector_load %arg13[%swap3A_531, %swap3A_532, %swap3A_533] {strides = array<i32>} : memref<2x64x128xf32, #tpu.memory_space<vmem>>, vector<16xf32>,
        tpu.vector_store %arg13[%swap3A_531, %swap3A_532, %swap3A_533], %mul3A_530 {strides = array<i32>} : memref<2x64x128xf32, #tpu.memory_space<vmem>>, vector<16xf32>,
        %get3A_535 = arith.index_cast %and3A_275 : i32 to index
        %get3A_536 = arith.index_cast %add3A_472 : i32 to index
        %get3A_537 = arith.constant 96 : index
        %get3A_538 = tpu.vector_load %arg13[%get3A_535, %get3A_536, %get3A_537] {strides = array<i32>} : memref<2x64x128xf32, #tpu.memory_space<vmem>>, vector<16xf32>,
        %mul3A_539 = arith.mulf %get3A_538, %gather3A_480 : vector<16xf32>
        %swap3A_540 = arith.index_cast %and3A_275 : i32 to index
        %swap3A_541 = arith.index_cast %add3A_472 : i32 to index
        %swap3A_542 = arith.constant 96 : index
        %swap3A_543 = tpu.vector_load %arg13[%swap3A_540, %swap3A_541, %swap3A_542] {strides = array<i32>} : memref<2x64x128xf32, #tpu.memory_space<vmem>>, vector<16xf32>,
        tpu.vector_store %arg13[%swap3A_540, %swap3A_541, %swap3A_542], %mul3A_539 {strides = array<i32>} : memref<2x64x128xf32, #tpu.memory_space<vmem>>, vector<16xf32>,
        %get3A_544 = arith.index_cast %and3A_275 : i32 to index
        %get3A_545 = arith.index_cast %add3A_472 : i32 to index
        %get3A_546 = arith.constant 112 : index
        %get3A_547 = tpu.vector_load %arg13[%get3A_544, %get3A_545, %get3A_546] {strides = array<i32>} : memref<2x64x128xf32, #tpu.memory_space<vmem>>, vector<16xf32>,
        %mul3A_548 = arith.mulf %get3A_547, %gather3A_480 : vector<16xf32>
        %swap3A_549 = arith.index_cast %and3A_275 : i32 to index
        %swap3A_550 = arith.index_cast %add3A_472 : i32 to index
        %swap3A_551 = arith.constant 112 : index
        %swap3A_552 = tpu.vector_load %arg13[%swap3A_549, %swap3A_550, %swap3A_551] {strides = array<i32>} : memref<2x64x128xf32, #tpu.memory_space<vmem>>, vector<16xf32>,
        tpu.vector_store %arg13[%swap3A_549, %swap3A_550, %swap3A_551], %mul3A_548 {strides = array<i32>} : memref<2x64x128xf32, #tpu.memory_space<vmem>>, vector<16xf32>,
        %scan3A_553 = arith.constant 3 : i32
        %scan3A_554 = arith.addi %scan3A_298, %scan3A_553 : i32
        %mul3A_555 = arith.constant 1 : i32
        %mul3A_556 = arith.muli %scan3A_554, %mul3A_555 : i32
        %add3A_557 = arith.constant 0 : i32
        %add3A_558 = arith.addi %add3A_557, %mul3A_556 : i32
        %broadcast_in_dim3A_559 = arith.constant 0 : i32
        %broadcast_in_dim3A_560 = vector.broadcast %broadcast_in_dim3A_559 : i32 to vector<16xi32>
        %add3A_561 = vector.broadcast %add3A_558 : i32 to vector<16xi32>
        %add3A_562 = arith.addi %broadcast_in_dim3A_560, %add3A_561 : vector<16xi32>
        %gather3A_563 = arith.constant 0 : i32
        %gather3A_564 = tpu.memref_slice %arg16[%and3A_275, %gather3A_563] : memref<2x64xf32, #tpu.memory_space<vmem>> -> memref<1x64xf32, #tpu.memory_space<vmem>>
        %gather3A_565 = tpu.memref_squeeze %gather3A_564 : memref<1x64xf32, #tpu.memory_space<vmem>> -> memref<64xf32, #tpu.memory_space<vmem>>
        %gather3A_566 = tpu.vector_load_idx %gather3A_565[%add3A_562] : memref<64xf32, #tpu.memory_space<vmem>>[vector<16xi32>], vector<16xf32>,
        %get3A_567 = arith.index_cast %and3A_275 : i32 to index
        %get3A_568 = arith.index_cast %add3A_558 : i32 to index
        %get3A_569 = arith.constant 0 : index
        %get3A_570 = tpu.vector_load %arg13[%get3A_567, %get3A_568, %get3A_569] {strides = array<i32>} : memref<2x64x128xf32, #tpu.memory_space<vmem>>, vector<16xf32>,
        %mul3A_571 = arith.mulf %get3A_570, %gather3A_566 : vector<16xf32>
        %swap3A_572 = arith.index_cast %and3A_275 : i32 to index
        %swap3A_573 = arith.index_cast %add3A_558 : i32 to index
        %swap3A_574 = arith.constant 0 : index
        %swap3A_575 = tpu.vector_load %arg13[%swap3A_572, %swap3A_573, %swap3A_574] {strides = array<i32>} : memref<2x64x128xf32, #tpu.memory_space<vmem>>, vector<16xf32>,
        tpu.vector_store %arg13[%swap3A_572, %swap3A_573, %swap3A_574], %mul3A_571 {strides = array<i32>} : memref<2x64x128xf32, #tpu.memory_space<vmem>>, vector<16xf32>,
        %get3A_576 = arith.index_cast %and3A_275 : i32 to index
        %get3A_577 = arith.index_cast %add3A_558 : i32 to index
        %get3A_578 = arith.constant 16 : index
        %get3A_579 = tpu.vector_load %arg13[%get3A_576, %get3A_577, %get3A_578] {strides = array<i32>} : memref<2x64x128xf32, #tpu.memory_space<vmem>>, vector<16xf32>,
        %mul3A_580 = arith.mulf %get3A_579, %gather3A_566 : vector<16xf32>
        %swap3A_581 = arith.index_cast %and3A_275 : i32 to index
        %swap3A_582 = arith.index_cast %add3A_558 : i32 to index
        %swap3A_583 = arith.constant 16 : index
        %swap3A_584 = tpu.vector_load %arg13[%swap3A_581, %swap3A_582, %swap3A_583] {strides = array<i32>} : memref<2x64x128xf32, #tpu.memory_space<vmem>>, vector<16xf32>,
        tpu.vector_store %arg13[%swap3A_581, %swap3A_582, %swap3A_583], %mul3A_580 {strides = array<i32>} : memref<2x64x128xf32, #tpu.memory_space<vmem>>, vector<16xf32>,
        %get3A_585 = arith.index_cast %and3A_275 : i32 to index
        %get3A_586 = arith.index_cast %add3A_558 : i32 to index
        %get3A_587 = arith.constant 32 : index
        %get3A_588 = tpu.vector_load %arg13[%get3A_585, %get3A_586, %get3A_587] {strides = array<i32>} : memref<2x64x128xf32, #tpu.memory_space<vmem>>, vector<16xf32>,
        %mul3A_589 = arith.mulf %get3A_588, %gather3A_566 : vector<16xf32>
        %swap3A_590 = arith.index_cast %and3A_275 : i32 to index
        %swap3A_591 = arith.index_cast %add3A_558 : i32 to index
        %swap3A_592 = arith.constant 32 : index
        %swap3A_593 = tpu.vector_load %arg13[%swap3A_590, %swap3A_591, %swap3A_592] {strides = array<i32>} : memref<2x64x128xf32, #tpu.memory_space<vmem>>, vector<16xf32>,
        tpu.vector_store %arg13[%swap3A_590, %swap3A_591, %swap3A_592], %mul3A_589 {strides = array<i32>} : memref<2x64x128xf32, #tpu.memory_space<vmem>>, vector<16xf32>,
        %get3A_594 = arith.index_cast %and3A_275 : i32 to index
        %get3A_595 = arith.index_cast %add3A_558 : i32 to index
        %get3A_596 = arith.constant 48 : index
        %get3A_597 = tpu.vector_load %arg13[%get3A_594, %get3A_595, %get3A_596] {strides = array<i32>} : memref<2x64x128xf32, #tpu.memory_space<vmem>>, vector<16xf32>,
        %mul3A_598 = arith.mulf %get3A_597, %gather3A_566 : vector<16xf32>
        %swap3A_599 = arith.index_cast %and3A_275 : i32 to index
        %swap3A_600 = arith.index_cast %add3A_558 : i32 to index
        %swap3A_601 = arith.constant 48 : index
        %swap3A_602 = tpu.vector_load %arg13[%swap3A_599, %swap3A_600, %swap3A_601] {strides = array<i32>} : memref<2x64x128xf32, #tpu.memory_space<vmem>>, vector<16xf32>,
        tpu.vector_store %arg13[%swap3A_599, %swap3A_600, %swap3A_601], %mul3A_598 {strides = array<i32>} : memref<2x64x128xf32, #tpu.memory_space<vmem>>, vector<16xf32>,
        %get3A_603 = arith.index_cast %and3A_275 : i32 to index
        %get3A_604 = arith.index_cast %add3A_558 : i32 to index
        %get3A_605 = arith.constant 64 : index
        %get3A_606 = tpu.vector_load %arg13[%get3A_603, %get3A_604, %get3A_605] {strides = array<i32>} : memref<2x64x128xf32, #tpu.memory_space<vmem>>, vector<16xf32>,
        %mul3A_607 = arith.mulf %get3A_606, %gather3A_566 : vector<16xf32>
        %swap3A_608 = arith.index_cast %and3A_275 : i32 to index
        %swap3A_609 = arith.index_cast %add3A_558 : i32 to index
        %swap3A_610 = arith.constant 64 : index
        %swap3A_611 = tpu.vector_load %arg13[%swap3A_608, %swap3A_609, %swap3A_610] {strides = array<i32>} : memref<2x64x128xf32, #tpu.memory_space<vmem>>, vector<16xf32>,
        tpu.vector_store %arg13[%swap3A_608, %swap3A_609, %swap3A_610], %mul3A_607 {strides = array<i32>} : memref<2x64x128xf32, #tpu.memory_space<vmem>>, vector<16xf32>,
        %get3A_612 = arith.index_cast %and3A_275 : i32 to index
        %get3A_613 = arith.index_cast %add3A_558 : i32 to index
        %get3A_614 = arith.constant 80 : index
        %get3A_615 = tpu.vector_load %arg13[%get3A_612, %get3A_613, %get3A_614] {strides = array<i32>} : memref<2x64x128xf32, #tpu.memory_space<vmem>>, vector<16xf32>,
        %mul3A_616 = arith.mulf %get3A_615, %gather3A_566 : vector<16xf32>
        %swap3A_617 = arith.index_cast %and3A_275 : i32 to index
        %swap3A_618 = arith.index_cast %add3A_558 : i32 to index
        %swap3A_619 = arith.constant 80 : index
        %swap3A_620 = tpu.vector_load %arg13[%swap3A_617, %swap3A_618, %swap3A_619] {strides = array<i32>} : memref<2x64x128xf32, #tpu.memory_space<vmem>>, vector<16xf32>,
        tpu.vector_store %arg13[%swap3A_617, %swap3A_618, %swap3A_619], %mul3A_616 {strides = array<i32>} : memref<2x64x128xf32, #tpu.memory_space<vmem>>, vector<16xf32>,
        %get3A_621 = arith.index_cast %and3A_275 : i32 to index
        %get3A_622 = arith.index_cast %add3A_558 : i32 to index
        %get3A_623 = arith.constant 96 : index
        %get3A_624 = tpu.vector_load %arg13[%get3A_621, %get3A_622, %get3A_623] {strides = array<i32>} : memref<2x64x128xf32, #tpu.memory_space<vmem>>, vector<16xf32>,
        %mul3A_625 = arith.mulf %get3A_624, %gather3A_566 : vector<16xf32>
        %swap3A_626 = arith.index_cast %and3A_275 : i32 to index
        %swap3A_627 = arith.index_cast %add3A_558 : i32 to index
        %swap3A_628 = arith.constant 96 : index
        %swap3A_629 = tpu.vector_load %arg13[%swap3A_626, %swap3A_627, %swap3A_628] {strides = array<i32>} : memref<2x64x128xf32, #tpu.memory_space<vmem>>, vector<16xf32>,
        tpu.vector_store %arg13[%swap3A_626, %swap3A_627, %swap3A_628], %mul3A_625 {strides = array<i32>} : memref<2x64x128xf32, #tpu.memory_space<vmem>>, vector<16xf32>,
        %get3A_630 = arith.index_cast %and3A_275 : i32 to index
        %get3A_631 = arith.index_cast %add3A_558 : i32 to index
        %get3A_632 = arith.constant 112 : index
        %get3A_633 = tpu.vector_load %arg13[%get3A_630, %get3A_631, %get3A_632] {strides = array<i32>} : memref<2x64x128xf32, #tpu.memory_space<vmem>>, vector<16xf32>,
        %mul3A_634 = arith.mulf %get3A_633, %gather3A_566 : vector<16xf32>
        %swap3A_635 = arith.index_cast %and3A_275 : i32 to index
        %swap3A_636 = arith.index_cast %add3A_558 : i32 to index
        %swap3A_637 = arith.constant 112 : index
        %swap3A_638 = tpu.vector_load %arg13[%swap3A_635, %swap3A_636, %swap3A_637] {strides = array<i32>} : memref<2x64x128xf32, #tpu.memory_space<vmem>>, vector<16xf32>,
        tpu.vector_store %arg13[%swap3A_635, %swap3A_636, %swap3A_637], %mul3A_634 {strides = array<i32>} : memref<2x64x128xf32, #tpu.memory_space<vmem>>, vector<16xf32>,
      }
      %scan3A_297 = arith.constant 64 : i32
      "tpu.region"() ({
        %run_scoped3A_298 = tpu.sem_alloc : memref<!tpu.dma_semaphore, #tpu.memory_space<semaphore_mem>>
        %dma_start3A = arith.constant 0 : i32
        %dma_start3A_299 = arith.constant 0 : i32
        %dma_start3A_300 = tpu.memref_slice %arg13[%and3A_275, %dma_start3A, %dma_start3A_299] : memref<2x64x128xf32, #tpu.memory_space<vmem>> -> memref<1x64x128xf32, #tpu.memory_space<vmem>>
        %dma_start3A_301 = tpu.memref_squeeze %dma_start3A_300 : memref<1x64x128xf32, #tpu.memory_space<vmem>> -> memref<64x128xf32, #tpu.memory_space<vmem>>
        %dma_start3A_302 = arith.constant 0 : i32
        %dma_start3A_303 = tpu.memref_slice %arg15[%and3A_275, %dma_start3A_302] : memref<2x64xi32, #tpu.memory_space<vmem>> -> memref<1x64xi32, #tpu.memory_space<vmem>>
        %dma_start3A_304 = tpu.memref_squeeze %dma_start3A_303 : memref<1x64xi32, #tpu.memory_space<vmem>> -> memref<64xi32, #tpu.memory_space<vmem>>
        %dma_start3A_305 = arith.constant 0 : i32
        %dma_start3A_306 = arith.constant 0 : i32
        %dma_start3A_307 = tpu.memref_slice %arg19[%dma_start3A_305, %dma_start3A_306] : memref<5120x128xf32, #tpu.memory_space<vmem_shared>> -> memref<5120x128xf32, #tpu.memory_space<vmem_shared>>
        tpu.enqueue_indirect_dma source(%dma_start3A_301 : memref<64x128xf32, #tpu.memory_space<vmem>>) target(%dma_start3A_307 : memref<5120x128xf32, #tpu.memory_space<vmem_shared>>) offsets(%dma_start3A_304 : memref<64xi32, #tpu.memory_space<vmem>>) semaphore(%run_scoped3A_298 : memref<!tpu.dma_semaphore, #tpu.memory_space<semaphore_mem>>) {add = true}
        %dma_wait3A_308 = arith.constant 0 : i32
        %dma_wait3A_309 = arith.constant 0 : i32
        %dma_wait3A_310 = tpu.memref_slice %arg13[%and3A_275, %dma_wait3A_308, %dma_wait3A_309] : memref<2x64x128xf32, #tpu.memory_space<vmem>> -> memref<1x64x128xf32, #tpu.memory_space<vmem>>
        %dma_wait3A_311 = tpu.memref_squeeze %dma_wait3A_310 : memref<1x64x128xf32, #tpu.memory_space<vmem>> -> memref<64x128xf32, #tpu.memory_space<vmem>>
        %dma_wait3A_312 = arith.constant 0 : i32
        %dma_wait3A_313 = tpu.memref_slice %arg15[%and3A_275, %dma_wait3A_312] : memref<2x64xi32, #tpu.memory_space<vmem>> -> memref<1x64xi32, #tpu.memory_space<vmem>>
        %dma_wait3A_314 = tpu.memref_squeeze %dma_wait3A_313 : memref<1x64xi32, #tpu.memory_space<vmem>> -> memref<64xi32, #tpu.memory_space<vmem>>
        %dma_wait3A_315 = arith.constant 0 : i32
        %dma_wait3A_316 = arith.constant 0 : i32
        %dma_wait3A_317 = tpu.memref_slice %arg19[%dma_wait3A_315, %dma_wait3A_316] : memref<5120x128xf32, #tpu.memory_space<vmem_shared>> -> memref<5120x128xf32, #tpu.memory_space<vmem_shared>>
        tpu.wait_indirect_dma semaphore(%run_scoped3A_298 : memref<!tpu.dma_semaphore, #tpu.memory_space<semaphore_mem>>) src(%dma_wait3A_311 : memref<64x128xf32, #tpu.memory_space<vmem>>) dst(%dma_wait3A_317 : memref<5120x128xf32, #tpu.memory_space<vmem_shared>>)
        tpu.yield
      }) : () -> ()
    }
    %barrier3A_243 = arith.constant 0 : index
    tpu.barrier barrier_id(%barrier3A_243)
    %mul3A_244 = arith.constant 320 : i32
    %mul3A_245 = arith.muli %arg1, %mul3A_244 : i32
    %add3A_246 = arith.constant 0 : i32
    %add3A_247 = arith.addi %mul3A_245, %add3A_246 : i32
    %mul3A_248 = arith.constant 320 : i32
    %mul3A_249 = arith.muli %arg1, %mul3A_248 : i32
    %add3A_250 = arith.addi %mul3A_0, %mul3A_249 : i32
    %add3A_251 = arith.constant 0 : i32
    %add3A_252 = arith.addi %add3A_250, %add3A_251 : i32
    "tpu.region"() ({
      %run_scoped3A_271 = tpu.sem_alloc : memref<!tpu.dma_semaphore, #tpu.memory_space<semaphore_mem>>
      %dma_start3A = arith.constant 0 : i32
      %dma_start3A_272 = tpu.memref_slice %arg6[%add3A_252, %dma_start3A] : memref<10240x128xf32, #tpu.memory_space<hbm>> -> memref<128x128xf32, #tpu.memory_space<hbm>>
      %dma_start3A_273 = arith.constant 0 : i32
      %dma_start3A_274 = tpu.memref_slice %arg19[%add3A_247, %dma_start3A_273] : memref<5120x128xf32, #tpu.memory_space<vmem_shared>> -> memref<128x128xf32, #tpu.memory_space<vmem_shared>>
      tpu.enqueue_dma source(%dma_start3A_274 : memref<128x128xf32, #tpu.memory_space<vmem_shared>>) target(%dma_start3A_272 : memref<128x128xf32, #tpu.memory_space<hbm>>) target_semaphore(%run_scoped3A_271 : memref<!tpu.dma_semaphore, #tpu.memory_space<semaphore_mem>>)
      %dma_wait3A = arith.constant 0 : i32
      %dma_wait3A_275 = tpu.memref_slice %arg6[%add3A_252, %dma_wait3A] : memref<10240x128xf32, #tpu.memory_space<hbm>> -> memref<128x128xf32, #tpu.memory_space<hbm>>
      %dma_wait3A_276 = arith.constant 0 : i32
      %dma_wait3A_277 = tpu.memref_slice %arg19[%add3A_247, %dma_wait3A_276] : memref<5120x128xf32, #tpu.memory_space<vmem_shared>> -> memref<128x128xf32, #tpu.memory_space<vmem_shared>>
      tpu.wait_dma2 semaphore(%run_scoped3A_271 : memref<!tpu.dma_semaphore, #tpu.memory_space<semaphore_mem>>) src(%dma_wait3A_277 : memref<128x128xf32, #tpu.memory_space<vmem_shared>>) dst(%dma_wait3A_275 : memref<128x128xf32, #tpu.memory_space<hbm>>)
      tpu.yield
    }) : () -> ()
    %mul3A_253 = arith.constant 320 : i32
    %mul3A_254 = arith.muli %arg1, %mul3A_253 : i32
    %add3A_255 = arith.constant 128 : i32
    %add3A_256 = arith.addi %mul3A_254, %add3A_255 : i32
    %mul3A_257 = arith.constant 320 : i32
    %mul3A_258 = arith.muli %arg1, %mul3A_257 : i32
    %add3A_259 = arith.addi %mul3A_0, %mul3A_258 : i32
    %add3A_260 = arith.constant 128 : i32
    %add3A_261 = arith.addi %add3A_259, %add3A_260 : i32
    "tpu.region"() ({
      %run_scoped3A_271 = tpu.sem_alloc : memref<!tpu.dma_semaphore, #tpu.memory_space<semaphore_mem>>
      %dma_start3A = arith.constant 0 : i32
      %dma_start3A_272 = tpu.memref_slice %arg6[%add3A_261, %dma_start3A] : memref<10240x128xf32, #tpu.memory_space<hbm>> -> memref<128x128xf32, #tpu.memory_space<hbm>>
      %dma_start3A_273 = arith.constant 0 : i32
      %dma_start3A_274 = tpu.memref_slice %arg19[%add3A_256, %dma_start3A_273] : memref<5120x128xf32, #tpu.memory_space<vmem_shared>> -> memref<128x128xf32, #tpu.memory_space<vmem_shared>>
      tpu.enqueue_dma source(%dma_start3A_274 : memref<128x128xf32, #tpu.memory_space<vmem_shared>>) target(%dma_start3A_272 : memref<128x128xf32, #tpu.memory_space<hbm>>) target_semaphore(%run_scoped3A_271 : memref<!tpu.dma_semaphore, #tpu.memory_space<semaphore_mem>>)
      %dma_wait3A = arith.constant 0 : i32
      %dma_wait3A_275 = tpu.memref_slice %arg6[%add3A_261, %dma_wait3A] : memref<10240x128xf32, #tpu.memory_space<hbm>> -> memref<128x128xf32, #tpu.memory_space<hbm>>
      %dma_wait3A_276 = arith.constant 0 : i32
      %dma_wait3A_277 = tpu.memref_slice %arg19[%add3A_256, %dma_wait3A_276] : memref<5120x128xf32, #tpu.memory_space<vmem_shared>> -> memref<128x128xf32, #tpu.memory_space<vmem_shared>>
      tpu.wait_dma2 semaphore(%run_scoped3A_271 : memref<!tpu.dma_semaphore, #tpu.memory_space<semaphore_mem>>) src(%dma_wait3A_277 : memref<128x128xf32, #tpu.memory_space<vmem_shared>>) dst(%dma_wait3A_275 : memref<128x128xf32, #tpu.memory_space<hbm>>)
      tpu.yield
    }) : () -> ()
    %mul3A_262 = arith.constant 320 : i32
    %mul3A_263 = arith.muli %arg1, %mul3A_262 : i32
    %add3A_264 = arith.constant 256 : i32
    %add3A_265 = arith.addi %mul3A_263, %add3A_264 : i32
    %mul3A_266 = arith.constant 320 : i32
    %mul3A_267 = arith.muli %arg1, %mul3A_266 : i32
    %add3A_268 = arith.addi %mul3A_0, %mul3A_267 : i32
    %add3A_269 = arith.constant 256 : i32
    %add3A_270 = arith.addi %add3A_268, %add3A_269 : i32
    "tpu.region"() ({
      %run_scoped3A_271 = tpu.sem_alloc : memref<!tpu.dma_semaphore, #tpu.memory_space<semaphore_mem>>
      %dma_start3A = arith.constant 0 : i32
      %dma_start3A_272 = tpu.memref_slice %arg6[%add3A_270, %dma_start3A] : memref<10240x128xf32, #tpu.memory_space<hbm>> -> memref<64x128xf32, #tpu.memory_space<hbm>>
      %dma_start3A_273 = arith.constant 0 : i32
      %dma_start3A_274 = tpu.memref_slice %arg19[%add3A_265, %dma_start3A_273] : memref<5120x128xf32, #tpu.memory_space<vmem_shared>> -> memref<64x128xf32, #tpu.memory_space<vmem_shared>>
      tpu.enqueue_dma source(%dma_start3A_274 : memref<64x128xf32, #tpu.memory_space<vmem_shared>>) target(%dma_start3A_272 : memref<64x128xf32, #tpu.memory_space<hbm>>) target_semaphore(%run_scoped3A_271 : memref<!tpu.dma_semaphore, #tpu.memory_space<semaphore_mem>>)
      %dma_wait3A = arith.constant 0 : i32
      %dma_wait3A_275 = tpu.memref_slice %arg6[%add3A_270, %dma_wait3A] : memref<10240x128xf32, #tpu.memory_space<hbm>> -> memref<64x128xf32, #tpu.memory_space<hbm>>
      %dma_wait3A_276 = arith.constant 0 : i32
      %dma_wait3A_277 = tpu.memref_slice %arg19[%add3A_265, %dma_wait3A_276] : memref<5120x128xf32, #tpu.memory_space<vmem_shared>> -> memref<64x128xf32, #tpu.memory_space<vmem_shared>>
      tpu.wait_dma2 semaphore(%run_scoped3A_271 : memref<!tpu.dma_semaphore, #tpu.memory_space<semaphore_mem>>) src(%dma_wait3A_277 : memref<64x128xf32, #tpu.memory_space<vmem_shared>>) dst(%dma_wait3A_275 : memref<64x128xf32, #tpu.memory_space<hbm>>)
      tpu.yield
    }) : () -> ()
    return
  }
}

module attributes {stable_mosaic.version = 14 : i64} {
  func.func @_proj_body(%arg0: i32, %arg1: memref<256x128xf32, #tpu.memory_space<vmem>>, %arg2: memref<128x128xf32, #tpu.memory_space<vmem>>, %arg3: memref<16x128xf32, #tpu.memory_space<vmem>>, %arg4: memref<256x128xf32, #tpu.memory_space<vmem>>, %arg5: memref<16x256xf32, #tpu.memory_space<vmem>>) attributes {dimension_semantics = [#tpu.dimension_semantics<arbitrary>], iteration_bounds = array<i64: 40>, scalar_prefetch = 0 : i64, scratch_operands = 0 : i64, tpu.core_type = #tpu.core_type<tc>, window_params = [{transform_indices = @transform_0, window_bounds = array<i64: 256, 128>}, {pipeline_mode = #tpu.pipeline_mode<synchronous>, transform_indices = @transform_1, window_bounds = array<i64: 128, 128>}, {pipeline_mode = #tpu.pipeline_mode<synchronous>, transform_indices = @transform_2, window_bounds = array<i64: 16, 128>}, {transform_indices = @transform_3, window_bounds = array<i64: 256, 128>}, {transform_indices = @transform_4, window_bounds = array<i64: 16, 256>}]} {
    %get3A = arith.constant 0 : index
    %get3A_0 = arith.constant 0 : index
    %get3A_1 = vector.load %arg1[%get3A, %get3A_0] : memref<256x128xf32, #tpu.memory_space<vmem>>, vector<256x128xf32>
    %get3A_2 = arith.constant 0 : index
    %get3A_3 = arith.constant 0 : index
    %get3A_4 = vector.load %arg2[%get3A_2, %get3A_3] : memref<128x128xf32, #tpu.memory_space<vmem>>, vector<128x128xf32>
    %dot_general3A = arith.constant dense<0.000000e+00> : vector<256x128xf32>
    %dot_general3A_5 = tpu.matmul %get3A_1, %get3A_4, %dot_general3A {dimension_numbers = #tpu.dot_dimension_numbers<[1], [0], [0], [1], [0, 0, 1, 1], [], []>, transpose_lhs_hint = false} : vector<256x128xf32>, vector<128x128xf32>, vector<256x128xf32> -> vector<256x128xf32>
    %swap3A = arith.constant 0 : index
    %swap3A_6 = arith.constant 0 : index
    %swap3A_7 = vector.load %arg4[%swap3A, %swap3A_6] : memref<256x128xf32, #tpu.memory_space<vmem>>, vector<256x128xf32>
    tpu.vector_store %arg4[%swap3A, %swap3A_6], %dot_general3A_5 {strides = array<i32>} : memref<256x128xf32, #tpu.memory_space<vmem>>, vector<256x128xf32>,
    %get3A_8 = arith.constant 0 : index
    %get3A_9 = arith.constant 0 : index
    %get3A_10 = vector.load %arg3[%get3A_8, %get3A_9] : memref<16x128xf32, #tpu.memory_space<vmem>>, vector<16x128xf32>
    %dot_general3A_11 = arith.constant dense<0.000000e+00> : vector<16x256xf32>
    %dot_general3A_12 = tpu.matmul %get3A_10, %dot_general3A_5, %dot_general3A_11 {dimension_numbers = #tpu.dot_dimension_numbers<[1], [1], [0], [0], [0, 0, 1, 0], [], []>, transpose_lhs_hint = false} : vector<16x128xf32>, vector<256x128xf32>, vector<16x256xf32> -> vector<16x256xf32>
    %swap3A_13 = arith.constant 0 : index
    %swap3A_14 = arith.constant 0 : index
    %swap3A_15 = vector.load %arg5[%swap3A_13, %swap3A_14] : memref<16x256xf32, #tpu.memory_space<vmem>>, vector<16x256xf32>
    tpu.vector_store %arg5[%swap3A_13, %swap3A_14], %dot_general3A_12 {strides = array<i32>} : memref<16x256xf32, #tpu.memory_space<vmem>>, vector<16x256xf32>,
    return
  }
  func.func @transform_0(%arg0: i32) -> (i32, i32) {
    %c0_i32 = arith.constant 0 : i32
    %c0_i32_0 = arith.constant 0 : i32
    return %arg0, %c0_i32 : i32, i32
  }
  func.func @transform_1(%arg0: i32) -> (i32, i32) {
    %c0_i32 = arith.constant 0 : i32
    %c0_i32_0 = arith.constant 0 : i32
    %c0_i32_1 = arith.constant 0 : i32
    return %c0_i32, %c0_i32_0 : i32, i32
  }
  func.func @transform_2(%arg0: i32) -> (i32, i32) {
    %c0_i32 = arith.constant 0 : i32
    %c0_i32_0 = arith.constant 0 : i32
    %c0_i32_1 = arith.constant 0 : i32
    return %c0_i32, %c0_i32_0 : i32, i32
  }
  func.func @transform_3(%arg0: i32) -> (i32, i32) {
    %c0_i32 = arith.constant 0 : i32
    %c0_i32_0 = arith.constant 0 : i32
    return %arg0, %c0_i32 : i32, i32
  }
  func.func @transform_4(%arg0: i32) -> (i32, i32) {
    %c0_i32 = arith.constant 0 : i32
    %c0_i32_0 = arith.constant 0 : i32
    return %c0_i32, %arg0 : i32, i32
  }
}

module attributes {stable_mosaic.version = 14 : i64} {
  func.func @_comb_proj_body(%arg0: i32, %arg1: memref<256x128xf32, #tpu.memory_space<vmem>>, %arg2: memref<1x128xf32, #tpu.memory_space<vmem>>, %arg3: memref<128x128xf32, #tpu.memory_space<vmem>>, %arg4: memref<16x128xf32, #tpu.memory_space<vmem>>, %arg5: memref<256x128xf32, #tpu.memory_space<vmem>>, %arg6: memref<16x256xf32, #tpu.memory_space<vmem>>, %arg7: memref<256x128xf32, #tpu.memory_space<vmem>>) attributes {dimension_semantics = [#tpu.dimension_semantics<arbitrary>], iteration_bounds = array<i64: 40>, scalar_prefetch = 0 : i64, scratch_operands = 0 : i64, tpu.core_type = #tpu.core_type<tc>, window_params = [{transform_indices = @transform_0, window_bounds = array<i64: 256, 128>}, {pipeline_mode = #tpu.pipeline_mode<synchronous>, transform_indices = @transform_1, window_bounds = array<i64: 1, 128>}, {pipeline_mode = #tpu.pipeline_mode<synchronous>, transform_indices = @transform_2, window_bounds = array<i64: 128, 128>}, {pipeline_mode = #tpu.pipeline_mode<synchronous>, transform_indices = @transform_3, window_bounds = array<i64: 16, 128>}, {transform_indices = @transform_4, window_bounds = array<i64: 256, 128>}, {transform_indices = @transform_5, window_bounds = array<i64: 16, 256>}, {transform_indices = @transform_6, window_bounds = array<i64: 256, 128>}]} {
    %get3A = arith.constant 0 : index
    %get3A_0 = arith.constant 0 : index
    %get3A_1 = vector.load %arg1[%get3A, %get3A_0] : memref<256x128xf32, #tpu.memory_space<vmem>>, vector<256x128xf32>
    %get3A_2 = arith.constant 0 : index
    %get3A_3 = arith.constant 0 : index
    %get3A_4 = vector.load %arg2[%get3A_2, %get3A_3] : memref<1x128xf32, #tpu.memory_space<vmem>>, vector<1x128xf32>
    %add3A = vector.broadcast %get3A_4 : vector<1x128xf32> to vector<256x128xf32>
    %add3A_5 = arith.addf %get3A_1, %add3A : vector<256x128xf32>
    %swap3A = arith.constant 0 : index
    %swap3A_6 = arith.constant 0 : index
    %swap3A_7 = vector.load %arg7[%swap3A, %swap3A_6] : memref<256x128xf32, #tpu.memory_space<vmem>>, vector<256x128xf32>
    tpu.vector_store %arg7[%swap3A, %swap3A_6], %add3A_5 {strides = array<i32>} : memref<256x128xf32, #tpu.memory_space<vmem>>, vector<256x128xf32>,
    %max3A = arith.constant 0.000000e+00 : f32
    %max3A_8 = vector.broadcast %max3A : f32 to vector<256x128xf32>
    %max3A_9 = arith.maximumf %add3A_5, %max3A_8 : vector<256x128xf32>
    %get3A_10 = arith.constant 0 : index
    %get3A_11 = arith.constant 0 : index
    %get3A_12 = vector.load %arg3[%get3A_10, %get3A_11] : memref<128x128xf32, #tpu.memory_space<vmem>>, vector<128x128xf32>
    %dot_general3A = arith.constant dense<0.000000e+00> : vector<256x128xf32>
    %dot_general3A_13 = tpu.matmul %max3A_9, %get3A_12, %dot_general3A {dimension_numbers = #tpu.dot_dimension_numbers<[1], [0], [0], [1], [0, 0, 1, 1], [], []>, transpose_lhs_hint = false} : vector<256x128xf32>, vector<128x128xf32>, vector<256x128xf32> -> vector<256x128xf32>
    %swap3A_14 = arith.constant 0 : index
    %swap3A_15 = arith.constant 0 : index
    %swap3A_16 = vector.load %arg5[%swap3A_14, %swap3A_15] : memref<256x128xf32, #tpu.memory_space<vmem>>, vector<256x128xf32>
    tpu.vector_store %arg5[%swap3A_14, %swap3A_15], %dot_general3A_13 {strides = array<i32>} : memref<256x128xf32, #tpu.memory_space<vmem>>, vector<256x128xf32>,
    %get3A_17 = arith.constant 0 : index
    %get3A_18 = arith.constant 0 : index
    %get3A_19 = vector.load %arg4[%get3A_17, %get3A_18] : memref<16x128xf32, #tpu.memory_space<vmem>>, vector<16x128xf32>
    %dot_general3A_20 = arith.constant dense<0.000000e+00> : vector<16x256xf32>
    %dot_general3A_21 = tpu.matmul %get3A_19, %dot_general3A_13, %dot_general3A_20 {dimension_numbers = #tpu.dot_dimension_numbers<[1], [1], [0], [0], [0, 0, 1, 0], [], []>, transpose_lhs_hint = false} : vector<16x128xf32>, vector<256x128xf32>, vector<16x256xf32> -> vector<16x256xf32>
    %swap3A_22 = arith.constant 0 : index
    %swap3A_23 = arith.constant 0 : index
    %swap3A_24 = vector.load %arg6[%swap3A_22, %swap3A_23] : memref<16x256xf32, #tpu.memory_space<vmem>>, vector<16x256xf32>
    tpu.vector_store %arg6[%swap3A_22, %swap3A_23], %dot_general3A_21 {strides = array<i32>} : memref<16x256xf32, #tpu.memory_space<vmem>>, vector<16x256xf32>,
    return
  }
  func.func @transform_0(%arg0: i32) -> (i32, i32) {
    %c0_i32 = arith.constant 0 : i32
    %c0_i32_0 = arith.constant 0 : i32
    return %arg0, %c0_i32 : i32, i32
  }
  func.func @transform_1(%arg0: i32) -> (i32, i32) {
    %c0_i32 = arith.constant 0 : i32
    %c0_i32_0 = arith.constant 0 : i32
    %c0_i32_1 = arith.constant 0 : i32
    return %c0_i32, %c0_i32_0 : i32, i32
  }
  func.func @transform_2(%arg0: i32) -> (i32, i32) {
    %c0_i32 = arith.constant 0 : i32
    %c0_i32_0 = arith.constant 0 : i32
    %c0_i32_1 = arith.constant 0 : i32
    return %c0_i32, %c0_i32_0 : i32, i32
  }
  func.func @transform_3(%arg0: i32) -> (i32, i32) {
    %c0_i32 = arith.constant 0 : i32
    %c0_i32_0 = arith.constant 0 : i32
    %c0_i32_1 = arith.constant 0 : i32
    return %c0_i32, %c0_i32_0 : i32, i32
  }
  func.func @transform_4(%arg0: i32) -> (i32, i32) {
    %c0_i32 = arith.constant 0 : i32
    %c0_i32_0 = arith.constant 0 : i32
    return %arg0, %c0_i32 : i32, i32
  }
  func.func @transform_5(%arg0: i32) -> (i32, i32) {
    %c0_i32 = arith.constant 0 : i32
    %c0_i32_0 = arith.constant 0 : i32
    return %c0_i32, %arg0 : i32, i32
  }
  func.func @transform_6(%arg0: i32) -> (i32, i32) {
    %c0_i32 = arith.constant 0 : i32
    %c0_i32_0 = arith.constant 0 : i32
    return %arg0, %c0_i32 : i32, i32
  }
}

</mosaic_0001>

<sc_bundles>
// kernel: closed_call.16.cloned.1.call-start
scs
__scs_entry_jumppad:
0x0: {  	(pc) =	sbr.rel $0x88, $3  }
0x1: {  	(tag) =	ssettag $0x0;
	lr =	simm.s32 $0x1  }
0x2: {  	[smem:$0x3F97] =	sst lr;
	_ =	strace $0xD0000000  }
0x3: {  	_ = 	snop  }
0x4: {  	_ = 	snop  }
0x5: {  	_ = 	snop  }
0x6: {  	_ = 	snop  }
0x7: {  	_ = 	snop  }
__scs_overlays_trampoline_lowered:
0x8: {  	[smem:$0x3FA6] =	sst s0  }
0x9: {  	[smem:$0x3FA7] =	sst s1  }
0xa: {  	[smem:$0x3FA8] =	sst s2  }
0xb: {  	[smem:$0x3FA9] =	sst s3  }
0xc: {  	[smem:$0x3FAA] =	sst s4  }
0xd: {  	[smem:$0x3FAB] =	sst s5  }
0xe: {  	[smem:$0x3FAC] =	sst s6  }
0xf: {  	[smem:$0x3FAD] =	sst s7  }
0x10: {  	[smem:$0x3FAE] =	sst s8  }
0x11: {  	[smem:$0x3FAF] =	sst s9;
	s0 =	simm.s32 @!p0 $0x0  }
0x12: {  	s1 =	sld [smem:$0x3F95];
	s0 =	simm.s32 @p0 $0x1  }
0x13: {  	[smem:$0x3FB0] =	sst s0;
	s0 =	simm.s32 @!p1 $0x0  }
0x14: {  	s2 =	sld [smem:$0x3F94];
	s0 =	simm.s32 @p1 $0x1  }
0x15: {  	[smem:$0x3FB1] =	sst s0;
	s0 =	simm.s32 @!p2 $0x0  }
0x16: {  	s3 =	sld [smem:$0x3FDB];
	s0 =	simm.s32 @p2 $0x1  }
0x17: {  	s4 =	simm.s32 $0x1BF5;
	[smem:$0x3FB3] =	sst s0  }
0x18: {  	s0 =	sld [smem:$0x3F96];
	_ =	swait.ge [sflag:s4], $0x0  }
0x19: {  	s7 =	sld [smem:$0x3F97]  }
0x1a: {  	s8 =	sadd.s32 $0xFFFFE003, lr  }
0x1b: {  	s9 =	sadd.s32 $0xFFFFFEF7, lr;
	s5 =	simm.s32 $0xFFFFFFFF;
	p2 =	slt.u32 s8, $0xFFFFF086  }
0x1c: {  	p1 =	slt.u32 s9, $0xF7A;
	s5 =	simm.s32 @!p2 $0x0  }
0x1d: {  	s5 =	simm.s32 @p1 $0x1;
	p0 =	seq.s32 s7, s2  }
0x1e: {  	s7 =	smul.u32 @!p0 $0xF7A, s2;
	p2 =	seq.s32 @!p0 s5, $0x0  }
0x1f: {  	s9 =	smul.u32 $0xF7A, s1;
	s8 =	simm.s32 @!p0 $0x1BF5;
	p2 =	por !p2, p0  }
0x20: {  	[sflag:s8] =	ssyncset.s32 @!p0 $0xFFFFF086;
	s6 =	sadd.s32 @!p0 s3, s7;
	s7 =	simm.s32 @!p0 $0x108  }
0x21: {  	s3 =	sadd.s32 s3, s9;
	s6 =	sadd.s32 @!p0 $0x88, s6;
	s7 =	simm.s32 @p2 $0x1082  }
0x22: {  	[simem:s7], [sflag:s8] =	dma.local @!p0 [hbm:s6], $0xF7A  }
0x23: {  	s9 =	sor.u32 $0xD0000000, s2;
	s6 =	simm.s32 $0x108;
	_ =	swait.ge @!p0 [sflag:s8], $0x0  }
0x24: {  	s3 =	sadd.s32 $0x88, s3;
	s6 =	simm.s32 @!p1 $0x1082;
	[sflag:s4] =	ssyncset.s32 $0xFFFFF086  }
0x25: {  	[simem:s6], [sflag:s4] =	dma.local [hbm:s3], $0xF7A  }
0x26: {  	[smem:$0x3F97] =	sst s1;
	(tag) =	ssettag s2;
	_ =	strace s9  }
0x27: {  	s1 =	sld [smem:$0x3FA7]  }
0x28: {  	s2 =	sld [smem:$0x3FA8]  }
0x29: {  	s4 =	sld [smem:$0x3FAA]  }
0x2a: {  	p0 =	seq.s32 s5, $0x0;
	s5 =	sld [smem:$0x3FAB]  }
0x2b: {  	s6 =	sld [smem:$0x3FAC]  }
0x2c: {  	s7 =	sld [smem:$0x3FAD]  }
0x2d: {  	s3 =	simm.s32 $0x108;
	s8 =	sld [smem:$0x3FAE]  }
0x2e: {  	s3 =	simm.s32 @!p0 $0x1082;
	s9 =	sld [smem:$0x3FAF]  }
0x2f: {  	lr =	sadd.s32 s0, s3;
	s0 =	sld [smem:$0x3FA6]  }
0x30: {  	s3 =	sld [smem:$0x3FA9]  }
0x31: {  	[smem:$0x3FB2] =	sst s10  }
0x32: {  	s10 =	sld [smem:$0x3FB0];
	_ =	sdelay $0x3  }
0x33: {  	p0 =	seq.s32 s10, $0x1;
	s10 =	sld [smem:$0x3FB2];
	_ =	sdelay $0x3  }
0x34: {  	[smem:$0x3FB2] =	sst s10  }
0x35: {  	s10 =	sld [smem:$0x3FB1];
	_ =	sdelay $0x3  }
0x36: {  	p1 =	seq.s32 s10, $0x1;
	s10 =	sld [smem:$0x3FB2];
	_ =	sdelay $0x3  }
0x37: {  	[smem:$0x3FB2] =	sst s10  }
0x38: {  	s10 =	sld [smem:$0x3FB3]  }
0x39: {  	_ = 	snop;
	(pc) =	sbr.ind lr, $3  }
0x3a: {  	_ = 	snop  }
0x3b: {  	_ = 	snop  }
0x3c: {  	p2 =	seq.s32 s10, $0x1;
	s10 =	sld [smem:$0x3FB2]  }
0x3d: {  	_ =	shalt  }
0x3e: {  	_ =	shalt  }
0x3f: {  	_ =	shalt  }
0x40: {  	_ =	shalt  }
0x41: {  	_ =	shalt  }
0x42: {  	_ =	shalt  }
0x43: {  	_ =	shalt  }
0x44: {  	_ =	shalt  }
0x45: {  	_ =	shalt  }
0x46: {  	_ =	shalt  }
0x47: {  	_ =	shalt  }
0x48: {  	_ =	shalt  }
0x49: {  	_ =	shalt  }
0x4a: {  	_ =	shalt  }
0x4b: {  	_ =	shalt  }
0x4c: {  	_ =	shalt  }
0x4d: {  	_ =	shalt  }
0x4e: {  	_ =	shalt  }
0x4f: {  	_ =	shalt  }
0x50: {  	_ =	shalt  }
0x51: {  	_ =	shalt  }
0x52: {  	_ =	shalt  }
0x53: {  	_ =	shalt  }
0x54: {  	_ =	shalt  }
0x55: {  	_ =	shalt  }
0x56: {  	_ =	shalt  }
0x57: {  	_ =	shalt  }
0x58: {  	_ =	shalt  }
0x59: {  	_ =	shalt  }
0x5a: {  	_ =	shalt  }
0x5b: {  	_ =	shalt  }
0x5c: {  	_ =	shalt  }
0x5d: {  	_ =	shalt  }
0x5e: {  	_ =	shalt  }
0x5f: {  	_ =	shalt  }
0x60: {  	_ =	shalt  }
0x61: {  	_ =	shalt  }
0x62: {  	_ =	shalt  }
0x63: {  	_ =	shalt  }
0x64: {  	_ =	shalt  }
0x65: {  	_ =	shalt  }
0x66: {  	_ =	shalt  }
0x67: {  	_ =	shalt  }
0x68: {  	_ =	shalt  }
0x69: {  	_ =	shalt  }
0x6a: {  	_ =	shalt  }
0x6b: {  	_ =	shalt  }
0x6c: {  	_ =	shalt  }
0x6d: {  	_ =	shalt  }
0x6e: {  	_ =	shalt  }
0x6f: {  	_ =	shalt  }
0x70: {  	_ =	shalt  }
0x71: {  	_ =	shalt  }
0x72: {  	_ =	shalt  }
0x73: {  	_ =	shalt  }
0x74: {  	_ =	shalt  }
0x75: {  	_ =	shalt  }
0x76: {  	_ =	shalt  }
0x77: {  	_ =	shalt  }
0x78: {  	_ =	shalt  }
0x79: {  	_ =	shalt  }
0x7a: {  	_ =	shalt  }
0x7b: {  	_ =	shalt  }
0x7c: {  	_ =	shalt  }
0x7d: {  	_ =	shalt  }
0x7e: {  	_ =	shalt  }
0x7f: {  	_ =	shalt  }
0x80: {  	_ =	shalt  }
0x81: {  	_ =	shalt  }
0x82: {  	_ =	shalt  }
0x83: {  	_ =	shalt  }
0x84: {  	_ =	shalt  }
0x85: {  	_ =	shalt  }
0x86: {  	_ =	shalt  }
0x87: {  	_ =	shalt  }
.Lfunc_end0:
.L_simem_size_0:
called_computation_lowered:
.L_overlay_start_0:
0x88: {  	s2 =	sld [smem:$0x3FD9]  }
0x89: {  	s3 =	sld [smem:$0x3FFE];
	_ =	sdelay $0x1  }
0x8a: {  	s1 =	srdreg.scid  }
0x8b: {  	s0 =	sand.u32 $0x1, s1  }
0x8c: {  	s17 =	sshll.u32 s0, $0xA;
	s2 =	sadd.s32 s3, s2  }
0x8d: {  	s2 =	sadd.s32 s2, s17  }
0x8e: {  	[smem:$0x3FBE] =	sst s2  }
0x8f: {  	_ = 	snop  }
0x90: {  	s2 =	sld [smem:$0x3FD0];
	(tm) =	ssettm $0x1  }
0x91: {  	s18 =	sld [smem:$0x3FFB];
	_ =	sdelay $0x3  }
0x92: {  	_ =	strace s18  }
0x93: {  	s3 =	sld [smem:$0x3FFC];
	_ =	sdelay $0x3  }
0x94: {  	_ =	strace s3  }
0x95: {  	s3 =	sld [smem:$0x3FFD];
	_ =	sdelay $0x3  }
0x96: {  	_ =	strace s3  }
0x97: {  	_ =	strace $0x8FFFFFFF  }
0x98: {  	s19 =	sld [smem:$0x3FDB];
	_ =	sdelay $0x1  }
0x99: {  	s4 =	simm.s32 $_scs_section_size  }
0x9a: {  	s5 =	simm.s32 $_size__tile_overlayer_lowered;
	s6 =	simm.s32 $_tile_overlayer_lowered  }
0x9b: {  	s22 =	simm.s32 $0x1BFF;
	s21 =	sshll.u32 s6, $0x1;
	s3 =	sadd.s32 s4, s19  }
0x9c: {  	s7 =	simm.s32 $0x0;
	s20 =	sshll.u32 s5, $0x1;
	s5 =	sadd.s32 s21, s3  }
0x9d: {  	[timem:s7], [sflag:s22] =	dma.local [hbm:s5], s20  }
0x9e: {  	_ =	swait.ge [sflag:s22], s20  }
0x9f: {  	s4 =	ssub.s32 $0x0, s20;
	[sflag:s22] =	ssyncset.done $0x0  }
0xa0: {  	[sflag:s22] =	ssyncadd.s32 s4;
	_ =	sdelay $0x1  }
0xa1: {  	s23 =	simm.s32 $0x1B8B  }
0xa2: {  	_ =	swait.ge [sflag:s23], $0x1  }
0xa3: {  	[sflag:s23] =	ssyncset.done $0x0  }
0xa4: {  	s25 =	simm.s32 $0x1B8E;
	s24 =	sld [smem:$0x3FFE];
	[sflag:s23] =	ssyncadd.s32 $0xFFFFFFFF  }
0xa5: {  	s26 =	simm.s32 $execute0_lowered;
	[smem:$0x3FD2] =	sst s25  }
0xa6: {  	s5 =	sshll.u32 s26, $0x1;
	_ =	strace $0x80000046;
	[dreg:$0x1] =	wrdreg $0xFFFFFFFF  }
0xa7: {  	s28 =	simm.s32 $_size_execute0_lowered;
	s3 =	sadd.s32 s3, s5;
	[dreg:$0x0] =	wrdreg $0x0  }
0xa8: {  	s5 =	sshll.u32 s28, $0x1;
	[dreg:$0x2] =	wrdreg s3  }
0xa9: {  	[dreg:$0x3] =	wrdreg s5  }
0xaa: {  	[dreg:$0x4] =	wrdreg $0xC0  }
0xab: {  	_ =	task [dreg:s7], $0x5FFFF  }
0xac: {  	[dreg:$0x1] =	wrdreg $0xFFFFFFFF  }
0xad: {  	[dreg:$0x0] =	wrdreg $0x60  }
0xae: {  	[dreg:$0x2] =	wrdreg s2  }
0xaf: {  	[dreg:$0x3] =	wrdreg s24  }
0xb0: {  	[dreg:$0x4] =	wrdreg $0x15E000  }
0xb1: {  	[dreg:$0x5] =	wrdreg $0x9  }
0xb2: {  	_ =	task.clear_ibuf [dreg:s7], $0x6FFFF;
	_ =	strace $0x90000046  }
0xb3: {  	s29 =	simm.s32 $0x9;
	_ =	strace $0x80000048  }
0xb4: {  	_ =	swait.ge [sflag:s29], $0x1  }
0xb5: {  	[sflag:s29] =	ssyncadd.s32 $0xFFFFFFFF  }
0xb6: {  	_ =	strace $0x90000048  }
0xb7: {  	_ =	sfence  }
0xb8: {  	s30 =	sld [smem:$0x0];
	_ =	sdelay $0x2  }
0xb9: {  	s31 =	sshll.u32 s1, $0xD;
	s1 =	sshrl.u32 s1, $0x2  }
0xba: {  	s3 =	sand.u32 $0x4000, s31;
	s1 =	sadd.s32 s1, s30  }
0xbb: {  	s0 =	sor.u32 s3, s0;
	s1 =	sshll.u32 s1, $0x11  }
0xbc: {  	s0 =	sor.u32 s1, s0  }
0xbd: {  	s0 =	sadd.s32 $0x8F2B, s0  }
0xbe: {  	[sflag:s0] =	ssyncadd.remote.s32 $0x1  }
0xbf: {  	_ =	sfence.sel $0xFFFF  }
0xc0: {  	[dreg:$0x0] =	wrdreg $0xFFFFFFFF;
	(pc) =	sbr.abs _section_cstart, $3  }
0xc1: {  	[dreg:$0x1] =	wrdreg $0xFFFFFFFF  }
0xc2: {  	_ =	task.clear_ibuf [dreg:s7], $0x2FFFF;
	_ =	strace $0x9FFFFFFF  }
0xc3: {  	(tm) =	ssettm $0x7FFFFFFF  }
tec
execute0_lowered:
.L_overlay_start_1:
0x0: {  	(tag) =	ssettag $0x1  }
0x1: {  	s1 =	rddreg [dreg:$0x0]  }
0x2: {  	s6 =	rddreg [dreg:$0x1]  }
0x3: {  	s16 =	stileid.u32;
	s0 =	srdreg.scid  }
0x4: {  	s2 =	rddreg [dreg:$0x2];
	s7 =	smul.u32 $0xA20, s16  }
0x5: {  	s3 =	simm.s32 $0x0;
	s28 =	simm.s32 $0x400;
	s5 =	smul.u32 $0x140, s16  }
0x6: {  	s29 =	simm.s32 $0xA300;
	s30 =	simm.s32 $0xCB00;
	s26 =	smul.u32 $0x28000, s16  }
0x7: {  	s8 =	sand.u32 $0x1, s0;
	[smem:$0x7FF] =	sst s3;
	s14 =	smul.u32 $0x280, s16  }
0x8: {  	s4 =	sadd.s32 $0x1C00, s6;
	s25 =	sadd.s32 $0x29C00, s6;
	s0 =	smul.u32 $0x1400, s8  }
0x9: {  	_ =	strace $0x80000047;
	s11 =	ssub.s32 $0x2, s8;
	s13 =	smul.u32 $0xA000, s8  }
0xa: {  	[dreg:$0x4] =	wrdreg s25;
	s9 =	sadd.s32 s7, s6;
	s12 =	sshrl.u32 s11, $0x1  }
0xb: {  	s1 =	sadd.s32 s1, s7;
	s10 =	sadd.s32 s5, s0;
	s12 =	ssub.s32 s11, s12  }
0xc: {  	[dreg:$0x5] =	wrdreg s1;
	s7 =	sadd.s32 $0x2EC00, s9;
	s1 =	smul.u32 $0x14000, s8  }
0xd: {  	s9 =	sshrl.u32 s13, $0x3;
	s11 =	sshrl.u32 s26, $0x2;
	s13 =	smul.u32 $0x1400, s16  }
0xe: {  	s10 =	sshll.u32 s10, $0x4;
	[dreg:$0x6] =	wrdreg s7;
	s7 =	sadd.s32 s25, s9  }
0xf: {  	s8 =	sadd.s32 s11, s2;
	s10 =	sadd.s32 s10, s6;
	s5 =	sadd.s32 $0x2800, s7  }
0x10: {  	s6 =	sadd.s32 $0x38E00, s6;
	s15 =	sadd.s32 $0x2000, s8;
	[dreg:$0x7] =	wrdreg s5  }
0x11: {  	s17 =	sadd.s32 $0x6000, s8;
	s18 =	sadd.s32 s13, s1;
	[dreg:$0x8] =	wrdreg s15  }
0x12: {  	s19 =	sor.u32 s14, s1;
	s1 =	sshrl.u32 s1, $0x3;
	[dreg:$0x9] =	wrdreg s17  }
0x13: {  	s7 =	sshrl.u32 s18, $0x3;
	s14 =	sshrl.u32 s19, $0x3;
	s21 =	sadd.s32 $0x1400, s19  }
0x14: {  	s22 =	sadd.s32 $0x2800, s19;
	s9 =	sadd.s32 $0x3C00, s19;
	s1 =	sadd.s32 s6, s1  }
0x15: {  	s20 =	sadd.s32 s6, s7;
	s7 =	sshrl.u32 s21, $0x3;
	[dreg:$0xf] =	wrdreg s1  }
0x16: {  	s24 =	sshrl.u32 s22, $0x3;
	[dreg:$0xa] =	wrdreg s20;
	s23 =	sadd.s32 s6, s7  }
0x17: {  	s9 =	sshrl.u32 s9, $0x3;
	s25 =	sadd.s32 s6, s24;
	[dreg:$0xb] =	wrdreg s23  }
0x18: {  	s15 =	sadd.s32 s6, s14;
	s26 =	sadd.s32 s6, s9;
	[dreg:$0xc] =	wrdreg s25  }
0x19: {  	s31 =	simm.s32 $0xF300;
	s7 =	sadd.s32 $0xA00, s15;
	[dreg:$0xd] =	wrdreg s26  }
0x1a: {  	p0 =	sgt.u32 s16, $0x7;
	s9 =	sadd.s32 $0xC80, s15;
	[dreg:$0xe] =	wrdreg s7  }
0x1b: {  	s24 =	smax.u32 s12, $0x1;
	s12 =	sadd.s32 $0x1180, s15;
	[dreg:$0x10] =	wrdreg s9  }
0x1c: {  	s11 =	sadd.s32 $0x4000, s8;
	s14 =	sadd.s32 $0x1400, s15;
	[dreg:$0x12] =	wrdreg s12  }
0x1d: {  	s13 =	sadd.s32 $0x8000, s8;
	s16 =	sadd.s32 $0x1680, s15;
	[dreg:$0x13] =	wrdreg s14  }
0x1e: {  	s21 =	sadd.s32 $0x3DE00, s10;
	s17 =	sadd.s32 $0x1900, s15;
	[dreg:$0x14] =	wrdreg s16  }
0x1f: {  	s22 =	sadd.s32 $0x3E600, s10;
	s18 =	sadd.s32 $0x1B80, s15;
	[dreg:$0x15] =	wrdreg s17  }
0x20: {  	s1 =	simm.s32 $0xDF00;
	s19 =	sadd.s32 $0x1E00, s15;
	[dreg:$0x16] =	wrdreg s18  }
.Ltmp0:
0x21: {  	s20 =	sadd.s32 $0x2080, s15;
	[dreg:$0x17] =	wrdreg s19;
	(pc) =	sbr.rel .LBB2_1-.Ltmp0, $4  }
0x22: {  	s23 =	sadd.s32 $0x3EE00, s10;
	s10 =	sadd.s32 $0xF00, s15;
	[dreg:$0x18] =	wrdreg s20  }
0x23: {  	v3 =	vlaneseq.u32;
	s25 =	sadd.s32 $0x2300, s15;
	s26 =	sadd.s32 $0x2580, s15;
	[dreg:$0x11] =	wrdreg s10  }
0x24: {  	v1 =	vimm.f32 $0.0e+00;
	v2 =	vimm.s32 $0x0;
	v4 =	vor.u32 $0x10, v3;
	s16 =	simm.s32 $0x40;
	s17 =	simm.s32 $0x0;
	[dreg:$0x19] =	wrdreg s25  }
0x25: {  	v5 =	vor.u32 $0x20, v3;
	v6 =	vor.u32 $0x30, v3;
	v0 =	vmov s0;
	[dreg:$0x1a] =	wrdreg s26;
	s25 =	simm.s32 $0x3;
	s26 =	simm.s32 $0x80  }
.LBB2_25:
0x26: {  	s0 =	stileid.u32  }
0x27: {  	s0 =	sshll.u32 s0, $0x6  }
0x28: {  	[bflag:$0x0] =	sbarrier.arrive $0xFFFF;
	s5 =	sshrl.u32 s8, $0x3;
	s0 =	sor.u32 $0x1C03, s0  }
0x29: {  	[hbm:s21], [sflag:s0] =	dma.local [spmem:s5], $0x800  }
0x2a: {  	_ =	swait.ge [sflag:s25], $0x800  }
0x2b: {  	[sflag:s25] =	ssyncset.done $0x0  }
0x2c: {  	s19 =	sshrl.u32 s11, $0x3;
	[sflag:s25] =	ssyncadd.s32 $0xFFFFF800  }
0x2d: {  	[hbm:s22], [sflag:s0] =	dma.local [spmem:s19], $0x800  }
0x2e: {  	s17 =	sadd.s32 $0x1, s17;
	_ =	swait.ge [sflag:s25], $0x800  }
0x2f: {  	p1 =	sne.s32 s17, s24;
	[sflag:s25] =	ssyncset.done $0x0  }
.Ltmp1:
0x30: {  	s20 =	sshrl.u32 s13, $0x3;
	[sflag:s25] =	ssyncadd.s32 $0xFFFFF800;
	(pc) =	sbr.rel @!p1 .LBB2_26-.Ltmp1, $4  }
0x31: {  	[hbm:s23], [sflag:s0] =	dma.local [spmem:s20], $0x400  }
0x32: {  	_ =	swait.ge [sflag:s25], $0x400  }
0x33: {  	[sflag:s25] =	ssyncset.done $0x0  }
0x34: {  	[sflag:s25] =	ssyncadd.s32 $0xFFFFFC00  }
.LBB2_1:
0x35: {  	s0 =	rddreg [dreg:$0x5]  }
0x36: {  	[tilespmem:s3], [sflag:$0x3] =	stream.linear.gather [hbm4b:s0+s3], $0x5100, $0x38;
	[tilespmem:$0x1FE00] =	vst v63  }
0x37: {  	_ =	swait.ge [sflag:s25], $0x5100  }
0x38: {  	[sflag:s25] =	ssyncset.done $0x0  }
0x39: {  	s5 =	simm.s32 $0x5200;
	s18 =	rddreg [dreg:$0x6];
	[sflag:s25] =	ssyncadd.s32 $0xFFFFAF00  }
0x3a: {  	[tilespmem:s5], [sflag:$0x3] =	stream.linear.gather [hbm4b:s18+s3], $0x5100, $0x38;
	[tilespmem:$0x1FE00] =	vst v63  }
0x3b: {  	_ =	swait.ge [sflag:s25], $0x5100  }
0x3c: {  	[sflag:s25] =	ssyncset.done $0x0  }
0x3d: {  	s19 =	rddreg [dreg:$0x4];
	[sflag:s25] =	ssyncadd.s32 $0xFFFFAF00  }
0x3e: {  	[tilespmem:s29], [sflag:$0x3] =	stream.strided.gather [hbm4b:s19+s26], $0x2800, s28, s26, $0x38;
	[tilespmem:$0x1FE00] =	vst v63  }
0x3f: {  	_ =	swait.ge [sflag:s25], $0x2800  }
0x40: {  	[sflag:s25] =	ssyncset.done $0x0  }
0x41: {  	s20 =	rddreg [dreg:$0x7];
	[sflag:s25] =	ssyncadd.s32 $0xFFFFD800  }
0x42: {  	[tilespmem:s30], [sflag:$0x3] =	stream.strided.gather [hbm4b:s20+s26], $0x1400, s28, s26, $0x38;
	[tilespmem:$0x1FE00] =	vst v63  }
0x43: {  	_ =	swait.ge [sflag:s25], $0x1400  }
0x44: {  	[sflag:s25] =	ssyncset.done $0x0  }
0x45: {  	s0 =	simm.s32 $0x0;
	[sflag:s25] =	ssyncadd.s32 $0xFFFFEC00  }
.LBB2_2:
0x46: {  	p1 =	sne.s32 s0, $0x4FC0  }
.Ltmp2:
0x47: {  	_ = 	snop;
	(pc) =	sbr.rel @p1 .LBB2_2-.Ltmp2, $3  }
0x48: {  	_ =	sdelay $0x1  }
0x49: {  	s6 =	sshra.s32 s0, $0x2  }
0x4a: {  	s0 =	sadd.s32 $0x40, s0;
	[tilespmem:s6+$0xDF00] =	vst v1  }
0x4b: {  	s0 =	simm.s32 $0x0;
	s6 =	simm.s32 $0x200  }
.LBB2_4:
0x4c: {  	p1 =	sne.s32 s6, $0x7E00;
	[tilespmem:s0+$0xF370] =	vst v1  }
0x4d: {  	[tilespmem:s0+$0xF300] =	vst v1  }
0x4e: {  	[tilespmem:s0+$0xF310] =	vst v1  }
.Ltmp3:
0x4f: {  	[tilespmem:s0+$0xF320] =	vst v1;
	(pc) =	sbr.rel @p1 .LBB2_4-.Ltmp3, $4  }
0x50: {  	[tilespmem:s0+$0xF330] =	vst v1  }
0x51: {  	[tilespmem:s0+$0xF340] =	vst v1  }
0x52: {  	[tilespmem:s0+$0xF350] =	vst v1  }
0x53: {  	[tilespmem:s0+$0xF360] =	vst v1;
	s0 =	sshra.s32 s6, $0x2;
	s6 =	sadd.s32 $0x200, s6  }
0x54: {  	[tilespmem:s0+$0xF370] =	vst v1  }
0x55: {  	[tilespmem:s0+$0xF300] =	vst v1  }
0x56: {  	[tilespmem:s0+$0xF310] =	vst v1  }
0x57: {  	[tilespmem:s0+$0xF320] =	vst v1  }
0x58: {  	[tilespmem:s0+$0xF330] =	vst v1  }
0x59: {  	[tilespmem:s0+$0xF340] =	vst v1  }
0x5a: {  	[tilespmem:s0+$0xF350] =	vst v1  }
0x5b: {  	[tilespmem:s0+$0xF360] =	vst v1  }
0x5c: {  	[spmem:s8] =	stream.linear.scatter [tilespmem:s31], [sflag:$0x3], $0x2000, $0x38;
	[tilespmem:$0x1FE00] =	vst v63  }
0x5d: {  	_ =	swait.ge [sflag:s25], $0x2000  }
0x5e: {  	[sflag:s25] =	ssyncset.done $0x0  }
0x5f: {  	s18 =	rddreg [dreg:$0x8];
	[sflag:s25] =	ssyncadd.s32 $0xFFFFE000  }
0x60: {  	[spmem:s18] =	stream.linear.scatter [tilespmem:s31], [sflag:$0x3], $0x2000, $0x38;
	[tilespmem:$0x1FE00] =	vst v63  }
0x61: {  	_ =	swait.ge [sflag:s25], $0x2000  }
0x62: {  	[sflag:s25] =	ssyncset.done $0x0  }
0x63: {  	[sflag:s25] =	ssyncadd.s32 $0xFFFFE000  }
0x64: {  	[spmem:s11] =	stream.linear.scatter [tilespmem:s31], [sflag:$0x3], $0x2000, $0x38;
	[tilespmem:$0x1FE00] =	vst v63  }
0x65: {  	_ =	swait.ge [sflag:s25], $0x2000  }
0x66: {  	[sflag:s25] =	ssyncset.done $0x0  }
0x67: {  	s19 =	rddreg [dreg:$0x9];
	[sflag:s25] =	ssyncadd.s32 $0xFFFFE000  }
0x68: {  	[spmem:s19] =	stream.linear.scatter [tilespmem:s31], [sflag:$0x3], $0x2000, $0x38;
	[tilespmem:$0x1FE00] =	vst v63  }
0x69: {  	_ =	swait.ge [sflag:s25], $0x2000  }
0x6a: {  	[sflag:s25] =	ssyncset.done $0x0  }
0x6b: {  	[sflag:s25] =	ssyncadd.s32 $0xFFFFE000  }
0x6c: {  	[spmem:s13] =	stream.linear.scatter [tilespmem:s31], [sflag:$0x3], $0x2000, $0x38;
	[tilespmem:$0x1FE00] =	vst v63  }
0x6d: {  	_ =	swait.ge [sflag:s25], $0x2000  }
0x6e: {  	[sflag:s25] =	ssyncset.done $0x0  }
0x6f: {  	s20 =	simm.s32 $0x0;
	[sflag:s25] =	ssyncadd.s32 $0xFFFFE000  }
0x70: {  	v7 =	vld [tilespmem:s20+$0x5200];
	_ =	sdelay $0x4  }
0x71: {  	v7 =	vsub.s32 v7, v0  }
0x72: {  	v9 =	vld [tilespmem:s20+$0x0];
	vm0 =	vlt.u32 v7, $0x1400  }
0x73: {  	v8 =	vsel vm0, $0x1, v2  }
0x74: {  	(xrf0) =	vadd.scan.msk.s32 $0xffff, v8;
	_ =	sdelay $0x2  }
0x75: {  	v8 =	vshll.u32 v9, $0xD;
	_ =	sdelay $0x1  }
0x76: {  	v7 =	vand.u32 $0x1FFF, v7  }
0x77: {  	v7 =	vor.u32 v8, v7;
	v8, _, _ =	vpop (xrf0)  }
0x78: {  	s0 =	simm.s32 $0x0;
	(v2sf) =	vpush v8, $0xF  }
0x79: {  	s7 =	simm.s32 $0x10;
	s6 =	simm.s32 $0x80;
	[tilespmem:s0+$0x0] =	vst.msk vm0, v7  }
.LBB2_6:
0x7a: {  	p1 =	sne.s32 s6, $0x143C0;
	v7 =	vld [tilespmem:s7+$0x5200];
	_ =	sdelay $0x4  }
0x7b: {  	v7 =	vsub.s32 v7, v0  }
0x7c: {  	vm0 =	vlt.u32 v7, $0x1400;
	v7 =	vand.u32 $0x1FFF, v7  }
0x7d: {  	v8 =	vsel vm0, $0x1, v2  }
0x7e: {  	v9 =	vld [tilespmem:s7+$0x0];
	(xrf0) =	vadd.scan.msk.s32 $0xffff, v8;
	_ =	sdelay $0x3  }
.Ltmp4:
0x7f: {  	(pc) =	sbr.rel @p1 .LBB2_6-.Ltmp4, $4  }
0x80: {  	v9 =	vshll.u32 v9, $0xD;
	s7 =	spop (v2sf)  }
0x81: {  	v7 =	vor.u32 v9, v7;
	v8, _, _ =	vpop (xrf0);
	s0 =	sadd.s32 s0, s7  }
0x82: {  	[tilespmem:s0+$0x0] =	vst.msk vm0, v7;
	(v2sf) =	vpush v8, $0xF  }
0x83: {  	s7 =	sshra.s32 s6, $0x2;
	s6 =	sadd.s32 $0x40, s6  }
0x84: {  	v7 =	vld [tilespmem:s7+$0x5200];
	_ =	sdelay $0x4  }
0x85: {  	v7 =	vsub.s32 v7, v0  }
0x86: {  	vm0 =	vlt.u32 v7, $0x1400  }
0x87: {  	v8 =	vsel vm0, $0x1, v2  }
0x88: {  	(xrf0) =	vadd.scan.msk.s32 $0xffff, v8;
	_ =	sdelay $0x5  }
0x89: {  	v8, _, _ =	vpop (xrf0)  }
0x8a: {  	(v2sf) =	vpush v8, $0xF;
	_ =	sdelay $0x8  }
0x8b: {  	v8 =	vld [tilespmem:s7+$0x0];
	_ =	sdelay $0x4  }
0x8c: {  	v7 =	vand.u32 $0x1FFF, v7;
	s6 =	spop (v2sf);
	v8 =	vshll.u32 v8, $0xD  }
0x8d: {  	s0 =	sadd.s32 s0, s6;
	v7 =	vor.u32 v8, v7;
	s18 =	spop (v2sf)  }
0x8e: {  	[tilespmem:s0+$0x0] =	vst.msk vm0, v7;
	s18 =	sadd.s32 s0, s18  }
0x8f: {  	[tilespmem:s18+$0x0] =	vst v2  }
0x90: {  	[tilespmem:s18+$0x10] =	vst v2  }
0x91: {  	[tilespmem:s18+$0x20] =	vst v2  }
0x92: {  	[tilespmem:s18+$0x30] =	vst v2;
	s0 =	sadd.s32 $0xF, s18  }
0x93: {  	[tilespmem:s18+$0x40] =	vst v2;
	s19 =	sand.u32 $0xF, s0  }
0x94: {  	[tilespmem:s18+$0x50] =	vst v2;
	s20 =	sshra.s32 s0, $0x1F;
	p2 =	slt.s32 s0, $0x1;
	p1 =	sne.s32 s19, $0x0  }
0x95: {  	[tilespmem:s18+$0x60] =	vst v2;
	s6 =	sshrl.u32 s20, $0x1C;
	p1 =	por !p2, !p1  }
0x96: {  	[tilespmem:s18+$0x70] =	vst v2;
	s0 =	sadd.s32 s6, s0;
	s6 =	simm.s32 $0x1;
	p1 =	por !p1, !p1  }
0x97: {  	[tilespmem:s18+$0x80] =	vst v2;
	s0 =	sshra.s32 s0, $0x4;
	s6 =	simm.s32 @!p1 $0x0  }
0x98: {  	[tilespmem:s18+$0x90] =	vst v2;
	s6 =	ssub.s32 s0, s6  }
0x99: {  	[tilespmem:s18+$0xA0] =	vst v2;
	p1 =	slt.s32 s6, $0x1  }
.Ltmp5:
0x9a: {  	[tilespmem:s18+$0xB0] =	vst v2;
	(pc) =	sbr.rel @p1 .LBB2_14-.Ltmp5, $4  }
0x9b: {  	[tilespmem:s18+$0xC0] =	vst v2  }
0x9c: {  	[tilespmem:s18+$0xD0] =	vst v2  }
0x9d: {  	[tilespmem:s18+$0xE0] =	vst v2  }
0x9e: {  	[tilespmem:s18+$0xF0] =	vst v2;
	v7 =	vmov s18  }
0x9f: {  	p2 =	sne.s32 s6, $0x1  }
.Ltmp6:
0xa0: {  	_ = 	snop;
	(pc) =	sbr.rel @!p2 .LBB2_9-.Ltmp6, $3  }
0xa1: {  	_ =	sdelay $0x1  }
0xa2: {  	s0 =	simm.s32 $0x0  }
0xa3: {  	s6 =	sadd.s32 $0xFFFFFFFF, s6;
	p1 =	por $0x0, $0x0;
	v8 =	vld [tilespmem:s0+$0x0]  }
0xa4: {  	_ =	sdelay $0x3  }
0xa5: {  	v9 =	vshrl.u32 v8, $0xD  }
0xa6: {  	v8 =	vand.u32 $0x1FFF, v8;
	_ =	sdelay $0x3  }
0xa7: {  	v9 =	vld.idx.msk [tilespmem:v9+s29+$0x0], $0xffff  }
0xa8: {  	v10 =	vld.idx.msk [tilespmem:v8+s30+$0x0], $0xffff;
	_ =	sdelay $0x4  }
0xa9: {  	v9 =	vadd.f32 v10, v9;
	_ =	sdelay $0x1  }
0xaa: {  	v10 =	vmul.f32 $2.000000030e-01, v9  }
0xab: {  	vm0 =	vgt.f32 v9, $0.0e+00  }
0xac: {  	v9 =	vsel vm0, v9, v10  }
0xad: {  	v9 =	vmul.f32 $1.442695020e+00, v9;
	_ =	sdelay $0x1  }
0xae: {  	(erf) = vpow2.f32 v9;
	_ =	sdelay $0x2  }
0xaf: {  	v9 =	vor.u32 s0, v3  }
0xb0: {  	vm15 =	vlt.s32 v9, v7;
	_ =	sdelay $0x2  }
0xb1: {  	p2 =	sne.s32 s6, $0x1  }
.Ltmp7:
0xb2: {  	_ = 	snop;
	(pc) =	sbr.rel @!p2 .LBB2_11-.Ltmp7, $4  }
0xb3: {  	v9 =	vpop (erf)  }
0xb4: {  	s7 =	simm.s32 $0x10;
	[tilespmem:v8+s1+$0x0] =	vst.idx.add.f32.msk vm15, v9  }
0xb5: {  	v8 =	vld [tilespmem:s7+$0x0]  }
0xb6: {  	s9 =	sadd.s32 $0xFFFFFFFF, s6;
	p1 =	por $0x1, $0x1;
	s6 =	simm.s32 $0x0  }
.LBB2_12:
0xb7: {  	p2 =	sne.s32 s9, $0x1;
	_ =	sdelay $0x2  }
0xb8: {  	v9 =	vshrl.u32 v8, $0xD  }
0xb9: {  	v8 =	vand.u32 $0x1FFF, v8;
	_ =	sdelay $0x3  }
0xba: {  	v9 =	vld.idx.msk [tilespmem:v9+s29+$0x0], $0xffff  }
0xbb: {  	v10 =	vld.idx.msk [tilespmem:v8+s30+$0x0], $0xffff;
	_ =	sdelay $0x5  }
0xbc: {  	v9 =	vadd.f32 v10, v9;
	_ =	sdelay $0x1  }
0xbd: {  	v10 =	vmul.f32 $2.000000030e-01, v9  }
0xbe: {  	vm0 =	vgt.f32 v9, $0.0e+00  }
0xbf: {  	v9 =	vsel vm0, v9, v10  }
0xc0: {  	v9 =	vmul.f32 $1.442695020e+00, v9;
	_ =	sdelay $0x1  }
0xc1: {  	(erf) = vpow2.f32 v9;
	_ =	sdelay $0x1  }
0xc2: {  	s6 =	sadd.s32 $0x10, s6  }
0xc3: {  	v9 =	vor.u32 s6, v3  }
0xc4: {  	vm0 =	vlt.s32 v9, v7;
	_ =	sdelay $0x3  }
.Ltmp8:
0xc5: {  	(pc) =	sbr.rel @p2 .LBB2_12-.Ltmp8, $4  }
0xc6: {  	v9 =	vpop (erf)  }
0xc7: {  	s7 =	sadd.s32 $0x10, s7;
	[tilespmem:v8+s1+$0x0] =	vst.idx.add.f32.msk vm0, v9  }
0xc8: {  	v8 =	vld [tilespmem:s7+$0x0]  }
0xc9: {  	s9 =	sadd.s32 $0xFFFFFFFF, s9  }
.LBB2_13:
0xca: {  	_ =	sdelay $0x2  }
0xcb: {  	v9 =	vshrl.u32 v8, $0xD  }
0xcc: {  	v8 =	vand.u32 $0x1FFF, v8;
	_ =	sdelay $0x3  }
0xcd: {  	v9 =	vld.idx.msk [tilespmem:v9+s29+$0x0], $0xffff  }
0xce: {  	v10 =	vld.idx.msk [tilespmem:v8+s30+$0x0], $0xffff;
	_ =	sdelay $0x4  }
0xcf: {  	v9 =	vadd.f32 v10, v9;
	_ =	sdelay $0x1  }
0xd0: {  	v10 =	vmul.f32 $2.000000030e-01, v9  }
0xd1: {  	vm0 =	vgt.f32 v9, $0.0e+00  }
0xd2: {  	v9 =	vsel vm0, v9, v10  }
0xd3: {  	v9 =	vmul.f32 $1.442695020e+00, v9;
	_ =	sdelay $0x1  }
0xd4: {  	(erf) = vpow2.f32 v9  }
0xd5: {  	s6 =	sadd.s32 @p1 $0x10, s6  }
0xd6: {  	s0 =	smov.u32 @p1 s6  }
0xd7: {  	v62 =	vor.u32 s0, v3  }
0xd8: {  	vm15 =	vlt.s32 v62, v7;
	_ =	sdelay $0x4  }
0xd9: {  	v63 =	vpop (erf)  }
0xda: {  	[tilespmem:v8+s1+$0x0] =	vst.idx.add.f32.msk vm15, v63  }
.LBB2_14:
0xdb: {  	s0 =	rddreg [dreg:$0xa]  }
0xdc: {  	[hbm4b:s0+s3] =	stream.linear.scatter [tilespmem:s1], [sflag:$0x3], $0x1400, $0x38;
	[tilespmem:$0x1FE00] =	vst v63  }
.Ltmp9:
0xdd: {  	_ =	swait.ge [sflag:s25], $0x1400;
	(pc) =	sbr.rel @p0 .LBB2_18-.Ltmp9, $3  }
0xde: {  	[sflag:s25] =	ssyncset.done $0x0  }
0xdf: {  	[sflag:s25] =	ssyncadd.s32 $0xFFFFEC00  }
0xe0: {  	[bflag:$0x0] =	sbarrier.arrive $0xFFFF;
	_ =	sdelay $0x1  }
0xe1: {  	s6 =	simm.s32 $0x0;
	s0 =	simm.s32 $0x13600  }
0xe2: {  	[tilespmem:s0], [sflag:$0x3] =	stream.linear.gather [hbm4b:s15+s6], $0x280, $0x38;
	[tilespmem:$0x1FE00] =	vst v63  }
0xe3: {  	_ =	swait.ge [sflag:s25], $0x280  }
0xe4: {  	[sflag:s25] =	ssyncset.done $0x0  }
0xe5: {  	s7 =	simm.s32 $0x13880;
	s5 =	rddreg [dreg:$0xb];
	[sflag:s25] =	ssyncadd.s32 $0xFFFFFD80  }
0xe6: {  	[tilespmem:s7], [sflag:$0x3] =	stream.linear.gather [hbm4b:s5+s6], $0x280, $0x38;
	[tilespmem:$0x1FE00] =	vst v63  }
0xe7: {  	_ =	swait.ge [sflag:s25], $0x280  }
0xe8: {  	[sflag:s25] =	ssyncset.done $0x0  }
0xe9: {  	s14 =	simm.s32 $0x13B00;
	s12 =	rddreg [dreg:$0xc];
	[sflag:s25] =	ssyncadd.s32 $0xFFFFFD80  }
0xea: {  	[tilespmem:s14], [sflag:$0x3] =	stream.linear.gather [hbm4b:s12+s6], $0x280, $0x38;
	[tilespmem:$0x1FE00] =	vst v63  }
0xeb: {  	_ =	swait.ge [sflag:s25], $0x280  }
0xec: {  	[sflag:s25] =	ssyncset.done $0x0  }
0xed: {  	s20 =	simm.s32 $0x13D80;
	s19 =	rddreg [dreg:$0xd];
	[sflag:s25] =	ssyncadd.s32 $0xFFFFFD80  }
0xee: {  	[tilespmem:s20], [sflag:$0x3] =	stream.linear.gather [hbm4b:s19+s6], $0x280, $0x38;
	[tilespmem:$0x1FE00] =	vst v63  }
0xef: {  	_ =	swait.ge [sflag:s25], $0x280  }
0xf0: {  	[sflag:s25] =	ssyncset.done $0x0  }
0xf1: {  	s10 =	simm.s32 $0x14000;
	s9 =	rddreg [dreg:$0xe];
	[sflag:s25] =	ssyncadd.s32 $0xFFFFFD80  }
0xf2: {  	[tilespmem:s10], [sflag:$0x3] =	stream.linear.gather [hbm4b:s9+s6], $0x280, $0x38;
	[tilespmem:$0x1FE00] =	vst v63  }
0xf3: {  	_ =	swait.ge [sflag:s25], $0x280  }
0xf4: {  	[sflag:s25] =	ssyncset.done $0x0  }
0xf5: {  	s14 =	simm.s32 $0x14280;
	s12 =	rddreg [dreg:$0x10];
	[sflag:s25] =	ssyncadd.s32 $0xFFFFFD80  }
0xf6: {  	[tilespmem:s14], [sflag:$0x3] =	stream.linear.gather [hbm4b:s12+s6], $0x280, $0x38;
	[tilespmem:$0x1FE00] =	vst v63  }
0xf7: {  	_ =	swait.ge [sflag:s25], $0x280  }
0xf8: {  	[sflag:s25] =	ssyncset.done $0x0  }
0xf9: {  	s20 =	simm.s32 $0x14500;
	s19 =	rddreg [dreg:$0x11];
	[sflag:s25] =	ssyncadd.s32 $0xFFFFFD80  }
0xfa: {  	[tilespmem:s20], [sflag:$0x3] =	stream.linear.gather [hbm4b:s19+s6], $0x280, $0x38;
	[tilespmem:$0x1FE00] =	vst v63  }
0xfb: {  	_ =	swait.ge [sflag:s25], $0x280  }
0xfc: {  	[sflag:s25] =	ssyncset.done $0x0  }
0xfd: {  	s10 =	simm.s32 $0x14780;
	s9 =	rddreg [dreg:$0x12];
	[sflag:s25] =	ssyncadd.s32 $0xFFFFFD80  }
0xfe: {  	[tilespmem:s10], [sflag:$0x3] =	stream.linear.gather [hbm4b:s9+s6], $0x280, $0x38;
	[tilespmem:$0x1FE00] =	vst v63  }
0xff: {  	_ =	swait.ge [sflag:s25], $0x280  }
0x100: {  	[sflag:s25] =	ssyncset.done $0x0  }
0x101: {  	s14 =	simm.s32 $0x14A00;
	s12 =	rddreg [dreg:$0x13];
	[sflag:s25] =	ssyncadd.s32 $0xFFFFFD80  }
0x102: {  	[tilespmem:s14], [sflag:$0x3] =	stream.linear.gather [hbm4b:s12+s6], $0x280, $0x38;
	[tilespmem:$0x1FE00] =	vst v63  }
0x103: {  	_ =	swait.ge [sflag:s25], $0x280  }
0x104: {  	[sflag:s25] =	ssyncset.done $0x0  }
0x105: {  	s20 =	simm.s32 $0x14C80;
	s19 =	rddreg [dreg:$0x14];
	[sflag:s25] =	ssyncadd.s32 $0xFFFFFD80  }
0x106: {  	[tilespmem:s20], [sflag:$0x3] =	stream.linear.gather [hbm4b:s19+s6], $0x280, $0x38;
	[tilespmem:$0x1FE00] =	vst v63  }
0x107: {  	_ =	swait.ge [sflag:s25], $0x280  }
0x108: {  	[sflag:s25] =	ssyncset.done $0x0  }
0x109: {  	s10 =	simm.s32 $0x14F00;
	s9 =	rddreg [dreg:$0x15];
	[sflag:s25] =	ssyncadd.s32 $0xFFFFFD80  }
0x10a: {  	[tilespmem:s10], [sflag:$0x3] =	stream.linear.gather [hbm4b:s9+s6], $0x280, $0x38;
	[tilespmem:$0x1FE00] =	vst v63  }
0x10b: {  	_ =	swait.ge [sflag:s25], $0x280  }
0x10c: {  	[sflag:s25] =	ssyncset.done $0x0  }
0x10d: {  	s14 =	simm.s32 $0x15180;
	s12 =	rddreg [dreg:$0x16];
	[sflag:s25] =	ssyncadd.s32 $0xFFFFFD80  }
0x10e: {  	[tilespmem:s14], [sflag:$0x3] =	stream.linear.gather [hbm4b:s12+s6], $0x280, $0x38;
	[tilespmem:$0x1FE00] =	vst v63  }
0x10f: {  	_ =	swait.ge [sflag:s25], $0x280  }
0x110: {  	[sflag:s25] =	ssyncset.done $0x0  }
0x111: {  	s20 =	simm.s32 $0x15400;
	s19 =	rddreg [dreg:$0x17];
	[sflag:s25] =	ssyncadd.s32 $0xFFFFFD80  }
0x112: {  	[tilespmem:s20], [sflag:$0x3] =	stream.linear.gather [hbm4b:s19+s6], $0x280, $0x38;
	[tilespmem:$0x1FE00] =	vst v63  }
0x113: {  	_ =	swait.ge [sflag:s25], $0x280  }
0x114: {  	[sflag:s25] =	ssyncset.done $0x0  }
0x115: {  	s10 =	simm.s32 $0x15680;
	s9 =	rddreg [dreg:$0x18];
	[sflag:s25] =	ssyncadd.s32 $0xFFFFFD80  }
0x116: {  	[tilespmem:s10], [sflag:$0x3] =	stream.linear.gather [hbm4b:s9+s6], $0x280, $0x38;
	[tilespmem:$0x1FE00] =	vst v63  }
0x117: {  	_ =	swait.ge [sflag:s25], $0x280  }
0x118: {  	[sflag:s25] =	ssyncset.done $0x0  }
0x119: {  	s14 =	simm.s32 $0x15900;
	s12 =	rddreg [dreg:$0x19];
	[sflag:s25] =	ssyncadd.s32 $0xFFFFFD80  }
0x11a: {  	[tilespmem:s14], [sflag:$0x3] =	stream.linear.gather [hbm4b:s12+s6], $0x280, $0x38;
	[tilespmem:$0x1FE00] =	vst v63  }
0x11b: {  	_ =	swait.ge [sflag:s25], $0x280  }
0x11c: {  	[sflag:s25] =	ssyncset.done $0x0  }
0x11d: {  	s20 =	simm.s32 $0x15B80;
	s19 =	rddreg [dreg:$0x1a];
	[sflag:s25] =	ssyncadd.s32 $0xFFFFFD80  }
0x11e: {  	[tilespmem:s20], [sflag:$0x3] =	stream.linear.gather [hbm4b:s19+s6], $0x280, $0x38;
	[tilespmem:$0x1FE00] =	vst v63  }
0x11f: {  	_ =	swait.ge [sflag:s25], $0x280  }
0x120: {  	[sflag:s25] =	ssyncset.done $0x0  }
0x121: {  	s6 =	sand.u32 $0x3F0, s6;
	[sflag:s25] =	ssyncadd.s32 $0xFFFFFD80  }
0x122: {  	s7 =	simm.s32 $0x10;
	v8 =	vld [tilespmem:s6+$0x13880]  }
.LBB2_16:
0x123: {  	p1 =	sne.s32 s7, $0x270;
	v9 =	vld [tilespmem:s0+$0x0];
	_ =	sdelay $0x1  }
0x124: {  	v10 =	vld [tilespmem:s6+$0x13B00];
	_ =	sdelay $0x1  }
0x125: {  	v11 =	vld [tilespmem:s6+$0x13D80]  }
0x126: {  	v8 =	vadd.f32 v8, v9  }
0x127: {  	v9 =	vld [tilespmem:s6+$0x14000]  }
0x128: {  	v8 =	vadd.f32 v10, v8  }
0x129: {  	v10 =	vld [tilespmem:s6+$0x14280]  }
0x12a: {  	v8 =	vadd.f32 v11, v8  }
0x12b: {  	v11 =	vld [tilespmem:s6+$0x14500]  }
0x12c: {  	v8 =	vadd.f32 v9, v8  }
0x12d: {  	v9 =	vld [tilespmem:s6+$0x14780]  }
0x12e: {  	v8 =	vadd.f32 v10, v8  }
0x12f: {  	v10 =	vld [tilespmem:s6+$0x14A00]  }
0x130: {  	v8 =	vadd.f32 v11, v8  }
0x131: {  	v11 =	vld [tilespmem:s6+$0x14C80]  }
0x132: {  	v8 =	vadd.f32 v9, v8  }
0x133: {  	v9 =	vld [tilespmem:s6+$0x14F00]  }
0x134: {  	v8 =	vadd.f32 v10, v8  }
0x135: {  	v10 =	vld [tilespmem:s6+$0x15180]  }
0x136: {  	v8 =	vadd.f32 v11, v8  }
0x137: {  	v11 =	vld [tilespmem:s6+$0x15400]  }
0x138: {  	v8 =	vadd.f32 v9, v8  }
0x139: {  	v9 =	vld [tilespmem:s6+$0x15680]  }
0x13a: {  	v8 =	vadd.f32 v10, v8  }
0x13b: {  	v10 =	vld [tilespmem:s6+$0x15900]  }
0x13c: {  	v8 =	vadd.f32 v11, v8  }
0x13d: {  	v11 =	vld [tilespmem:s6+$0x15B80]  }
0x13e: {  	v8 =	vadd.f32 v9, v8;
	_ =	sdelay $0x1  }
0x13f: {  	v8 =	vadd.f32 v10, v8  }
.Ltmp10:
0x140: {  	(pc) =	sbr.rel @p1 .LBB2_16-.Ltmp10, $3  }
0x141: {  	v8 =	vadd.f32 v11, v8;
	_ =	sdelay $0x1  }
0x142: {  	s6 =	sand.u32 $0x3F0, s7;
	[tilespmem:s0+$0x0] =	vst v8  }
0x143: {  	s7 =	sadd.s32 $0x10, s7;
	s0 =	sadd.s32 $0x10, s0;
	v8 =	vld [tilespmem:s6+$0x13880]  }
0x144: {  	v9 =	vld [tilespmem:s0+$0x0];
	_ =	sdelay $0x1  }
0x145: {  	v10 =	vld [tilespmem:s6+$0x13B00];
	_ =	sdelay $0x1  }
0x146: {  	v11 =	vld [tilespmem:s6+$0x13D80]  }
0x147: {  	v8 =	vadd.f32 v8, v9  }
0x148: {  	v52 =	vld [tilespmem:s6+$0x14000]  }
0x149: {  	v8 =	vadd.f32 v10, v8  }
0x14a: {  	v53 =	vld [tilespmem:s6+$0x14280]  }
0x14b: {  	v8 =	vadd.f32 v11, v8  }
0x14c: {  	v54 =	vld [tilespmem:s6+$0x14500]  }
0x14d: {  	v8 =	vadd.f32 v52, v8  }
0x14e: {  	v55 =	vld [tilespmem:s6+$0x14780]  }
0x14f: {  	v8 =	vadd.f32 v53, v8  }
0x150: {  	v56 =	vld [tilespmem:s6+$0x14A00]  }
0x151: {  	v8 =	vadd.f32 v54, v8  }
0x152: {  	v57 =	vld [tilespmem:s6+$0x14C80]  }
0x153: {  	v8 =	vadd.f32 v55, v8  }
0x154: {  	v58 =	vld [tilespmem:s6+$0x14F00]  }
0x155: {  	v8 =	vadd.f32 v56, v8  }
0x156: {  	v59 =	vld [tilespmem:s6+$0x15180]  }
0x157: {  	v8 =	vadd.f32 v57, v8  }
0x158: {  	v60 =	vld [tilespmem:s6+$0x15400]  }
0x159: {  	v8 =	vadd.f32 v58, v8  }
0x15a: {  	v61 =	vld [tilespmem:s6+$0x15680]  }
0x15b: {  	v8 =	vadd.f32 v59, v8  }
0x15c: {  	v62 =	vld [tilespmem:s6+$0x15900]  }
0x15d: {  	v8 =	vadd.f32 v60, v8  }
0x15e: {  	v63 =	vld [tilespmem:s6+$0x15B80]  }
0x15f: {  	v8 =	vadd.f32 v61, v8;
	_ =	sdelay $0x1  }
0x160: {  	v8 =	vadd.f32 v62, v8;
	_ =	sdelay $0x1  }
0x161: {  	v8 =	vadd.f32 v63, v8;
	_ =	sdelay $0x1  }
0x162: {  	s20 =	simm.s32 $0x13600;
	[tilespmem:s0+$0x0] =	vst v8  }
0x163: {  	[hbm4b:s15+s3] =	stream.linear.scatter [tilespmem:s20], [sflag:$0x3], $0x280, $0x38;
	[tilespmem:$0x1FE00] =	vst v63  }
0x164: {  	_ =	swait.ge [sflag:s25], $0x280  }
0x165: {  	[sflag:s25] =	ssyncset.done $0x0  }
0x166: {  	[sflag:s25] =	ssyncadd.s32 $0xFFFFFD80  }
.LBB2_18:
0x167: {  	[bflag:$0x0] =	sbarrier.arrive $0xFFFF;
	s19 =	sadd.s32 $0x3F, s18  }
0x168: {  	s0 =	rddreg [dreg:$0xf];
	s6 =	sand.u32 $0x3F, s19  }
0x169: {  	[tilespmem:s1], [sflag:$0x3] =	stream.linear.gather [hbm4b:s0+s3], $0x1400, $0x38;
	[tilespmem:$0x1FE00] =	vst v63  }
0x16a: {  	s20 =	sshra.s32 s19, $0x1F;
	p2 =	slt.s32 s19, $0x1;
	p1 =	sne.s32 s6, $0x0  }
0x16b: {  	s6 =	sshrl.u32 s20, $0x1A;
	p1 =	por !p2, !p1  }
0x16c: {  	s0 =	sadd.s32 s6, s19;
	s6 =	simm.s32 $0x1;
	p1 =	por !p1, !p1  }
0x16d: {  	s0 =	sshra.s32 s0, $0x6;
	s6 =	simm.s32 @!p1 $0x0  }
0x16e: {  	s18 =	ssub.s32 s0, s6  }
0x16f: {  	p1 =	slt.s32 s18, $0x1  }
.Ltmp11:
0x170: {  	_ = 	snop;
	(pc) =	sbr.rel @p1 .LBB2_25-.Ltmp11, $4  }
0x171: {  	_ = 	snop  }
0x172: {  	_ =	swait.ge [sflag:s25], $0x1400  }
0x173: {  	[sflag:s25] =	ssyncset.done $0x0  }
0x174: {  	[sflag:s25] =	ssyncadd.s32 $0xFFFFEC00  }
0x175: {  	v8 =	vld [tilespmem:$0x0];
	_ =	sdelay $0x4  }
0x176: {  	v9 =	vshrl.u32 v8, $0xD  }
0x177: {  	v8 =	vand.u32 $0x1FFF, v8;
	_ =	sdelay $0x1  }
0x178: {  	[tilespmem:$0x13300] =	vst v9  }
0x179: {  	[tilespmem:$0x13400] =	vst v8  }
0x17a: {  	v9 =	vld.idx.msk [tilespmem:v9+s29+$0x0], $0xffff  }
0x17b: {  	v10 =	vld.idx.msk [tilespmem:v8+s30+$0x0], $0xffff;
	_ =	sdelay $0x4  }
0x17c: {  	v9 =	vadd.f32 v10, v9  }
0x17d: {  	v8 =	vld.idx.msk [tilespmem:v8+s1+$0x0], $0xffff  }
0x17e: {  	v10 =	vmul.f32 $2.000000030e-01, v9  }
0x17f: {  	vm0 =	vgt.f32 v9, $0.0e+00  }
0x180: {  	v9 =	vsel vm0, v9, v10  }
0x181: {  	v9 =	vmul.f32 $1.442695020e+00, v9  }
0x182: {  	v8 =	vadd.f32 $1.000000020e-16, v8  }
0x183: {  	(erf) = vpow2.f32 v9  }
0x184: {  	(erf) = vrcp.f32 v8;
	_ =	sdelay $0x3  }
0x185: {  	v8 =	vld [tilespmem:$0x10];
	_ =	sdelay $0x3  }
0x186: {  	v9 =	vpop (erf)  }
0x187: {  	v55 =	vshrl.u32 v8, $0xD;
	v54 =	vpop (erf)  }
0x188: {  	v8 =	vand.u32 $0x1FFF, v8;
	v9 =	vmul.f32 v9, v54  }
0x189: {  	vm9 =	vgt.s32 v7, v3;
	[tilespmem:$0x13310] =	vst v55  }
0x18a: {  	[tilespmem:$0x13410] =	vst v8;
	v9 =	vnsel vm9, $0x0, v9  }
0x18b: {  	[tilespmem:$0x13500] =	vst v9  }
0x18c: {  	v9 =	vld.idx.msk [tilespmem:v55+s29+$0x0], $0xffff  }
0x18d: {  	v56 =	vld.idx.msk [tilespmem:v8+s30+$0x0], $0xffff;
	_ =	sdelay $0x4  }
0x18e: {  	v9 =	vadd.f32 v56, v9  }
0x18f: {  	v8 =	vld.idx.msk [tilespmem:v8+s1+$0x0], $0xffff  }
0x190: {  	v10 =	vmul.f32 $2.000000030e-01, v9  }
0x191: {  	vm10 =	vgt.f32 v9, $0.0e+00  }
0x192: {  	v9 =	vsel vm10, v9, v10  }
0x193: {  	v9 =	vmul.f32 $1.442695020e+00, v9  }
0x194: {  	v8 =	vadd.f32 $1.000000020e-16, v8  }
0x195: {  	(erf) = vpow2.f32 v9  }
0x196: {  	(erf) = vrcp.f32 v8;
	_ =	sdelay $0x3  }
0x197: {  	v8 =	vld [tilespmem:$0x20];
	_ =	sdelay $0x3  }
0x198: {  	v9 =	vpop (erf)  }
0x199: {  	v58 =	vshrl.u32 v8, $0xD;
	v57 =	vpop (erf)  }
0x19a: {  	v8 =	vand.u32 $0x1FFF, v8;
	v9 =	vmul.f32 v9, v57  }
0x19b: {  	vm11 =	vgt.s32 v7, v4;
	[tilespmem:$0x13320] =	vst v58  }
0x19c: {  	[tilespmem:$0x13420] =	vst v8;
	v9 =	vnsel vm11, $0x0, v9  }
0x19d: {  	[tilespmem:$0x13510] =	vst v9  }
0x19e: {  	v9 =	vld.idx.msk [tilespmem:v58+s29+$0x0], $0xffff  }
0x19f: {  	v59 =	vld.idx.msk [tilespmem:v8+s30+$0x0], $0xffff;
	_ =	sdelay $0x4  }
0x1a0: {  	v9 =	vadd.f32 v59, v9  }
0x1a1: {  	v8 =	vld.idx.msk [tilespmem:v8+s1+$0x0], $0xffff  }
0x1a2: {  	v10 =	vmul.f32 $2.000000030e-01, v9  }
0x1a3: {  	vm12 =	vgt.f32 v9, $0.0e+00  }
0x1a4: {  	v9 =	vsel vm12, v9, v10  }
0x1a5: {  	v9 =	vmul.f32 $1.442695020e+00, v9  }
0x1a6: {  	v8 =	vadd.f32 $1.000000020e-16, v8  }
0x1a7: {  	(erf) = vpow2.f32 v9  }
0x1a8: {  	(erf) = vrcp.f32 v8;
	_ =	sdelay $0x3  }
0x1a9: {  	v8 =	vld [tilespmem:$0x30];
	_ =	sdelay $0x3  }
0x1aa: {  	v9 =	vpop (erf)  }
0x1ab: {  	v61 =	vshrl.u32 v8, $0xD;
	v60 =	vpop (erf)  }
0x1ac: {  	v8 =	vand.u32 $0x1FFF, v8;
	v9 =	vmul.f32 v9, v60  }
0x1ad: {  	vm13 =	vgt.s32 v7, v5;
	[tilespmem:$0x13330] =	vst v61  }
0x1ae: {  	[tilespmem:$0x13430] =	vst v8;
	v9 =	vnsel vm13, $0x0, v9  }
0x1af: {  	[tilespmem:$0x13520] =	vst v9  }
0x1b0: {  	v9 =	vld.idx.msk [tilespmem:v61+s29+$0x0], $0xffff  }
0x1b1: {  	v62 =	vld.idx.msk [tilespmem:v8+s30+$0x0], $0xffff;
	_ =	sdelay $0x4  }
0x1b2: {  	v9 =	vadd.f32 v62, v9  }
0x1b3: {  	v8 =	vld.idx.msk [tilespmem:v8+s1+$0x0], $0xffff  }
0x1b4: {  	v10 =	vmul.f32 $2.000000030e-01, v9  }
0x1b5: {  	vm14 =	vgt.f32 v9, $0.0e+00  }
0x1b6: {  	v9 =	vsel vm14, v9, v10  }
0x1b7: {  	v9 =	vmul.f32 $1.442695020e+00, v9  }
0x1b8: {  	v8 =	vadd.f32 $1.000000020e-16, v8  }
0x1b9: {  	(erf) = vpow2.f32 v9  }
0x1ba: {  	(erf) = vrcp.f32 v8;
	_ =	sdelay $0x7  }
0x1bb: {  	v8 =	vpop (erf)  }
0x1bc: {  	v63 =	vpop (erf)  }
0x1bd: {  	v8 =	vmul.f32 v8, v63  }
0x1be: {  	vm15 =	vgt.s32 v7, v6  }
0x1bf: {  	v8 =	vnsel vm15, $0x0, v8  }
0x1c0: {  	s0 =	simm.s32 $0x13300;
	s19 =	simm.s32 $0x0;
	p1 =	por $0x0, $0x0;
	[tilespmem:$0x13530] =	vst v8  }
0x1c1: {  	[tilespmem:s31], [sflag:$0x1] =	stream.indirect.gather [hbm4b:s4+s16], $0x80, s0, s16, $0xb8;
	[tilespmem:$0x1FE00] =	vst v63  }
.LBB2_20:
0x1c2: {  	s10 =	sand.u32 $0x1, s19;
	s19 =	sadd.s32 $0x1, s19  }
0x1c3: {  	p2 =	sge.s32 s19, s18  }
.Ltmp12:
0x1c4: {  	_ = 	snop;
	(pc) =	sbr.rel @p2 .LBB2_22-.Ltmp12, $1  }
0x1c5: {  	_ =	sdelay $0x3  }
0x1c6: {  	s7 =	sshll.u32 s19, $0x6  }
0x1c7: {  	v8 =	vld [tilespmem:s7+$0x0];
	_ =	sdelay $0x4  }
0x1c8: {  	v9 =	vshrl.u32 v8, $0xD  }
0x1c9: {  	s0 =	sxor.u32 $0x1, s10;
	v8 =	vand.u32 $0x1FFF, v8  }
0x1ca: {  	s6 =	sshll.u32 s0, $0x7  }
0x1cb: {  	[tilespmem:s6+$0x13300] =	vst v9  }
0x1cc: {  	[tilespmem:s6+$0x13400] =	vst v8  }
0x1cd: {  	v9 =	vld.idx.msk [tilespmem:v9+s29+$0x0], $0xffff  }
0x1ce: {  	v10 =	vld.idx.msk [tilespmem:v8+s30+$0x0], $0xffff;
	_ =	sdelay $0x4  }
0x1cf: {  	v9 =	vadd.f32 v10, v9  }
0x1d0: {  	v8 =	vld.idx.msk [tilespmem:v8+s1+$0x0], $0xffff  }
0x1d1: {  	v10 =	vmul.f32 $2.000000030e-01, v9  }
0x1d2: {  	vm0 =	vgt.f32 v9, $0.0e+00  }
0x1d3: {  	v9 =	vsel vm0, v9, v10  }
0x1d4: {  	v9 =	vmul.f32 $1.442695020e+00, v9  }
0x1d5: {  	v8 =	vadd.f32 $1.000000020e-16, v8  }
0x1d6: {  	(erf) = vpow2.f32 v9  }
0x1d7: {  	(erf) = vrcp.f32 v8;
	_ =	sdelay $0x7  }
0x1d8: {  	v8 =	vpop (erf)  }
0x1d9: {  	v50 =	vpop (erf)  }
0x1da: {  	v51 =	vor.u32 s7, v3;
	v8 =	vmul.f32 v8, v50  }
0x1db: {  	vm9 =	vlt.s32 v51, v7  }
0x1dc: {  	v8 =	vnsel vm9, $0x0, v8  }
0x1dd: {  	[tilespmem:s6+$0x13500] =	vst v8  }
0x1de: {  	v8 =	vld [tilespmem:s7+$0x10];
	_ =	sdelay $0x4  }
0x1df: {  	v52 =	vshrl.u32 v8, $0xD  }
0x1e0: {  	v8 =	vand.u32 $0x1FFF, v8;
	_ =	sdelay $0x1  }
0x1e1: {  	[tilespmem:s6+$0x13310] =	vst v52  }
0x1e2: {  	[tilespmem:s6+$0x13410] =	vst v8  }
0x1e3: {  	v9 =	vld.idx.msk [tilespmem:v52+s29+$0x0], $0xffff  }
0x1e4: {  	v53 =	vld.idx.msk [tilespmem:v8+s30+$0x0], $0xffff;
	_ =	sdelay $0x4  }
0x1e5: {  	v9 =	vadd.f32 v53, v9  }
0x1e6: {  	v8 =	vld.idx.msk [tilespmem:v8+s1+$0x0], $0xffff  }
0x1e7: {  	v10 =	vmul.f32 $2.000000030e-01, v9  }
0x1e8: {  	vm10 =	vgt.f32 v9, $0.0e+00  }
0x1e9: {  	v9 =	vsel vm10, v9, v10  }
0x1ea: {  	v9 =	vmul.f32 $1.442695020e+00, v9  }
0x1eb: {  	v8 =	vadd.f32 $1.000000020e-16, v8  }
0x1ec: {  	(erf) = vpow2.f32 v9  }
0x1ed: {  	(erf) = vrcp.f32 v8;
	_ =	sdelay $0x7  }
0x1ee: {  	v8 =	vpop (erf)  }
0x1ef: {  	s9 =	sor.u32 $0x10, s7;
	v54 =	vpop (erf)  }
0x1f0: {  	v55 =	vor.u32 s9, v3;
	v8 =	vmul.f32 v8, v54  }
0x1f1: {  	vm11 =	vlt.s32 v55, v7  }
0x1f2: {  	v8 =	vnsel vm11, $0x0, v8  }
0x1f3: {  	[tilespmem:s6+$0x13510] =	vst v8  }
0x1f4: {  	v8 =	vld [tilespmem:s7+$0x20];
	_ =	sdelay $0x4  }
0x1f5: {  	v56 =	vshrl.u32 v8, $0xD  }
0x1f6: {  	v8 =	vand.u32 $0x1FFF, v8;
	_ =	sdelay $0x1  }
0x1f7: {  	[tilespmem:s6+$0x13320] =	vst v56  }
0x1f8: {  	[tilespmem:s6+$0x13420] =	vst v8  }
0x1f9: {  	v9 =	vld.idx.msk [tilespmem:v56+s29+$0x0], $0xffff  }
0x1fa: {  	v57 =	vld.idx.msk [tilespmem:v8+s30+$0x0], $0xffff;
	_ =	sdelay $0x4  }
0x1fb: {  	v9 =	vadd.f32 v57, v9  }
0x1fc: {  	v8 =	vld.idx.msk [tilespmem:v8+s1+$0x0], $0xffff  }
0x1fd: {  	v10 =	vmul.f32 $2.000000030e-01, v9  }
0x1fe: {  	vm12 =	vgt.f32 v9, $0.0e+00  }
0x1ff: {  	v9 =	vsel vm12, v9, v10  }
0x200: {  	v9 =	vmul.f32 $1.442695020e+00, v9  }
0x201: {  	v8 =	vadd.f32 $1.000000020e-16, v8  }
0x202: {  	(erf) = vpow2.f32 v9  }
0x203: {  	(erf) = vrcp.f32 v8;
	_ =	sdelay $0x7  }
0x204: {  	v8 =	vpop (erf)  }
0x205: {  	s5 =	sor.u32 $0x20, s7;
	v58 =	vpop (erf)  }
0x206: {  	v59 =	vor.u32 s5, v3;
	v8 =	vmul.f32 v8, v58  }
0x207: {  	vm13 =	vlt.s32 v59, v7  }
0x208: {  	v8 =	vnsel vm13, $0x0, v8  }
0x209: {  	[tilespmem:s6+$0x13520] =	vst v8  }
0x20a: {  	v8 =	vld [tilespmem:s7+$0x30];
	_ =	sdelay $0x4  }
0x20b: {  	v60 =	vshrl.u32 v8, $0xD  }
0x20c: {  	v8 =	vand.u32 $0x1FFF, v8;
	_ =	sdelay $0x1  }
0x20d: {  	[tilespmem:s6+$0x13330] =	vst v60  }
0x20e: {  	[tilespmem:s6+$0x13430] =	vst v8  }
0x20f: {  	v9 =	vld.idx.msk [tilespmem:v60+s29+$0x0], $0xffff  }
0x210: {  	v61 =	vld.idx.msk [tilespmem:v8+s30+$0x0], $0xffff;
	_ =	sdelay $0x4  }
0x211: {  	v9 =	vadd.f32 v61, v9  }
0x212: {  	v8 =	vld.idx.msk [tilespmem:v8+s1+$0x0], $0xffff  }
0x213: {  	v10 =	vmul.f32 $2.000000030e-01, v9  }
0x214: {  	vm14 =	vgt.f32 v9, $0.0e+00  }
0x215: {  	v9 =	vsel vm14, v9, v10  }
0x216: {  	v9 =	vmul.f32 $1.442695020e+00, v9  }
0x217: {  	v8 =	vadd.f32 $1.000000020e-16, v8  }
0x218: {  	(erf) = vpow2.f32 v9  }
0x219: {  	(erf) = vrcp.f32 v8;
	_ =	sdelay $0x7  }
0x21a: {  	v8 =	vpop (erf)  }
0x21b: {  	s7 =	sor.u32 $0x30, s7;
	v62 =	vpop (erf)  }
0x21c: {  	v63 =	vor.u32 s7, v3;
	v8 =	vmul.f32 v8, v62  }
0x21d: {  	vm15 =	vlt.s32 v63, v7  }
0x21e: {  	s12 =	sshll.u32 s0, $0xD;
	v8 =	vnsel vm15, $0x0, v8  }
0x21f: {  	s0 =	sadd.s32 $0x1, s0;
	s14 =	sor.u32 $0x13300, s6;
	s20 =	sadd.s32 $0xF300, s12;
	[tilespmem:s6+$0x13530] =	vst v8  }
0x220: {  	[tilespmem:s20], [sflag:s0] =	stream.indirect.gather [hbm4b:s4+s16], $0x80, s14, s16, $0xb8;
	[tilespmem:$0x1FE00] =	vst v63  }
.LBB2_22:
0x221: {  	s7 =	simm.s32 $0x0  }
0x222: {  	v8 =	vmov s7  }
0x223: {  	v8 =	vand.u32 $0xFFFFFFFC, v8  }
0x224: {  	v8 =	vbroadcast v8, $0x0  }
0x225: {  	s0 =	simm.s32 $0x1;
	s6 =	sadd.s32 $0x1, s10  }
0x226: {  	s0 =	simm.s32 @!p1 $0x0;
	_ =	swait.ge [sflag:s6], $0x2000  }
0x227: {  	s9 =	sshll.u32 s10, $0x9;
	s0 =	sshll.u32 s0, $0xD;
	[sflag:s6] =	ssyncset.done $0x0  }
0x228: {  	s14 =	sadd.s32 $0xF400, s0;
	[sflag:s6] =	ssyncadd.s32 $0xFFFFE000;
	s6 =	sshrl.u32 s9, $0x2  }
0x229: {  	s9 =	sor.u32 $0x13500, s6;
	v9 =	vld [tilespmem:s14+$0xFFFFFF70]  }
0x22a: {  	v8 =	vld.idx.msk [tilespmem:v8+s9+$0x0], $0xffff  }
0x22b: {  	v10 =	vld [tilespmem:s14+$0xFFFFFF00]  }
0x22c: {  	v11 =	vld [tilespmem:s14+$0xFFFFFF20]  }
0x22d: {  	v12 =	vld [tilespmem:s14+$0xFFFFFF50]  }
0x22e: {  	v13 =	vld [tilespmem:s14+$0xFFFFFF40]  }
0x22f: {  	v14 =	vld [tilespmem:s14+$0xFFFFFF60];
	v9 =	vmul.f32 v9, v8  }
0x230: {  	s5 =	simm.s32 $0x1;
	v15 =	vld [tilespmem:s14+$0xFFFFFF30];
	v10 =	vmul.f32 v10, v8  }
0x231: {  	v16 =	vld [tilespmem:s14+$0xFFFFFF10];
	v11 =	vmul.f32 v11, v8;
	[tilespmem:s14+$0xFFFFFF70] =	vst v9;
	v9 =	vmov s5  }
0x232: {  	v12 =	vmul.f32 v12, v8;
	[tilespmem:s14+$0xFFFFFF00] =	vst v10;
	v9 =	vand.u32 $0xFFFFFFFD, v9  }
0x233: {  	v10 =	vmul.f32 v13, v8;
	[tilespmem:s14+$0xFFFFFF20] =	vst v11;
	v9 =	vbroadcast v9, $0x0  }
0x234: {  	v11 =	vmul.f32 v14, v8;
	[tilespmem:s14+$0xFFFFFF50] =	vst v12  }
0x235: {  	v12 =	vmul.f32 v15, v8;
	[tilespmem:s14+$0xFFFFFF40] =	vst v10  }
0x236: {  	v8 =	vmul.f32 v16, v8;
	[tilespmem:s14+$0xFFFFFF60] =	vst v11  }
0x237: {  	[tilespmem:s14+$0xFFFFFF30] =	vst v12  }
0x238: {  	[tilespmem:s14+$0xFFFFFF10] =	vst v8;
	v8 =	vld [tilespmem:s14+$0xFFFFFF90]  }
0x239: {  	v10 =	vld.idx.msk [tilespmem:v9+s9+$0x0], $0xffff  }
0x23a: {  	v9 =	vld [tilespmem:s14+$0xFFFFFFA0]  }
0x23b: {  	v11 =	vld [tilespmem:s14+$0xFFFFFF80]  }
0x23c: {  	v12 =	vld [tilespmem:s14+$0xFFFFFFB0]  }
0x23d: {  	v13 =	vld [tilespmem:s14+$0xFFFFFFC0]  }
0x23e: {  	v14 =	vld [tilespmem:s14+$0xFFFFFFD0];
	v8 =	vmul.f32 v8, v10  }
0x23f: {  	s12 =	simm.s32 $0x2;
	v15 =	vld [tilespmem:s14+$0xFFFFFFF0];
	v9 =	vmul.f32 v9, v10  }
0x240: {  	v63 =	vld [tilespmem:s14+$0xFFFFFFE0];
	v11 =	vmul.f32 v11, v10;
	[tilespmem:s14+$0xFFFFFF90] =	vst v8;
	v8 =	vmov s12  }
0x241: {  	v12 =	vmul.f32 v12, v10;
	[tilespmem:s14+$0xFFFFFFA0] =	vst v9;
	v8 =	vand.u32 $0xFFFFFFFE, v8  }
0x242: {  	v9 =	vmul.f32 v13, v10;
	[tilespmem:s14+$0xFFFFFF80] =	vst v11;
	v13 =	vld [tilespmem:s14+$0x60];
	v17 =	vbroadcast v8, $0x0  }
0x243: {  	v11 =	vmul.f32 v14, v10;
	[tilespmem:s14+$0xFFFFFFB0] =	vst v12;
	v14 =	vld [tilespmem:s14+$0x0]  }
0x244: {  	v12 =	vmul.f32 v15, v10;
	v8 =	vld [tilespmem:s14+$0x20];
	[tilespmem:s14+$0xFFFFFFC0] =	vst v9  }
0x245: {  	v10 =	vmul.f32 v63, v10;
	v9 =	vld [tilespmem:s14+$0x30];
	[tilespmem:s14+$0xFFFFFFD0] =	vst v11  }
0x246: {  	[tilespmem:s14+$0xFFFFFFF0] =	vst v12;
	v11 =	vld [tilespmem:s14+$0x40]  }
0x247: {  	s20 =	sshll.u32 s10, $0xD;
	[tilespmem:s14+$0xFFFFFFE0] =	vst v10;
	v12 =	vld [tilespmem:s14+$0x10]  }
0x248: {  	s10 =	sadd.s32 $0xF300, s20;
	s0 =	smov.u32 s14;
	s12 =	simm.s32 $0x4;
	v10 =	vld.idx.msk [tilespmem:v17+s9+$0x0], $0xffff  }
.LBB2_23:
0x249: {  	p2 =	slt.u32 s12, $0x3C  }
0x24a: {  	v15 =	vld [tilespmem:s14+$0x50];
	s0 =	sadd.s32 $0x200, s0;
	s5 =	smov.u32 s12;
	s12 =	sadd.s32 $0x4, s12  }
0x24b: {  	v16 =	vld [tilespmem:s14+$0x70];
	_ =	sdelay $0x1  }
0x24c: {  	v13 =	vmul.f32 v13, v10;
	v14 =	vmul.f32 v14, v10  }
0x24d: {  	v11 =	vmul.f32 v11, v10;
	v12 =	vmul.f32 v12, v10  }
0x24e: {  	v8 =	vmul.f32 v8, v10;
	v9 =	vmul.f32 v9, v10;
	[tilespmem:s14+$0x60] =	vst v13  }
0x24f: {  	[tilespmem:s14+$0x40] =	vst v11;
	v11 =	vmul.f32 v15, v10;
	v10 =	vmul.f32 v16, v10  }
0x250: {  	s20 =	sadd.s32 $0x3, s7;
	s7 =	smov.u32 s5;
	[tilespmem:s14+$0x20] =	vst v8;
	v13 =	vld [tilespmem:s14+$0x80]  }
0x251: {  	v8 =	vld [tilespmem:s0+$0x20];
	[tilespmem:s14+$0x0] =	vst v14;
	v14 =	vmov s20  }
0x252: {  	[tilespmem:s14+$0x50] =	vst v11;
	v11 =	vld [tilespmem:s14+$0xE0]  }
0x253: {  	[tilespmem:s14+$0x30] =	vst v9;
	v15 =	vld [tilespmem:s14+$0xC0]  }
0x254: {  	v9 =	vld [tilespmem:s0+$0x30];
	[tilespmem:s14+$0x10] =	vst v12  }
0x255: {  	[tilespmem:s14+$0x70] =	vst v10;
	v10 =	vld [tilespmem:s14+$0xA0]  }
0x256: {  	v12 =	vld.idx.msk [tilespmem:v14+s9+$0x0], $0xffff  }
0x257: {  	v14 =	vld [tilespmem:s14+$0x90]  }
0x258: {  	v16 =	vld [tilespmem:s14+$0xB0]  }
0x259: {  	v17 =	vld [tilespmem:s14+$0xD0]  }
0x25a: {  	v18 =	vld [tilespmem:s14+$0xF0];
	_ =	sdelay $0x1  }
0x25b: {  	v13 =	vmul.f32 v13, v12;
	v14 =	vmul.f32 v14, v12  }
0x25c: {  	v10 =	vmul.f32 v10, v12;
	v16 =	vmul.f32 v16, v12  }
0x25d: {  	v19 =	vmov s7;
	[tilespmem:s14+$0x80] =	vst v13;
	v13 =	vmul.f32 v15, v12;
	v15 =	vmul.f32 v17, v12  }
0x25e: {  	v17 =	vand.u32 $0xFFFFFFFC, v19;
	[tilespmem:s14+$0xA0] =	vst v10;
	v10 =	vmul.f32 v11, v12;
	v11 =	vmul.f32 v18, v12  }
0x25f: {  	v12 =	vbroadcast v17, $0x0;
	[tilespmem:s14+$0xC0] =	vst v13  }
0x260: {  	[tilespmem:s14+$0xF0] =	vst v11  }
0x261: {  	v11 =	vld [tilespmem:s0+$0xFFFFFF40];
	[tilespmem:s14+$0xE0] =	vst v10  }
0x262: {  	v10 =	vld [tilespmem:s0+$0xFFFFFF50];
	[tilespmem:s14+$0x90] =	vst v14  }
0x263: {  	v13 =	vld [tilespmem:s0+$0xFFFFFF60];
	[tilespmem:s14+$0xB0] =	vst v16  }
0x264: {  	v14 =	vld [tilespmem:s0+$0xFFFFFF70];
	[tilespmem:s14+$0xD0] =	vst v15;
	s14 =	smov.u32 s0  }
0x265: {  	v12 =	vld.idx.msk [tilespmem:v12+s9+$0x0], $0xffff  }
0x266: {  	v15 =	vld [tilespmem:s0+$0xFFFFFF00]  }
0x267: {  	v16 =	vld [tilespmem:s0+$0xFFFFFF20]  }
0x268: {  	v17 =	vld [tilespmem:s0+$0xFFFFFF10]  }
0x269: {  	v18 =	vld [tilespmem:s0+$0xFFFFFF30];
	_ =	sdelay $0x1  }
0x26a: {  	v14 =	vmul.f32 v14, v12;
	v15 =	vmul.f32 v15, v12  }
0x26b: {  	s5 =	sadd.s32 $0x1, s7;
	v13 =	vmul.f32 v13, v12;
	v16 =	vmul.f32 v16, v12  }
0x26c: {  	v10 =	vmul.f32 v10, v12;
	v17 =	vmul.f32 v17, v12;
	[tilespmem:s0+$0xFFFFFF70] =	vst v14;
	v14 =	vmov s5  }
0x26d: {  	v11 =	vmul.f32 v11, v12;
	[tilespmem:s0+$0xFFFFFF00] =	vst v15;
	v15 =	vmul.f32 v18, v12;
	v12 =	vand.u32 $0xFFFFFFFD, v14  }
0x26e: {  	[tilespmem:s0+$0xFFFFFF20] =	vst v16;
	v12 =	vbroadcast v12, $0x0  }
0x26f: {  	[tilespmem:s0+$0xFFFFFF50] =	vst v10  }
0x270: {  	[tilespmem:s0+$0xFFFFFF40] =	vst v11;
	v10 =	vld [tilespmem:s0+$0xFFFFFFF0]  }
0x271: {  	[tilespmem:s0+$0xFFFFFF60] =	vst v13;
	v11 =	vld [tilespmem:s0+$0xFFFFFFC0]  }
0x272: {  	[tilespmem:s0+$0xFFFFFF30] =	vst v15;
	v13 =	vld [tilespmem:s0+$0xFFFFFFD0]  }
0x273: {  	[tilespmem:s0+$0xFFFFFF10] =	vst v17;
	v14 =	vld [tilespmem:s0+$0xFFFFFF90]  }
0x274: {  	v12 =	vld.idx.msk [tilespmem:v12+s9+$0x0], $0xffff  }
0x275: {  	v15 =	vld [tilespmem:s0+$0xFFFFFF80]  }
0x276: {  	v16 =	vld [tilespmem:s0+$0xFFFFFFA0]  }
0x277: {  	v17 =	vld [tilespmem:s0+$0xFFFFFFB0]  }
0x278: {  	v18 =	vld [tilespmem:s0+$0xFFFFFFE0];
	_ =	sdelay $0x1  }
0x279: {  	v14 =	vmul.f32 v14, v12;
	v15 =	vmul.f32 v15, v12  }
0x27a: {  	s5 =	sadd.s32 $0x2, s7;
	v13 =	vmul.f32 v13, v12;
	v16 =	vmul.f32 v16, v12  }
0x27b: {  	v11 =	vmul.f32 v11, v12;
	[tilespmem:s0+$0xFFFFFF90] =	vst v14;
	v14 =	vmul.f32 v17, v12;
	v17 =	vmov s5  }
0x27c: {  	v10 =	vmul.f32 v10, v12;
	[tilespmem:s0+$0xFFFFFFA0] =	vst v16;
	v16 =	vmul.f32 v18, v12;
	v12 =	vand.u32 $0xFFFFFFFE, v17  }
0x27d: {  	[tilespmem:s0+$0xFFFFFF80] =	vst v15;
	v12 =	vbroadcast v12, $0x0  }
0x27e: {  	[tilespmem:s0+$0xFFFFFFB0] =	vst v14  }
0x27f: {  	[tilespmem:s0+$0xFFFFFFC0] =	vst v11  }
0x280: {  	[tilespmem:s0+$0xFFFFFFD0] =	vst v13  }
.Ltmp13:
0x281: {  	[tilespmem:s0+$0xFFFFFFF0] =	vst v10;
	v11 =	vld [tilespmem:s0+$0x40];
	(pc) =	sbr.rel @p2 .LBB2_23-.Ltmp13, $4  }
0x282: {  	[tilespmem:s0+$0xFFFFFFE0] =	vst v16;
	v13 =	vld [tilespmem:s0+$0x60]  }
0x283: {  	v10 =	vld.idx.msk [tilespmem:v12+s9+$0x0], $0xffff  }
0x284: {  	v14 =	vld [tilespmem:s0+$0x0]  }
0x285: {  	v12 =	vld [tilespmem:s0+$0x10]  }
0x286: {  	_ =	sdelay $0x1  }
0x287: {  	v13 =	vmul.f32 v13, v10  }
0x288: {  	v15 =	vld [tilespmem:s14+$0x50];
	v11 =	vmul.f32 v11, v10  }
0x289: {  	v16 =	vld [tilespmem:s14+$0x70];
	v8 =	vmul.f32 v8, v10;
	[tilespmem:s14+$0x60] =	vst v13  }
0x28a: {  	v47 =	vmul.f32 v14, v10;
	[tilespmem:s14+$0x40] =	vst v11  }
0x28b: {  	s0 =	sadd.s32 $0x3, s7;
	[tilespmem:s14+$0x20] =	vst v8;
	v8 =	vmul.f32 v9, v10  }
0x28c: {  	v50 =	vmov s0;
	v12 =	vmul.f32 v12, v10;
	[tilespmem:s14+$0x0] =	vst v47  }
0x28d: {  	v48 =	vmul.f32 v15, v10;
	[tilespmem:s14+$0x30] =	vst v8  }
0x28e: {  	v51 =	vmul.f32 v16, v10;
	[tilespmem:s14+$0x10] =	vst v12  }
0x28f: {  	[tilespmem:s14+$0x50] =	vst v48  }
0x290: {  	v49 =	vld [tilespmem:s14+$0x80];
	[tilespmem:s14+$0x70] =	vst v51  }
0x291: {  	v8 =	vld.idx.msk [tilespmem:v50+s9+$0x0], $0xffff  }
0x292: {  	v52 =	vld [tilespmem:s14+$0xA0]  }
0x293: {  	v53 =	vld [tilespmem:s14+$0xC0]  }
0x294: {  	v54 =	vld [tilespmem:s14+$0xF0]  }
0x295: {  	v55 =	vld [tilespmem:s14+$0xE0]  }
0x296: {  	v56 =	vld [tilespmem:s14+$0x90];
	v9 =	vmul.f32 v49, v8  }
0x297: {  	v57 =	vld [tilespmem:s14+$0xB0];
	v10 =	vmul.f32 v52, v8  }
0x298: {  	v58 =	vld [tilespmem:s14+$0xD0];
	v59 =	vmul.f32 v53, v8;
	[tilespmem:s14+$0x80] =	vst v9  }
0x299: {  	v60 =	vmul.f32 v54, v8;
	[tilespmem:s14+$0xA0] =	vst v10  }
0x29a: {  	v61 =	vmul.f32 v55, v8;
	[tilespmem:s14+$0xC0] =	vst v59  }
0x29b: {  	v62 =	vmul.f32 v56, v8;
	[tilespmem:s14+$0xF0] =	vst v60  }
0x29c: {  	v63 =	vmul.f32 v57, v8;
	[tilespmem:s14+$0xE0] =	vst v61  }
0x29d: {  	v8 =	vmul.f32 v58, v8;
	[tilespmem:s14+$0x90] =	vst v62  }
0x29e: {  	[tilespmem:s14+$0xB0] =	vst v63  }
0x29f: {  	s20 =	sor.u32 $0x13400, s6;
	p2 =	sne.s32 s19, s18;
	[tilespmem:s14+$0xD0] =	vst v8  }
0x2a0: {  	[spmem:s2] =	stream.indirect.scatter.add.f32 [tilespmem:s10], [sflag:$0x3], $0x80, s20, s16, $0xb8;
	[tilespmem:$0x1FE00] =	vst v63  }
.Ltmp14:
0x2a1: {  	_ = 	snop;
	(pc) =	sbr.rel @p2 .LBB2_20-.Ltmp14, $4  }
.Ltmp15:
0x2a2: {  	_ = 	snop;
	(pc) =	sbr.rel @!p2 .LBB2_25-.Ltmp15, $4  }
0x2a3: {  	_ =	swait.ge [sflag:s25], $0x2000  }
0x2a4: {  	[sflag:s25] =	ssyncset.done $0x0  }
0x2a5: {  	p1 =	por !p1, !p1;
	[sflag:s25] =	ssyncadd.s32 $0xFFFFE000  }
0x2a6: {  	_ = 	snop  }
.LBB2_9:
.Ltmp16:
0x2a7: {  	(pc) =	sbr.rel .LBB2_13-.Ltmp16, $2  }
0x2a8: {  	_ =	sdelay $0x2  }
0x2a9: {  	s6 =	simm.s32 $0x0  }
.LBB2_11:
.Ltmp17:
0x2aa: {  	(pc) =	sbr.rel .LBB2_13-.Ltmp17, $2  }
0x2ab: {  	_ =	sdelay $0x2  }
0x2ac: {  	s6 =	simm.s32 $0x0  }
.LBB2_26:
0x2ad: {  	_ =	sfence.sel $0x180000  }
0x2ae: {  	[bflag:$0x0] =	sbarrier.arrive $0xFFFF  }
0x2af: {  	_ =	strace $0x90000047  }
0x2b0: {  	s0 =	stileid.u32;
	[bflag:$0x2] =	sbarrier.arrive $0xFFFF  }
0x2b1: {  	p0 =	sne.s32 s0, $0x0;
	s0 =	rddreg [dreg:$0x3]  }
0x2b2: {  	s0 =	sadd.s32 @!p0 $0x100000, s0  }
0x2b3: {  	[sflag:s0] =	ssyncadd.tile.s32 @!p0 $0x1;
	_ =	shalt  }
.Lfunc_end2:
_tile_overlayer_lowered:
.L_overlay_start_2:
0x2b4: {  	(tag) =	ssettag $0x2  }
0x2b5: {  	s0 =	rddreg [dreg:$0x0];
	s2 =	stileid.u32  }
0x2b6: {  	s1 =	rddreg [dreg:$0x1];
	p0 =	sne.s32 s2, $0x0  }
0x2b7: {  	s3 =	rddreg [dreg:$0x2];
	[bflag:$0x3] =	sbarrier.arrive $0xFFFF;
	s2 =	simm.s32 @!p0 $0x1C03  }
0x2b8: {  	[timem:s3], [sflag:s2] =	dma.local @!p0 [hbm:s0], s1  }
0x2b9: {  	s0 =	simm.s32 @!p0 $0x3  }
0x2ba: {  	_ =	swait.ge @!p0 [sflag:s0], s1  }
0x2bb: {  	s1 =	ssub.s32 @!p0 $0x0, s1;
	[sflag:s0] =	ssyncset.done @!p0 $0x0  }
0x2bc: {  	[sflag:s0] =	ssyncadd.s32 @!p0 s1  }
0x2bd: {  	[bflag:$0x3] =	sbarrier.arrive $0xFFFF  }
0x2be: {  	_ =	shalt  }

</sc_bundles>
